<compile_context>
chip_gen: v7x
topology: tpu7x:2x2x1
jax: 0.10.2.dev20260603
libtpu: 0.0.44.dev20260713+nightly
codegen_flags: <defaults>
</compile_context>

<pallas_src>
import functools

import jax
import jax.numpy as jnp
from jax import lax
from jax.experimental import pallas as pl
from jax.experimental.pallas import tpu as pltpu
from jax.experimental.pallas import tpu_sc as plsc

R2 = 0.04
K = 64
NW = 32
CAP = 80
RCH = 32



def _linear_kern(x_ref, w_ref, b_ref, o_ref):
    o_ref[...] = jnp.dot(x_ref[...], w_ref[...],
                         preferred_element_type=jnp.float32) + b_ref[...]


def _tc_linear(x, w, b):
    n, f = x.shape
    h = w.shape[1]
    blk = 1000
    return pl.pallas_call(
        _linear_kern,
        grid=(n // blk,),
        in_specs=[
            pl.BlockSpec((blk, f), lambda i: (i, 0)),
            pl.BlockSpec((f, h), lambda i: (0, 0)),
            pl.BlockSpec((1, h), lambda i: (0, 0)),
        ],
        out_specs=pl.BlockSpec((blk, h), lambda i: (i, 0)),
        out_shape=jax.ShapeDtypeStruct((n, h), jnp.float32),
    )(x, w, b)



def _merge_top64(t_d2, t_ix, c_d2, c_ix):
    out_d2, out_ix = [], []
    for t in range(4):
        rc_d2 = lax.rev(c_d2, (0,))
        rc_ix = lax.rev(c_ix, (0,))
        takes = t_d2[t] <= rc_d2
        lo_d2 = jnp.where(takes, t_d2[t], rc_d2)
        lo_ix = jnp.where(takes, t_ix[t], rc_ix)
        hi_d2 = jnp.where(takes, rc_d2, t_d2[t])
        hi_ix = jnp.where(takes, rc_ix, t_ix[t])
        nd, ni = plsc.sort_key_val(lo_d2, lo_ix)
        out_d2.append(nd)
        out_ix.append(ni)
        c_d2, c_ix = plsc.sort_key_val(hi_d2, hi_ix)
    return out_d2, out_ix


def _sload(ref, idx):
    return ref[pl.ds(idx, 16)][0]


def _make_sc_kernel(n, npad, h, qpw):
    mesh = plsc.VectorSubcoreMesh(core_axis_name="c", subcore_axis_name="s")

    @functools.partial(
        pl.kernel,
        mesh=mesh,
        compiler_params=pltpu.CompilerParams(needs_layout_passes=False),
        out_type=[
            jax.ShapeDtypeStruct((n, K, h), jnp.float32),
            jax.ShapeDtypeStruct((npad * K,), jnp.float32),
            jax.ShapeDtypeStruct((npad * K,), jnp.float32),
            jax.ShapeDtypeStruct((npad * K,), jnp.float32),
        ],
        scratch_types=[
            pltpu.VMEM((npad,), jnp.float32),
            pltpu.VMEM((npad,), jnp.float32),
            pltpu.VMEM((npad,), jnp.float32),
            pltpu.VMEM((npad,), jnp.float32),
            pltpu.VMEM((npad,), jnp.float32),
            pltpu.VMEM((npad,), jnp.float32),
            pltpu.VMEM((npad,), jnp.float32),
            pltpu.VMEM((qpw + 16,), jnp.int32),
            pltpu.VMEM((qpw + 16,), jnp.int32),
            pltpu.VMEM((CAP + 32,), jnp.int32),
            pltpu.VMEM((K,), jnp.int32),
            pltpu.VMEM((K,), jnp.int32),
            pltpu.VMEM((K, h), jnp.float32),
            pltpu.VMEM((K, h), jnp.float32),
            pltpu.VMEM((RCH * K,), jnp.float32),
            pltpu.VMEM((RCH * K,), jnp.float32),
            pltpu.VMEM((RCH * K,), jnp.float32),
            pltpu.SemaphoreType.DMA,
            pltpu.SemaphoreType.DMA,
            pltpu.SemaphoreType.DMA,
        ],
    )
    def kern(px_hbm, py_hbm, pz_hbm, pxb_hbm, pyb_hbm, pzb_hbm, sq_hbm,
             qlo_hbm, qhi_hbm, g_hbm,
             gout_hbm, rx_hbm, ry_hbm, rz_hbm,
             px_v, py_v, pz_v, pxb_v, pyb_v, pzb_v, sq_v, qlo_v, qhi_v,
             buf_v, selA_v, selB_v,
             growA_v, growB_v, rxb_v, ryb_v, rzb_v, gsemA, gsemB, ssem):
        lanes = lax.iota(jnp.int32, 16)
        wid = lax.axis_index("s") * 2 + lax.axis_index("c")
        base = wid * qpw
        pltpu.sync_copy(px_hbm, px_v)
        pltpu.sync_copy(py_hbm, py_v)
        pltpu.sync_copy(pz_hbm, pz_v)
        pltpu.sync_copy(pxb_hbm, pxb_v)
        pltpu.sync_copy(pyb_hbm, pyb_v)
        pltpu.sync_copy(pzb_hbm, pzb_v)
        pltpu.sync_copy(sq_hbm, sq_v)
        pltpu.sync_copy(qlo_hbm.at[pl.ds(base, qpw)], qlo_v.at[pl.ds(0, qpw)])
        pltpu.sync_copy(qhi_hbm.at[pl.ds(base, qpw)], qhi_v.at[pl.ds(0, qpw)])
        nq = jnp.minimum(qpw, jnp.maximum(n - base, 0))

        def select_into(q, sel_v):
            i = base + q
            lo = _sload(qlo_v, q)
            hi = _sload(qhi_v, q)
            qx = _sload(px_v, i)
            qy = _sload(py_v, i)
            qz = _sload(pz_v, i)
            qsq = _sload(sq_v, i)
            qxb = _sload(pxb_v, i)
            qyb = _sload(pyb_v, i)
            qzb = _sload(pzb_v, i)
            k0 = (lo // 16) * 16
            nt = (hi - k0 + 15) // 16

            def d2_at(koff):
                gxb = pxb_v[pl.ds(koff, 16)]
                gyb = pyb_v[pl.ds(koff, 16)]
                gzb = pzb_v[pl.ds(koff, 16)]
                sq = sq_v[pl.ds(koff, 16)]
                dot = (qxb * gxb + qyb * gyb) + qzb * gzb
                return (qsq + sq) - 2.0 * dot

            def scan_body(t, cnt):
                koff = k0 + t * 16
                kvec = koff + lanes
                inb = (kvec >= lo) & (kvec < hi)
                d2 = d2_at(koff)
                m = (d2 <= R2) & inb
                cs = jnp.minimum(cnt, CAP)
                plsc.store_compressed(buf_v.at[pl.ds(cs, 16)], kvec, mask=m)
                return cnt + plsc.all_reduce_population_count(m)[0]

            cnt = lax.fori_loop(0, nt, scan_body, jnp.int32(0))

            def sparse_path(_):
                for t in range(4):
                    l = t * 16 + lanes
                    v = buf_v[pl.ds(t * 16, 16)]
                    sel_v[pl.ds(t * 16, 16)] = jnp.where(l < cnt, v, i)
                return 0

            def dense_path(_):
                t_d2 = [jnp.full((16,), jnp.inf, jnp.float32)] * 4
                t_ix = [jnp.full((16,), i, jnp.int32)] * 4

                def body(t, carry):
                    td0, td1, td2_, td3, ti0, ti1, ti2, ti3 = carry
                    koff = k0 + t * 16
                    kvec = koff + lanes
                    inb = (kvec >= lo) & (kvec < hi)
                    d2 = d2_at(koff)
                    d2 = jnp.where((d2 <= R2) & inb, d2, jnp.inf)
                    thr = jnp.max(td3)

                    def do_merge(_):
                        cd, ci = plsc.sort_key_val(d2, kvec)
                        nd, ni = _merge_top64(
                            [td0, td1, td2_, td3], [ti0, ti1, ti2, ti3],
                            cd, ci)
                        return tuple(nd) + tuple(ni)

                    return lax.cond(jnp.min(d2) < thr, do_merge,
                                    lambda _: carry, 0)

                carry = lax.fori_loop(
                    0, nt, body, tuple(t_d2) + tuple(t_ix))
                for t in range(4):
                    sel_v[pl.ds(t * 16, 16)] = carry[4 + t]
                return 0

            lax.cond(cnt <= K, sparse_path, dense_path, 0)

            qo = (q % RCH) * K
            for t in range(4):
                ids = sel_v[pl.ds(t * 16, 16)]
                off = qo + t * 16
                rxb_v[pl.ds(off, 16)] = plsc.load_gather(px_v, [ids]) - qx
                ryb_v[pl.ds(off, 16)] = plsc.load_gather(py_v, [ids]) - qy
                rzb_v[pl.ds(off, 16)] = plsc.load_gather(pz_v, [ids]) - qz

        def flush_rel(c):
            off = (base + c * RCH) * K
            pltpu.sync_copy(rxb_v, rx_hbm.at[pl.ds(off, RCH * K)])
            pltpu.sync_copy(ryb_v, ry_hbm.at[pl.ds(off, RCH * K)])
            pltpu.sync_copy(rzb_v, rz_hbm.at[pl.ds(off, RCH * K)])

        def drain_two_stores():
            pltpu.make_async_copy(growA_v, gout_hbm.at[0], ssem).wait()
            pltpu.make_async_copy(growB_v, gout_hbm.at[0], ssem).wait()

        def per_pair(p, _):
            q0 = 2 * p
            q1 = q0 + 1
            select_into(q0, selA_v)

            @pl.when(p > 0)
            def _():
                drain_two_stores()

            cpA = pltpu.async_copy(g_hbm.at[selA_v], growA_v, gsemA)
            select_into(q1, selB_v)
            cpB = pltpu.async_copy(g_hbm.at[selB_v], growB_v, gsemB)
            cpA.wait()
            pltpu.async_copy(growA_v, gout_hbm.at[base + q0], ssem)
            cpB.wait()
            pltpu.async_copy(growB_v, gout_hbm.at[base + q1], ssem)

            @pl.when((p % (RCH // 2)) == RCH // 2 - 1)
            def _():
                flush_rel(p // (RCH // 2))

            return 0

        lax.fori_loop(0, nq // 2, per_pair, 0)
        drain_two_stores()
        flush_rel((nq // 2 - 1) // (RCH // 2))

    return kern



def _msg_kern(g_ref, rx_ref, ry_ref, rz_ref, wp_ref, b2_ref,
              w2_ref, wg1_ref, bg1_ref, wg2_ref, bg2_ref, o_ref, *, qb, h):
    rel = jnp.concatenate(
        [rx_ref[...][:, :, None], ry_ref[...][:, :, None],
         rz_ref[...][:, :, None]], axis=-1).reshape(qb * K, 3)
    p = jnp.dot(rel, wp_ref[...], preferred_element_type=jnp.float32)
    a = jnp.maximum(g_ref[...].reshape(qb * K, h) + p, 0.0)
    m = jnp.dot(a, w2_ref[...], preferred_element_type=jnp.float32)
    agg = jnp.max(m.reshape(qb, K, h), axis=1) + b2_ref[...]
    o = jnp.maximum(
        jnp.dot(agg, wg1_ref[...], preferred_element_type=jnp.float32)
        + bg1_ref[...], 0.0)
    o_ref[...] = jnp.dot(o, wg2_ref[...],
                         preferred_element_type=jnp.float32) + bg2_ref[...]


def _tc_msg(G, RX, RY, RZ, wp, b2, w2, wg1, bg1, wg2, bg2):
    n, _, h = G.shape
    qb = 80
    grid = n // qb
    return pl.pallas_call(
        functools.partial(_msg_kern, qb=qb, h=h),
        grid=(grid,),
        in_specs=[
            pl.BlockSpec((qb, K, h), lambda i: (i, 0, 0)),
            pl.BlockSpec((qb, K), lambda i: (i, 0)),
            pl.BlockSpec((qb, K), lambda i: (i, 0)),
            pl.BlockSpec((qb, K), lambda i: (i, 0)),
            pl.BlockSpec((3, h), lambda i: (0, 0)),
            pl.BlockSpec((1, h), lambda i: (0, 0)),
            pl.BlockSpec((h, h), lambda i: (0, 0)),
            pl.BlockSpec((h, h), lambda i: (0, 0)),
            pl.BlockSpec((1, h), lambda i: (0, 0)),
            pl.BlockSpec((h, h), lambda i: (0, 0)),
            pl.BlockSpec((1, h), lambda i: (0, 0)),
        ],
        out_specs=pl.BlockSpec((qb, h), lambda i: (i, 0)),
        out_shape=jax.ShapeDtypeStruct((n, h), jnp.float32),
    )(G, RX, RY, RZ, wp, b2, w2, wg1, bg1, wg2, bg2)



def kernel(x, pos, batch, feat_w1, feat_b1, feat_w2, feat_b2,
           glob_w1, glob_b1, glob_w2, glob_b2):
    n, f = x.shape
    h = feat_w2.shape[0]
    qpw = ((n + NW - 1) // NW + 7) // 8 * 8
    npad = NW * qpw

    w1x = feat_w1[:f]
    wp = feat_w1[f:]
    g = _tc_linear(x, w1x, feat_b1.reshape(1, h))

    pad = npad - n
    px = jnp.pad(pos[:, 0], (0, pad))
    py = jnp.pad(pos[:, 1], (0, pad))
    pz = jnp.pad(pos[:, 2], (0, pad))
    sqv = jnp.pad(jnp.sum(pos * pos, axis=1), (0, pad))
    def _round(v):
        u = jax.lax.bitcast_convert_type(v, jnp.int32)
        r = (u + 0x7FFF + ((u >> 16) & 1)) & jnp.int32(-65536)
        return jax.lax.bitcast_convert_type(r, jnp.float32)

    pxb = _round(px)
    pyb = _round(py)
    pzb = _round(pz)
    nb = 8
    seg = jnp.searchsorted(batch, jnp.arange(nb + 1, dtype=jnp.int32)
                           ).astype(jnp.int32)
    qlo = jnp.pad(seg[batch], (0, pad))
    qhi = jnp.pad(seg[batch + 1], (0, pad))

    G, RX, RY, RZ = _make_sc_kernel(n, npad, h, qpw)(
        px, py, pz, pxb, pyb, pzb, sqv, qlo, qhi, g)
    RX = RX.reshape(npad, K)
    RY = RY.reshape(npad, K)
    RZ = RZ.reshape(npad, K)

    out = _tc_msg(G, RX, RY, RZ, wp, feat_b2.reshape(1, h), feat_w2,
                  glob_w1, glob_b1.reshape(1, h), glob_w2,
                  glob_b2.reshape(1, h))
    return (out, pos, batch)

# --- scband reference (transcript-rebuilt; emitter-appended) ---
"""Pipeline reference for scband-samodule-28389733826886 (READ-ONLY COPY).

The authoritative reference and input builder live on the scoring server;
editing this copy changes nothing except your own understanding.
"""

import jax, jax.numpy as jnp
import numpy as np

R = 0.2
KNN = 64
CHUNK = 500


def _radius_graph(pos, batch):
    # PyG radius(pos, pos, r, batch, batch, max_num_neighbors=64):
    # for each query i, up to 64 points j with ||pos_j - pos_i|| <= r and batch_j == batch_i.
    N = pos.shape[0]
    sq = jnp.sum(pos * pos, axis=1)

    def body(start):
        qpos = jax.lax.dynamic_slice(pos, (start, 0), (CHUNK, 3))
        qb = jax.lax.dynamic_slice(batch, (start,), (CHUNK,))
        qsq = jnp.sum(qpos * qpos, axis=1)
        d2 = qsq[:, None] + sq[None, :] - 2.0 * (qpos @ pos.T)
        valid = (qb[:, None] == batch[None, :]) & (d2 <= R * R)
        neg = jnp.where(valid, -d2, -jnp.inf)
        vals, idx = jax.lax.top_k(neg, KNN)
        return idx, vals > -jnp.inf

    starts = jnp.arange(0, N, CHUNK)
    idxs, masks = jax.lax.map(body, starts)
    return idxs.reshape(N, KNN), masks.reshape(N, KNN)


def setup_inputs(seed: int = 0):
    key = jax.random.key(seed)
    ks = jax.random.split(key, 8)
    N, F, H = 10000, 128, 128
    x = jax.random.normal(ks[0], (N, F), dtype=jnp.float32)
    pos = jax.random.uniform(ks[1], (N, 3), dtype=jnp.float32)
    batch = jnp.sort(jax.random.randint(ks[2], (N,), 0, 8)).astype(jnp.int32)
    feat_w1 = jax.random.normal(ks[3], (F + 3, H), dtype=jnp.float32) * 0.05
    feat_b1 = jnp.zeros((H,), dtype=jnp.float32)
    feat_w2 = jax.random.normal(ks[4], (H, H), dtype=jnp.float32) * 0.05
    feat_b2 = jnp.zeros((H,), dtype=jnp.float32)
    glob_w1 = jax.random.normal(ks[5], (H, H), dtype=jnp.float32) * 0.05
    glob_b1 = jnp.zeros((H,), dtype=jnp.float32)
    glob_w2 = jax.random.normal(ks[6], (H, H), dtype=jnp.float32) * 0.05
    glob_b2 = jnp.zeros((H,), dtype=jnp.float32)
    return {"x": x, "pos": pos, "batch": batch,
            "feat_w1": feat_w1, "feat_b1": feat_b1, "feat_w2": feat_w2, "feat_b2": feat_b2,
            "glob_w1": glob_w1, "glob_b1": glob_b1, "glob_w2": glob_w2, "glob_b2": glob_b2}


def reference(x, pos, batch, feat_w1, feat_b1, feat_w2, feat_b2, glob_w1, glob_b1, glob_w2, glob_b2):
    # SAModule.forward: radius graph, then PointConv (PyG PointNetConv, aggr='max').
    idx, mask = _radius_graph(pos, batch)          # [N, K] neighbor (source) indices per query
    xj = x[idx]                                    # gather source features [N, K, F]
    rel = pos[idx] - pos[:, None, :]               # pos_j - pos_i        [N, K, 3]
    h = jnp.concatenate([xj, rel], axis=-1)
    h = jax.nn.relu(h @ feat_w1 + feat_b1)
    h = h @ feat_w2 + feat_b2                      # feature_nn messages  [N, K, H]
    h = jnp.where(mask[:, :, None], h, -jnp.inf)
    agg = jnp.max(h, axis=1)                       # max aggregation (self is always a neighbor)
    agg = jnp.where(jnp.isfinite(agg), agg, 0.0)
    out = jax.nn.relu(agg @ glob_w1 + glob_b1)
    out = out @ glob_w2 + glob_b2                  # global_nn
    return (out, pos, batch)

if __name__ == "__main__":
    import jax
    _d = setup_inputs()
    print(jax.jit(kernel)(*tuple(_d.values())))

</pallas_src>

<mosaic_0001>
#map = affine_map<(d0, d1) -> (0)>
#map1 = affine_map<(d0, d1) -> (0, 0)>
#map2 = affine_map<(d0, d1) -> (0, 0, 0)>
module attributes {stable_mosaic.version = 14 : i64} {
  func.func @kern(%arg0: i32, %arg1: i32, %arg2: memref<10240xf32, #tpu.memory_space<hbm>>, %arg3: memref<10240xf32, #tpu.memory_space<hbm>>, %arg4: memref<10240xf32, #tpu.memory_space<hbm>>, %arg5: memref<10240xf32, #tpu.memory_space<hbm>>, %arg6: memref<10240xf32, #tpu.memory_space<hbm>>, %arg7: memref<10240xf32, #tpu.memory_space<hbm>>, %arg8: memref<10240xf32, #tpu.memory_space<hbm>>, %arg9: memref<10240xi32, #tpu.memory_space<hbm>>, %arg10: memref<10240xi32, #tpu.memory_space<hbm>>, %arg11: memref<10000x128xf32, #tpu.memory_space<hbm>>, %arg12: memref<10000x64x128xf32, #tpu.memory_space<hbm>>, %arg13: memref<655360xf32, #tpu.memory_space<hbm>>, %arg14: memref<655360xf32, #tpu.memory_space<hbm>>, %arg15: memref<655360xf32, #tpu.memory_space<hbm>>, %arg16: memref<10240xf32, #tpu.memory_space<vmem>>, %arg17: memref<10240xf32, #tpu.memory_space<vmem>>, %arg18: memref<10240xf32, #tpu.memory_space<vmem>>, %arg19: memref<10240xf32, #tpu.memory_space<vmem>>, %arg20: memref<10240xf32, #tpu.memory_space<vmem>>, %arg21: memref<10240xf32, #tpu.memory_space<vmem>>, %arg22: memref<10240xf32, #tpu.memory_space<vmem>>, %arg23: memref<336xi32, #tpu.memory_space<vmem>>, %arg24: memref<336xi32, #tpu.memory_space<vmem>>, %arg25: memref<112xi32, #tpu.memory_space<vmem>>, %arg26: memref<64xi32, #tpu.memory_space<vmem>>, %arg27: memref<64xi32, #tpu.memory_space<vmem>>, %arg28: memref<64x128xf32, #tpu.memory_space<vmem>>, %arg29: memref<64x128xf32, #tpu.memory_space<vmem>>, %arg30: memref<2048xf32, #tpu.memory_space<vmem>>, %arg31: memref<2048xf32, #tpu.memory_space<vmem>>, %arg32: memref<2048xf32, #tpu.memory_space<vmem>>, %arg33: memref<!tpu.dma_semaphore, #tpu.memory_space<semaphore_mem>>, %arg34: memref<!tpu.dma_semaphore, #tpu.memory_space<semaphore_mem>>, %arg35: memref<!tpu.dma_semaphore, #tpu.memory_space<semaphore_mem>>) attributes {dimension_semantics = [#tpu.dimension_semantics<core_parallel>, #tpu.dimension_semantics<subcore_parallel>], iteration_bounds = array<i64: 2, 16>, scalar_prefetch = 0 : i64, scratch_operands = 20 : i64, tpu.core_type = #tpu.core_type<sc_vector_subcore>, window_params = [{transform_indices = #map}, {transform_indices = #map}, {transform_indices = #map}, {transform_indices = #map}, {transform_indices = #map}, {transform_indices = #map}, {transform_indices = #map}, {transform_indices = #map}, {transform_indices = #map}, {transform_indices = #map1}, {transform_indices = #map2}, {transform_indices = #map}, {transform_indices = #map}, {transform_indices = #map}]} {
    %iota3A = tpu.iota {dimensions = array<i32: 0>} : vector<16xi32>
    %mul3A = arith.constant 2 : i32
    %mul3A_0 = arith.muli %arg1, %mul3A : i32
    %add3A = arith.addi %mul3A_0, %arg0 : i32
    %mul3A_1 = arith.constant 320 : i32
    %mul3A_2 = arith.muli %add3A, %mul3A_1 : i32
    "tpu.region"() ({
      %run_scoped3A = tpu.sem_alloc : memref<!tpu.dma_semaphore, #tpu.memory_space<semaphore_mem>>
      tpu.enqueue_dma source(%arg2 : memref<10240xf32, #tpu.memory_space<hbm>>) target(%arg16 : memref<10240xf32, #tpu.memory_space<vmem>>) target_semaphore(%run_scoped3A : memref<!tpu.dma_semaphore, #tpu.memory_space<semaphore_mem>>)
      tpu.wait_dma2 semaphore(%run_scoped3A : memref<!tpu.dma_semaphore, #tpu.memory_space<semaphore_mem>>) src(%arg2 : memref<10240xf32, #tpu.memory_space<hbm>>) dst(%arg16 : memref<10240xf32, #tpu.memory_space<vmem>>)
      tpu.yield
    }) : () -> ()
    "tpu.region"() ({
      %run_scoped3A = tpu.sem_alloc : memref<!tpu.dma_semaphore, #tpu.memory_space<semaphore_mem>>
      tpu.enqueue_dma source(%arg3 : memref<10240xf32, #tpu.memory_space<hbm>>) target(%arg17 : memref<10240xf32, #tpu.memory_space<vmem>>) target_semaphore(%run_scoped3A : memref<!tpu.dma_semaphore, #tpu.memory_space<semaphore_mem>>)
      tpu.wait_dma2 semaphore(%run_scoped3A : memref<!tpu.dma_semaphore, #tpu.memory_space<semaphore_mem>>) src(%arg3 : memref<10240xf32, #tpu.memory_space<hbm>>) dst(%arg17 : memref<10240xf32, #tpu.memory_space<vmem>>)
      tpu.yield
    }) : () -> ()
    "tpu.region"() ({
      %run_scoped3A = tpu.sem_alloc : memref<!tpu.dma_semaphore, #tpu.memory_space<semaphore_mem>>
      tpu.enqueue_dma source(%arg4 : memref<10240xf32, #tpu.memory_space<hbm>>) target(%arg18 : memref<10240xf32, #tpu.memory_space<vmem>>) target_semaphore(%run_scoped3A : memref<!tpu.dma_semaphore, #tpu.memory_space<semaphore_mem>>)
      tpu.wait_dma2 semaphore(%run_scoped3A : memref<!tpu.dma_semaphore, #tpu.memory_space<semaphore_mem>>) src(%arg4 : memref<10240xf32, #tpu.memory_space<hbm>>) dst(%arg18 : memref<10240xf32, #tpu.memory_space<vmem>>)
      tpu.yield
    }) : () -> ()
    "tpu.region"() ({
      %run_scoped3A = tpu.sem_alloc : memref<!tpu.dma_semaphore, #tpu.memory_space<semaphore_mem>>
      tpu.enqueue_dma source(%arg5 : memref<10240xf32, #tpu.memory_space<hbm>>) target(%arg19 : memref<10240xf32, #tpu.memory_space<vmem>>) target_semaphore(%run_scoped3A : memref<!tpu.dma_semaphore, #tpu.memory_space<semaphore_mem>>)
      tpu.wait_dma2 semaphore(%run_scoped3A : memref<!tpu.dma_semaphore, #tpu.memory_space<semaphore_mem>>) src(%arg5 : memref<10240xf32, #tpu.memory_space<hbm>>) dst(%arg19 : memref<10240xf32, #tpu.memory_space<vmem>>)
      tpu.yield
    }) : () -> ()
    "tpu.region"() ({
      %run_scoped3A = tpu.sem_alloc : memref<!tpu.dma_semaphore, #tpu.memory_space<semaphore_mem>>
      tpu.enqueue_dma source(%arg6 : memref<10240xf32, #tpu.memory_space<hbm>>) target(%arg20 : memref<10240xf32, #tpu.memory_space<vmem>>) target_semaphore(%run_scoped3A : memref<!tpu.dma_semaphore, #tpu.memory_space<semaphore_mem>>)
      tpu.wait_dma2 semaphore(%run_scoped3A : memref<!tpu.dma_semaphore, #tpu.memory_space<semaphore_mem>>) src(%arg6 : memref<10240xf32, #tpu.memory_space<hbm>>) dst(%arg20 : memref<10240xf32, #tpu.memory_space<vmem>>)
      tpu.yield
    }) : () -> ()
    "tpu.region"() ({
      %run_scoped3A = tpu.sem_alloc : memref<!tpu.dma_semaphore, #tpu.memory_space<semaphore_mem>>
      tpu.enqueue_dma source(%arg7 : memref<10240xf32, #tpu.memory_space<hbm>>) target(%arg21 : memref<10240xf32, #tpu.memory_space<vmem>>) target_semaphore(%run_scoped3A : memref<!tpu.dma_semaphore, #tpu.memory_space<semaphore_mem>>)
      tpu.wait_dma2 semaphore(%run_scoped3A : memref<!tpu.dma_semaphore, #tpu.memory_space<semaphore_mem>>) src(%arg7 : memref<10240xf32, #tpu.memory_space<hbm>>) dst(%arg21 : memref<10240xf32, #tpu.memory_space<vmem>>)
      tpu.yield
    }) : () -> ()
    "tpu.region"() ({
      %run_scoped3A = tpu.sem_alloc : memref<!tpu.dma_semaphore, #tpu.memory_space<semaphore_mem>>
      tpu.enqueue_dma source(%arg8 : memref<10240xf32, #tpu.memory_space<hbm>>) target(%arg22 : memref<10240xf32, #tpu.memory_space<vmem>>) target_semaphore(%run_scoped3A : memref<!tpu.dma_semaphore, #tpu.memory_space<semaphore_mem>>)
      tpu.wait_dma2 semaphore(%run_scoped3A : memref<!tpu.dma_semaphore, #tpu.memory_space<semaphore_mem>>) src(%arg8 : memref<10240xf32, #tpu.memory_space<hbm>>) dst(%arg22 : memref<10240xf32, #tpu.memory_space<vmem>>)
      tpu.yield
    }) : () -> ()
    "tpu.region"() ({
      %run_scoped3A = tpu.sem_alloc : memref<!tpu.dma_semaphore, #tpu.memory_space<semaphore_mem>>
      %dma_start3A = arith.constant 0 : i32
      %dma_start3A_106 = tpu.memref_slice %arg23[%dma_start3A] : memref<336xi32, #tpu.memory_space<vmem>> -> memref<320xi32, #tpu.memory_space<vmem>>
      %dma_start3A_107 = tpu.memref_slice %arg9[%mul3A_2] : memref<10240xi32, #tpu.memory_space<hbm>> -> memref<320xi32, #tpu.memory_space<hbm>>
      %dma_start3A_108 = arith.constant 0 : i32
      %dma_start3A_109 = tpu.memref_slice %arg23[%dma_start3A_108] : memref<336xi32, #tpu.memory_space<vmem>> -> memref<320xi32, #tpu.memory_space<vmem>>
      %dma_start3A_110 = tpu.memref_slice %arg9[%mul3A_2] : memref<10240xi32, #tpu.memory_space<hbm>> -> memref<320xi32, #tpu.memory_space<hbm>>
      tpu.enqueue_dma source(%dma_start3A_110 : memref<320xi32, #tpu.memory_space<hbm>>) target(%dma_start3A_109 : memref<320xi32, #tpu.memory_space<vmem>>) target_semaphore(%run_scoped3A : memref<!tpu.dma_semaphore, #tpu.memory_space<semaphore_mem>>)
      %dma_wait3A_111 = arith.constant 0 : i32
      %dma_wait3A_112 = tpu.memref_slice %arg23[%dma_wait3A_111] : memref<336xi32, #tpu.memory_space<vmem>> -> memref<320xi32, #tpu.memory_space<vmem>>
      %dma_wait3A_113 = tpu.memref_slice %arg9[%mul3A_2] : memref<10240xi32, #tpu.memory_space<hbm>> -> memref<320xi32, #tpu.memory_space<hbm>>
      %dma_wait3A_114 = arith.constant 0 : i32
      %dma_wait3A_115 = tpu.memref_slice %arg23[%dma_wait3A_114] : memref<336xi32, #tpu.memory_space<vmem>> -> memref<320xi32, #tpu.memory_space<vmem>>
      %dma_wait3A_116 = tpu.memref_slice %arg9[%mul3A_2] : memref<10240xi32, #tpu.memory_space<hbm>> -> memref<320xi32, #tpu.memory_space<hbm>>
      tpu.wait_dma2 semaphore(%run_scoped3A : memref<!tpu.dma_semaphore, #tpu.memory_space<semaphore_mem>>) src(%dma_wait3A_116 : memref<320xi32, #tpu.memory_space<hbm>>) dst(%dma_wait3A_115 : memref<320xi32, #tpu.memory_space<vmem>>)
      tpu.yield
    }) : () -> ()
    "tpu.region"() ({
      %run_scoped3A = tpu.sem_alloc : memref<!tpu.dma_semaphore, #tpu.memory_space<semaphore_mem>>
      %dma_start3A = arith.constant 0 : i32
      %dma_start3A_106 = tpu.memref_slice %arg24[%dma_start3A] : memref<336xi32, #tpu.memory_space<vmem>> -> memref<320xi32, #tpu.memory_space<vmem>>
      %dma_start3A_107 = tpu.memref_slice %arg10[%mul3A_2] : memref<10240xi32, #tpu.memory_space<hbm>> -> memref<320xi32, #tpu.memory_space<hbm>>
      %dma_start3A_108 = arith.constant 0 : i32
      %dma_start3A_109 = tpu.memref_slice %arg24[%dma_start3A_108] : memref<336xi32, #tpu.memory_space<vmem>> -> memref<320xi32, #tpu.memory_space<vmem>>
      %dma_start3A_110 = tpu.memref_slice %arg10[%mul3A_2] : memref<10240xi32, #tpu.memory_space<hbm>> -> memref<320xi32, #tpu.memory_space<hbm>>
      tpu.enqueue_dma source(%dma_start3A_110 : memref<320xi32, #tpu.memory_space<hbm>>) target(%dma_start3A_109 : memref<320xi32, #tpu.memory_space<vmem>>) target_semaphore(%run_scoped3A : memref<!tpu.dma_semaphore, #tpu.memory_space<semaphore_mem>>)
      %dma_wait3A_111 = arith.constant 0 : i32
      %dma_wait3A_112 = tpu.memref_slice %arg24[%dma_wait3A_111] : memref<336xi32, #tpu.memory_space<vmem>> -> memref<320xi32, #tpu.memory_space<vmem>>
      %dma_wait3A_113 = tpu.memref_slice %arg10[%mul3A_2] : memref<10240xi32, #tpu.memory_space<hbm>> -> memref<320xi32, #tpu.memory_space<hbm>>
      %dma_wait3A_114 = arith.constant 0 : i32
      %dma_wait3A_115 = tpu.memref_slice %arg24[%dma_wait3A_114] : memref<336xi32, #tpu.memory_space<vmem>> -> memref<320xi32, #tpu.memory_space<vmem>>
      %dma_wait3A_116 = tpu.memref_slice %arg10[%mul3A_2] : memref<10240xi32, #tpu.memory_space<hbm>> -> memref<320xi32, #tpu.memory_space<hbm>>
      tpu.wait_dma2 semaphore(%run_scoped3A : memref<!tpu.dma_semaphore, #tpu.memory_space<semaphore_mem>>) src(%dma_wait3A_116 : memref<320xi32, #tpu.memory_space<hbm>>) dst(%dma_wait3A_115 : memref<320xi32, #tpu.memory_space<vmem>>)
      tpu.yield
    }) : () -> ()
    %sub3A = arith.constant 10000 : i32
    %sub3A_3 = arith.subi %sub3A, %mul3A_2 : i32
    %max3A = arith.constant 0 : i32
    %max3A_4 = arith.maxsi %sub3A_3, %max3A : i32
    %min3A = arith.constant 320 : i32
    %min3A_5 = arith.minsi %min3A, %max3A_4 : i32
    %jit3A = arith.constant 2 : i32
    %div3A = arith.divsi %min3A_5, %jit3A : i32
    %sign3A = arith.constant 0 : i32
    %sign3A_6 = arith.cmpi sgt, %min3A_5, %sign3A : i32
    %sign3A_7 = arith.extui %sign3A_6 : i1 to i32
    %sign3A_8 = arith.constant 0 : i32
    %sign3A_9 = arith.cmpi slt, %min3A_5, %sign3A_8 : i32
    %sign3A_10 = arith.extui %sign3A_9 : i1 to i32
    %sign3A_11 = arith.subi %sign3A_7, %sign3A_10 : i32
    %sign3A_12 = arith.constant 0 : i32
    %sign3A_13 = arith.cmpi sgt, %jit3A, %sign3A_12 : i32
    %sign3A_14 = arith.extui %sign3A_13 : i1 to i32
    %sign3A_15 = arith.constant 0 : i32
    %sign3A_16 = arith.cmpi slt, %jit3A, %sign3A_15 : i32
    %sign3A_17 = arith.extui %sign3A_16 : i1 to i32
    %sign3A_18 = arith.subi %sign3A_14, %sign3A_17 : i32
    %ne3A = arith.cmpi ne, %sign3A_11, %sign3A_18 : i32
    %rem3A = arith.remsi %min3A_5, %jit3A : i32
    %ne3A_19 = arith.constant 0 : i32
    %ne3A_20 = arith.cmpi ne, %rem3A, %ne3A_19 : i32
    %and3A = arith.andi %ne3A, %ne3A_20 : i1
    %sub3A_21 = arith.constant 1 : i32
    %sub3A_22 = arith.subi %div3A, %sub3A_21 : i32
    %select_n3A = arith.select %and3A, %sub3A_22, %div3A : i32
    %while3A = arith.constant 0 : i32
    %while3A_23 = arith.constant 0 : i32
    %while3A_24 = arith.subi %select_n3A, %while3A : i32
    %while3A_25 = arith.addi %while3A, %while3A_24 : i32
    %while3A_26 = arith.constant 1 : i32
    %while3A_27 = arith.divsi %while3A_24, %while3A_26 : i32
    %while3A_28 = arith.muli %while3A_27, %while3A_26 : i32
    %while3A_29 = arith.addi %while3A, %while3A_28 : i32
    %while3A_30 = arith.constant 1 : i32
    %while3A_31 = scf.for %while3A_106 = %while3A to %while3A_29 step %while3A_30 iter_args(%while3A_107 = %while3A_23) -> (i32)  : i32 {
      %mul3A_108 = arith.constant 2 : i32
      %mul3A_109 = arith.muli %mul3A_108, %while3A_106 : i32
      %add3A_110 = arith.constant 1 : i32
      %add3A_111 = arith.addi %mul3A_109, %add3A_110 : i32
      %add3A_112 = arith.addi %mul3A_2, %mul3A_109 : i32
      %get3A = arith.index_cast %mul3A_109 : i32 to index
      %get3A_113 = tpu.vector_load %arg23[%get3A] {strides = array<i32>} : memref<336xi32, #tpu.memory_space<vmem>>, vector<16xi32>,
      %slice3A = vector.extract_strided_slice %get3A_113 {offsets = [0], sizes = [1], strides = [1]} : vector<16xi32> to vector<1xi32>
      %squeeze3A = vector.extract %slice3A[0] : i32 from vector<1xi32>
      %get3A_114 = arith.index_cast %mul3A_109 : i32 to index
      %get3A_115 = tpu.vector_load %arg24[%get3A_114] {strides = array<i32>} : memref<336xi32, #tpu.memory_space<vmem>>, vector<16xi32>,
      %slice3A_116 = vector.extract_strided_slice %get3A_115 {offsets = [0], sizes = [1], strides = [1]} : vector<16xi32> to vector<1xi32>
      %squeeze3A_117 = vector.extract %slice3A_116[0] : i32 from vector<1xi32>
      %get3A_118 = arith.index_cast %add3A_112 : i32 to index
      %get3A_119 = tpu.vector_load %arg16[%get3A_118] {strides = array<i32>} : memref<10240xf32, #tpu.memory_space<vmem>>, vector<16xf32>,
      %slice3A_120 = vector.extract_strided_slice %get3A_119 {offsets = [0], sizes = [1], strides = [1]} : vector<16xf32> to vector<1xf32>
      %squeeze3A_121 = vector.extract %slice3A_120[0] : f32 from vector<1xf32>
      %get3A_122 = arith.index_cast %add3A_112 : i32 to index
      %get3A_123 = tpu.vector_load %arg17[%get3A_122] {strides = array<i32>} : memref<10240xf32, #tpu.memory_space<vmem>>, vector<16xf32>,
      %slice3A_124 = vector.extract_strided_slice %get3A_123 {offsets = [0], sizes = [1], strides = [1]} : vector<16xf32> to vector<1xf32>
      %squeeze3A_125 = vector.extract %slice3A_124[0] : f32 from vector<1xf32>
      %get3A_126 = arith.index_cast %add3A_112 : i32 to index
      %get3A_127 = tpu.vector_load %arg18[%get3A_126] {strides = array<i32>} : memref<10240xf32, #tpu.memory_space<vmem>>, vector<16xf32>,
      %slice3A_128 = vector.extract_strided_slice %get3A_127 {offsets = [0], sizes = [1], strides = [1]} : vector<16xf32> to vector<1xf32>
      %squeeze3A_129 = vector.extract %slice3A_128[0] : f32 from vector<1xf32>
      %get3A_130 = arith.index_cast %add3A_112 : i32 to index
      %get3A_131 = tpu.vector_load %arg22[%get3A_130] {strides = array<i32>} : memref<10240xf32, #tpu.memory_space<vmem>>, vector<16xf32>,
      %slice3A_132 = vector.extract_strided_slice %get3A_131 {offsets = [0], sizes = [1], strides = [1]} : vector<16xf32> to vector<1xf32>
      %squeeze3A_133 = vector.extract %slice3A_132[0] : f32 from vector<1xf32>
      %get3A_134 = arith.index_cast %add3A_112 : i32 to index
      %get3A_135 = tpu.vector_load %arg19[%get3A_134] {strides = array<i32>} : memref<10240xf32, #tpu.memory_space<vmem>>, vector<16xf32>,
      %slice3A_136 = vector.extract_strided_slice %get3A_135 {offsets = [0], sizes = [1], strides = [1]} : vector<16xf32> to vector<1xf32>
      %squeeze3A_137 = vector.extract %slice3A_136[0] : f32 from vector<1xf32>
      %get3A_138 = arith.index_cast %add3A_112 : i32 to index
      %get3A_139 = tpu.vector_load %arg20[%get3A_138] {strides = array<i32>} : memref<10240xf32, #tpu.memory_space<vmem>>, vector<16xf32>,
      %slice3A_140 = vector.extract_strided_slice %get3A_139 {offsets = [0], sizes = [1], strides = [1]} : vector<16xf32> to vector<1xf32>
      %squeeze3A_141 = vector.extract %slice3A_140[0] : f32 from vector<1xf32>
      %get3A_142 = arith.index_cast %add3A_112 : i32 to index
      %get3A_143 = tpu.vector_load %arg21[%get3A_142] {strides = array<i32>} : memref<10240xf32, #tpu.memory_space<vmem>>, vector<16xf32>,
      %slice3A_144 = vector.extract_strided_slice %get3A_143 {offsets = [0], sizes = [1], strides = [1]} : vector<16xf32> to vector<1xf32>
      %squeeze3A_145 = vector.extract %slice3A_144[0] : f32 from vector<1xf32>
      %jit3A_146 = arith.constant 16 : i32
      %div3A_147 = arith.divsi %squeeze3A, %jit3A_146 : i32
      %sign3A_148 = arith.constant 0 : i32
      %sign3A_149 = arith.cmpi sgt, %squeeze3A, %sign3A_148 : i32
      %sign3A_150 = arith.extui %sign3A_149 : i1 to i32
      %sign3A_151 = arith.constant 0 : i32
      %sign3A_152 = arith.cmpi slt, %squeeze3A, %sign3A_151 : i32
      %sign3A_153 = arith.extui %sign3A_152 : i1 to i32
      %sign3A_154 = arith.subi %sign3A_150, %sign3A_153 : i32
      %sign3A_155 = arith.constant 0 : i32
      %sign3A_156 = arith.cmpi sgt, %jit3A_146, %sign3A_155 : i32
      %sign3A_157 = arith.extui %sign3A_156 : i1 to i32
      %sign3A_158 = arith.constant 0 : i32
      %sign3A_159 = arith.cmpi slt, %jit3A_146, %sign3A_158 : i32
      %sign3A_160 = arith.extui %sign3A_159 : i1 to i32
      %sign3A_161 = arith.subi %sign3A_157, %sign3A_160 : i32
      %ne3A_162 = arith.cmpi ne, %sign3A_154, %sign3A_161 : i32
      %rem3A_163 = arith.remsi %squeeze3A, %jit3A_146 : i32
      %ne3A_164 = arith.constant 0 : i32
      %ne3A_165 = arith.cmpi ne, %rem3A_163, %ne3A_164 : i32
      %and3A_166 = arith.andi %ne3A_162, %ne3A_165 : i1
      %sub3A_167 = arith.constant 1 : i32
      %sub3A_168 = arith.subi %div3A_147, %sub3A_167 : i32
      %select_n3A_169 = arith.select %and3A_166, %sub3A_168, %div3A_147 : i32
      %mul3A_170 = arith.constant 16 : i32
      %mul3A_171 = arith.muli %select_n3A_169, %mul3A_170 : i32
      %sub3A_172 = arith.subi %squeeze3A_117, %mul3A_171 : i32
      %add3A_173 = arith.constant 15 : i32
      %add3A_174 = arith.addi %sub3A_172, %add3A_173 : i32
      %jit3A_175 = arith.constant 16 : i32
      %div3A_176 = arith.divsi %add3A_174, %jit3A_175 : i32
      %sign3A_177 = arith.constant 0 : i32
      %sign3A_178 = arith.cmpi sgt, %add3A_174, %sign3A_177 : i32
      %sign3A_179 = arith.extui %sign3A_178 : i1 to i32
      %sign3A_180 = arith.constant 0 : i32
      %sign3A_181 = arith.cmpi slt, %add3A_174, %sign3A_180 : i32
      %sign3A_182 = arith.extui %sign3A_181 : i1 to i32
      %sign3A_183 = arith.subi %sign3A_179, %sign3A_182 : i32
      %sign3A_184 = arith.constant 0 : i32
      %sign3A_185 = arith.cmpi sgt, %jit3A_175, %sign3A_184 : i32
      %sign3A_186 = arith.extui %sign3A_185 : i1 to i32
      %sign3A_187 = arith.constant 0 : i32
      %sign3A_188 = arith.cmpi slt, %jit3A_175, %sign3A_187 : i32
      %sign3A_189 = arith.extui %sign3A_188 : i1 to i32
      %sign3A_190 = arith.subi %sign3A_186, %sign3A_189 : i32
      %ne3A_191 = arith.cmpi ne, %sign3A_183, %sign3A_190 : i32
      %rem3A_192 = arith.remsi %add3A_174, %jit3A_175 : i32
      %ne3A_193 = arith.constant 0 : i32
      %ne3A_194 = arith.cmpi ne, %rem3A_192, %ne3A_193 : i32
      %and3A_195 = arith.andi %ne3A_191, %ne3A_194 : i1
      %sub3A_196 = arith.constant 1 : i32
      %sub3A_197 = arith.subi %div3A_176, %sub3A_196 : i32
      %select_n3A_198 = arith.select %and3A_195, %sub3A_197, %div3A_176 : i32
      %while3A_199 = arith.constant 0 : i32
      %while3A_200 = arith.constant 0 : i32
      %while3A_201 = arith.subi %select_n3A_198, %while3A_199 : i32
      %while3A_202 = arith.addi %while3A_199, %while3A_201 : i32
      %while3A_203 = arith.constant 1 : i32
      %while3A_204 = arith.divsi %while3A_201, %while3A_203 : i32
      %while3A_205 = arith.muli %while3A_204, %while3A_203 : i32
      %while3A_206 = arith.addi %while3A_199, %while3A_205 : i32
      %while3A_207 = arith.constant 1 : i32
      %while3A_208 = scf.for %while3A_563 = %while3A_199 to %while3A_206 step %while3A_207 iter_args(%while3A_564 = %while3A_200) -> (i32)  : i32 {
        %mul3A_565 = arith.constant 16 : i32
        %mul3A_566 = arith.muli %while3A_563, %mul3A_565 : i32
        %add3A_567 = arith.addi %mul3A_171, %mul3A_566 : i32
        %add3A_568 = vector.broadcast %add3A_567 : i32 to vector<16xi32>
        %add3A_569 = arith.addi %add3A_568, %iota3A : vector<16xi32>
        %ge3A = vector.broadcast %squeeze3A : i32 to vector<16xi32>
        %ge3A_570 = arith.cmpi sge, %add3A_569, %ge3A : vector<16xi32>
        %lt3A_571 = vector.broadcast %squeeze3A_117 : i32 to vector<16xi32>
        %lt3A_572 = arith.cmpi slt, %add3A_569, %lt3A_571 : vector<16xi32>
        %and3A_573 = arith.andi %ge3A_570, %lt3A_572 : vector<16xi1>
        %get3A_574 = arith.index_cast %add3A_567 : i32 to index
        %get3A_575 = tpu.vector_load %arg19[%get3A_574] {strides = array<i32>} : memref<10240xf32, #tpu.memory_space<vmem>>, vector<16xf32>,
        %get3A_576 = arith.index_cast %add3A_567 : i32 to index
        %get3A_577 = tpu.vector_load %arg20[%get3A_576] {strides = array<i32>} : memref<10240xf32, #tpu.memory_space<vmem>>, vector<16xf32>,
        %get3A_578 = arith.index_cast %add3A_567 : i32 to index
        %get3A_579 = tpu.vector_load %arg21[%get3A_578] {strides = array<i32>} : memref<10240xf32, #tpu.memory_space<vmem>>, vector<16xf32>,
        %get3A_580 = arith.index_cast %add3A_567 : i32 to index
        %get3A_581 = tpu.vector_load %arg22[%get3A_580] {strides = array<i32>} : memref<10240xf32, #tpu.memory_space<vmem>>, vector<16xf32>,
        %mul3A_582 = vector.broadcast %squeeze3A_137 : f32 to vector<16xf32>
        %mul3A_583 = arith.mulf %mul3A_582, %get3A_575 : vector<16xf32>
        %mul3A_584 = vector.broadcast %squeeze3A_141 : f32 to vector<16xf32>
        %mul3A_585 = arith.mulf %mul3A_584, %get3A_577 : vector<16xf32>
        %add3A_586 = arith.addf %mul3A_583, %mul3A_585 : vector<16xf32>
        %mul3A_587 = vector.broadcast %squeeze3A_145 : f32 to vector<16xf32>
        %mul3A_588 = arith.mulf %mul3A_587, %get3A_579 : vector<16xf32>
        %add3A_589 = arith.addf %add3A_586, %mul3A_588 : vector<16xf32>
        %add3A_590 = vector.broadcast %squeeze3A_133 : f32 to vector<16xf32>
        %add3A_591 = arith.addf %add3A_590, %get3A_581 : vector<16xf32>
        %mul3A_592 = arith.constant 2.000000e+00 : f32
        %mul3A_593 = vector.broadcast %mul3A_592 : f32 to vector<16xf32>
        %mul3A_594 = arith.mulf %mul3A_593, %add3A_589 : vector<16xf32>
        %sub3A_595 = arith.subf %add3A_591, %mul3A_594 : vector<16xf32>
        %le3A_596 = arith.constant 4.000000e-02 : f32
        %le3A_597 = vector.broadcast %le3A_596 : f32 to vector<16xf32>
        %le3A_598 = arith.cmpf ole, %sub3A_595, %le3A_597 : vector<16xf32>
        %and3A_599 = arith.andi %le3A_598, %and3A_573 : vector<16xi1>
        %min3A_600 = arith.constant 80 : i32
        %min3A_601 = arith.minsi %while3A_564, %min3A_600 : i32
        %swap3A_602 = arith.index_cast %min3A_601 : i32 to index
        %swap3A_603 = tpu.vector_load %arg25[%swap3A_602] masked %and3A_599 {strides = array<i32>} : memref<112xi32, #tpu.memory_space<vmem>>, vector<16xi32>, vector<16xi1>
        tpu.vector_store %arg25[%swap3A_602], %add3A_569 masked %and3A_599 {strides = array<i32>} : memref<112xi32, #tpu.memory_space<vmem>>, vector<16xi32>, vector<16xi1>
        %all_reduce_population_count3A = tpu.all_reduce %and3A_599 {dim = 0 : i64, kind = #tpu.reduction_kind<sum>} : vector<16xi1> -> vector<16xi32>
        %slice3A_604 = vector.extract_strided_slice %all_reduce_population_count3A {offsets = [0], sizes = [1], strides = [1]} : vector<16xi32> to vector<1xi32>
        %squeeze3A_605 = vector.extract %slice3A_604[0] : i32 from vector<1xi32>
        %add3A_606 = arith.addi %while3A_564, %squeeze3A_605 : i32
        scf.yield %add3A_606 : i32
      }
      %while3A_209 = arith.constant 1 : i32
      %while3A_210 = scf.for %while3A_563 = %while3A_206 to %while3A_202 step %while3A_209 iter_args(%while3A_564 = %while3A_208) -> (i32)  : i32 {
        %mul3A_565 = arith.constant 16 : i32
        %mul3A_566 = arith.muli %while3A_563, %mul3A_565 : i32
        %add3A_567 = arith.addi %mul3A_171, %mul3A_566 : i32
        %add3A_568 = vector.broadcast %add3A_567 : i32 to vector<16xi32>
        %add3A_569 = arith.addi %add3A_568, %iota3A : vector<16xi32>
        %ge3A = vector.broadcast %squeeze3A : i32 to vector<16xi32>
        %ge3A_570 = arith.cmpi sge, %add3A_569, %ge3A : vector<16xi32>
        %lt3A_571 = vector.broadcast %squeeze3A_117 : i32 to vector<16xi32>
        %lt3A_572 = arith.cmpi slt, %add3A_569, %lt3A_571 : vector<16xi32>
        %and3A_573 = arith.andi %ge3A_570, %lt3A_572 : vector<16xi1>
        %get3A_574 = arith.index_cast %add3A_567 : i32 to index
        %get3A_575 = tpu.vector_load %arg19[%get3A_574] {strides = array<i32>} : memref<10240xf32, #tpu.memory_space<vmem>>, vector<16xf32>,
        %get3A_576 = arith.index_cast %add3A_567 : i32 to index
        %get3A_577 = tpu.vector_load %arg20[%get3A_576] {strides = array<i32>} : memref<10240xf32, #tpu.memory_space<vmem>>, vector<16xf32>,
        %get3A_578 = arith.index_cast %add3A_567 : i32 to index
        %get3A_579 = tpu.vector_load %arg21[%get3A_578] {strides = array<i32>} : memref<10240xf32, #tpu.memory_space<vmem>>, vector<16xf32>,
        %get3A_580 = arith.index_cast %add3A_567 : i32 to index
        %get3A_581 = tpu.vector_load %arg22[%get3A_580] {strides = array<i32>} : memref<10240xf32, #tpu.memory_space<vmem>>, vector<16xf32>,
        %mul3A_582 = vector.broadcast %squeeze3A_137 : f32 to vector<16xf32>
        %mul3A_583 = arith.mulf %mul3A_582, %get3A_575 : vector<16xf32>
        %mul3A_584 = vector.broadcast %squeeze3A_141 : f32 to vector<16xf32>
        %mul3A_585 = arith.mulf %mul3A_584, %get3A_577 : vector<16xf32>
        %add3A_586 = arith.addf %mul3A_583, %mul3A_585 : vector<16xf32>
        %mul3A_587 = vector.broadcast %squeeze3A_145 : f32 to vector<16xf32>
        %mul3A_588 = arith.mulf %mul3A_587, %get3A_579 : vector<16xf32>
        %add3A_589 = arith.addf %add3A_586, %mul3A_588 : vector<16xf32>
        %add3A_590 = vector.broadcast %squeeze3A_133 : f32 to vector<16xf32>
        %add3A_591 = arith.addf %add3A_590, %get3A_581 : vector<16xf32>
        %mul3A_592 = arith.constant 2.000000e+00 : f32
        %mul3A_593 = vector.broadcast %mul3A_592 : f32 to vector<16xf32>
        %mul3A_594 = arith.mulf %mul3A_593, %add3A_589 : vector<16xf32>
        %sub3A_595 = arith.subf %add3A_591, %mul3A_594 : vector<16xf32>
        %le3A_596 = arith.constant 4.000000e-02 : f32
        %le3A_597 = vector.broadcast %le3A_596 : f32 to vector<16xf32>
        %le3A_598 = arith.cmpf ole, %sub3A_595, %le3A_597 : vector<16xf32>
        %and3A_599 = arith.andi %le3A_598, %and3A_573 : vector<16xi1>
        %min3A_600 = arith.constant 80 : i32
        %min3A_601 = arith.minsi %while3A_564, %min3A_600 : i32
        %swap3A_602 = arith.index_cast %min3A_601 : i32 to index
        %swap3A_603 = tpu.vector_load %arg25[%swap3A_602] masked %and3A_599 {strides = array<i32>} : memref<112xi32, #tpu.memory_space<vmem>>, vector<16xi32>, vector<16xi1>
        tpu.vector_store %arg25[%swap3A_602], %add3A_569 masked %and3A_599 {strides = array<i32>} : memref<112xi32, #tpu.memory_space<vmem>>, vector<16xi32>, vector<16xi1>
        %all_reduce_population_count3A = tpu.all_reduce %and3A_599 {dim = 0 : i64, kind = #tpu.reduction_kind<sum>} : vector<16xi1> -> vector<16xi32>
        %slice3A_604 = vector.extract_strided_slice %all_reduce_population_count3A {offsets = [0], sizes = [1], strides = [1]} : vector<16xi32> to vector<1xi32>
        %squeeze3A_605 = vector.extract %slice3A_604[0] : i32 from vector<1xi32>
        %add3A_606 = arith.addi %while3A_564, %squeeze3A_605 : i32
        scf.yield %add3A_606 : i32
      }
      %le3A = arith.constant 64 : i32
      %le3A_211 = arith.cmpi sle, %while3A_210, %le3A : i32
      %convert_element_type3A = arith.extui %le3A_211 : i1 to i32
      %cond3A = arith.constant 0 : i32
      %cond3A_212 = arith.constant 0 : i32
      %cond3A_213 = arith.cmpi ne, %convert_element_type3A, %cond3A_212 : i32
      %cond3A_214 = scf.if %cond3A_213 -> (i32) {
        %add3A_563 = arith.constant 0 : i32
        %add3A_564 = vector.broadcast %add3A_563 : i32 to vector<16xi32>
        %add3A_565 = arith.addi %add3A_564, %iota3A : vector<16xi32>
        %get3A_566 = arith.constant 0 : index
        %get3A_567 = tpu.vector_load %arg25[%get3A_566] {strides = array<i32>} : memref<112xi32, #tpu.memory_space<vmem>>, vector<16xi32>,
        %lt3A_568 = vector.broadcast %while3A_210 : i32 to vector<16xi32>
        %lt3A_569 = arith.cmpi slt, %add3A_565, %lt3A_568 : vector<16xi32>
        %broadcast_in_dim3A = vector.broadcast %add3A_112 : i32 to vector<16xi32>
        %select_n3A_570 = arith.select %lt3A_569, %get3A_567, %broadcast_in_dim3A : vector<16xi1>, vector<16xi32>
        %swap3A_571 = arith.constant 0 : index
        %swap3A_572 = tpu.vector_load %arg26[%swap3A_571] {strides = array<i32>} : memref<64xi32, #tpu.memory_space<vmem>>, vector<16xi32>,
        tpu.vector_store %arg26[%swap3A_571], %select_n3A_570 {strides = array<i32>} : memref<64xi32, #tpu.memory_space<vmem>>, vector<16xi32>,
        %add3A_573 = arith.constant 16 : i32
        %add3A_574 = vector.broadcast %add3A_573 : i32 to vector<16xi32>
        %add3A_575 = arith.addi %add3A_574, %iota3A : vector<16xi32>
        %get3A_576 = arith.constant 16 : index
        %get3A_577 = tpu.vector_load %arg25[%get3A_576] {strides = array<i32>} : memref<112xi32, #tpu.memory_space<vmem>>, vector<16xi32>,
        %lt3A_578 = vector.broadcast %while3A_210 : i32 to vector<16xi32>
        %lt3A_579 = arith.cmpi slt, %add3A_575, %lt3A_578 : vector<16xi32>
        %broadcast_in_dim3A_580 = vector.broadcast %add3A_112 : i32 to vector<16xi32>
        %select_n3A_581 = arith.select %lt3A_579, %get3A_577, %broadcast_in_dim3A_580 : vector<16xi1>, vector<16xi32>
        %swap3A_582 = arith.constant 16 : index
        %swap3A_583 = tpu.vector_load %arg26[%swap3A_582] {strides = array<i32>} : memref<64xi32, #tpu.memory_space<vmem>>, vector<16xi32>,
        tpu.vector_store %arg26[%swap3A_582], %select_n3A_581 {strides = array<i32>} : memref<64xi32, #tpu.memory_space<vmem>>, vector<16xi32>,
        %add3A_584 = arith.constant 32 : i32
        %add3A_585 = vector.broadcast %add3A_584 : i32 to vector<16xi32>
        %add3A_586 = arith.addi %add3A_585, %iota3A : vector<16xi32>
        %get3A_587 = arith.constant 32 : index
        %get3A_588 = tpu.vector_load %arg25[%get3A_587] {strides = array<i32>} : memref<112xi32, #tpu.memory_space<vmem>>, vector<16xi32>,
        %lt3A_589 = vector.broadcast %while3A_210 : i32 to vector<16xi32>
        %lt3A_590 = arith.cmpi slt, %add3A_586, %lt3A_589 : vector<16xi32>
        %broadcast_in_dim3A_591 = vector.broadcast %add3A_112 : i32 to vector<16xi32>
        %select_n3A_592 = arith.select %lt3A_590, %get3A_588, %broadcast_in_dim3A_591 : vector<16xi1>, vector<16xi32>
        %swap3A_593 = arith.constant 32 : index
        %swap3A_594 = tpu.vector_load %arg26[%swap3A_593] {strides = array<i32>} : memref<64xi32, #tpu.memory_space<vmem>>, vector<16xi32>,
        tpu.vector_store %arg26[%swap3A_593], %select_n3A_592 {strides = array<i32>} : memref<64xi32, #tpu.memory_space<vmem>>, vector<16xi32>,
        %add3A_595 = arith.constant 48 : i32
        %add3A_596 = vector.broadcast %add3A_595 : i32 to vector<16xi32>
        %add3A_597 = arith.addi %add3A_596, %iota3A : vector<16xi32>
        %get3A_598 = arith.constant 48 : index
        %get3A_599 = tpu.vector_load %arg25[%get3A_598] {strides = array<i32>} : memref<112xi32, #tpu.memory_space<vmem>>, vector<16xi32>,
        %lt3A_600 = vector.broadcast %while3A_210 : i32 to vector<16xi32>
        %lt3A_601 = arith.cmpi slt, %add3A_597, %lt3A_600 : vector<16xi32>
        %broadcast_in_dim3A_602 = vector.broadcast %add3A_112 : i32 to vector<16xi32>
        %select_n3A_603 = arith.select %lt3A_601, %get3A_599, %broadcast_in_dim3A_602 : vector<16xi1>, vector<16xi32>
        %swap3A_604 = arith.constant 48 : index
        %swap3A_605 = tpu.vector_load %arg26[%swap3A_604] {strides = array<i32>} : memref<64xi32, #tpu.memory_space<vmem>>, vector<16xi32>,
        tpu.vector_store %arg26[%swap3A_604], %select_n3A_603 {strides = array<i32>} : memref<64xi32, #tpu.memory_space<vmem>>, vector<16xi32>,
        %cond3A_606 = arith.constant 0 : i32
        scf.yield %cond3A_606 : i32
      } else {
        %broadcast_in_dim3A = arith.constant 0x7F800000 : f32
        %broadcast_in_dim3A_563 = vector.broadcast %broadcast_in_dim3A : f32 to vector<16xf32>
        %broadcast_in_dim3A_564 = vector.broadcast %add3A_112 : i32 to vector<16xi32>
        %while3A_565 = arith.constant 0 : i32
        %while3A_566 = arith.subi %select_n3A_198, %while3A_565 : i32
        %while3A_567 = arith.addi %while3A_565, %while3A_566 : i32
        %while3A_568 = arith.constant 1 : i32
        %while3A_569 = arith.divsi %while3A_566, %while3A_568 : i32
        %while3A_570 = arith.muli %while3A_569, %while3A_568 : i32
        %while3A_571 = arith.addi %while3A_565, %while3A_570 : i32
        %while3A_572 = arith.constant 1 : i32
        %while3A_573:8 = scf.for %while3A_585 = %while3A_565 to %while3A_571 step %while3A_572 iter_args(%while3A_586 = %broadcast_in_dim3A_563, %while3A_587 = %broadcast_in_dim3A_563, %while3A_588 = %broadcast_in_dim3A_563, %while3A_589 = %broadcast_in_dim3A_563, %while3A_590 = %broadcast_in_dim3A_564, %while3A_591 = %broadcast_in_dim3A_564, %while3A_592 = %broadcast_in_dim3A_564, %while3A_593 = %broadcast_in_dim3A_564) -> (vector<16xf32>, vector<16xf32>, vector<16xf32>, vector<16xf32>, vector<16xi32>, vector<16xi32>, vector<16xi32>, vector<16xi32>)  : i32 {
          %mul3A_594 = arith.constant 16 : i32
          %mul3A_595 = arith.muli %while3A_585, %mul3A_594 : i32
          %add3A_596 = arith.addi %mul3A_171, %mul3A_595 : i32
          %add3A_597 = vector.broadcast %add3A_596 : i32 to vector<16xi32>
          %add3A_598 = arith.addi %add3A_597, %iota3A : vector<16xi32>
          %ge3A = vector.broadcast %squeeze3A : i32 to vector<16xi32>
          %ge3A_599 = arith.cmpi sge, %add3A_598, %ge3A : vector<16xi32>
          %lt3A_600 = vector.broadcast %squeeze3A_117 : i32 to vector<16xi32>
          %lt3A_601 = arith.cmpi slt, %add3A_598, %lt3A_600 : vector<16xi32>
          %and3A_602 = arith.andi %ge3A_599, %lt3A_601 : vector<16xi1>
          %get3A_603 = arith.index_cast %add3A_596 : i32 to index
          %get3A_604 = tpu.vector_load %arg19[%get3A_603] {strides = array<i32>} : memref<10240xf32, #tpu.memory_space<vmem>>, vector<16xf32>,
          %get3A_605 = arith.index_cast %add3A_596 : i32 to index
          %get3A_606 = tpu.vector_load %arg20[%get3A_605] {strides = array<i32>} : memref<10240xf32, #tpu.memory_space<vmem>>, vector<16xf32>,
          %get3A_607 = arith.index_cast %add3A_596 : i32 to index
          %get3A_608 = tpu.vector_load %arg21[%get3A_607] {strides = array<i32>} : memref<10240xf32, #tpu.memory_space<vmem>>, vector<16xf32>,
          %get3A_609 = arith.index_cast %add3A_596 : i32 to index
          %get3A_610 = tpu.vector_load %arg22[%get3A_609] {strides = array<i32>} : memref<10240xf32, #tpu.memory_space<vmem>>, vector<16xf32>,
          %mul3A_611 = vector.broadcast %squeeze3A_137 : f32 to vector<16xf32>
          %mul3A_612 = arith.mulf %mul3A_611, %get3A_604 : vector<16xf32>
          %mul3A_613 = vector.broadcast %squeeze3A_141 : f32 to vector<16xf32>
          %mul3A_614 = arith.mulf %mul3A_613, %get3A_606 : vector<16xf32>
          %add3A_615 = arith.addf %mul3A_612, %mul3A_614 : vector<16xf32>
          %mul3A_616 = vector.broadcast %squeeze3A_145 : f32 to vector<16xf32>
          %mul3A_617 = arith.mulf %mul3A_616, %get3A_608 : vector<16xf32>
          %add3A_618 = arith.addf %add3A_615, %mul3A_617 : vector<16xf32>
          %add3A_619 = vector.broadcast %squeeze3A_133 : f32 to vector<16xf32>
          %add3A_620 = arith.addf %add3A_619, %get3A_610 : vector<16xf32>
          %mul3A_621 = arith.constant 2.000000e+00 : f32
          %mul3A_622 = vector.broadcast %mul3A_621 : f32 to vector<16xf32>
          %mul3A_623 = arith.mulf %mul3A_622, %add3A_618 : vector<16xf32>
          %sub3A_624 = arith.subf %add3A_620, %mul3A_623 : vector<16xf32>
          %le3A_625 = arith.constant 4.000000e-02 : f32
          %le3A_626 = vector.broadcast %le3A_625 : f32 to vector<16xf32>
          %le3A_627 = arith.cmpf ole, %sub3A_624, %le3A_626 : vector<16xf32>
          %and3A_628 = arith.andi %le3A_627, %and3A_602 : vector<16xi1>
          %jit3A_629 = arith.constant 0x7F800000 : f32
          %broadcast_in_dim3A_630 = vector.broadcast %jit3A_629 : f32 to vector<16xf32>
          %select_n3A_631 = arith.select %and3A_628, %sub3A_624, %broadcast_in_dim3A_630 : vector<16xi1>, vector<16xf32>
          %reduce_max3A = arith.constant true
          %reduce_max3A_632 = vector.broadcast %reduce_max3A : i1 to vector<16xi1>
          %reduce_max3A_633 = tpu.scan <max>, %while3A_589 masked %reduce_max3A_632 : vector<16xf32>, vector<16xi1> -> vector<16xf32>
          %reduce_max3A_634 = vector.extract %reduce_max3A_633[15] : f32 from vector<16xf32>
          %reduce_min3A = arith.constant true
          %reduce_min3A_635 = vector.broadcast %reduce_min3A : i1 to vector<16xi1>
          %reduce_min3A_636 = tpu.scan <min>, %select_n3A_631 masked %reduce_min3A_635 : vector<16xf32>, vector<16xi1> -> vector<16xf32>
          %reduce_min3A_637 = vector.extract %reduce_min3A_636[15] : f32 from vector<16xf32>
          %lt3A_638 = arith.cmpf olt, %reduce_min3A_637, %reduce_max3A_634 : f32
          %convert_element_type3A_639 = arith.extui %lt3A_638 : i1 to i32
          %cond3A_640 = arith.constant 0 : i32
          %cond3A_641 = arith.constant 0 : i32
          %cond3A_642 = arith.cmpi ne, %convert_element_type3A_639, %cond3A_641 : i32
          %cond3A_643:8 = scf.if %cond3A_642 -> (vector<16xf32>, vector<16xf32>, vector<16xf32>, vector<16xf32>, vector<16xi32>, vector<16xi32>, vector<16xi32>, vector<16xi32>) {
            %masked_sort3A = arith.constant dense<true> : vector<16xi1>
            %masked_sort3A_644, %masked_sort3A_645, %masked_sort3A_646 = tpu.sort %select_n3A_631, %add3A_598 masked %masked_sort3A : (vector<16xf32>, vector<16xi32>, vector<16xi1>) -> (vector<16xi1>, vector<16xf32>, vector<16xi32>)
            %rev3A = arith.constant 15 : i32
            %rev3A_647 = vector.broadcast %rev3A : i32 to vector<16xi32>
            %rev3A_648 = tpu.iota {dimensions = array<i32: 0>} : vector<16xi32>
            %rev3A_649 = arith.subi %rev3A_647, %rev3A_648 : vector<16xi32>
            %rev3A_650 = tpu.dynamic_gather %masked_sort3A_645[%rev3A_649] in [0] : vector<16xf32>, vector<16xi32> -> vector<16xf32>
            %rev3A_651 = arith.constant 15 : i32
            %rev3A_652 = vector.broadcast %rev3A_651 : i32 to vector<16xi32>
            %rev3A_653 = tpu.iota {dimensions = array<i32: 0>} : vector<16xi32>
            %rev3A_654 = arith.subi %rev3A_652, %rev3A_653 : vector<16xi32>
            %rev3A_655 = tpu.dynamic_gather %masked_sort3A_646[%rev3A_654] in [0] : vector<16xi32>, vector<16xi32> -> vector<16xi32>
            %le3A_656 = arith.cmpf ole, %while3A_586, %rev3A_650 : vector<16xf32>
            %select_n3A_657 = arith.select %le3A_656, %while3A_586, %rev3A_650 : vector<16xi1>, vector<16xf32>
            %select_n3A_658 = arith.select %le3A_656, %while3A_590, %rev3A_655 : vector<16xi1>, vector<16xi32>
            %select_n3A_659 = arith.select %le3A_656, %rev3A_650, %while3A_586 : vector<16xi1>, vector<16xf32>
            %select_n3A_660 = arith.select %le3A_656, %rev3A_655, %while3A_590 : vector<16xi1>, vector<16xi32>
            %masked_sort3A_661 = arith.constant dense<true> : vector<16xi1>
            %masked_sort3A_662, %masked_sort3A_663, %masked_sort3A_664 = tpu.sort %select_n3A_657, %select_n3A_658 masked %masked_sort3A_661 : (vector<16xf32>, vector<16xi32>, vector<16xi1>) -> (vector<16xi1>, vector<16xf32>, vector<16xi32>)
            %masked_sort3A_665 = arith.constant dense<true> : vector<16xi1>
            %masked_sort3A_666, %masked_sort3A_667, %masked_sort3A_668 = tpu.sort %select_n3A_659, %select_n3A_660 masked %masked_sort3A_665 : (vector<16xf32>, vector<16xi32>, vector<16xi1>) -> (vector<16xi1>, vector<16xf32>, vector<16xi32>)
            %rev3A_669 = arith.constant 15 : i32
            %rev3A_670 = vector.broadcast %rev3A_669 : i32 to vector<16xi32>
            %rev3A_671 = tpu.iota {dimensions = array<i32: 0>} : vector<16xi32>
            %rev3A_672 = arith.subi %rev3A_670, %rev3A_671 : vector<16xi32>
            %rev3A_673 = tpu.dynamic_gather %masked_sort3A_667[%rev3A_672] in [0] : vector<16xf32>, vector<16xi32> -> vector<16xf32>
            %rev3A_674 = arith.constant 15 : i32
            %rev3A_675 = vector.broadcast %rev3A_674 : i32 to vector<16xi32>
            %rev3A_676 = tpu.iota {dimensions = array<i32: 0>} : vector<16xi32>
            %rev3A_677 = arith.subi %rev3A_675, %rev3A_676 : vector<16xi32>
            %rev3A_678 = tpu.dynamic_gather %masked_sort3A_668[%rev3A_677] in [0] : vector<16xi32>, vector<16xi32> -> vector<16xi32>
            %le3A_679 = arith.cmpf ole, %while3A_587, %rev3A_673 : vector<16xf32>
            %select_n3A_680 = arith.select %le3A_679, %while3A_587, %rev3A_673 : vector<16xi1>, vector<16xf32>
            %select_n3A_681 = arith.select %le3A_679, %while3A_591, %rev3A_678 : vector<16xi1>, vector<16xi32>
            %select_n3A_682 = arith.select %le3A_679, %rev3A_673, %while3A_587 : vector<16xi1>, vector<16xf32>
            %select_n3A_683 = arith.select %le3A_679, %rev3A_678, %while3A_591 : vector<16xi1>, vector<16xi32>
            %masked_sort3A_684 = arith.constant dense<true> : vector<16xi1>
            %masked_sort3A_685, %masked_sort3A_686, %masked_sort3A_687 = tpu.sort %select_n3A_680, %select_n3A_681 masked %masked_sort3A_684 : (vector<16xf32>, vector<16xi32>, vector<16xi1>) -> (vector<16xi1>, vector<16xf32>, vector<16xi32>)
            %masked_sort3A_688 = arith.constant dense<true> : vector<16xi1>
            %masked_sort3A_689, %masked_sort3A_690, %masked_sort3A_691 = tpu.sort %select_n3A_682, %select_n3A_683 masked %masked_sort3A_688 : (vector<16xf32>, vector<16xi32>, vector<16xi1>) -> (vector<16xi1>, vector<16xf32>, vector<16xi32>)
            %rev3A_692 = arith.constant 15 : i32
            %rev3A_693 = vector.broadcast %rev3A_692 : i32 to vector<16xi32>
            %rev3A_694 = tpu.iota {dimensions = array<i32: 0>} : vector<16xi32>
            %rev3A_695 = arith.subi %rev3A_693, %rev3A_694 : vector<16xi32>
            %rev3A_696 = tpu.dynamic_gather %masked_sort3A_690[%rev3A_695] in [0] : vector<16xf32>, vector<16xi32> -> vector<16xf32>
            %rev3A_697 = arith.constant 15 : i32
            %rev3A_698 = vector.broadcast %rev3A_697 : i32 to vector<16xi32>
            %rev3A_699 = tpu.iota {dimensions = array<i32: 0>} : vector<16xi32>
            %rev3A_700 = arith.subi %rev3A_698, %rev3A_699 : vector<16xi32>
            %rev3A_701 = tpu.dynamic_gather %masked_sort3A_691[%rev3A_700] in [0] : vector<16xi32>, vector<16xi32> -> vector<16xi32>
            %le3A_702 = arith.cmpf ole, %while3A_588, %rev3A_696 : vector<16xf32>
            %select_n3A_703 = arith.select %le3A_702, %while3A_588, %rev3A_696 : vector<16xi1>, vector<16xf32>
            %select_n3A_704 = arith.select %le3A_702, %while3A_592, %rev3A_701 : vector<16xi1>, vector<16xi32>
            %select_n3A_705 = arith.select %le3A_702, %rev3A_696, %while3A_588 : vector<16xi1>, vector<16xf32>
            %select_n3A_706 = arith.select %le3A_702, %rev3A_701, %while3A_592 : vector<16xi1>, vector<16xi32>
            %masked_sort3A_707 = arith.constant dense<true> : vector<16xi1>
            %masked_sort3A_708, %masked_sort3A_709, %masked_sort3A_710 = tpu.sort %select_n3A_703, %select_n3A_704 masked %masked_sort3A_707 : (vector<16xf32>, vector<16xi32>, vector<16xi1>) -> (vector<16xi1>, vector<16xf32>, vector<16xi32>)
            %masked_sort3A_711 = arith.constant dense<true> : vector<16xi1>
            %masked_sort3A_712, %masked_sort3A_713, %masked_sort3A_714 = tpu.sort %select_n3A_705, %select_n3A_706 masked %masked_sort3A_711 : (vector<16xf32>, vector<16xi32>, vector<16xi1>) -> (vector<16xi1>, vector<16xf32>, vector<16xi32>)
            %rev3A_715 = arith.constant 15 : i32
            %rev3A_716 = vector.broadcast %rev3A_715 : i32 to vector<16xi32>
            %rev3A_717 = tpu.iota {dimensions = array<i32: 0>} : vector<16xi32>
            %rev3A_718 = arith.subi %rev3A_716, %rev3A_717 : vector<16xi32>
            %rev3A_719 = tpu.dynamic_gather %masked_sort3A_713[%rev3A_718] in [0] : vector<16xf32>, vector<16xi32> -> vector<16xf32>
            %rev3A_720 = arith.constant 15 : i32
            %rev3A_721 = vector.broadcast %rev3A_720 : i32 to vector<16xi32>
            %rev3A_722 = tpu.iota {dimensions = array<i32: 0>} : vector<16xi32>
            %rev3A_723 = arith.subi %rev3A_721, %rev3A_722 : vector<16xi32>
            %rev3A_724 = tpu.dynamic_gather %masked_sort3A_714[%rev3A_723] in [0] : vector<16xi32>, vector<16xi32> -> vector<16xi32>
            %le3A_725 = arith.cmpf ole, %while3A_589, %rev3A_719 : vector<16xf32>
            %select_n3A_726 = arith.select %le3A_725, %while3A_589, %rev3A_719 : vector<16xi1>, vector<16xf32>
            %select_n3A_727 = arith.select %le3A_725, %while3A_593, %rev3A_724 : vector<16xi1>, vector<16xi32>
            %select_n3A_728 = arith.select %le3A_725, %rev3A_719, %while3A_589 : vector<16xi1>, vector<16xf32>
            %select_n3A_729 = arith.select %le3A_725, %rev3A_724, %while3A_593 : vector<16xi1>, vector<16xi32>
            %masked_sort3A_730 = arith.constant dense<true> : vector<16xi1>
            %masked_sort3A_731, %masked_sort3A_732, %masked_sort3A_733 = tpu.sort %select_n3A_726, %select_n3A_727 masked %masked_sort3A_730 : (vector<16xf32>, vector<16xi32>, vector<16xi1>) -> (vector<16xi1>, vector<16xf32>, vector<16xi32>)
            %masked_sort3A_734 = arith.constant dense<true> : vector<16xi1>
            %masked_sort3A_735, %masked_sort3A_736, %masked_sort3A_737 = tpu.sort %select_n3A_728, %select_n3A_729 masked %masked_sort3A_734 : (vector<16xf32>, vector<16xi32>, vector<16xi1>) -> (vector<16xi1>, vector<16xf32>, vector<16xi32>)
            scf.yield %masked_sort3A_663, %masked_sort3A_686, %masked_sort3A_709, %masked_sort3A_732, %masked_sort3A_664, %masked_sort3A_687, %masked_sort3A_710, %masked_sort3A_733 : vector<16xf32>, vector<16xf32>, vector<16xf32>, vector<16xf32>, vector<16xi32>, vector<16xi32>, vector<16xi32>, vector<16xi32>
          } else {
            scf.yield %while3A_586, %while3A_587, %while3A_588, %while3A_589, %while3A_590, %while3A_591, %while3A_592, %while3A_593 : vector<16xf32>, vector<16xf32>, vector<16xf32>, vector<16xf32>, vector<16xi32>, vector<16xi32>, vector<16xi32>, vector<16xi32>
          }
          scf.yield %cond3A_643#0, %cond3A_643#1, %cond3A_643#2, %cond3A_643#3, %cond3A_643#4, %cond3A_643#5, %cond3A_643#6, %cond3A_643#7 : vector<16xf32>, vector<16xf32>, vector<16xf32>, vector<16xf32>, vector<16xi32>, vector<16xi32>, vector<16xi32>, vector<16xi32>
        }
        %while3A_574 = arith.constant 1 : i32
        %while3A_575:8 = scf.for %while3A_585 = %while3A_571 to %while3A_567 step %while3A_574 iter_args(%while3A_586 = %while3A_573#0, %while3A_587 = %while3A_573#1, %while3A_588 = %while3A_573#2, %while3A_589 = %while3A_573#3, %while3A_590 = %while3A_573#4, %while3A_591 = %while3A_573#5, %while3A_592 = %while3A_573#6, %while3A_593 = %while3A_573#7) -> (vector<16xf32>, vector<16xf32>, vector<16xf32>, vector<16xf32>, vector<16xi32>, vector<16xi32>, vector<16xi32>, vector<16xi32>)  : i32 {
          %mul3A_594 = arith.constant 16 : i32
          %mul3A_595 = arith.muli %while3A_585, %mul3A_594 : i32
          %add3A_596 = arith.addi %mul3A_171, %mul3A_595 : i32
          %add3A_597 = vector.broadcast %add3A_596 : i32 to vector<16xi32>
          %add3A_598 = arith.addi %add3A_597, %iota3A : vector<16xi32>
          %ge3A = vector.broadcast %squeeze3A : i32 to vector<16xi32>
          %ge3A_599 = arith.cmpi sge, %add3A_598, %ge3A : vector<16xi32>
          %lt3A_600 = vector.broadcast %squeeze3A_117 : i32 to vector<16xi32>
          %lt3A_601 = arith.cmpi slt, %add3A_598, %lt3A_600 : vector<16xi32>
          %and3A_602 = arith.andi %ge3A_599, %lt3A_601 : vector<16xi1>
          %get3A_603 = arith.index_cast %add3A_596 : i32 to index
          %get3A_604 = tpu.vector_load %arg19[%get3A_603] {strides = array<i32>} : memref<10240xf32, #tpu.memory_space<vmem>>, vector<16xf32>,
          %get3A_605 = arith.index_cast %add3A_596 : i32 to index
          %get3A_606 = tpu.vector_load %arg20[%get3A_605] {strides = array<i32>} : memref<10240xf32, #tpu.memory_space<vmem>>, vector<16xf32>,
          %get3A_607 = arith.index_cast %add3A_596 : i32 to index
          %get3A_608 = tpu.vector_load %arg21[%get3A_607] {strides = array<i32>} : memref<10240xf32, #tpu.memory_space<vmem>>, vector<16xf32>,
          %get3A_609 = arith.index_cast %add3A_596 : i32 to index
          %get3A_610 = tpu.vector_load %arg22[%get3A_609] {strides = array<i32>} : memref<10240xf32, #tpu.memory_space<vmem>>, vector<16xf32>,
          %mul3A_611 = vector.broadcast %squeeze3A_137 : f32 to vector<16xf32>
          %mul3A_612 = arith.mulf %mul3A_611, %get3A_604 : vector<16xf32>
          %mul3A_613 = vector.broadcast %squeeze3A_141 : f32 to vector<16xf32>
          %mul3A_614 = arith.mulf %mul3A_613, %get3A_606 : vector<16xf32>
          %add3A_615 = arith.addf %mul3A_612, %mul3A_614 : vector<16xf32>
          %mul3A_616 = vector.broadcast %squeeze3A_145 : f32 to vector<16xf32>
          %mul3A_617 = arith.mulf %mul3A_616, %get3A_608 : vector<16xf32>
          %add3A_618 = arith.addf %add3A_615, %mul3A_617 : vector<16xf32>
          %add3A_619 = vector.broadcast %squeeze3A_133 : f32 to vector<16xf32>
          %add3A_620 = arith.addf %add3A_619, %get3A_610 : vector<16xf32>
          %mul3A_621 = arith.constant 2.000000e+00 : f32
          %mul3A_622 = vector.broadcast %mul3A_621 : f32 to vector<16xf32>
          %mul3A_623 = arith.mulf %mul3A_622, %add3A_618 : vector<16xf32>
          %sub3A_624 = arith.subf %add3A_620, %mul3A_623 : vector<16xf32>
          %le3A_625 = arith.constant 4.000000e-02 : f32
          %le3A_626 = vector.broadcast %le3A_625 : f32 to vector<16xf32>
          %le3A_627 = arith.cmpf ole, %sub3A_624, %le3A_626 : vector<16xf32>
          %and3A_628 = arith.andi %le3A_627, %and3A_602 : vector<16xi1>
          %jit3A_629 = arith.constant 0x7F800000 : f32
          %broadcast_in_dim3A_630 = vector.broadcast %jit3A_629 : f32 to vector<16xf32>
          %select_n3A_631 = arith.select %and3A_628, %sub3A_624, %broadcast_in_dim3A_630 : vector<16xi1>, vector<16xf32>
          %reduce_max3A = arith.constant true
          %reduce_max3A_632 = vector.broadcast %reduce_max3A : i1 to vector<16xi1>
          %reduce_max3A_633 = tpu.scan <max>, %while3A_589 masked %reduce_max3A_632 : vector<16xf32>, vector<16xi1> -> vector<16xf32>
          %reduce_max3A_634 = vector.extract %reduce_max3A_633[15] : f32 from vector<16xf32>
          %reduce_min3A = arith.constant true
          %reduce_min3A_635 = vector.broadcast %reduce_min3A : i1 to vector<16xi1>
          %reduce_min3A_636 = tpu.scan <min>, %select_n3A_631 masked %reduce_min3A_635 : vector<16xf32>, vector<16xi1> -> vector<16xf32>
          %reduce_min3A_637 = vector.extract %reduce_min3A_636[15] : f32 from vector<16xf32>
          %lt3A_638 = arith.cmpf olt, %reduce_min3A_637, %reduce_max3A_634 : f32
          %convert_element_type3A_639 = arith.extui %lt3A_638 : i1 to i32
          %cond3A_640 = arith.constant 0 : i32
          %cond3A_641 = arith.constant 0 : i32
          %cond3A_642 = arith.cmpi ne, %convert_element_type3A_639, %cond3A_641 : i32
          %cond3A_643:8 = scf.if %cond3A_642 -> (vector<16xf32>, vector<16xf32>, vector<16xf32>, vector<16xf32>, vector<16xi32>, vector<16xi32>, vector<16xi32>, vector<16xi32>) {
            %masked_sort3A = arith.constant dense<true> : vector<16xi1>
            %masked_sort3A_644, %masked_sort3A_645, %masked_sort3A_646 = tpu.sort %select_n3A_631, %add3A_598 masked %masked_sort3A : (vector<16xf32>, vector<16xi32>, vector<16xi1>) -> (vector<16xi1>, vector<16xf32>, vector<16xi32>)
            %rev3A = arith.constant 15 : i32
            %rev3A_647 = vector.broadcast %rev3A : i32 to vector<16xi32>
            %rev3A_648 = tpu.iota {dimensions = array<i32: 0>} : vector<16xi32>
            %rev3A_649 = arith.subi %rev3A_647, %rev3A_648 : vector<16xi32>
            %rev3A_650 = tpu.dynamic_gather %masked_sort3A_645[%rev3A_649] in [0] : vector<16xf32>, vector<16xi32> -> vector<16xf32>
            %rev3A_651 = arith.constant 15 : i32
            %rev3A_652 = vector.broadcast %rev3A_651 : i32 to vector<16xi32>
            %rev3A_653 = tpu.iota {dimensions = array<i32: 0>} : vector<16xi32>
            %rev3A_654 = arith.subi %rev3A_652, %rev3A_653 : vector<16xi32>
            %rev3A_655 = tpu.dynamic_gather %masked_sort3A_646[%rev3A_654] in [0] : vector<16xi32>, vector<16xi32> -> vector<16xi32>
            %le3A_656 = arith.cmpf ole, %while3A_586, %rev3A_650 : vector<16xf32>
            %select_n3A_657 = arith.select %le3A_656, %while3A_586, %rev3A_650 : vector<16xi1>, vector<16xf32>
            %select_n3A_658 = arith.select %le3A_656, %while3A_590, %rev3A_655 : vector<16xi1>, vector<16xi32>
            %select_n3A_659 = arith.select %le3A_656, %rev3A_650, %while3A_586 : vector<16xi1>, vector<16xf32>
            %select_n3A_660 = arith.select %le3A_656, %rev3A_655, %while3A_590 : vector<16xi1>, vector<16xi32>
            %masked_sort3A_661 = arith.constant dense<true> : vector<16xi1>
            %masked_sort3A_662, %masked_sort3A_663, %masked_sort3A_664 = tpu.sort %select_n3A_657, %select_n3A_658 masked %masked_sort3A_661 : (vector<16xf32>, vector<16xi32>, vector<16xi1>) -> (vector<16xi1>, vector<16xf32>, vector<16xi32>)
            %masked_sort3A_665 = arith.constant dense<true> : vector<16xi1>
            %masked_sort3A_666, %masked_sort3A_667, %masked_sort3A_668 = tpu.sort %select_n3A_659, %select_n3A_660 masked %masked_sort3A_665 : (vector<16xf32>, vector<16xi32>, vector<16xi1>) -> (vector<16xi1>, vector<16xf32>, vector<16xi32>)
            %rev3A_669 = arith.constant 15 : i32
            %rev3A_670 = vector.broadcast %rev3A_669 : i32 to vector<16xi32>
            %rev3A_671 = tpu.iota {dimensions = array<i32: 0>} : vector<16xi32>
            %rev3A_672 = arith.subi %rev3A_670, %rev3A_671 : vector<16xi32>
            %rev3A_673 = tpu.dynamic_gather %masked_sort3A_667[%rev3A_672] in [0] : vector<16xf32>, vector<16xi32> -> vector<16xf32>
            %rev3A_674 = arith.constant 15 : i32
            %rev3A_675 = vector.broadcast %rev3A_674 : i32 to vector<16xi32>
            %rev3A_676 = tpu.iota {dimensions = array<i32: 0>} : vector<16xi32>
            %rev3A_677 = arith.subi %rev3A_675, %rev3A_676 : vector<16xi32>
            %rev3A_678 = tpu.dynamic_gather %masked_sort3A_668[%rev3A_677] in [0] : vector<16xi32>, vector<16xi32> -> vector<16xi32>
            %le3A_679 = arith.cmpf ole, %while3A_587, %rev3A_673 : vector<16xf32>
            %select_n3A_680 = arith.select %le3A_679, %while3A_587, %rev3A_673 : vector<16xi1>, vector<16xf32>
            %select_n3A_681 = arith.select %le3A_679, %while3A_591, %rev3A_678 : vector<16xi1>, vector<16xi32>
            %select_n3A_682 = arith.select %le3A_679, %rev3A_673, %while3A_587 : vector<16xi1>, vector<16xf32>
            %select_n3A_683 = arith.select %le3A_679, %rev3A_678, %while3A_591 : vector<16xi1>, vector<16xi32>
            %masked_sort3A_684 = arith.constant dense<true> : vector<16xi1>
            %masked_sort3A_685, %masked_sort3A_686, %masked_sort3A_687 = tpu.sort %select_n3A_680, %select_n3A_681 masked %masked_sort3A_684 : (vector<16xf32>, vector<16xi32>, vector<16xi1>) -> (vector<16xi1>, vector<16xf32>, vector<16xi32>)
            %masked_sort3A_688 = arith.constant dense<true> : vector<16xi1>
            %masked_sort3A_689, %masked_sort3A_690, %masked_sort3A_691 = tpu.sort %select_n3A_682, %select_n3A_683 masked %masked_sort3A_688 : (vector<16xf32>, vector<16xi32>, vector<16xi1>) -> (vector<16xi1>, vector<16xf32>, vector<16xi32>)
            %rev3A_692 = arith.constant 15 : i32
            %rev3A_693 = vector.broadcast %rev3A_692 : i32 to vector<16xi32>
            %rev3A_694 = tpu.iota {dimensions = array<i32: 0>} : vector<16xi32>
            %rev3A_695 = arith.subi %rev3A_693, %rev3A_694 : vector<16xi32>
            %rev3A_696 = tpu.dynamic_gather %masked_sort3A_690[%rev3A_695] in [0] : vector<16xf32>, vector<16xi32> -> vector<16xf32>
            %rev3A_697 = arith.constant 15 : i32
            %rev3A_698 = vector.broadcast %rev3A_697 : i32 to vector<16xi32>
            %rev3A_699 = tpu.iota {dimensions = array<i32: 0>} : vector<16xi32>
            %rev3A_700 = arith.subi %rev3A_698, %rev3A_699 : vector<16xi32>
            %rev3A_701 = tpu.dynamic_gather %masked_sort3A_691[%rev3A_700] in [0] : vector<16xi32>, vector<16xi32> -> vector<16xi32>
            %le3A_702 = arith.cmpf ole, %while3A_588, %rev3A_696 : vector<16xf32>
            %select_n3A_703 = arith.select %le3A_702, %while3A_588, %rev3A_696 : vector<16xi1>, vector<16xf32>
            %select_n3A_704 = arith.select %le3A_702, %while3A_592, %rev3A_701 : vector<16xi1>, vector<16xi32>
            %select_n3A_705 = arith.select %le3A_702, %rev3A_696, %while3A_588 : vector<16xi1>, vector<16xf32>
            %select_n3A_706 = arith.select %le3A_702, %rev3A_701, %while3A_592 : vector<16xi1>, vector<16xi32>
            %masked_sort3A_707 = arith.constant dense<true> : vector<16xi1>
            %masked_sort3A_708, %masked_sort3A_709, %masked_sort3A_710 = tpu.sort %select_n3A_703, %select_n3A_704 masked %masked_sort3A_707 : (vector<16xf32>, vector<16xi32>, vector<16xi1>) -> (vector<16xi1>, vector<16xf32>, vector<16xi32>)
            %masked_sort3A_711 = arith.constant dense<true> : vector<16xi1>
            %masked_sort3A_712, %masked_sort3A_713, %masked_sort3A_714 = tpu.sort %select_n3A_705, %select_n3A_706 masked %masked_sort3A_711 : (vector<16xf32>, vector<16xi32>, vector<16xi1>) -> (vector<16xi1>, vector<16xf32>, vector<16xi32>)
            %rev3A_715 = arith.constant 15 : i32
            %rev3A_716 = vector.broadcast %rev3A_715 : i32 to vector<16xi32>
            %rev3A_717 = tpu.iota {dimensions = array<i32: 0>} : vector<16xi32>
            %rev3A_718 = arith.subi %rev3A_716, %rev3A_717 : vector<16xi32>
            %rev3A_719 = tpu.dynamic_gather %masked_sort3A_713[%rev3A_718] in [0] : vector<16xf32>, vector<16xi32> -> vector<16xf32>
            %rev3A_720 = arith.constant 15 : i32
            %rev3A_721 = vector.broadcast %rev3A_720 : i32 to vector<16xi32>
            %rev3A_722 = tpu.iota {dimensions = array<i32: 0>} : vector<16xi32>
            %rev3A_723 = arith.subi %rev3A_721, %rev3A_722 : vector<16xi32>
            %rev3A_724 = tpu.dynamic_gather %masked_sort3A_714[%rev3A_723] in [0] : vector<16xi32>, vector<16xi32> -> vector<16xi32>
            %le3A_725 = arith.cmpf ole, %while3A_589, %rev3A_719 : vector<16xf32>
            %select_n3A_726 = arith.select %le3A_725, %while3A_589, %rev3A_719 : vector<16xi1>, vector<16xf32>
            %select_n3A_727 = arith.select %le3A_725, %while3A_593, %rev3A_724 : vector<16xi1>, vector<16xi32>
            %select_n3A_728 = arith.select %le3A_725, %rev3A_719, %while3A_589 : vector<16xi1>, vector<16xf32>
            %select_n3A_729 = arith.select %le3A_725, %rev3A_724, %while3A_593 : vector<16xi1>, vector<16xi32>
            %masked_sort3A_730 = arith.constant dense<true> : vector<16xi1>
            %masked_sort3A_731, %masked_sort3A_732, %masked_sort3A_733 = tpu.sort %select_n3A_726, %select_n3A_727 masked %masked_sort3A_730 : (vector<16xf32>, vector<16xi32>, vector<16xi1>) -> (vector<16xi1>, vector<16xf32>, vector<16xi32>)
            %masked_sort3A_734 = arith.constant dense<true> : vector<16xi1>
            %masked_sort3A_735, %masked_sort3A_736, %masked_sort3A_737 = tpu.sort %select_n3A_728, %select_n3A_729 masked %masked_sort3A_734 : (vector<16xf32>, vector<16xi32>, vector<16xi1>) -> (vector<16xi1>, vector<16xf32>, vector<16xi32>)
            scf.yield %masked_sort3A_663, %masked_sort3A_686, %masked_sort3A_709, %masked_sort3A_732, %masked_sort3A_664, %masked_sort3A_687, %masked_sort3A_710, %masked_sort3A_733 : vector<16xf32>, vector<16xf32>, vector<16xf32>, vector<16xf32>, vector<16xi32>, vector<16xi32>, vector<16xi32>, vector<16xi32>
          } else {
            scf.yield %while3A_586, %while3A_587, %while3A_588, %while3A_589, %while3A_590, %while3A_591, %while3A_592, %while3A_593 : vector<16xf32>, vector<16xf32>, vector<16xf32>, vector<16xf32>, vector<16xi32>, vector<16xi32>, vector<16xi32>, vector<16xi32>
          }
          scf.yield %cond3A_643#0, %cond3A_643#1, %cond3A_643#2, %cond3A_643#3, %cond3A_643#4, %cond3A_643#5, %cond3A_643#6, %cond3A_643#7 : vector<16xf32>, vector<16xf32>, vector<16xf32>, vector<16xf32>, vector<16xi32>, vector<16xi32>, vector<16xi32>, vector<16xi32>
        }
        %swap3A_576 = arith.constant 0 : index
        %swap3A_577 = tpu.vector_load %arg26[%swap3A_576] {strides = array<i32>} : memref<64xi32, #tpu.memory_space<vmem>>, vector<16xi32>,
        tpu.vector_store %arg26[%swap3A_576], %while3A_575#4 {strides = array<i32>} : memref<64xi32, #tpu.memory_space<vmem>>, vector<16xi32>,
        %swap3A_578 = arith.constant 16 : index
        %swap3A_579 = tpu.vector_load %arg26[%swap3A_578] {strides = array<i32>} : memref<64xi32, #tpu.memory_space<vmem>>, vector<16xi32>,
        tpu.vector_store %arg26[%swap3A_578], %while3A_575#5 {strides = array<i32>} : memref<64xi32, #tpu.memory_space<vmem>>, vector<16xi32>,
        %swap3A_580 = arith.constant 32 : index
        %swap3A_581 = tpu.vector_load %arg26[%swap3A_580] {strides = array<i32>} : memref<64xi32, #tpu.memory_space<vmem>>, vector<16xi32>,
        tpu.vector_store %arg26[%swap3A_580], %while3A_575#6 {strides = array<i32>} : memref<64xi32, #tpu.memory_space<vmem>>, vector<16xi32>,
        %swap3A_582 = arith.constant 48 : index
        %swap3A_583 = tpu.vector_load %arg26[%swap3A_582] {strides = array<i32>} : memref<64xi32, #tpu.memory_space<vmem>>, vector<16xi32>,
        tpu.vector_store %arg26[%swap3A_582], %while3A_575#7 {strides = array<i32>} : memref<64xi32, #tpu.memory_space<vmem>>, vector<16xi32>,
        %cond3A_584 = arith.constant 0 : i32
        scf.yield %cond3A_584 : i32
      }
      %jit3A_215 = arith.constant 32 : i32
      %eq3A = arith.constant 0 : i32
      %eq3A_216 = arith.cmpi eq, %jit3A_215, %eq3A : i32
      %jit3A_217 = arith.constant 1 : i32
      %select_n3A_218 = arith.select %eq3A_216, %jit3A_217, %jit3A_215 : i32
      %rem3A_219 = arith.remsi %mul3A_109, %select_n3A_218 : i32
      %ne3A_220 = arith.constant 0 : i32
      %ne3A_221 = arith.cmpi ne, %rem3A_219, %ne3A_220 : i32
      %lt3A = arith.constant 0 : i32
      %lt3A_222 = arith.cmpi slt, %rem3A_219, %lt3A : i32
      %lt3A_223 = arith.constant 0 : i32
      %lt3A_224 = arith.cmpi slt, %select_n3A_218, %lt3A_223 : i32
      %ne3A_225 = arith.xori %lt3A_222, %lt3A_224 : i1
      %and3A_226 = arith.andi %ne3A_225, %ne3A_221 : i1
      %add3A_227 = arith.addi %rem3A_219, %select_n3A_218 : i32
      %select_n3A_228 = arith.select %and3A_226, %add3A_227, %rem3A_219 : i32
      %mul3A_229 = arith.constant 64 : i32
      %mul3A_230 = arith.muli %select_n3A_228, %mul3A_229 : i32
      %get3A_231 = arith.constant 0 : index
      %get3A_232 = tpu.vector_load %arg26[%get3A_231] {strides = array<i32>} : memref<64xi32, #tpu.memory_space<vmem>>, vector<16xi32>,
      %add3A_233 = arith.constant 0 : i32
      %add3A_234 = arith.addi %mul3A_230, %add3A_233 : i32
      %gather3A = tpu.vector_load_idx %arg16[%get3A_232] : memref<10240xf32, #tpu.memory_space<vmem>>[vector<16xi32>], vector<16xf32>,
      %sub3A_235 = vector.broadcast %squeeze3A_121 : f32 to vector<16xf32>
      %sub3A_236 = arith.subf %gather3A, %sub3A_235 : vector<16xf32>
      %swap3A = arith.index_cast %add3A_234 : i32 to index
      %swap3A_237 = tpu.vector_load %arg30[%swap3A] {strides = array<i32>} : memref<2048xf32, #tpu.memory_space<vmem>>, vector<16xf32>,
      tpu.vector_store %arg30[%swap3A], %sub3A_236 {strides = array<i32>} : memref<2048xf32, #tpu.memory_space<vmem>>, vector<16xf32>,
      %gather3A_238 = tpu.vector_load_idx %arg17[%get3A_232] : memref<10240xf32, #tpu.memory_space<vmem>>[vector<16xi32>], vector<16xf32>,
      %sub3A_239 = vector.broadcast %squeeze3A_125 : f32 to vector<16xf32>
      %sub3A_240 = arith.subf %gather3A_238, %sub3A_239 : vector<16xf32>
      %swap3A_241 = arith.index_cast %add3A_234 : i32 to index
      %swap3A_242 = tpu.vector_load %arg31[%swap3A_241] {strides = array<i32>} : memref<2048xf32, #tpu.memory_space<vmem>>, vector<16xf32>,
      tpu.vector_store %arg31[%swap3A_241], %sub3A_240 {strides = array<i32>} : memref<2048xf32, #tpu.memory_space<vmem>>, vector<16xf32>,
      %gather3A_243 = tpu.vector_load_idx %arg18[%get3A_232] : memref<10240xf32, #tpu.memory_space<vmem>>[vector<16xi32>], vector<16xf32>,
      %sub3A_244 = vector.broadcast %squeeze3A_129 : f32 to vector<16xf32>
      %sub3A_245 = arith.subf %gather3A_243, %sub3A_244 : vector<16xf32>
      %swap3A_246 = arith.index_cast %add3A_234 : i32 to index
      %swap3A_247 = tpu.vector_load %arg32[%swap3A_246] {strides = array<i32>} : memref<2048xf32, #tpu.memory_space<vmem>>, vector<16xf32>,
      tpu.vector_store %arg32[%swap3A_246], %sub3A_245 {strides = array<i32>} : memref<2048xf32, #tpu.memory_space<vmem>>, vector<16xf32>,
      %get3A_248 = arith.constant 16 : index
      %get3A_249 = tpu.vector_load %arg26[%get3A_248] {strides = array<i32>} : memref<64xi32, #tpu.memory_space<vmem>>, vector<16xi32>,
      %add3A_250 = arith.constant 16 : i32
      %add3A_251 = arith.addi %mul3A_230, %add3A_250 : i32
      %gather3A_252 = tpu.vector_load_idx %arg16[%get3A_249] : memref<10240xf32, #tpu.memory_space<vmem>>[vector<16xi32>], vector<16xf32>,
      %sub3A_253 = vector.broadcast %squeeze3A_121 : f32 to vector<16xf32>
      %sub3A_254 = arith.subf %gather3A_252, %sub3A_253 : vector<16xf32>
      %swap3A_255 = arith.index_cast %add3A_251 : i32 to index
      %swap3A_256 = tpu.vector_load %arg30[%swap3A_255] {strides = array<i32>} : memref<2048xf32, #tpu.memory_space<vmem>>, vector<16xf32>,
      tpu.vector_store %arg30[%swap3A_255], %sub3A_254 {strides = array<i32>} : memref<2048xf32, #tpu.memory_space<vmem>>, vector<16xf32>,
      %gather3A_257 = tpu.vector_load_idx %arg17[%get3A_249] : memref<10240xf32, #tpu.memory_space<vmem>>[vector<16xi32>], vector<16xf32>,
      %sub3A_258 = vector.broadcast %squeeze3A_125 : f32 to vector<16xf32>
      %sub3A_259 = arith.subf %gather3A_257, %sub3A_258 : vector<16xf32>
      %swap3A_260 = arith.index_cast %add3A_251 : i32 to index
      %swap3A_261 = tpu.vector_load %arg31[%swap3A_260] {strides = array<i32>} : memref<2048xf32, #tpu.memory_space<vmem>>, vector<16xf32>,
      tpu.vector_store %arg31[%swap3A_260], %sub3A_259 {strides = array<i32>} : memref<2048xf32, #tpu.memory_space<vmem>>, vector<16xf32>,
      %gather3A_262 = tpu.vector_load_idx %arg18[%get3A_249] : memref<10240xf32, #tpu.memory_space<vmem>>[vector<16xi32>], vector<16xf32>,
      %sub3A_263 = vector.broadcast %squeeze3A_129 : f32 to vector<16xf32>
      %sub3A_264 = arith.subf %gather3A_262, %sub3A_263 : vector<16xf32>
      %swap3A_265 = arith.index_cast %add3A_251 : i32 to index
      %swap3A_266 = tpu.vector_load %arg32[%swap3A_265] {strides = array<i32>} : memref<2048xf32, #tpu.memory_space<vmem>>, vector<16xf32>,
      tpu.vector_store %arg32[%swap3A_265], %sub3A_264 {strides = array<i32>} : memref<2048xf32, #tpu.memory_space<vmem>>, vector<16xf32>,
      %get3A_267 = arith.constant 32 : index
      %get3A_268 = tpu.vector_load %arg26[%get3A_267] {strides = array<i32>} : memref<64xi32, #tpu.memory_space<vmem>>, vector<16xi32>,
      %add3A_269 = arith.constant 32 : i32
      %add3A_270 = arith.addi %mul3A_230, %add3A_269 : i32
      %gather3A_271 = tpu.vector_load_idx %arg16[%get3A_268] : memref<10240xf32, #tpu.memory_space<vmem>>[vector<16xi32>], vector<16xf32>,
      %sub3A_272 = vector.broadcast %squeeze3A_121 : f32 to vector<16xf32>
      %sub3A_273 = arith.subf %gather3A_271, %sub3A_272 : vector<16xf32>
      %swap3A_274 = arith.index_cast %add3A_270 : i32 to index
      %swap3A_275 = tpu.vector_load %arg30[%swap3A_274] {strides = array<i32>} : memref<2048xf32, #tpu.memory_space<vmem>>, vector<16xf32>,
      tpu.vector_store %arg30[%swap3A_274], %sub3A_273 {strides = array<i32>} : memref<2048xf32, #tpu.memory_space<vmem>>, vector<16xf32>,
      %gather3A_276 = tpu.vector_load_idx %arg17[%get3A_268] : memref<10240xf32, #tpu.memory_space<vmem>>[vector<16xi32>], vector<16xf32>,
      %sub3A_277 = vector.broadcast %squeeze3A_125 : f32 to vector<16xf32>
      %sub3A_278 = arith.subf %gather3A_276, %sub3A_277 : vector<16xf32>
      %swap3A_279 = arith.index_cast %add3A_270 : i32 to index
      %swap3A_280 = tpu.vector_load %arg31[%swap3A_279] {strides = array<i32>} : memref<2048xf32, #tpu.memory_space<vmem>>, vector<16xf32>,
      tpu.vector_store %arg31[%swap3A_279], %sub3A_278 {strides = array<i32>} : memref<2048xf32, #tpu.memory_space<vmem>>, vector<16xf32>,
      %gather3A_281 = tpu.vector_load_idx %arg18[%get3A_268] : memref<10240xf32, #tpu.memory_space<vmem>>[vector<16xi32>], vector<16xf32>,
      %sub3A_282 = vector.broadcast %squeeze3A_129 : f32 to vector<16xf32>
      %sub3A_283 = arith.subf %gather3A_281, %sub3A_282 : vector<16xf32>
      %swap3A_284 = arith.index_cast %add3A_270 : i32 to index
      %swap3A_285 = tpu.vector_load %arg32[%swap3A_284] {strides = array<i32>} : memref<2048xf32, #tpu.memory_space<vmem>>, vector<16xf32>,
      tpu.vector_store %arg32[%swap3A_284], %sub3A_283 {strides = array<i32>} : memref<2048xf32, #tpu.memory_space<vmem>>, vector<16xf32>,
      %get3A_286 = arith.constant 48 : index
      %get3A_287 = tpu.vector_load %arg26[%get3A_286] {strides = array<i32>} : memref<64xi32, #tpu.memory_space<vmem>>, vector<16xi32>,
      %add3A_288 = arith.constant 48 : i32
      %add3A_289 = arith.addi %mul3A_230, %add3A_288 : i32
      %gather3A_290 = tpu.vector_load_idx %arg16[%get3A_287] : memref<10240xf32, #tpu.memory_space<vmem>>[vector<16xi32>], vector<16xf32>,
      %sub3A_291 = vector.broadcast %squeeze3A_121 : f32 to vector<16xf32>
      %sub3A_292 = arith.subf %gather3A_290, %sub3A_291 : vector<16xf32>
      %swap3A_293 = arith.index_cast %add3A_289 : i32 to index
      %swap3A_294 = tpu.vector_load %arg30[%swap3A_293] {strides = array<i32>} : memref<2048xf32, #tpu.memory_space<vmem>>, vector<16xf32>,
      tpu.vector_store %arg30[%swap3A_293], %sub3A_292 {strides = array<i32>} : memref<2048xf32, #tpu.memory_space<vmem>>, vector<16xf32>,
      %gather3A_295 = tpu.vector_load_idx %arg17[%get3A_287] : memref<10240xf32, #tpu.memory_space<vmem>>[vector<16xi32>], vector<16xf32>,
      %sub3A_296 = vector.broadcast %squeeze3A_125 : f32 to vector<16xf32>
      %sub3A_297 = arith.subf %gather3A_295, %sub3A_296 : vector<16xf32>
      %swap3A_298 = arith.index_cast %add3A_289 : i32 to index
      %swap3A_299 = tpu.vector_load %arg31[%swap3A_298] {strides = array<i32>} : memref<2048xf32, #tpu.memory_space<vmem>>, vector<16xf32>,
      tpu.vector_store %arg31[%swap3A_298], %sub3A_297 {strides = array<i32>} : memref<2048xf32, #tpu.memory_space<vmem>>, vector<16xf32>,
      %gather3A_300 = tpu.vector_load_idx %arg18[%get3A_287] : memref<10240xf32, #tpu.memory_space<vmem>>[vector<16xi32>], vector<16xf32>,
      %sub3A_301 = vector.broadcast %squeeze3A_129 : f32 to vector<16xf32>
      %sub3A_302 = arith.subf %gather3A_300, %sub3A_301 : vector<16xf32>
      %swap3A_303 = arith.index_cast %add3A_289 : i32 to index
      %swap3A_304 = tpu.vector_load %arg32[%swap3A_303] {strides = array<i32>} : memref<2048xf32, #tpu.memory_space<vmem>>, vector<16xf32>,
      tpu.vector_store %arg32[%swap3A_303], %sub3A_302 {strides = array<i32>} : memref<2048xf32, #tpu.memory_space<vmem>>, vector<16xf32>,
      %gt3A = arith.constant 0 : i32
      %gt3A_305 = arith.cmpi sgt, %while3A_106, %gt3A : i32
      %convert_element_type3A_306 = arith.extui %gt3A_305 : i1 to i32
      %cond3A_307 = arith.constant 0 : i32
      %cond3A_308 = arith.cmpi ne, %convert_element_type3A_306, %cond3A_307 : i32
      scf.if %cond3A_308 {
        %dma_wait3A_563 = arith.constant 0 : i32
        %dma_wait3A_564 = arith.constant 0 : i32
        %dma_wait3A_565 = arith.constant 0 : i32
        %dma_wait3A_566 = tpu.memref_slice %arg12[%dma_wait3A_563, %dma_wait3A_564, %dma_wait3A_565] : memref<10000x64x128xf32, #tpu.memory_space<hbm>> -> memref<1x64x128xf32, #tpu.memory_space<hbm>>
        %dma_wait3A_567 = tpu.memref_squeeze %dma_wait3A_566 : memref<1x64x128xf32, #tpu.memory_space<hbm>> -> memref<64x128xf32, #tpu.memory_space<hbm>>
        %dma_wait3A_568 = arith.constant 0 : i32
        %dma_wait3A_569 = arith.constant 0 : i32
        %dma_wait3A_570 = tpu.memref_slice %arg12[%dma_wait3A_563, %dma_wait3A_568, %dma_wait3A_569] : memref<10000x64x128xf32, #tpu.memory_space<hbm>> -> memref<1x64x128xf32, #tpu.memory_space<hbm>>
        %dma_wait3A_571 = tpu.memref_squeeze %dma_wait3A_570 : memref<1x64x128xf32, #tpu.memory_space<hbm>> -> memref<64x128xf32, #tpu.memory_space<hbm>>
        tpu.wait_dma2 semaphore(%arg35 : memref<!tpu.dma_semaphore, #tpu.memory_space<semaphore_mem>>) src(%arg28 : memref<64x128xf32, #tpu.memory_space<vmem>>) dst(%dma_wait3A_571 : memref<64x128xf32, #tpu.memory_space<hbm>>)
        %dma_wait3A_572 = arith.constant 0 : i32
        %dma_wait3A_573 = arith.constant 0 : i32
        %dma_wait3A_574 = arith.constant 0 : i32
        %dma_wait3A_575 = tpu.memref_slice %arg12[%dma_wait3A_572, %dma_wait3A_573, %dma_wait3A_574] : memref<10000x64x128xf32, #tpu.memory_space<hbm>> -> memref<1x64x128xf32, #tpu.memory_space<hbm>>
        %dma_wait3A_576 = tpu.memref_squeeze %dma_wait3A_575 : memref<1x64x128xf32, #tpu.memory_space<hbm>> -> memref<64x128xf32, #tpu.memory_space<hbm>>
        %dma_wait3A_577 = arith.constant 0 : i32
        %dma_wait3A_578 = arith.constant 0 : i32
        %dma_wait3A_579 = tpu.memref_slice %arg12[%dma_wait3A_572, %dma_wait3A_577, %dma_wait3A_578] : memref<10000x64x128xf32, #tpu.memory_space<hbm>> -> memref<1x64x128xf32, #tpu.memory_space<hbm>>
        %dma_wait3A_580 = tpu.memref_squeeze %dma_wait3A_579 : memref<1x64x128xf32, #tpu.memory_space<hbm>> -> memref<64x128xf32, #tpu.memory_space<hbm>>
        tpu.wait_dma2 semaphore(%arg35 : memref<!tpu.dma_semaphore, #tpu.memory_space<semaphore_mem>>) src(%arg29 : memref<64x128xf32, #tpu.memory_space<vmem>>) dst(%dma_wait3A_580 : memref<64x128xf32, #tpu.memory_space<hbm>>)
      } else {
      }
      %dma_start3A = arith.constant 0 : i32
      %dma_start3A_309 = arith.constant 0 : i32
      %dma_start3A_310 = tpu.memref_slice %arg11[%dma_start3A, %dma_start3A_309] : memref<10000x128xf32, #tpu.memory_space<hbm>> -> memref<10000x128xf32, #tpu.memory_space<hbm>>
      tpu.enqueue_indirect_dma source(%dma_start3A_310 : memref<10000x128xf32, #tpu.memory_space<hbm>>) target(%arg28 : memref<64x128xf32, #tpu.memory_space<vmem>>) offsets(%arg26 : memref<64xi32, #tpu.memory_space<vmem>>) semaphore(%arg33 : memref<!tpu.dma_semaphore, #tpu.memory_space<semaphore_mem>>)
      %add3A_311 = arith.addi %mul3A_2, %add3A_111 : i32
      %get3A_312 = arith.index_cast %add3A_111 : i32 to index
      %get3A_313 = tpu.vector_load %arg23[%get3A_312] {strides = array<i32>} : memref<336xi32, #tpu.memory_space<vmem>>, vector<16xi32>,
      %slice3A_314 = vector.extract_strided_slice %get3A_313 {offsets = [0], sizes = [1], strides = [1]} : vector<16xi32> to vector<1xi32>
      %squeeze3A_315 = vector.extract %slice3A_314[0] : i32 from vector<1xi32>
      %get3A_316 = arith.index_cast %add3A_111 : i32 to index
      %get3A_317 = tpu.vector_load %arg24[%get3A_316] {strides = array<i32>} : memref<336xi32, #tpu.memory_space<vmem>>, vector<16xi32>,
      %slice3A_318 = vector.extract_strided_slice %get3A_317 {offsets = [0], sizes = [1], strides = [1]} : vector<16xi32> to vector<1xi32>
      %squeeze3A_319 = vector.extract %slice3A_318[0] : i32 from vector<1xi32>
      %get3A_320 = arith.index_cast %add3A_311 : i32 to index
      %get3A_321 = tpu.vector_load %arg16[%get3A_320] {strides = array<i32>} : memref<10240xf32, #tpu.memory_space<vmem>>, vector<16xf32>,
      %slice3A_322 = vector.extract_strided_slice %get3A_321 {offsets = [0], sizes = [1], strides = [1]} : vector<16xf32> to vector<1xf32>
      %squeeze3A_323 = vector.extract %slice3A_322[0] : f32 from vector<1xf32>
      %get3A_324 = arith.index_cast %add3A_311 : i32 to index
      %get3A_325 = tpu.vector_load %arg17[%get3A_324] {strides = array<i32>} : memref<10240xf32, #tpu.memory_space<vmem>>, vector<16xf32>,
      %slice3A_326 = vector.extract_strided_slice %get3A_325 {offsets = [0], sizes = [1], strides = [1]} : vector<16xf32> to vector<1xf32>
      %squeeze3A_327 = vector.extract %slice3A_326[0] : f32 from vector<1xf32>
      %get3A_328 = arith.index_cast %add3A_311 : i32 to index
      %get3A_329 = tpu.vector_load %arg18[%get3A_328] {strides = array<i32>} : memref<10240xf32, #tpu.memory_space<vmem>>, vector<16xf32>,
      %slice3A_330 = vector.extract_strided_slice %get3A_329 {offsets = [0], sizes = [1], strides = [1]} : vector<16xf32> to vector<1xf32>
      %squeeze3A_331 = vector.extract %slice3A_330[0] : f32 from vector<1xf32>
      %get3A_332 = arith.index_cast %add3A_311 : i32 to index
      %get3A_333 = tpu.vector_load %arg22[%get3A_332] {strides = array<i32>} : memref<10240xf32, #tpu.memory_space<vmem>>, vector<16xf32>,
      %slice3A_334 = vector.extract_strided_slice %get3A_333 {offsets = [0], sizes = [1], strides = [1]} : vector<16xf32> to vector<1xf32>
      %squeeze3A_335 = vector.extract %slice3A_334[0] : f32 from vector<1xf32>
      %get3A_336 = arith.index_cast %add3A_311 : i32 to index
      %get3A_337 = tpu.vector_load %arg19[%get3A_336] {strides = array<i32>} : memref<10240xf32, #tpu.memory_space<vmem>>, vector<16xf32>,
      %slice3A_338 = vector.extract_strided_slice %get3A_337 {offsets = [0], sizes = [1], strides = [1]} : vector<16xf32> to vector<1xf32>
      %squeeze3A_339 = vector.extract %slice3A_338[0] : f32 from vector<1xf32>
      %get3A_340 = arith.index_cast %add3A_311 : i32 to index
      %get3A_341 = tpu.vector_load %arg20[%get3A_340] {strides = array<i32>} : memref<10240xf32, #tpu.memory_space<vmem>>, vector<16xf32>,
      %slice3A_342 = vector.extract_strided_slice %get3A_341 {offsets = [0], sizes = [1], strides = [1]} : vector<16xf32> to vector<1xf32>
      %squeeze3A_343 = vector.extract %slice3A_342[0] : f32 from vector<1xf32>
      %get3A_344 = arith.index_cast %add3A_311 : i32 to index
      %get3A_345 = tpu.vector_load %arg21[%get3A_344] {strides = array<i32>} : memref<10240xf32, #tpu.memory_space<vmem>>, vector<16xf32>,
      %slice3A_346 = vector.extract_strided_slice %get3A_345 {offsets = [0], sizes = [1], strides = [1]} : vector<16xf32> to vector<1xf32>
      %squeeze3A_347 = vector.extract %slice3A_346[0] : f32 from vector<1xf32>
      %jit3A_348 = arith.constant 16 : i32
      %div3A_349 = arith.divsi %squeeze3A_315, %jit3A_348 : i32
      %sign3A_350 = arith.constant 0 : i32
      %sign3A_351 = arith.cmpi sgt, %squeeze3A_315, %sign3A_350 : i32
      %sign3A_352 = arith.extui %sign3A_351 : i1 to i32
      %sign3A_353 = arith.constant 0 : i32
      %sign3A_354 = arith.cmpi slt, %squeeze3A_315, %sign3A_353 : i32
      %sign3A_355 = arith.extui %sign3A_354 : i1 to i32
      %sign3A_356 = arith.subi %sign3A_352, %sign3A_355 : i32
      %sign3A_357 = arith.constant 0 : i32
      %sign3A_358 = arith.cmpi sgt, %jit3A_348, %sign3A_357 : i32
      %sign3A_359 = arith.extui %sign3A_358 : i1 to i32
      %sign3A_360 = arith.constant 0 : i32
      %sign3A_361 = arith.cmpi slt, %jit3A_348, %sign3A_360 : i32
      %sign3A_362 = arith.extui %sign3A_361 : i1 to i32
      %sign3A_363 = arith.subi %sign3A_359, %sign3A_362 : i32
      %ne3A_364 = arith.cmpi ne, %sign3A_356, %sign3A_363 : i32
      %rem3A_365 = arith.remsi %squeeze3A_315, %jit3A_348 : i32
      %ne3A_366 = arith.constant 0 : i32
      %ne3A_367 = arith.cmpi ne, %rem3A_365, %ne3A_366 : i32
      %and3A_368 = arith.andi %ne3A_364, %ne3A_367 : i1
      %sub3A_369 = arith.constant 1 : i32
      %sub3A_370 = arith.subi %div3A_349, %sub3A_369 : i32
      %select_n3A_371 = arith.select %and3A_368, %sub3A_370, %div3A_349 : i32
      %mul3A_372 = arith.constant 16 : i32
      %mul3A_373 = arith.muli %select_n3A_371, %mul3A_372 : i32
      %sub3A_374 = arith.subi %squeeze3A_319, %mul3A_373 : i32
      %add3A_375 = arith.constant 15 : i32
      %add3A_376 = arith.addi %sub3A_374, %add3A_375 : i32
      %jit3A_377 = arith.constant 16 : i32
      %div3A_378 = arith.divsi %add3A_376, %jit3A_377 : i32
      %sign3A_379 = arith.constant 0 : i32
      %sign3A_380 = arith.cmpi sgt, %add3A_376, %sign3A_379 : i32
      %sign3A_381 = arith.extui %sign3A_380 : i1 to i32
      %sign3A_382 = arith.constant 0 : i32
      %sign3A_383 = arith.cmpi slt, %add3A_376, %sign3A_382 : i32
      %sign3A_384 = arith.extui %sign3A_383 : i1 to i32
      %sign3A_385 = arith.subi %sign3A_381, %sign3A_384 : i32
      %sign3A_386 = arith.constant 0 : i32
      %sign3A_387 = arith.cmpi sgt, %jit3A_377, %sign3A_386 : i32
      %sign3A_388 = arith.extui %sign3A_387 : i1 to i32
      %sign3A_389 = arith.constant 0 : i32
      %sign3A_390 = arith.cmpi slt, %jit3A_377, %sign3A_389 : i32
      %sign3A_391 = arith.extui %sign3A_390 : i1 to i32
      %sign3A_392 = arith.subi %sign3A_388, %sign3A_391 : i32
      %ne3A_393 = arith.cmpi ne, %sign3A_385, %sign3A_392 : i32
      %rem3A_394 = arith.remsi %add3A_376, %jit3A_377 : i32
      %ne3A_395 = arith.constant 0 : i32
      %ne3A_396 = arith.cmpi ne, %rem3A_394, %ne3A_395 : i32
      %and3A_397 = arith.andi %ne3A_393, %ne3A_396 : i1
      %sub3A_398 = arith.constant 1 : i32
      %sub3A_399 = arith.subi %div3A_378, %sub3A_398 : i32
      %select_n3A_400 = arith.select %and3A_397, %sub3A_399, %div3A_378 : i32
      %while3A_401 = arith.constant 0 : i32
      %while3A_402 = arith.constant 0 : i32
      %while3A_403 = arith.subi %select_n3A_400, %while3A_401 : i32
      %while3A_404 = arith.addi %while3A_401, %while3A_403 : i32
      %while3A_405 = arith.constant 1 : i32
      %while3A_406 = arith.divsi %while3A_403, %while3A_405 : i32
      %while3A_407 = arith.muli %while3A_406, %while3A_405 : i32
      %while3A_408 = arith.addi %while3A_401, %while3A_407 : i32
      %while3A_409 = arith.constant 1 : i32
      %while3A_410 = scf.for %while3A_563 = %while3A_401 to %while3A_408 step %while3A_409 iter_args(%while3A_564 = %while3A_402) -> (i32)  : i32 {
        %mul3A_565 = arith.constant 16 : i32
        %mul3A_566 = arith.muli %while3A_563, %mul3A_565 : i32
        %add3A_567 = arith.addi %mul3A_373, %mul3A_566 : i32
        %add3A_568 = vector.broadcast %add3A_567 : i32 to vector<16xi32>
        %add3A_569 = arith.addi %add3A_568, %iota3A : vector<16xi32>
        %ge3A = vector.broadcast %squeeze3A_315 : i32 to vector<16xi32>
        %ge3A_570 = arith.cmpi sge, %add3A_569, %ge3A : vector<16xi32>
        %lt3A_571 = vector.broadcast %squeeze3A_319 : i32 to vector<16xi32>
        %lt3A_572 = arith.cmpi slt, %add3A_569, %lt3A_571 : vector<16xi32>
        %and3A_573 = arith.andi %ge3A_570, %lt3A_572 : vector<16xi1>
        %get3A_574 = arith.index_cast %add3A_567 : i32 to index
        %get3A_575 = tpu.vector_load %arg19[%get3A_574] {strides = array<i32>} : memref<10240xf32, #tpu.memory_space<vmem>>, vector<16xf32>,
        %get3A_576 = arith.index_cast %add3A_567 : i32 to index
        %get3A_577 = tpu.vector_load %arg20[%get3A_576] {strides = array<i32>} : memref<10240xf32, #tpu.memory_space<vmem>>, vector<16xf32>,
        %get3A_578 = arith.index_cast %add3A_567 : i32 to index
        %get3A_579 = tpu.vector_load %arg21[%get3A_578] {strides = array<i32>} : memref<10240xf32, #tpu.memory_space<vmem>>, vector<16xf32>,
        %get3A_580 = arith.index_cast %add3A_567 : i32 to index
        %get3A_581 = tpu.vector_load %arg22[%get3A_580] {strides = array<i32>} : memref<10240xf32, #tpu.memory_space<vmem>>, vector<16xf32>,
        %mul3A_582 = vector.broadcast %squeeze3A_339 : f32 to vector<16xf32>
        %mul3A_583 = arith.mulf %mul3A_582, %get3A_575 : vector<16xf32>
        %mul3A_584 = vector.broadcast %squeeze3A_343 : f32 to vector<16xf32>
        %mul3A_585 = arith.mulf %mul3A_584, %get3A_577 : vector<16xf32>
        %add3A_586 = arith.addf %mul3A_583, %mul3A_585 : vector<16xf32>
        %mul3A_587 = vector.broadcast %squeeze3A_347 : f32 to vector<16xf32>
        %mul3A_588 = arith.mulf %mul3A_587, %get3A_579 : vector<16xf32>
        %add3A_589 = arith.addf %add3A_586, %mul3A_588 : vector<16xf32>
        %add3A_590 = vector.broadcast %squeeze3A_335 : f32 to vector<16xf32>
        %add3A_591 = arith.addf %add3A_590, %get3A_581 : vector<16xf32>
        %mul3A_592 = arith.constant 2.000000e+00 : f32
        %mul3A_593 = vector.broadcast %mul3A_592 : f32 to vector<16xf32>
        %mul3A_594 = arith.mulf %mul3A_593, %add3A_589 : vector<16xf32>
        %sub3A_595 = arith.subf %add3A_591, %mul3A_594 : vector<16xf32>
        %le3A_596 = arith.constant 4.000000e-02 : f32
        %le3A_597 = vector.broadcast %le3A_596 : f32 to vector<16xf32>
        %le3A_598 = arith.cmpf ole, %sub3A_595, %le3A_597 : vector<16xf32>
        %and3A_599 = arith.andi %le3A_598, %and3A_573 : vector<16xi1>
        %min3A_600 = arith.constant 80 : i32
        %min3A_601 = arith.minsi %while3A_564, %min3A_600 : i32
        %swap3A_602 = arith.index_cast %min3A_601 : i32 to index
        %swap3A_603 = tpu.vector_load %arg25[%swap3A_602] masked %and3A_599 {strides = array<i32>} : memref<112xi32, #tpu.memory_space<vmem>>, vector<16xi32>, vector<16xi1>
        tpu.vector_store %arg25[%swap3A_602], %add3A_569 masked %and3A_599 {strides = array<i32>} : memref<112xi32, #tpu.memory_space<vmem>>, vector<16xi32>, vector<16xi1>
        %all_reduce_population_count3A = tpu.all_reduce %and3A_599 {dim = 0 : i64, kind = #tpu.reduction_kind<sum>} : vector<16xi1> -> vector<16xi32>
        %slice3A_604 = vector.extract_strided_slice %all_reduce_population_count3A {offsets = [0], sizes = [1], strides = [1]} : vector<16xi32> to vector<1xi32>
        %squeeze3A_605 = vector.extract %slice3A_604[0] : i32 from vector<1xi32>
        %add3A_606 = arith.addi %while3A_564, %squeeze3A_605 : i32
        scf.yield %add3A_606 : i32
      }
      %while3A_411 = arith.constant 1 : i32
      %while3A_412 = scf.for %while3A_563 = %while3A_408 to %while3A_404 step %while3A_411 iter_args(%while3A_564 = %while3A_410) -> (i32)  : i32 {
        %mul3A_565 = arith.constant 16 : i32
        %mul3A_566 = arith.muli %while3A_563, %mul3A_565 : i32
        %add3A_567 = arith.addi %mul3A_373, %mul3A_566 : i32
        %add3A_568 = vector.broadcast %add3A_567 : i32 to vector<16xi32>
        %add3A_569 = arith.addi %add3A_568, %iota3A : vector<16xi32>
        %ge3A = vector.broadcast %squeeze3A_315 : i32 to vector<16xi32>
        %ge3A_570 = arith.cmpi sge, %add3A_569, %ge3A : vector<16xi32>
        %lt3A_571 = vector.broadcast %squeeze3A_319 : i32 to vector<16xi32>
        %lt3A_572 = arith.cmpi slt, %add3A_569, %lt3A_571 : vector<16xi32>
        %and3A_573 = arith.andi %ge3A_570, %lt3A_572 : vector<16xi1>
        %get3A_574 = arith.index_cast %add3A_567 : i32 to index
        %get3A_575 = tpu.vector_load %arg19[%get3A_574] {strides = array<i32>} : memref<10240xf32, #tpu.memory_space<vmem>>, vector<16xf32>,
        %get3A_576 = arith.index_cast %add3A_567 : i32 to index
        %get3A_577 = tpu.vector_load %arg20[%get3A_576] {strides = array<i32>} : memref<10240xf32, #tpu.memory_space<vmem>>, vector<16xf32>,
        %get3A_578 = arith.index_cast %add3A_567 : i32 to index
        %get3A_579 = tpu.vector_load %arg21[%get3A_578] {strides = array<i32>} : memref<10240xf32, #tpu.memory_space<vmem>>, vector<16xf32>,
        %get3A_580 = arith.index_cast %add3A_567 : i32 to index
        %get3A_581 = tpu.vector_load %arg22[%get3A_580] {strides = array<i32>} : memref<10240xf32, #tpu.memory_space<vmem>>, vector<16xf32>,
        %mul3A_582 = vector.broadcast %squeeze3A_339 : f32 to vector<16xf32>
        %mul3A_583 = arith.mulf %mul3A_582, %get3A_575 : vector<16xf32>
        %mul3A_584 = vector.broadcast %squeeze3A_343 : f32 to vector<16xf32>
        %mul3A_585 = arith.mulf %mul3A_584, %get3A_577 : vector<16xf32>
        %add3A_586 = arith.addf %mul3A_583, %mul3A_585 : vector<16xf32>
        %mul3A_587 = vector.broadcast %squeeze3A_347 : f32 to vector<16xf32>
        %mul3A_588 = arith.mulf %mul3A_587, %get3A_579 : vector<16xf32>
        %add3A_589 = arith.addf %add3A_586, %mul3A_588 : vector<16xf32>
        %add3A_590 = vector.broadcast %squeeze3A_335 : f32 to vector<16xf32>
        %add3A_591 = arith.addf %add3A_590, %get3A_581 : vector<16xf32>
        %mul3A_592 = arith.constant 2.000000e+00 : f32
        %mul3A_593 = vector.broadcast %mul3A_592 : f32 to vector<16xf32>
        %mul3A_594 = arith.mulf %mul3A_593, %add3A_589 : vector<16xf32>
        %sub3A_595 = arith.subf %add3A_591, %mul3A_594 : vector<16xf32>
        %le3A_596 = arith.constant 4.000000e-02 : f32
        %le3A_597 = vector.broadcast %le3A_596 : f32 to vector<16xf32>
        %le3A_598 = arith.cmpf ole, %sub3A_595, %le3A_597 : vector<16xf32>
        %and3A_599 = arith.andi %le3A_598, %and3A_573 : vector<16xi1>
        %min3A_600 = arith.constant 80 : i32
        %min3A_601 = arith.minsi %while3A_564, %min3A_600 : i32
        %swap3A_602 = arith.index_cast %min3A_601 : i32 to index
        %swap3A_603 = tpu.vector_load %arg25[%swap3A_602] masked %and3A_599 {strides = array<i32>} : memref<112xi32, #tpu.memory_space<vmem>>, vector<16xi32>, vector<16xi1>
        tpu.vector_store %arg25[%swap3A_602], %add3A_569 masked %and3A_599 {strides = array<i32>} : memref<112xi32, #tpu.memory_space<vmem>>, vector<16xi32>, vector<16xi1>
        %all_reduce_population_count3A = tpu.all_reduce %and3A_599 {dim = 0 : i64, kind = #tpu.reduction_kind<sum>} : vector<16xi1> -> vector<16xi32>
        %slice3A_604 = vector.extract_strided_slice %all_reduce_population_count3A {offsets = [0], sizes = [1], strides = [1]} : vector<16xi32> to vector<1xi32>
        %squeeze3A_605 = vector.extract %slice3A_604[0] : i32 from vector<1xi32>
        %add3A_606 = arith.addi %while3A_564, %squeeze3A_605 : i32
        scf.yield %add3A_606 : i32
      }
      %le3A_413 = arith.constant 64 : i32
      %le3A_414 = arith.cmpi sle, %while3A_412, %le3A_413 : i32
      %convert_element_type3A_415 = arith.extui %le3A_414 : i1 to i32
      %cond3A_416 = arith.constant 0 : i32
      %cond3A_417 = arith.constant 0 : i32
      %cond3A_418 = arith.cmpi ne, %convert_element_type3A_415, %cond3A_417 : i32
      %cond3A_419 = scf.if %cond3A_418 -> (i32) {
        %add3A_563 = arith.constant 0 : i32
        %add3A_564 = vector.broadcast %add3A_563 : i32 to vector<16xi32>
        %add3A_565 = arith.addi %add3A_564, %iota3A : vector<16xi32>
        %get3A_566 = arith.constant 0 : index
        %get3A_567 = tpu.vector_load %arg25[%get3A_566] {strides = array<i32>} : memref<112xi32, #tpu.memory_space<vmem>>, vector<16xi32>,
        %lt3A_568 = vector.broadcast %while3A_412 : i32 to vector<16xi32>
        %lt3A_569 = arith.cmpi slt, %add3A_565, %lt3A_568 : vector<16xi32>
        %broadcast_in_dim3A = vector.broadcast %add3A_311 : i32 to vector<16xi32>
        %select_n3A_570 = arith.select %lt3A_569, %get3A_567, %broadcast_in_dim3A : vector<16xi1>, vector<16xi32>
        %swap3A_571 = arith.constant 0 : index
        %swap3A_572 = tpu.vector_load %arg27[%swap3A_571] {strides = array<i32>} : memref<64xi32, #tpu.memory_space<vmem>>, vector<16xi32>,
        tpu.vector_store %arg27[%swap3A_571], %select_n3A_570 {strides = array<i32>} : memref<64xi32, #tpu.memory_space<vmem>>, vector<16xi32>,
        %add3A_573 = arith.constant 16 : i32
        %add3A_574 = vector.broadcast %add3A_573 : i32 to vector<16xi32>
        %add3A_575 = arith.addi %add3A_574, %iota3A : vector<16xi32>
        %get3A_576 = arith.constant 16 : index
        %get3A_577 = tpu.vector_load %arg25[%get3A_576] {strides = array<i32>} : memref<112xi32, #tpu.memory_space<vmem>>, vector<16xi32>,
        %lt3A_578 = vector.broadcast %while3A_412 : i32 to vector<16xi32>
        %lt3A_579 = arith.cmpi slt, %add3A_575, %lt3A_578 : vector<16xi32>
        %broadcast_in_dim3A_580 = vector.broadcast %add3A_311 : i32 to vector<16xi32>
        %select_n3A_581 = arith.select %lt3A_579, %get3A_577, %broadcast_in_dim3A_580 : vector<16xi1>, vector<16xi32>
        %swap3A_582 = arith.constant 16 : index
        %swap3A_583 = tpu.vector_load %arg27[%swap3A_582] {strides = array<i32>} : memref<64xi32, #tpu.memory_space<vmem>>, vector<16xi32>,
        tpu.vector_store %arg27[%swap3A_582], %select_n3A_581 {strides = array<i32>} : memref<64xi32, #tpu.memory_space<vmem>>, vector<16xi32>,
        %add3A_584 = arith.constant 32 : i32
        %add3A_585 = vector.broadcast %add3A_584 : i32 to vector<16xi32>
        %add3A_586 = arith.addi %add3A_585, %iota3A : vector<16xi32>
        %get3A_587 = arith.constant 32 : index
        %get3A_588 = tpu.vector_load %arg25[%get3A_587] {strides = array<i32>} : memref<112xi32, #tpu.memory_space<vmem>>, vector<16xi32>,
        %lt3A_589 = vector.broadcast %while3A_412 : i32 to vector<16xi32>
        %lt3A_590 = arith.cmpi slt, %add3A_586, %lt3A_589 : vector<16xi32>
        %broadcast_in_dim3A_591 = vector.broadcast %add3A_311 : i32 to vector<16xi32>
        %select_n3A_592 = arith.select %lt3A_590, %get3A_588, %broadcast_in_dim3A_591 : vector<16xi1>, vector<16xi32>
        %swap3A_593 = arith.constant 32 : index
        %swap3A_594 = tpu.vector_load %arg27[%swap3A_593] {strides = array<i32>} : memref<64xi32, #tpu.memory_space<vmem>>, vector<16xi32>,
        tpu.vector_store %arg27[%swap3A_593], %select_n3A_592 {strides = array<i32>} : memref<64xi32, #tpu.memory_space<vmem>>, vector<16xi32>,
        %add3A_595 = arith.constant 48 : i32
        %add3A_596 = vector.broadcast %add3A_595 : i32 to vector<16xi32>
        %add3A_597 = arith.addi %add3A_596, %iota3A : vector<16xi32>
        %get3A_598 = arith.constant 48 : index
        %get3A_599 = tpu.vector_load %arg25[%get3A_598] {strides = array<i32>} : memref<112xi32, #tpu.memory_space<vmem>>, vector<16xi32>,
        %lt3A_600 = vector.broadcast %while3A_412 : i32 to vector<16xi32>
        %lt3A_601 = arith.cmpi slt, %add3A_597, %lt3A_600 : vector<16xi32>
        %broadcast_in_dim3A_602 = vector.broadcast %add3A_311 : i32 to vector<16xi32>
        %select_n3A_603 = arith.select %lt3A_601, %get3A_599, %broadcast_in_dim3A_602 : vector<16xi1>, vector<16xi32>
        %swap3A_604 = arith.constant 48 : index
        %swap3A_605 = tpu.vector_load %arg27[%swap3A_604] {strides = array<i32>} : memref<64xi32, #tpu.memory_space<vmem>>, vector<16xi32>,
        tpu.vector_store %arg27[%swap3A_604], %select_n3A_603 {strides = array<i32>} : memref<64xi32, #tpu.memory_space<vmem>>, vector<16xi32>,
        %cond3A_606 = arith.constant 0 : i32
        scf.yield %cond3A_606 : i32
      } else {
        %broadcast_in_dim3A = arith.constant 0x7F800000 : f32
        %broadcast_in_dim3A_563 = vector.broadcast %broadcast_in_dim3A : f32 to vector<16xf32>
        %broadcast_in_dim3A_564 = vector.broadcast %add3A_311 : i32 to vector<16xi32>
        %while3A_565 = arith.constant 0 : i32
        %while3A_566 = arith.subi %select_n3A_400, %while3A_565 : i32
        %while3A_567 = arith.addi %while3A_565, %while3A_566 : i32
        %while3A_568 = arith.constant 1 : i32
        %while3A_569 = arith.divsi %while3A_566, %while3A_568 : i32
        %while3A_570 = arith.muli %while3A_569, %while3A_568 : i32
        %while3A_571 = arith.addi %while3A_565, %while3A_570 : i32
        %while3A_572 = arith.constant 1 : i32
        %while3A_573:8 = scf.for %while3A_585 = %while3A_565 to %while3A_571 step %while3A_572 iter_args(%while3A_586 = %broadcast_in_dim3A_563, %while3A_587 = %broadcast_in_dim3A_563, %while3A_588 = %broadcast_in_dim3A_563, %while3A_589 = %broadcast_in_dim3A_563, %while3A_590 = %broadcast_in_dim3A_564, %while3A_591 = %broadcast_in_dim3A_564, %while3A_592 = %broadcast_in_dim3A_564, %while3A_593 = %broadcast_in_dim3A_564) -> (vector<16xf32>, vector<16xf32>, vector<16xf32>, vector<16xf32>, vector<16xi32>, vector<16xi32>, vector<16xi32>, vector<16xi32>)  : i32 {
          %mul3A_594 = arith.constant 16 : i32
          %mul3A_595 = arith.muli %while3A_585, %mul3A_594 : i32
          %add3A_596 = arith.addi %mul3A_373, %mul3A_595 : i32
          %add3A_597 = vector.broadcast %add3A_596 : i32 to vector<16xi32>
          %add3A_598 = arith.addi %add3A_597, %iota3A : vector<16xi32>
          %ge3A = vector.broadcast %squeeze3A_315 : i32 to vector<16xi32>
          %ge3A_599 = arith.cmpi sge, %add3A_598, %ge3A : vector<16xi32>
          %lt3A_600 = vector.broadcast %squeeze3A_319 : i32 to vector<16xi32>
          %lt3A_601 = arith.cmpi slt, %add3A_598, %lt3A_600 : vector<16xi32>
          %and3A_602 = arith.andi %ge3A_599, %lt3A_601 : vector<16xi1>
          %get3A_603 = arith.index_cast %add3A_596 : i32 to index
          %get3A_604 = tpu.vector_load %arg19[%get3A_603] {strides = array<i32>} : memref<10240xf32, #tpu.memory_space<vmem>>, vector<16xf32>,
          %get3A_605 = arith.index_cast %add3A_596 : i32 to index
          %get3A_606 = tpu.vector_load %arg20[%get3A_605] {strides = array<i32>} : memref<10240xf32, #tpu.memory_space<vmem>>, vector<16xf32>,
          %get3A_607 = arith.index_cast %add3A_596 : i32 to index
          %get3A_608 = tpu.vector_load %arg21[%get3A_607] {strides = array<i32>} : memref<10240xf32, #tpu.memory_space<vmem>>, vector<16xf32>,
          %get3A_609 = arith.index_cast %add3A_596 : i32 to index
          %get3A_610 = tpu.vector_load %arg22[%get3A_609] {strides = array<i32>} : memref<10240xf32, #tpu.memory_space<vmem>>, vector<16xf32>,
          %mul3A_611 = vector.broadcast %squeeze3A_339 : f32 to vector<16xf32>
          %mul3A_612 = arith.mulf %mul3A_611, %get3A_604 : vector<16xf32>
          %mul3A_613 = vector.broadcast %squeeze3A_343 : f32 to vector<16xf32>
          %mul3A_614 = arith.mulf %mul3A_613, %get3A_606 : vector<16xf32>
          %add3A_615 = arith.addf %mul3A_612, %mul3A_614 : vector<16xf32>
          %mul3A_616 = vector.broadcast %squeeze3A_347 : f32 to vector<16xf32>
          %mul3A_617 = arith.mulf %mul3A_616, %get3A_608 : vector<16xf32>
          %add3A_618 = arith.addf %add3A_615, %mul3A_617 : vector<16xf32>
          %add3A_619 = vector.broadcast %squeeze3A_335 : f32 to vector<16xf32>
          %add3A_620 = arith.addf %add3A_619, %get3A_610 : vector<16xf32>
          %mul3A_621 = arith.constant 2.000000e+00 : f32
          %mul3A_622 = vector.broadcast %mul3A_621 : f32 to vector<16xf32>
          %mul3A_623 = arith.mulf %mul3A_622, %add3A_618 : vector<16xf32>
          %sub3A_624 = arith.subf %add3A_620, %mul3A_623 : vector<16xf32>
          %le3A_625 = arith.constant 4.000000e-02 : f32
          %le3A_626 = vector.broadcast %le3A_625 : f32 to vector<16xf32>
          %le3A_627 = arith.cmpf ole, %sub3A_624, %le3A_626 : vector<16xf32>
          %and3A_628 = arith.andi %le3A_627, %and3A_602 : vector<16xi1>
          %jit3A_629 = arith.constant 0x7F800000 : f32
          %broadcast_in_dim3A_630 = vector.broadcast %jit3A_629 : f32 to vector<16xf32>
          %select_n3A_631 = arith.select %and3A_628, %sub3A_624, %broadcast_in_dim3A_630 : vector<16xi1>, vector<16xf32>
          %reduce_max3A = arith.constant true
          %reduce_max3A_632 = vector.broadcast %reduce_max3A : i1 to vector<16xi1>
          %reduce_max3A_633 = tpu.scan <max>, %while3A_589 masked %reduce_max3A_632 : vector<16xf32>, vector<16xi1> -> vector<16xf32>
          %reduce_max3A_634 = vector.extract %reduce_max3A_633[15] : f32 from vector<16xf32>
          %reduce_min3A = arith.constant true
          %reduce_min3A_635 = vector.broadcast %reduce_min3A : i1 to vector<16xi1>
          %reduce_min3A_636 = tpu.scan <min>, %select_n3A_631 masked %reduce_min3A_635 : vector<16xf32>, vector<16xi1> -> vector<16xf32>
          %reduce_min3A_637 = vector.extract %reduce_min3A_636[15] : f32 from vector<16xf32>
          %lt3A_638 = arith.cmpf olt, %reduce_min3A_637, %reduce_max3A_634 : f32
          %convert_element_type3A_639 = arith.extui %lt3A_638 : i1 to i32
          %cond3A_640 = arith.constant 0 : i32
          %cond3A_641 = arith.constant 0 : i32
          %cond3A_642 = arith.cmpi ne, %convert_element_type3A_639, %cond3A_641 : i32
          %cond3A_643:8 = scf.if %cond3A_642 -> (vector<16xf32>, vector<16xf32>, vector<16xf32>, vector<16xf32>, vector<16xi32>, vector<16xi32>, vector<16xi32>, vector<16xi32>) {
            %masked_sort3A = arith.constant dense<true> : vector<16xi1>
            %masked_sort3A_644, %masked_sort3A_645, %masked_sort3A_646 = tpu.sort %select_n3A_631, %add3A_598 masked %masked_sort3A : (vector<16xf32>, vector<16xi32>, vector<16xi1>) -> (vector<16xi1>, vector<16xf32>, vector<16xi32>)
            %rev3A = arith.constant 15 : i32
            %rev3A_647 = vector.broadcast %rev3A : i32 to vector<16xi32>
            %rev3A_648 = tpu.iota {dimensions = array<i32: 0>} : vector<16xi32>
            %rev3A_649 = arith.subi %rev3A_647, %rev3A_648 : vector<16xi32>
            %rev3A_650 = tpu.dynamic_gather %masked_sort3A_645[%rev3A_649] in [0] : vector<16xf32>, vector<16xi32> -> vector<16xf32>
            %rev3A_651 = arith.constant 15 : i32
            %rev3A_652 = vector.broadcast %rev3A_651 : i32 to vector<16xi32>
            %rev3A_653 = tpu.iota {dimensions = array<i32: 0>} : vector<16xi32>
            %rev3A_654 = arith.subi %rev3A_652, %rev3A_653 : vector<16xi32>
            %rev3A_655 = tpu.dynamic_gather %masked_sort3A_646[%rev3A_654] in [0] : vector<16xi32>, vector<16xi32> -> vector<16xi32>
            %le3A_656 = arith.cmpf ole, %while3A_586, %rev3A_650 : vector<16xf32>
            %select_n3A_657 = arith.select %le3A_656, %while3A_586, %rev3A_650 : vector<16xi1>, vector<16xf32>
            %select_n3A_658 = arith.select %le3A_656, %while3A_590, %rev3A_655 : vector<16xi1>, vector<16xi32>
            %select_n3A_659 = arith.select %le3A_656, %rev3A_650, %while3A_586 : vector<16xi1>, vector<16xf32>
            %select_n3A_660 = arith.select %le3A_656, %rev3A_655, %while3A_590 : vector<16xi1>, vector<16xi32>
            %masked_sort3A_661 = arith.constant dense<true> : vector<16xi1>
            %masked_sort3A_662, %masked_sort3A_663, %masked_sort3A_664 = tpu.sort %select_n3A_657, %select_n3A_658 masked %masked_sort3A_661 : (vector<16xf32>, vector<16xi32>, vector<16xi1>) -> (vector<16xi1>, vector<16xf32>, vector<16xi32>)
            %masked_sort3A_665 = arith.constant dense<true> : vector<16xi1>
            %masked_sort3A_666, %masked_sort3A_667, %masked_sort3A_668 = tpu.sort %select_n3A_659, %select_n3A_660 masked %masked_sort3A_665 : (vector<16xf32>, vector<16xi32>, vector<16xi1>) -> (vector<16xi1>, vector<16xf32>, vector<16xi32>)
            %rev3A_669 = arith.constant 15 : i32
            %rev3A_670 = vector.broadcast %rev3A_669 : i32 to vector<16xi32>
            %rev3A_671 = tpu.iota {dimensions = array<i32: 0>} : vector<16xi32>
            %rev3A_672 = arith.subi %rev3A_670, %rev3A_671 : vector<16xi32>
            %rev3A_673 = tpu.dynamic_gather %masked_sort3A_667[%rev3A_672] in [0] : vector<16xf32>, vector<16xi32> -> vector<16xf32>
            %rev3A_674 = arith.constant 15 : i32
            %rev3A_675 = vector.broadcast %rev3A_674 : i32 to vector<16xi32>
            %rev3A_676 = tpu.iota {dimensions = array<i32: 0>} : vector<16xi32>
            %rev3A_677 = arith.subi %rev3A_675, %rev3A_676 : vector<16xi32>
            %rev3A_678 = tpu.dynamic_gather %masked_sort3A_668[%rev3A_677] in [0] : vector<16xi32>, vector<16xi32> -> vector<16xi32>
            %le3A_679 = arith.cmpf ole, %while3A_587, %rev3A_673 : vector<16xf32>
            %select_n3A_680 = arith.select %le3A_679, %while3A_587, %rev3A_673 : vector<16xi1>, vector<16xf32>
            %select_n3A_681 = arith.select %le3A_679, %while3A_591, %rev3A_678 : vector<16xi1>, vector<16xi32>
            %select_n3A_682 = arith.select %le3A_679, %rev3A_673, %while3A_587 : vector<16xi1>, vector<16xf32>
            %select_n3A_683 = arith.select %le3A_679, %rev3A_678, %while3A_591 : vector<16xi1>, vector<16xi32>
            %masked_sort3A_684 = arith.constant dense<true> : vector<16xi1>
            %masked_sort3A_685, %masked_sort3A_686, %masked_sort3A_687 = tpu.sort %select_n3A_680, %select_n3A_681 masked %masked_sort3A_684 : (vector<16xf32>, vector<16xi32>, vector<16xi1>) -> (vector<16xi1>, vector<16xf32>, vector<16xi32>)
            %masked_sort3A_688 = arith.constant dense<true> : vector<16xi1>
            %masked_sort3A_689, %masked_sort3A_690, %masked_sort3A_691 = tpu.sort %select_n3A_682, %select_n3A_683 masked %masked_sort3A_688 : (vector<16xf32>, vector<16xi32>, vector<16xi1>) -> (vector<16xi1>, vector<16xf32>, vector<16xi32>)
            %rev3A_692 = arith.constant 15 : i32
            %rev3A_693 = vector.broadcast %rev3A_692 : i32 to vector<16xi32>
            %rev3A_694 = tpu.iota {dimensions = array<i32: 0>} : vector<16xi32>
            %rev3A_695 = arith.subi %rev3A_693, %rev3A_694 : vector<16xi32>
            %rev3A_696 = tpu.dynamic_gather %masked_sort3A_690[%rev3A_695] in [0] : vector<16xf32>, vector<16xi32> -> vector<16xf32>
            %rev3A_697 = arith.constant 15 : i32
            %rev3A_698 = vector.broadcast %rev3A_697 : i32 to vector<16xi32>
            %rev3A_699 = tpu.iota {dimensions = array<i32: 0>} : vector<16xi32>
            %rev3A_700 = arith.subi %rev3A_698, %rev3A_699 : vector<16xi32>
            %rev3A_701 = tpu.dynamic_gather %masked_sort3A_691[%rev3A_700] in [0] : vector<16xi32>, vector<16xi32> -> vector<16xi32>
            %le3A_702 = arith.cmpf ole, %while3A_588, %rev3A_696 : vector<16xf32>
            %select_n3A_703 = arith.select %le3A_702, %while3A_588, %rev3A_696 : vector<16xi1>, vector<16xf32>
            %select_n3A_704 = arith.select %le3A_702, %while3A_592, %rev3A_701 : vector<16xi1>, vector<16xi32>
            %select_n3A_705 = arith.select %le3A_702, %rev3A_696, %while3A_588 : vector<16xi1>, vector<16xf32>
            %select_n3A_706 = arith.select %le3A_702, %rev3A_701, %while3A_592 : vector<16xi1>, vector<16xi32>
            %masked_sort3A_707 = arith.constant dense<true> : vector<16xi1>
            %masked_sort3A_708, %masked_sort3A_709, %masked_sort3A_710 = tpu.sort %select_n3A_703, %select_n3A_704 masked %masked_sort3A_707 : (vector<16xf32>, vector<16xi32>, vector<16xi1>) -> (vector<16xi1>, vector<16xf32>, vector<16xi32>)
            %masked_sort3A_711 = arith.constant dense<true> : vector<16xi1>
            %masked_sort3A_712, %masked_sort3A_713, %masked_sort3A_714 = tpu.sort %select_n3A_705, %select_n3A_706 masked %masked_sort3A_711 : (vector<16xf32>, vector<16xi32>, vector<16xi1>) -> (vector<16xi1>, vector<16xf32>, vector<16xi32>)
            %rev3A_715 = arith.constant 15 : i32
            %rev3A_716 = vector.broadcast %rev3A_715 : i32 to vector<16xi32>
            %rev3A_717 = tpu.iota {dimensions = array<i32: 0>} : vector<16xi32>
            %rev3A_718 = arith.subi %rev3A_716, %rev3A_717 : vector<16xi32>
            %rev3A_719 = tpu.dynamic_gather %masked_sort3A_713[%rev3A_718] in [0] : vector<16xf32>, vector<16xi32> -> vector<16xf32>
            %rev3A_720 = arith.constant 15 : i32
            %rev3A_721 = vector.broadcast %rev3A_720 : i32 to vector<16xi32>
            %rev3A_722 = tpu.iota {dimensions = array<i32: 0>} : vector<16xi32>
            %rev3A_723 = arith.subi %rev3A_721, %rev3A_722 : vector<16xi32>
            %rev3A_724 = tpu.dynamic_gather %masked_sort3A_714[%rev3A_723] in [0] : vector<16xi32>, vector<16xi32> -> vector<16xi32>
            %le3A_725 = arith.cmpf ole, %while3A_589, %rev3A_719 : vector<16xf32>
            %select_n3A_726 = arith.select %le3A_725, %while3A_589, %rev3A_719 : vector<16xi1>, vector<16xf32>
            %select_n3A_727 = arith.select %le3A_725, %while3A_593, %rev3A_724 : vector<16xi1>, vector<16xi32>
            %select_n3A_728 = arith.select %le3A_725, %rev3A_719, %while3A_589 : vector<16xi1>, vector<16xf32>
            %select_n3A_729 = arith.select %le3A_725, %rev3A_724, %while3A_593 : vector<16xi1>, vector<16xi32>
            %masked_sort3A_730 = arith.constant dense<true> : vector<16xi1>
            %masked_sort3A_731, %masked_sort3A_732, %masked_sort3A_733 = tpu.sort %select_n3A_726, %select_n3A_727 masked %masked_sort3A_730 : (vector<16xf32>, vector<16xi32>, vector<16xi1>) -> (vector<16xi1>, vector<16xf32>, vector<16xi32>)
            %masked_sort3A_734 = arith.constant dense<true> : vector<16xi1>
            %masked_sort3A_735, %masked_sort3A_736, %masked_sort3A_737 = tpu.sort %select_n3A_728, %select_n3A_729 masked %masked_sort3A_734 : (vector<16xf32>, vector<16xi32>, vector<16xi1>) -> (vector<16xi1>, vector<16xf32>, vector<16xi32>)
            scf.yield %masked_sort3A_663, %masked_sort3A_686, %masked_sort3A_709, %masked_sort3A_732, %masked_sort3A_664, %masked_sort3A_687, %masked_sort3A_710, %masked_sort3A_733 : vector<16xf32>, vector<16xf32>, vector<16xf32>, vector<16xf32>, vector<16xi32>, vector<16xi32>, vector<16xi32>, vector<16xi32>
          } else {
            scf.yield %while3A_586, %while3A_587, %while3A_588, %while3A_589, %while3A_590, %while3A_591, %while3A_592, %while3A_593 : vector<16xf32>, vector<16xf32>, vector<16xf32>, vector<16xf32>, vector<16xi32>, vector<16xi32>, vector<16xi32>, vector<16xi32>
          }
          scf.yield %cond3A_643#0, %cond3A_643#1, %cond3A_643#2, %cond3A_643#3, %cond3A_643#4, %cond3A_643#5, %cond3A_643#6, %cond3A_643#7 : vector<16xf32>, vector<16xf32>, vector<16xf32>, vector<16xf32>, vector<16xi32>, vector<16xi32>, vector<16xi32>, vector<16xi32>
        }
        %while3A_574 = arith.constant 1 : i32
        %while3A_575:8 = scf.for %while3A_585 = %while3A_571 to %while3A_567 step %while3A_574 iter_args(%while3A_586 = %while3A_573#0, %while3A_587 = %while3A_573#1, %while3A_588 = %while3A_573#2, %while3A_589 = %while3A_573#3, %while3A_590 = %while3A_573#4, %while3A_591 = %while3A_573#5, %while3A_592 = %while3A_573#6, %while3A_593 = %while3A_573#7) -> (vector<16xf32>, vector<16xf32>, vector<16xf32>, vector<16xf32>, vector<16xi32>, vector<16xi32>, vector<16xi32>, vector<16xi32>)  : i32 {
          %mul3A_594 = arith.constant 16 : i32
          %mul3A_595 = arith.muli %while3A_585, %mul3A_594 : i32
          %add3A_596 = arith.addi %mul3A_373, %mul3A_595 : i32
          %add3A_597 = vector.broadcast %add3A_596 : i32 to vector<16xi32>
          %add3A_598 = arith.addi %add3A_597, %iota3A : vector<16xi32>
          %ge3A = vector.broadcast %squeeze3A_315 : i32 to vector<16xi32>
          %ge3A_599 = arith.cmpi sge, %add3A_598, %ge3A : vector<16xi32>
          %lt3A_600 = vector.broadcast %squeeze3A_319 : i32 to vector<16xi32>
          %lt3A_601 = arith.cmpi slt, %add3A_598, %lt3A_600 : vector<16xi32>
          %and3A_602 = arith.andi %ge3A_599, %lt3A_601 : vector<16xi1>
          %get3A_603 = arith.index_cast %add3A_596 : i32 to index
          %get3A_604 = tpu.vector_load %arg19[%get3A_603] {strides = array<i32>} : memref<10240xf32, #tpu.memory_space<vmem>>, vector<16xf32>,
          %get3A_605 = arith.index_cast %add3A_596 : i32 to index
          %get3A_606 = tpu.vector_load %arg20[%get3A_605] {strides = array<i32>} : memref<10240xf32, #tpu.memory_space<vmem>>, vector<16xf32>,
          %get3A_607 = arith.index_cast %add3A_596 : i32 to index
          %get3A_608 = tpu.vector_load %arg21[%get3A_607] {strides = array<i32>} : memref<10240xf32, #tpu.memory_space<vmem>>, vector<16xf32>,
          %get3A_609 = arith.index_cast %add3A_596 : i32 to index
          %get3A_610 = tpu.vector_load %arg22[%get3A_609] {strides = array<i32>} : memref<10240xf32, #tpu.memory_space<vmem>>, vector<16xf32>,
          %mul3A_611 = vector.broadcast %squeeze3A_339 : f32 to vector<16xf32>
          %mul3A_612 = arith.mulf %mul3A_611, %get3A_604 : vector<16xf32>
          %mul3A_613 = vector.broadcast %squeeze3A_343 : f32 to vector<16xf32>
          %mul3A_614 = arith.mulf %mul3A_613, %get3A_606 : vector<16xf32>
          %add3A_615 = arith.addf %mul3A_612, %mul3A_614 : vector<16xf32>
          %mul3A_616 = vector.broadcast %squeeze3A_347 : f32 to vector<16xf32>
          %mul3A_617 = arith.mulf %mul3A_616, %get3A_608 : vector<16xf32>
          %add3A_618 = arith.addf %add3A_615, %mul3A_617 : vector<16xf32>
          %add3A_619 = vector.broadcast %squeeze3A_335 : f32 to vector<16xf32>
          %add3A_620 = arith.addf %add3A_619, %get3A_610 : vector<16xf32>
          %mul3A_621 = arith.constant 2.000000e+00 : f32
          %mul3A_622 = vector.broadcast %mul3A_621 : f32 to vector<16xf32>
          %mul3A_623 = arith.mulf %mul3A_622, %add3A_618 : vector<16xf32>
          %sub3A_624 = arith.subf %add3A_620, %mul3A_623 : vector<16xf32>
          %le3A_625 = arith.constant 4.000000e-02 : f32
          %le3A_626 = vector.broadcast %le3A_625 : f32 to vector<16xf32>
          %le3A_627 = arith.cmpf ole, %sub3A_624, %le3A_626 : vector<16xf32>
          %and3A_628 = arith.andi %le3A_627, %and3A_602 : vector<16xi1>
          %jit3A_629 = arith.constant 0x7F800000 : f32
          %broadcast_in_dim3A_630 = vector.broadcast %jit3A_629 : f32 to vector<16xf32>
          %select_n3A_631 = arith.select %and3A_628, %sub3A_624, %broadcast_in_dim3A_630 : vector<16xi1>, vector<16xf32>
          %reduce_max3A = arith.constant true
          %reduce_max3A_632 = vector.broadcast %reduce_max3A : i1 to vector<16xi1>
          %reduce_max3A_633 = tpu.scan <max>, %while3A_589 masked %reduce_max3A_632 : vector<16xf32>, vector<16xi1> -> vector<16xf32>
          %reduce_max3A_634 = vector.extract %reduce_max3A_633[15] : f32 from vector<16xf32>
          %reduce_min3A = arith.constant true
          %reduce_min3A_635 = vector.broadcast %reduce_min3A : i1 to vector<16xi1>
          %reduce_min3A_636 = tpu.scan <min>, %select_n3A_631 masked %reduce_min3A_635 : vector<16xf32>, vector<16xi1> -> vector<16xf32>
          %reduce_min3A_637 = vector.extract %reduce_min3A_636[15] : f32 from vector<16xf32>
          %lt3A_638 = arith.cmpf olt, %reduce_min3A_637, %reduce_max3A_634 : f32
          %convert_element_type3A_639 = arith.extui %lt3A_638 : i1 to i32
          %cond3A_640 = arith.constant 0 : i32
          %cond3A_641 = arith.constant 0 : i32
          %cond3A_642 = arith.cmpi ne, %convert_element_type3A_639, %cond3A_641 : i32
          %cond3A_643:8 = scf.if %cond3A_642 -> (vector<16xf32>, vector<16xf32>, vector<16xf32>, vector<16xf32>, vector<16xi32>, vector<16xi32>, vector<16xi32>, vector<16xi32>) {
            %masked_sort3A = arith.constant dense<true> : vector<16xi1>
            %masked_sort3A_644, %masked_sort3A_645, %masked_sort3A_646 = tpu.sort %select_n3A_631, %add3A_598 masked %masked_sort3A : (vector<16xf32>, vector<16xi32>, vector<16xi1>) -> (vector<16xi1>, vector<16xf32>, vector<16xi32>)
            %rev3A = arith.constant 15 : i32
            %rev3A_647 = vector.broadcast %rev3A : i32 to vector<16xi32>
            %rev3A_648 = tpu.iota {dimensions = array<i32: 0>} : vector<16xi32>
            %rev3A_649 = arith.subi %rev3A_647, %rev3A_648 : vector<16xi32>
            %rev3A_650 = tpu.dynamic_gather %masked_sort3A_645[%rev3A_649] in [0] : vector<16xf32>, vector<16xi32> -> vector<16xf32>
            %rev3A_651 = arith.constant 15 : i32
            %rev3A_652 = vector.broadcast %rev3A_651 : i32 to vector<16xi32>
            %rev3A_653 = tpu.iota {dimensions = array<i32: 0>} : vector<16xi32>
            %rev3A_654 = arith.subi %rev3A_652, %rev3A_653 : vector<16xi32>
            %rev3A_655 = tpu.dynamic_gather %masked_sort3A_646[%rev3A_654] in [0] : vector<16xi32>, vector<16xi32> -> vector<16xi32>
            %le3A_656 = arith.cmpf ole, %while3A_586, %rev3A_650 : vector<16xf32>
            %select_n3A_657 = arith.select %le3A_656, %while3A_586, %rev3A_650 : vector<16xi1>, vector<16xf32>
            %select_n3A_658 = arith.select %le3A_656, %while3A_590, %rev3A_655 : vector<16xi1>, vector<16xi32>
            %select_n3A_659 = arith.select %le3A_656, %rev3A_650, %while3A_586 : vector<16xi1>, vector<16xf32>
            %select_n3A_660 = arith.select %le3A_656, %rev3A_655, %while3A_590 : vector<16xi1>, vector<16xi32>
            %masked_sort3A_661 = arith.constant dense<true> : vector<16xi1>
            %masked_sort3A_662, %masked_sort3A_663, %masked_sort3A_664 = tpu.sort %select_n3A_657, %select_n3A_658 masked %masked_sort3A_661 : (vector<16xf32>, vector<16xi32>, vector<16xi1>) -> (vector<16xi1>, vector<16xf32>, vector<16xi32>)
            %masked_sort3A_665 = arith.constant dense<true> : vector<16xi1>
            %masked_sort3A_666, %masked_sort3A_667, %masked_sort3A_668 = tpu.sort %select_n3A_659, %select_n3A_660 masked %masked_sort3A_665 : (vector<16xf32>, vector<16xi32>, vector<16xi1>) -> (vector<16xi1>, vector<16xf32>, vector<16xi32>)
            %rev3A_669 = arith.constant 15 : i32
            %rev3A_670 = vector.broadcast %rev3A_669 : i32 to vector<16xi32>
            %rev3A_671 = tpu.iota {dimensions = array<i32: 0>} : vector<16xi32>
            %rev3A_672 = arith.subi %rev3A_670, %rev3A_671 : vector<16xi32>
            %rev3A_673 = tpu.dynamic_gather %masked_sort3A_667[%rev3A_672] in [0] : vector<16xf32>, vector<16xi32> -> vector<16xf32>
            %rev3A_674 = arith.constant 15 : i32
            %rev3A_675 = vector.broadcast %rev3A_674 : i32 to vector<16xi32>
            %rev3A_676 = tpu.iota {dimensions = array<i32: 0>} : vector<16xi32>
            %rev3A_677 = arith.subi %rev3A_675, %rev3A_676 : vector<16xi32>
            %rev3A_678 = tpu.dynamic_gather %masked_sort3A_668[%rev3A_677] in [0] : vector<16xi32>, vector<16xi32> -> vector<16xi32>
            %le3A_679 = arith.cmpf ole, %while3A_587, %rev3A_673 : vector<16xf32>
            %select_n3A_680 = arith.select %le3A_679, %while3A_587, %rev3A_673 : vector<16xi1>, vector<16xf32>
            %select_n3A_681 = arith.select %le3A_679, %while3A_591, %rev3A_678 : vector<16xi1>, vector<16xi32>
            %select_n3A_682 = arith.select %le3A_679, %rev3A_673, %while3A_587 : vector<16xi1>, vector<16xf32>
            %select_n3A_683 = arith.select %le3A_679, %rev3A_678, %while3A_591 : vector<16xi1>, vector<16xi32>
            %masked_sort3A_684 = arith.constant dense<true> : vector<16xi1>
            %masked_sort3A_685, %masked_sort3A_686, %masked_sort3A_687 = tpu.sort %select_n3A_680, %select_n3A_681 masked %masked_sort3A_684 : (vector<16xf32>, vector<16xi32>, vector<16xi1>) -> (vector<16xi1>, vector<16xf32>, vector<16xi32>)
            %masked_sort3A_688 = arith.constant dense<true> : vector<16xi1>
            %masked_sort3A_689, %masked_sort3A_690, %masked_sort3A_691 = tpu.sort %select_n3A_682, %select_n3A_683 masked %masked_sort3A_688 : (vector<16xf32>, vector<16xi32>, vector<16xi1>) -> (vector<16xi1>, vector<16xf32>, vector<16xi32>)
            %rev3A_692 = arith.constant 15 : i32
            %rev3A_693 = vector.broadcast %rev3A_692 : i32 to vector<16xi32>
            %rev3A_694 = tpu.iota {dimensions = array<i32: 0>} : vector<16xi32>
            %rev3A_695 = arith.subi %rev3A_693, %rev3A_694 : vector<16xi32>
            %rev3A_696 = tpu.dynamic_gather %masked_sort3A_690[%rev3A_695] in [0] : vector<16xf32>, vector<16xi32> -> vector<16xf32>
            %rev3A_697 = arith.constant 15 : i32
            %rev3A_698 = vector.broadcast %rev3A_697 : i32 to vector<16xi32>
            %rev3A_699 = tpu.iota {dimensions = array<i32: 0>} : vector<16xi32>
            %rev3A_700 = arith.subi %rev3A_698, %rev3A_699 : vector<16xi32>
            %rev3A_701 = tpu.dynamic_gather %masked_sort3A_691[%rev3A_700] in [0] : vector<16xi32>, vector<16xi32> -> vector<16xi32>
            %le3A_702 = arith.cmpf ole, %while3A_588, %rev3A_696 : vector<16xf32>
            %select_n3A_703 = arith.select %le3A_702, %while3A_588, %rev3A_696 : vector<16xi1>, vector<16xf32>
            %select_n3A_704 = arith.select %le3A_702, %while3A_592, %rev3A_701 : vector<16xi1>, vector<16xi32>
            %select_n3A_705 = arith.select %le3A_702, %rev3A_696, %while3A_588 : vector<16xi1>, vector<16xf32>
            %select_n3A_706 = arith.select %le3A_702, %rev3A_701, %while3A_592 : vector<16xi1>, vector<16xi32>
            %masked_sort3A_707 = arith.constant dense<true> : vector<16xi1>
            %masked_sort3A_708, %masked_sort3A_709, %masked_sort3A_710 = tpu.sort %select_n3A_703, %select_n3A_704 masked %masked_sort3A_707 : (vector<16xf32>, vector<16xi32>, vector<16xi1>) -> (vector<16xi1>, vector<16xf32>, vector<16xi32>)
            %masked_sort3A_711 = arith.constant dense<true> : vector<16xi1>
            %masked_sort3A_712, %masked_sort3A_713, %masked_sort3A_714 = tpu.sort %select_n3A_705, %select_n3A_706 masked %masked_sort3A_711 : (vector<16xf32>, vector<16xi32>, vector<16xi1>) -> (vector<16xi1>, vector<16xf32>, vector<16xi32>)
            %rev3A_715 = arith.constant 15 : i32
            %rev3A_716 = vector.broadcast %rev3A_715 : i32 to vector<16xi32>
            %rev3A_717 = tpu.iota {dimensions = array<i32: 0>} : vector<16xi32>
            %rev3A_718 = arith.subi %rev3A_716, %rev3A_717 : vector<16xi32>
            %rev3A_719 = tpu.dynamic_gather %masked_sort3A_713[%rev3A_718] in [0] : vector<16xf32>, vector<16xi32> -> vector<16xf32>
            %rev3A_720 = arith.constant 15 : i32
            %rev3A_721 = vector.broadcast %rev3A_720 : i32 to vector<16xi32>
            %rev3A_722 = tpu.iota {dimensions = array<i32: 0>} : vector<16xi32>
            %rev3A_723 = arith.subi %rev3A_721, %rev3A_722 : vector<16xi32>
            %rev3A_724 = tpu.dynamic_gather %masked_sort3A_714[%rev3A_723] in [0] : vector<16xi32>, vector<16xi32> -> vector<16xi32>
            %le3A_725 = arith.cmpf ole, %while3A_589, %rev3A_719 : vector<16xf32>
            %select_n3A_726 = arith.select %le3A_725, %while3A_589, %rev3A_719 : vector<16xi1>, vector<16xf32>
            %select_n3A_727 = arith.select %le3A_725, %while3A_593, %rev3A_724 : vector<16xi1>, vector<16xi32>
            %select_n3A_728 = arith.select %le3A_725, %rev3A_719, %while3A_589 : vector<16xi1>, vector<16xf32>
            %select_n3A_729 = arith.select %le3A_725, %rev3A_724, %while3A_593 : vector<16xi1>, vector<16xi32>
            %masked_sort3A_730 = arith.constant dense<true> : vector<16xi1>
            %masked_sort3A_731, %masked_sort3A_732, %masked_sort3A_733 = tpu.sort %select_n3A_726, %select_n3A_727 masked %masked_sort3A_730 : (vector<16xf32>, vector<16xi32>, vector<16xi1>) -> (vector<16xi1>, vector<16xf32>, vector<16xi32>)
            %masked_sort3A_734 = arith.constant dense<true> : vector<16xi1>
            %masked_sort3A_735, %masked_sort3A_736, %masked_sort3A_737 = tpu.sort %select_n3A_728, %select_n3A_729 masked %masked_sort3A_734 : (vector<16xf32>, vector<16xi32>, vector<16xi1>) -> (vector<16xi1>, vector<16xf32>, vector<16xi32>)
            scf.yield %masked_sort3A_663, %masked_sort3A_686, %masked_sort3A_709, %masked_sort3A_732, %masked_sort3A_664, %masked_sort3A_687, %masked_sort3A_710, %masked_sort3A_733 : vector<16xf32>, vector<16xf32>, vector<16xf32>, vector<16xf32>, vector<16xi32>, vector<16xi32>, vector<16xi32>, vector<16xi32>
          } else {
            scf.yield %while3A_586, %while3A_587, %while3A_588, %while3A_589, %while3A_590, %while3A_591, %while3A_592, %while3A_593 : vector<16xf32>, vector<16xf32>, vector<16xf32>, vector<16xf32>, vector<16xi32>, vector<16xi32>, vector<16xi32>, vector<16xi32>
          }
          scf.yield %cond3A_643#0, %cond3A_643#1, %cond3A_643#2, %cond3A_643#3, %cond3A_643#4, %cond3A_643#5, %cond3A_643#6, %cond3A_643#7 : vector<16xf32>, vector<16xf32>, vector<16xf32>, vector<16xf32>, vector<16xi32>, vector<16xi32>, vector<16xi32>, vector<16xi32>
        }
        %swap3A_576 = arith.constant 0 : index
        %swap3A_577 = tpu.vector_load %arg27[%swap3A_576] {strides = array<i32>} : memref<64xi32, #tpu.memory_space<vmem>>, vector<16xi32>,
        tpu.vector_store %arg27[%swap3A_576], %while3A_575#4 {strides = array<i32>} : memref<64xi32, #tpu.memory_space<vmem>>, vector<16xi32>,
        %swap3A_578 = arith.constant 16 : index
        %swap3A_579 = tpu.vector_load %arg27[%swap3A_578] {strides = array<i32>} : memref<64xi32, #tpu.memory_space<vmem>>, vector<16xi32>,
        tpu.vector_store %arg27[%swap3A_578], %while3A_575#5 {strides = array<i32>} : memref<64xi32, #tpu.memory_space<vmem>>, vector<16xi32>,
        %swap3A_580 = arith.constant 32 : index
        %swap3A_581 = tpu.vector_load %arg27[%swap3A_580] {strides = array<i32>} : memref<64xi32, #tpu.memory_space<vmem>>, vector<16xi32>,
        tpu.vector_store %arg27[%swap3A_580], %while3A_575#6 {strides = array<i32>} : memref<64xi32, #tpu.memory_space<vmem>>, vector<16xi32>,
        %swap3A_582 = arith.constant 48 : index
        %swap3A_583 = tpu.vector_load %arg27[%swap3A_582] {strides = array<i32>} : memref<64xi32, #tpu.memory_space<vmem>>, vector<16xi32>,
        tpu.vector_store %arg27[%swap3A_582], %while3A_575#7 {strides = array<i32>} : memref<64xi32, #tpu.memory_space<vmem>>, vector<16xi32>,
        %cond3A_584 = arith.constant 0 : i32
        scf.yield %cond3A_584 : i32
      }
      %jit3A_420 = arith.constant 32 : i32
      %eq3A_421 = arith.constant 0 : i32
      %eq3A_422 = arith.cmpi eq, %jit3A_420, %eq3A_421 : i32
      %jit3A_423 = arith.constant 1 : i32
      %select_n3A_424 = arith.select %eq3A_422, %jit3A_423, %jit3A_420 : i32
      %rem3A_425 = arith.remsi %add3A_111, %select_n3A_424 : i32
      %ne3A_426 = arith.constant 0 : i32
      %ne3A_427 = arith.cmpi ne, %rem3A_425, %ne3A_426 : i32
      %lt3A_428 = arith.constant 0 : i32
      %lt3A_429 = arith.cmpi slt, %rem3A_425, %lt3A_428 : i32
      %lt3A_430 = arith.constant 0 : i32
      %lt3A_431 = arith.cmpi slt, %select_n3A_424, %lt3A_430 : i32
      %ne3A_432 = arith.xori %lt3A_429, %lt3A_431 : i1
      %and3A_433 = arith.andi %ne3A_432, %ne3A_427 : i1
      %add3A_434 = arith.addi %rem3A_425, %select_n3A_424 : i32
      %select_n3A_435 = arith.select %and3A_433, %add3A_434, %rem3A_425 : i32
      %mul3A_436 = arith.constant 64 : i32
      %mul3A_437 = arith.muli %select_n3A_435, %mul3A_436 : i32
      %get3A_438 = arith.constant 0 : index
      %get3A_439 = tpu.vector_load %arg27[%get3A_438] {strides = array<i32>} : memref<64xi32, #tpu.memory_space<vmem>>, vector<16xi32>,
      %add3A_440 = arith.constant 0 : i32
      %add3A_441 = arith.addi %mul3A_437, %add3A_440 : i32
      %gather3A_442 = tpu.vector_load_idx %arg16[%get3A_439] : memref<10240xf32, #tpu.memory_space<vmem>>[vector<16xi32>], vector<16xf32>,
      %sub3A_443 = vector.broadcast %squeeze3A_323 : f32 to vector<16xf32>
      %sub3A_444 = arith.subf %gather3A_442, %sub3A_443 : vector<16xf32>
      %swap3A_445 = arith.index_cast %add3A_441 : i32 to index
      %swap3A_446 = tpu.vector_load %arg30[%swap3A_445] {strides = array<i32>} : memref<2048xf32, #tpu.memory_space<vmem>>, vector<16xf32>,
      tpu.vector_store %arg30[%swap3A_445], %sub3A_444 {strides = array<i32>} : memref<2048xf32, #tpu.memory_space<vmem>>, vector<16xf32>,
      %gather3A_447 = tpu.vector_load_idx %arg17[%get3A_439] : memref<10240xf32, #tpu.memory_space<vmem>>[vector<16xi32>], vector<16xf32>,
      %sub3A_448 = vector.broadcast %squeeze3A_327 : f32 to vector<16xf32>
      %sub3A_449 = arith.subf %gather3A_447, %sub3A_448 : vector<16xf32>
      %swap3A_450 = arith.index_cast %add3A_441 : i32 to index
      %swap3A_451 = tpu.vector_load %arg31[%swap3A_450] {strides = array<i32>} : memref<2048xf32, #tpu.memory_space<vmem>>, vector<16xf32>,
      tpu.vector_store %arg31[%swap3A_450], %sub3A_449 {strides = array<i32>} : memref<2048xf32, #tpu.memory_space<vmem>>, vector<16xf32>,
      %gather3A_452 = tpu.vector_load_idx %arg18[%get3A_439] : memref<10240xf32, #tpu.memory_space<vmem>>[vector<16xi32>], vector<16xf32>,
      %sub3A_453 = vector.broadcast %squeeze3A_331 : f32 to vector<16xf32>
      %sub3A_454 = arith.subf %gather3A_452, %sub3A_453 : vector<16xf32>
      %swap3A_455 = arith.index_cast %add3A_441 : i32 to index
      %swap3A_456 = tpu.vector_load %arg32[%swap3A_455] {strides = array<i32>} : memref<2048xf32, #tpu.memory_space<vmem>>, vector<16xf32>,
      tpu.vector_store %arg32[%swap3A_455], %sub3A_454 {strides = array<i32>} : memref<2048xf32, #tpu.memory_space<vmem>>, vector<16xf32>,
      %get3A_457 = arith.constant 16 : index
      %get3A_458 = tpu.vector_load %arg27[%get3A_457] {strides = array<i32>} : memref<64xi32, #tpu.memory_space<vmem>>, vector<16xi32>,
      %add3A_459 = arith.constant 16 : i32
      %add3A_460 = arith.addi %mul3A_437, %add3A_459 : i32
      %gather3A_461 = tpu.vector_load_idx %arg16[%get3A_458] : memref<10240xf32, #tpu.memory_space<vmem>>[vector<16xi32>], vector<16xf32>,
      %sub3A_462 = vector.broadcast %squeeze3A_323 : f32 to vector<16xf32>
      %sub3A_463 = arith.subf %gather3A_461, %sub3A_462 : vector<16xf32>
      %swap3A_464 = arith.index_cast %add3A_460 : i32 to index
      %swap3A_465 = tpu.vector_load %arg30[%swap3A_464] {strides = array<i32>} : memref<2048xf32, #tpu.memory_space<vmem>>, vector<16xf32>,
      tpu.vector_store %arg30[%swap3A_464], %sub3A_463 {strides = array<i32>} : memref<2048xf32, #tpu.memory_space<vmem>>, vector<16xf32>,
      %gather3A_466 = tpu.vector_load_idx %arg17[%get3A_458] : memref<10240xf32, #tpu.memory_space<vmem>>[vector<16xi32>], vector<16xf32>,
      %sub3A_467 = vector.broadcast %squeeze3A_327 : f32 to vector<16xf32>
      %sub3A_468 = arith.subf %gather3A_466, %sub3A_467 : vector<16xf32>
      %swap3A_469 = arith.index_cast %add3A_460 : i32 to index
      %swap3A_470 = tpu.vector_load %arg31[%swap3A_469] {strides = array<i32>} : memref<2048xf32, #tpu.memory_space<vmem>>, vector<16xf32>,
      tpu.vector_store %arg31[%swap3A_469], %sub3A_468 {strides = array<i32>} : memref<2048xf32, #tpu.memory_space<vmem>>, vector<16xf32>,
      %gather3A_471 = tpu.vector_load_idx %arg18[%get3A_458] : memref<10240xf32, #tpu.memory_space<vmem>>[vector<16xi32>], vector<16xf32>,
      %sub3A_472 = vector.broadcast %squeeze3A_331 : f32 to vector<16xf32>
      %sub3A_473 = arith.subf %gather3A_471, %sub3A_472 : vector<16xf32>
      %swap3A_474 = arith.index_cast %add3A_460 : i32 to index
      %swap3A_475 = tpu.vector_load %arg32[%swap3A_474] {strides = array<i32>} : memref<2048xf32, #tpu.memory_space<vmem>>, vector<16xf32>,
      tpu.vector_store %arg32[%swap3A_474], %sub3A_473 {strides = array<i32>} : memref<2048xf32, #tpu.memory_space<vmem>>, vector<16xf32>,
      %get3A_476 = arith.constant 32 : index
      %get3A_477 = tpu.vector_load %arg27[%get3A_476] {strides = array<i32>} : memref<64xi32, #tpu.memory_space<vmem>>, vector<16xi32>,
      %add3A_478 = arith.constant 32 : i32
      %add3A_479 = arith.addi %mul3A_437, %add3A_478 : i32
      %gather3A_480 = tpu.vector_load_idx %arg16[%get3A_477] : memref<10240xf32, #tpu.memory_space<vmem>>[vector<16xi32>], vector<16xf32>,
      %sub3A_481 = vector.broadcast %squeeze3A_323 : f32 to vector<16xf32>
      %sub3A_482 = arith.subf %gather3A_480, %sub3A_481 : vector<16xf32>
      %swap3A_483 = arith.index_cast %add3A_479 : i32 to index
      %swap3A_484 = tpu.vector_load %arg30[%swap3A_483] {strides = array<i32>} : memref<2048xf32, #tpu.memory_space<vmem>>, vector<16xf32>,
      tpu.vector_store %arg30[%swap3A_483], %sub3A_482 {strides = array<i32>} : memref<2048xf32, #tpu.memory_space<vmem>>, vector<16xf32>,
      %gather3A_485 = tpu.vector_load_idx %arg17[%get3A_477] : memref<10240xf32, #tpu.memory_space<vmem>>[vector<16xi32>], vector<16xf32>,
      %sub3A_486 = vector.broadcast %squeeze3A_327 : f32 to vector<16xf32>
      %sub3A_487 = arith.subf %gather3A_485, %sub3A_486 : vector<16xf32>
      %swap3A_488 = arith.index_cast %add3A_479 : i32 to index
      %swap3A_489 = tpu.vector_load %arg31[%swap3A_488] {strides = array<i32>} : memref<2048xf32, #tpu.memory_space<vmem>>, vector<16xf32>,
      tpu.vector_store %arg31[%swap3A_488], %sub3A_487 {strides = array<i32>} : memref<2048xf32, #tpu.memory_space<vmem>>, vector<16xf32>,
      %gather3A_490 = tpu.vector_load_idx %arg18[%get3A_477] : memref<10240xf32, #tpu.memory_space<vmem>>[vector<16xi32>], vector<16xf32>,
      %sub3A_491 = vector.broadcast %squeeze3A_331 : f32 to vector<16xf32>
      %sub3A_492 = arith.subf %gather3A_490, %sub3A_491 : vector<16xf32>
      %swap3A_493 = arith.index_cast %add3A_479 : i32 to index
      %swap3A_494 = tpu.vector_load %arg32[%swap3A_493] {strides = array<i32>} : memref<2048xf32, #tpu.memory_space<vmem>>, vector<16xf32>,
      tpu.vector_store %arg32[%swap3A_493], %sub3A_492 {strides = array<i32>} : memref<2048xf32, #tpu.memory_space<vmem>>, vector<16xf32>,
      %get3A_495 = arith.constant 48 : index
      %get3A_496 = tpu.vector_load %arg27[%get3A_495] {strides = array<i32>} : memref<64xi32, #tpu.memory_space<vmem>>, vector<16xi32>,
      %add3A_497 = arith.constant 48 : i32
      %add3A_498 = arith.addi %mul3A_437, %add3A_497 : i32
      %gather3A_499 = tpu.vector_load_idx %arg16[%get3A_496] : memref<10240xf32, #tpu.memory_space<vmem>>[vector<16xi32>], vector<16xf32>,
      %sub3A_500 = vector.broadcast %squeeze3A_323 : f32 to vector<16xf32>
      %sub3A_501 = arith.subf %gather3A_499, %sub3A_500 : vector<16xf32>
      %swap3A_502 = arith.index_cast %add3A_498 : i32 to index
      %swap3A_503 = tpu.vector_load %arg30[%swap3A_502] {strides = array<i32>} : memref<2048xf32, #tpu.memory_space<vmem>>, vector<16xf32>,
      tpu.vector_store %arg30[%swap3A_502], %sub3A_501 {strides = array<i32>} : memref<2048xf32, #tpu.memory_space<vmem>>, vector<16xf32>,
      %gather3A_504 = tpu.vector_load_idx %arg17[%get3A_496] : memref<10240xf32, #tpu.memory_space<vmem>>[vector<16xi32>], vector<16xf32>,
      %sub3A_505 = vector.broadcast %squeeze3A_327 : f32 to vector<16xf32>
      %sub3A_506 = arith.subf %gather3A_504, %sub3A_505 : vector<16xf32>
      %swap3A_507 = arith.index_cast %add3A_498 : i32 to index
      %swap3A_508 = tpu.vector_load %arg31[%swap3A_507] {strides = array<i32>} : memref<2048xf32, #tpu.memory_space<vmem>>, vector<16xf32>,
      tpu.vector_store %arg31[%swap3A_507], %sub3A_506 {strides = array<i32>} : memref<2048xf32, #tpu.memory_space<vmem>>, vector<16xf32>,
      %gather3A_509 = tpu.vector_load_idx %arg18[%get3A_496] : memref<10240xf32, #tpu.memory_space<vmem>>[vector<16xi32>], vector<16xf32>,
      %sub3A_510 = vector.broadcast %squeeze3A_331 : f32 to vector<16xf32>
      %sub3A_511 = arith.subf %gather3A_509, %sub3A_510 : vector<16xf32>
      %swap3A_512 = arith.index_cast %add3A_498 : i32 to index
      %swap3A_513 = tpu.vector_load %arg32[%swap3A_512] {strides = array<i32>} : memref<2048xf32, #tpu.memory_space<vmem>>, vector<16xf32>,
      tpu.vector_store %arg32[%swap3A_512], %sub3A_511 {strides = array<i32>} : memref<2048xf32, #tpu.memory_space<vmem>>, vector<16xf32>,
      %dma_start3A_514 = arith.constant 0 : i32
      %dma_start3A_515 = arith.constant 0 : i32
      %dma_start3A_516 = tpu.memref_slice %arg11[%dma_start3A_514, %dma_start3A_515] : memref<10000x128xf32, #tpu.memory_space<hbm>> -> memref<10000x128xf32, #tpu.memory_space<hbm>>
      tpu.enqueue_indirect_dma source(%dma_start3A_516 : memref<10000x128xf32, #tpu.memory_space<hbm>>) target(%arg29 : memref<64x128xf32, #tpu.memory_space<vmem>>) offsets(%arg27 : memref<64xi32, #tpu.memory_space<vmem>>) semaphore(%arg34 : memref<!tpu.dma_semaphore, #tpu.memory_space<semaphore_mem>>)
      %dma_wait3A_517 = arith.constant 0 : i32
      %dma_wait3A_518 = arith.constant 0 : i32
      %dma_wait3A_519 = tpu.memref_slice %arg11[%dma_wait3A_517, %dma_wait3A_518] : memref<10000x128xf32, #tpu.memory_space<hbm>> -> memref<10000x128xf32, #tpu.memory_space<hbm>>
      tpu.wait_indirect_dma semaphore(%arg33 : memref<!tpu.dma_semaphore, #tpu.memory_space<semaphore_mem>>) src(%dma_wait3A_519 : memref<10000x128xf32, #tpu.memory_space<hbm>>) dst(%arg28 : memref<64x128xf32, #tpu.memory_space<vmem>>)
      %add3A_520 = arith.addi %mul3A_2, %mul3A_109 : i32
      %dma_start3A_521 = arith.constant 0 : i32
      %dma_start3A_522 = arith.constant 0 : i32
      %dma_start3A_523 = tpu.memref_slice %arg12[%add3A_520, %dma_start3A_521, %dma_start3A_522] : memref<10000x64x128xf32, #tpu.memory_space<hbm>> -> memref<1x64x128xf32, #tpu.memory_space<hbm>>
      %dma_start3A_524 = tpu.memref_squeeze %dma_start3A_523 : memref<1x64x128xf32, #tpu.memory_space<hbm>> -> memref<64x128xf32, #tpu.memory_space<hbm>>
      %dma_start3A_525 = arith.constant 0 : i32
      %dma_start3A_526 = arith.constant 0 : i32
      %dma_start3A_527 = tpu.memref_slice %arg12[%add3A_520, %dma_start3A_525, %dma_start3A_526] : memref<10000x64x128xf32, #tpu.memory_space<hbm>> -> memref<1x64x128xf32, #tpu.memory_space<hbm>>
      %dma_start3A_528 = tpu.memref_squeeze %dma_start3A_527 : memref<1x64x128xf32, #tpu.memory_space<hbm>> -> memref<64x128xf32, #tpu.memory_space<hbm>>
      tpu.enqueue_dma source(%arg28 : memref<64x128xf32, #tpu.memory_space<vmem>>) target(%dma_start3A_528 : memref<64x128xf32, #tpu.memory_space<hbm>>) target_semaphore(%arg35 : memref<!tpu.dma_semaphore, #tpu.memory_space<semaphore_mem>>)
      %dma_wait3A_529 = arith.constant 0 : i32
      %dma_wait3A_530 = arith.constant 0 : i32
      %dma_wait3A_531 = tpu.memref_slice %arg11[%dma_wait3A_529, %dma_wait3A_530] : memref<10000x128xf32, #tpu.memory_space<hbm>> -> memref<10000x128xf32, #tpu.memory_space<hbm>>
      tpu.wait_indirect_dma semaphore(%arg34 : memref<!tpu.dma_semaphore, #tpu.memory_space<semaphore_mem>>) src(%dma_wait3A_531 : memref<10000x128xf32, #tpu.memory_space<hbm>>) dst(%arg29 : memref<64x128xf32, #tpu.memory_space<vmem>>)
      %add3A_532 = arith.addi %mul3A_2, %add3A_111 : i32
      %dma_start3A_533 = arith.constant 0 : i32
      %dma_start3A_534 = arith.constant 0 : i32
      %dma_start3A_535 = tpu.memref_slice %arg12[%add3A_532, %dma_start3A_533, %dma_start3A_534] : memref<10000x64x128xf32, #tpu.memory_space<hbm>> -> memref<1x64x128xf32, #tpu.memory_space<hbm>>
      %dma_start3A_536 = tpu.memref_squeeze %dma_start3A_535 : memref<1x64x128xf32, #tpu.memory_space<hbm>> -> memref<64x128xf32, #tpu.memory_space<hbm>>
      %dma_start3A_537 = arith.constant 0 : i32
      %dma_start3A_538 = arith.constant 0 : i32
      %dma_start3A_539 = tpu.memref_slice %arg12[%add3A_532, %dma_start3A_537, %dma_start3A_538] : memref<10000x64x128xf32, #tpu.memory_space<hbm>> -> memref<1x64x128xf32, #tpu.memory_space<hbm>>
      %dma_start3A_540 = tpu.memref_squeeze %dma_start3A_539 : memref<1x64x128xf32, #tpu.memory_space<hbm>> -> memref<64x128xf32, #tpu.memory_space<hbm>>
      tpu.enqueue_dma source(%arg29 : memref<64x128xf32, #tpu.memory_space<vmem>>) target(%dma_start3A_540 : memref<64x128xf32, #tpu.memory_space<hbm>>) target_semaphore(%arg35 : memref<!tpu.dma_semaphore, #tpu.memory_space<semaphore_mem>>)
      %jit3A_541 = arith.constant 16 : i32
      %eq3A_542 = arith.constant 0 : i32
      %eq3A_543 = arith.cmpi eq, %jit3A_541, %eq3A_542 : i32
      %jit3A_544 = arith.constant 1 : i32
      %select_n3A_545 = arith.select %eq3A_543, %jit3A_544, %jit3A_541 : i32
      %rem3A_546 = arith.remsi %while3A_106, %select_n3A_545 : i32
      %ne3A_547 = arith.constant 0 : i32
      %ne3A_548 = arith.cmpi ne, %rem3A_546, %ne3A_547 : i32
      %lt3A_549 = arith.constant 0 : i32
      %lt3A_550 = arith.cmpi slt, %rem3A_546, %lt3A_549 : i32
      %lt3A_551 = arith.constant 0 : i32
      %lt3A_552 = arith.cmpi slt, %select_n3A_545, %lt3A_551 : i32
      %ne3A_553 = arith.xori %lt3A_550, %lt3A_552 : i1
      %and3A_554 = arith.andi %ne3A_553, %ne3A_548 : i1
      %add3A_555 = arith.addi %rem3A_546, %select_n3A_545 : i32
      %select_n3A_556 = arith.select %and3A_554, %add3A_555, %rem3A_546 : i32
      %eq3A_557 = arith.constant 15 : i32
      %eq3A_558 = arith.cmpi eq, %select_n3A_556, %eq3A_557 : i32
      %convert_element_type3A_559 = arith.extui %eq3A_558 : i1 to i32
      %cond3A_560 = arith.constant 0 : i32
      %cond3A_561 = arith.cmpi ne, %convert_element_type3A_559, %cond3A_560 : i32
      scf.if %cond3A_561 {
        %jit3A_563 = arith.constant 16 : i32
        %div3A_564 = arith.divsi %while3A_106, %jit3A_563 : i32
        %sign3A_565 = arith.constant 0 : i32
        %sign3A_566 = arith.cmpi sgt, %while3A_106, %sign3A_565 : i32
        %sign3A_567 = arith.extui %sign3A_566 : i1 to i32
        %sign3A_568 = arith.constant 0 : i32
        %sign3A_569 = arith.cmpi slt, %while3A_106, %sign3A_568 : i32
        %sign3A_570 = arith.extui %sign3A_569 : i1 to i32
        %sign3A_571 = arith.subi %sign3A_567, %sign3A_570 : i32
        %sign3A_572 = arith.constant 0 : i32
        %sign3A_573 = arith.cmpi sgt, %jit3A_563, %sign3A_572 : i32
        %sign3A_574 = arith.extui %sign3A_573 : i1 to i32
        %sign3A_575 = arith.constant 0 : i32
        %sign3A_576 = arith.cmpi slt, %jit3A_563, %sign3A_575 : i32
        %sign3A_577 = arith.extui %sign3A_576 : i1 to i32
        %sign3A_578 = arith.subi %sign3A_574, %sign3A_577 : i32
        %ne3A_579 = arith.cmpi ne, %sign3A_571, %sign3A_578 : i32
        %rem3A_580 = arith.remsi %while3A_106, %jit3A_563 : i32
        %ne3A_581 = arith.constant 0 : i32
        %ne3A_582 = arith.cmpi ne, %rem3A_580, %ne3A_581 : i32
        %and3A_583 = arith.andi %ne3A_579, %ne3A_582 : i1
        %sub3A_584 = arith.constant 1 : i32
        %sub3A_585 = arith.subi %div3A_564, %sub3A_584 : i32
        %select_n3A_586 = arith.select %and3A_583, %sub3A_585, %div3A_564 : i32
        %mul3A_587 = arith.constant 32 : i32
        %mul3A_588 = arith.muli %select_n3A_586, %mul3A_587 : i32
        %add3A_589 = arith.addi %mul3A_2, %mul3A_588 : i32
        %mul3A_590 = arith.constant 64 : i32
        %mul3A_591 = arith.muli %add3A_589, %mul3A_590 : i32
        "tpu.region"() ({
          %run_scoped3A = tpu.sem_alloc : memref<!tpu.dma_semaphore, #tpu.memory_space<semaphore_mem>>
          %dma_start3A_592 = tpu.memref_slice %arg13[%mul3A_591] : memref<655360xf32, #tpu.memory_space<hbm>> -> memref<2048xf32, #tpu.memory_space<hbm>>
          %dma_start3A_593 = tpu.memref_slice %arg13[%mul3A_591] : memref<655360xf32, #tpu.memory_space<hbm>> -> memref<2048xf32, #tpu.memory_space<hbm>>
          tpu.enqueue_dma source(%arg30 : memref<2048xf32, #tpu.memory_space<vmem>>) target(%dma_start3A_593 : memref<2048xf32, #tpu.memory_space<hbm>>) target_semaphore(%run_scoped3A : memref<!tpu.dma_semaphore, #tpu.memory_space<semaphore_mem>>)
          %dma_wait3A_594 = tpu.memref_slice %arg13[%mul3A_591] : memref<655360xf32, #tpu.memory_space<hbm>> -> memref<2048xf32, #tpu.memory_space<hbm>>
          %dma_wait3A_595 = tpu.memref_slice %arg13[%mul3A_591] : memref<655360xf32, #tpu.memory_space<hbm>> -> memref<2048xf32, #tpu.memory_space<hbm>>
          tpu.wait_dma2 semaphore(%run_scoped3A : memref<!tpu.dma_semaphore, #tpu.memory_space<semaphore_mem>>) src(%arg30 : memref<2048xf32, #tpu.memory_space<vmem>>) dst(%dma_wait3A_595 : memref<2048xf32, #tpu.memory_space<hbm>>)
          tpu.yield
        }) : () -> ()
        "tpu.region"() ({
          %run_scoped3A = tpu.sem_alloc : memref<!tpu.dma_semaphore, #tpu.memory_space<semaphore_mem>>
          %dma_start3A_592 = tpu.memref_slice %arg14[%mul3A_591] : memref<655360xf32, #tpu.memory_space<hbm>> -> memref<2048xf32, #tpu.memory_space<hbm>>
          %dma_start3A_593 = tpu.memref_slice %arg14[%mul3A_591] : memref<655360xf32, #tpu.memory_space<hbm>> -> memref<2048xf32, #tpu.memory_space<hbm>>
          tpu.enqueue_dma source(%arg31 : memref<2048xf32, #tpu.memory_space<vmem>>) target(%dma_start3A_593 : memref<2048xf32, #tpu.memory_space<hbm>>) target_semaphore(%run_scoped3A : memref<!tpu.dma_semaphore, #tpu.memory_space<semaphore_mem>>)
          %dma_wait3A_594 = tpu.memref_slice %arg14[%mul3A_591] : memref<655360xf32, #tpu.memory_space<hbm>> -> memref<2048xf32, #tpu.memory_space<hbm>>
          %dma_wait3A_595 = tpu.memref_slice %arg14[%mul3A_591] : memref<655360xf32, #tpu.memory_space<hbm>> -> memref<2048xf32, #tpu.memory_space<hbm>>
          tpu.wait_dma2 semaphore(%run_scoped3A : memref<!tpu.dma_semaphore, #tpu.memory_space<semaphore_mem>>) src(%arg31 : memref<2048xf32, #tpu.memory_space<vmem>>) dst(%dma_wait3A_595 : memref<2048xf32, #tpu.memory_space<hbm>>)
          tpu.yield
        }) : () -> ()
        "tpu.region"() ({
          %run_scoped3A = tpu.sem_alloc : memref<!tpu.dma_semaphore, #tpu.memory_space<semaphore_mem>>
          %dma_start3A_592 = tpu.memref_slice %arg15[%mul3A_591] : memref<655360xf32, #tpu.memory_space<hbm>> -> memref<2048xf32, #tpu.memory_space<hbm>>
          %dma_start3A_593 = tpu.memref_slice %arg15[%mul3A_591] : memref<655360xf32, #tpu.memory_space<hbm>> -> memref<2048xf32, #tpu.memory_space<hbm>>
          tpu.enqueue_dma source(%arg32 : memref<2048xf32, #tpu.memory_space<vmem>>) target(%dma_start3A_593 : memref<2048xf32, #tpu.memory_space<hbm>>) target_semaphore(%run_scoped3A : memref<!tpu.dma_semaphore, #tpu.memory_space<semaphore_mem>>)
          %dma_wait3A_594 = tpu.memref_slice %arg15[%mul3A_591] : memref<655360xf32, #tpu.memory_space<hbm>> -> memref<2048xf32, #tpu.memory_space<hbm>>
          %dma_wait3A_595 = tpu.memref_slice %arg15[%mul3A_591] : memref<655360xf32, #tpu.memory_space<hbm>> -> memref<2048xf32, #tpu.memory_space<hbm>>
          tpu.wait_dma2 semaphore(%run_scoped3A : memref<!tpu.dma_semaphore, #tpu.memory_space<semaphore_mem>>) src(%arg32 : memref<2048xf32, #tpu.memory_space<vmem>>) dst(%dma_wait3A_595 : memref<2048xf32, #tpu.memory_space<hbm>>)
          tpu.yield
        }) : () -> ()
      } else {
      }
      %while3A_562 = arith.constant 0 : i32
      scf.yield %while3A_562 : i32
    }
    %while3A_32 = arith.constant 1 : i32
    %while3A_33 = scf.for %while3A_106 = %while3A_29 to %while3A_25 step %while3A_32 iter_args(%while3A_107 = %while3A_31) -> (i32)  : i32 {
      %mul3A_108 = arith.constant 2 : i32
      %mul3A_109 = arith.muli %mul3A_108, %while3A_106 : i32
      %add3A_110 = arith.constant 1 : i32
      %add3A_111 = arith.addi %mul3A_109, %add3A_110 : i32
      %add3A_112 = arith.addi %mul3A_2, %mul3A_109 : i32
      %get3A = arith.index_cast %mul3A_109 : i32 to index
      %get3A_113 = tpu.vector_load %arg23[%get3A] {strides = array<i32>} : memref<336xi32, #tpu.memory_space<vmem>>, vector<16xi32>,
      %slice3A = vector.extract_strided_slice %get3A_113 {offsets = [0], sizes = [1], strides = [1]} : vector<16xi32> to vector<1xi32>
      %squeeze3A = vector.extract %slice3A[0] : i32 from vector<1xi32>
      %get3A_114 = arith.index_cast %mul3A_109 : i32 to index
      %get3A_115 = tpu.vector_load %arg24[%get3A_114] {strides = array<i32>} : memref<336xi32, #tpu.memory_space<vmem>>, vector<16xi32>,
      %slice3A_116 = vector.extract_strided_slice %get3A_115 {offsets = [0], sizes = [1], strides = [1]} : vector<16xi32> to vector<1xi32>
      %squeeze3A_117 = vector.extract %slice3A_116[0] : i32 from vector<1xi32>
      %get3A_118 = arith.index_cast %add3A_112 : i32 to index
      %get3A_119 = tpu.vector_load %arg16[%get3A_118] {strides = array<i32>} : memref<10240xf32, #tpu.memory_space<vmem>>, vector<16xf32>,
      %slice3A_120 = vector.extract_strided_slice %get3A_119 {offsets = [0], sizes = [1], strides = [1]} : vector<16xf32> to vector<1xf32>
      %squeeze3A_121 = vector.extract %slice3A_120[0] : f32 from vector<1xf32>
      %get3A_122 = arith.index_cast %add3A_112 : i32 to index
      %get3A_123 = tpu.vector_load %arg17[%get3A_122] {strides = array<i32>} : memref<10240xf32, #tpu.memory_space<vmem>>, vector<16xf32>,
      %slice3A_124 = vector.extract_strided_slice %get3A_123 {offsets = [0], sizes = [1], strides = [1]} : vector<16xf32> to vector<1xf32>
      %squeeze3A_125 = vector.extract %slice3A_124[0] : f32 from vector<1xf32>
      %get3A_126 = arith.index_cast %add3A_112 : i32 to index
      %get3A_127 = tpu.vector_load %arg18[%get3A_126] {strides = array<i32>} : memref<10240xf32, #tpu.memory_space<vmem>>, vector<16xf32>,
      %slice3A_128 = vector.extract_strided_slice %get3A_127 {offsets = [0], sizes = [1], strides = [1]} : vector<16xf32> to vector<1xf32>
      %squeeze3A_129 = vector.extract %slice3A_128[0] : f32 from vector<1xf32>
      %get3A_130 = arith.index_cast %add3A_112 : i32 to index
      %get3A_131 = tpu.vector_load %arg22[%get3A_130] {strides = array<i32>} : memref<10240xf32, #tpu.memory_space<vmem>>, vector<16xf32>,
      %slice3A_132 = vector.extract_strided_slice %get3A_131 {offsets = [0], sizes = [1], strides = [1]} : vector<16xf32> to vector<1xf32>
      %squeeze3A_133 = vector.extract %slice3A_132[0] : f32 from vector<1xf32>
      %get3A_134 = arith.index_cast %add3A_112 : i32 to index
      %get3A_135 = tpu.vector_load %arg19[%get3A_134] {strides = array<i32>} : memref<10240xf32, #tpu.memory_space<vmem>>, vector<16xf32>,
      %slice3A_136 = vector.extract_strided_slice %get3A_135 {offsets = [0], sizes = [1], strides = [1]} : vector<16xf32> to vector<1xf32>
      %squeeze3A_137 = vector.extract %slice3A_136[0] : f32 from vector<1xf32>
      %get3A_138 = arith.index_cast %add3A_112 : i32 to index
      %get3A_139 = tpu.vector_load %arg20[%get3A_138] {strides = array<i32>} : memref<10240xf32, #tpu.memory_space<vmem>>, vector<16xf32>,
      %slice3A_140 = vector.extract_strided_slice %get3A_139 {offsets = [0], sizes = [1], strides = [1]} : vector<16xf32> to vector<1xf32>
      %squeeze3A_141 = vector.extract %slice3A_140[0] : f32 from vector<1xf32>
      %get3A_142 = arith.index_cast %add3A_112 : i32 to index
      %get3A_143 = tpu.vector_load %arg21[%get3A_142] {strides = array<i32>} : memref<10240xf32, #tpu.memory_space<vmem>>, vector<16xf32>,
      %slice3A_144 = vector.extract_strided_slice %get3A_143 {offsets = [0], sizes = [1], strides = [1]} : vector<16xf32> to vector<1xf32>
      %squeeze3A_145 = vector.extract %slice3A_144[0] : f32 from vector<1xf32>
      %jit3A_146 = arith.constant 16 : i32
      %div3A_147 = arith.divsi %squeeze3A, %jit3A_146 : i32
      %sign3A_148 = arith.constant 0 : i32
      %sign3A_149 = arith.cmpi sgt, %squeeze3A, %sign3A_148 : i32
      %sign3A_150 = arith.extui %sign3A_149 : i1 to i32
      %sign3A_151 = arith.constant 0 : i32
      %sign3A_152 = arith.cmpi slt, %squeeze3A, %sign3A_151 : i32
      %sign3A_153 = arith.extui %sign3A_152 : i1 to i32
      %sign3A_154 = arith.subi %sign3A_150, %sign3A_153 : i32
      %sign3A_155 = arith.constant 0 : i32
      %sign3A_156 = arith.cmpi sgt, %jit3A_146, %sign3A_155 : i32
      %sign3A_157 = arith.extui %sign3A_156 : i1 to i32
      %sign3A_158 = arith.constant 0 : i32
      %sign3A_159 = arith.cmpi slt, %jit3A_146, %sign3A_158 : i32
      %sign3A_160 = arith.extui %sign3A_159 : i1 to i32
      %sign3A_161 = arith.subi %sign3A_157, %sign3A_160 : i32
      %ne3A_162 = arith.cmpi ne, %sign3A_154, %sign3A_161 : i32
      %rem3A_163 = arith.remsi %squeeze3A, %jit3A_146 : i32
      %ne3A_164 = arith.constant 0 : i32
      %ne3A_165 = arith.cmpi ne, %rem3A_163, %ne3A_164 : i32
      %and3A_166 = arith.andi %ne3A_162, %ne3A_165 : i1
      %sub3A_167 = arith.constant 1 : i32
      %sub3A_168 = arith.subi %div3A_147, %sub3A_167 : i32
      %select_n3A_169 = arith.select %and3A_166, %sub3A_168, %div3A_147 : i32
      %mul3A_170 = arith.constant 16 : i32
      %mul3A_171 = arith.muli %select_n3A_169, %mul3A_170 : i32
      %sub3A_172 = arith.subi %squeeze3A_117, %mul3A_171 : i32
      %add3A_173 = arith.constant 15 : i32
      %add3A_174 = arith.addi %sub3A_172, %add3A_173 : i32
      %jit3A_175 = arith.constant 16 : i32
      %div3A_176 = arith.divsi %add3A_174, %jit3A_175 : i32
      %sign3A_177 = arith.constant 0 : i32
      %sign3A_178 = arith.cmpi sgt, %add3A_174, %sign3A_177 : i32
      %sign3A_179 = arith.extui %sign3A_178 : i1 to i32
      %sign3A_180 = arith.constant 0 : i32
      %sign3A_181 = arith.cmpi slt, %add3A_174, %sign3A_180 : i32
      %sign3A_182 = arith.extui %sign3A_181 : i1 to i32
      %sign3A_183 = arith.subi %sign3A_179, %sign3A_182 : i32
      %sign3A_184 = arith.constant 0 : i32
      %sign3A_185 = arith.cmpi sgt, %jit3A_175, %sign3A_184 : i32
      %sign3A_186 = arith.extui %sign3A_185 : i1 to i32
      %sign3A_187 = arith.constant 0 : i32
      %sign3A_188 = arith.cmpi slt, %jit3A_175, %sign3A_187 : i32
      %sign3A_189 = arith.extui %sign3A_188 : i1 to i32
      %sign3A_190 = arith.subi %sign3A_186, %sign3A_189 : i32
      %ne3A_191 = arith.cmpi ne, %sign3A_183, %sign3A_190 : i32
      %rem3A_192 = arith.remsi %add3A_174, %jit3A_175 : i32
      %ne3A_193 = arith.constant 0 : i32
      %ne3A_194 = arith.cmpi ne, %rem3A_192, %ne3A_193 : i32
      %and3A_195 = arith.andi %ne3A_191, %ne3A_194 : i1
      %sub3A_196 = arith.constant 1 : i32
      %sub3A_197 = arith.subi %div3A_176, %sub3A_196 : i32
      %select_n3A_198 = arith.select %and3A_195, %sub3A_197, %div3A_176 : i32
      %while3A_199 = arith.constant 0 : i32
      %while3A_200 = arith.constant 0 : i32
      %while3A_201 = arith.subi %select_n3A_198, %while3A_199 : i32
      %while3A_202 = arith.addi %while3A_199, %while3A_201 : i32
      %while3A_203 = arith.constant 1 : i32
      %while3A_204 = arith.divsi %while3A_201, %while3A_203 : i32
      %while3A_205 = arith.muli %while3A_204, %while3A_203 : i32
      %while3A_206 = arith.addi %while3A_199, %while3A_205 : i32
      %while3A_207 = arith.constant 1 : i32
      %while3A_208 = scf.for %while3A_563 = %while3A_199 to %while3A_206 step %while3A_207 iter_args(%while3A_564 = %while3A_200) -> (i32)  : i32 {
        %mul3A_565 = arith.constant 16 : i32
        %mul3A_566 = arith.muli %while3A_563, %mul3A_565 : i32
        %add3A_567 = arith.addi %mul3A_171, %mul3A_566 : i32
        %add3A_568 = vector.broadcast %add3A_567 : i32 to vector<16xi32>
        %add3A_569 = arith.addi %add3A_568, %iota3A : vector<16xi32>
        %ge3A = vector.broadcast %squeeze3A : i32 to vector<16xi32>
        %ge3A_570 = arith.cmpi sge, %add3A_569, %ge3A : vector<16xi32>
        %lt3A_571 = vector.broadcast %squeeze3A_117 : i32 to vector<16xi32>
        %lt3A_572 = arith.cmpi slt, %add3A_569, %lt3A_571 : vector<16xi32>
        %and3A_573 = arith.andi %ge3A_570, %lt3A_572 : vector<16xi1>
        %get3A_574 = arith.index_cast %add3A_567 : i32 to index
        %get3A_575 = tpu.vector_load %arg19[%get3A_574] {strides = array<i32>} : memref<10240xf32, #tpu.memory_space<vmem>>, vector<16xf32>,
        %get3A_576 = arith.index_cast %add3A_567 : i32 to index
        %get3A_577 = tpu.vector_load %arg20[%get3A_576] {strides = array<i32>} : memref<10240xf32, #tpu.memory_space<vmem>>, vector<16xf32>,
        %get3A_578 = arith.index_cast %add3A_567 : i32 to index
        %get3A_579 = tpu.vector_load %arg21[%get3A_578] {strides = array<i32>} : memref<10240xf32, #tpu.memory_space<vmem>>, vector<16xf32>,
        %get3A_580 = arith.index_cast %add3A_567 : i32 to index
        %get3A_581 = tpu.vector_load %arg22[%get3A_580] {strides = array<i32>} : memref<10240xf32, #tpu.memory_space<vmem>>, vector<16xf32>,
        %mul3A_582 = vector.broadcast %squeeze3A_137 : f32 to vector<16xf32>
        %mul3A_583 = arith.mulf %mul3A_582, %get3A_575 : vector<16xf32>
        %mul3A_584 = vector.broadcast %squeeze3A_141 : f32 to vector<16xf32>
        %mul3A_585 = arith.mulf %mul3A_584, %get3A_577 : vector<16xf32>
        %add3A_586 = arith.addf %mul3A_583, %mul3A_585 : vector<16xf32>
        %mul3A_587 = vector.broadcast %squeeze3A_145 : f32 to vector<16xf32>
        %mul3A_588 = arith.mulf %mul3A_587, %get3A_579 : vector<16xf32>
        %add3A_589 = arith.addf %add3A_586, %mul3A_588 : vector<16xf32>
        %add3A_590 = vector.broadcast %squeeze3A_133 : f32 to vector<16xf32>
        %add3A_591 = arith.addf %add3A_590, %get3A_581 : vector<16xf32>
        %mul3A_592 = arith.constant 2.000000e+00 : f32
        %mul3A_593 = vector.broadcast %mul3A_592 : f32 to vector<16xf32>
        %mul3A_594 = arith.mulf %mul3A_593, %add3A_589 : vector<16xf32>
        %sub3A_595 = arith.subf %add3A_591, %mul3A_594 : vector<16xf32>
        %le3A_596 = arith.constant 4.000000e-02 : f32
        %le3A_597 = vector.broadcast %le3A_596 : f32 to vector<16xf32>
        %le3A_598 = arith.cmpf ole, %sub3A_595, %le3A_597 : vector<16xf32>
        %and3A_599 = arith.andi %le3A_598, %and3A_573 : vector<16xi1>
        %min3A_600 = arith.constant 80 : i32
        %min3A_601 = arith.minsi %while3A_564, %min3A_600 : i32
        %swap3A_602 = arith.index_cast %min3A_601 : i32 to index
        %swap3A_603 = tpu.vector_load %arg25[%swap3A_602] masked %and3A_599 {strides = array<i32>} : memref<112xi32, #tpu.memory_space<vmem>>, vector<16xi32>, vector<16xi1>
        tpu.vector_store %arg25[%swap3A_602], %add3A_569 masked %and3A_599 {strides = array<i32>} : memref<112xi32, #tpu.memory_space<vmem>>, vector<16xi32>, vector<16xi1>
        %all_reduce_population_count3A = tpu.all_reduce %and3A_599 {dim = 0 : i64, kind = #tpu.reduction_kind<sum>} : vector<16xi1> -> vector<16xi32>
        %slice3A_604 = vector.extract_strided_slice %all_reduce_population_count3A {offsets = [0], sizes = [1], strides = [1]} : vector<16xi32> to vector<1xi32>
        %squeeze3A_605 = vector.extract %slice3A_604[0] : i32 from vector<1xi32>
        %add3A_606 = arith.addi %while3A_564, %squeeze3A_605 : i32
        scf.yield %add3A_606 : i32
      }
      %while3A_209 = arith.constant 1 : i32
      %while3A_210 = scf.for %while3A_563 = %while3A_206 to %while3A_202 step %while3A_209 iter_args(%while3A_564 = %while3A_208) -> (i32)  : i32 {
        %mul3A_565 = arith.constant 16 : i32
        %mul3A_566 = arith.muli %while3A_563, %mul3A_565 : i32
        %add3A_567 = arith.addi %mul3A_171, %mul3A_566 : i32
        %add3A_568 = vector.broadcast %add3A_567 : i32 to vector<16xi32>
        %add3A_569 = arith.addi %add3A_568, %iota3A : vector<16xi32>
        %ge3A = vector.broadcast %squeeze3A : i32 to vector<16xi32>
        %ge3A_570 = arith.cmpi sge, %add3A_569, %ge3A : vector<16xi32>
        %lt3A_571 = vector.broadcast %squeeze3A_117 : i32 to vector<16xi32>
        %lt3A_572 = arith.cmpi slt, %add3A_569, %lt3A_571 : vector<16xi32>
        %and3A_573 = arith.andi %ge3A_570, %lt3A_572 : vector<16xi1>
        %get3A_574 = arith.index_cast %add3A_567 : i32 to index
        %get3A_575 = tpu.vector_load %arg19[%get3A_574] {strides = array<i32>} : memref<10240xf32, #tpu.memory_space<vmem>>, vector<16xf32>,
        %get3A_576 = arith.index_cast %add3A_567 : i32 to index
        %get3A_577 = tpu.vector_load %arg20[%get3A_576] {strides = array<i32>} : memref<10240xf32, #tpu.memory_space<vmem>>, vector<16xf32>,
        %get3A_578 = arith.index_cast %add3A_567 : i32 to index
        %get3A_579 = tpu.vector_load %arg21[%get3A_578] {strides = array<i32>} : memref<10240xf32, #tpu.memory_space<vmem>>, vector<16xf32>,
        %get3A_580 = arith.index_cast %add3A_567 : i32 to index
        %get3A_581 = tpu.vector_load %arg22[%get3A_580] {strides = array<i32>} : memref<10240xf32, #tpu.memory_space<vmem>>, vector<16xf32>,
        %mul3A_582 = vector.broadcast %squeeze3A_137 : f32 to vector<16xf32>
        %mul3A_583 = arith.mulf %mul3A_582, %get3A_575 : vector<16xf32>
        %mul3A_584 = vector.broadcast %squeeze3A_141 : f32 to vector<16xf32>
        %mul3A_585 = arith.mulf %mul3A_584, %get3A_577 : vector<16xf32>
        %add3A_586 = arith.addf %mul3A_583, %mul3A_585 : vector<16xf32>
        %mul3A_587 = vector.broadcast %squeeze3A_145 : f32 to vector<16xf32>
        %mul3A_588 = arith.mulf %mul3A_587, %get3A_579 : vector<16xf32>
        %add3A_589 = arith.addf %add3A_586, %mul3A_588 : vector<16xf32>
        %add3A_590 = vector.broadcast %squeeze3A_133 : f32 to vector<16xf32>
        %add3A_591 = arith.addf %add3A_590, %get3A_581 : vector<16xf32>
        %mul3A_592 = arith.constant 2.000000e+00 : f32
        %mul3A_593 = vector.broadcast %mul3A_592 : f32 to vector<16xf32>
        %mul3A_594 = arith.mulf %mul3A_593, %add3A_589 : vector<16xf32>
        %sub3A_595 = arith.subf %add3A_591, %mul3A_594 : vector<16xf32>
        %le3A_596 = arith.constant 4.000000e-02 : f32
        %le3A_597 = vector.broadcast %le3A_596 : f32 to vector<16xf32>
        %le3A_598 = arith.cmpf ole, %sub3A_595, %le3A_597 : vector<16xf32>
        %and3A_599 = arith.andi %le3A_598, %and3A_573 : vector<16xi1>
        %min3A_600 = arith.constant 80 : i32
        %min3A_601 = arith.minsi %while3A_564, %min3A_600 : i32
        %swap3A_602 = arith.index_cast %min3A_601 : i32 to index
        %swap3A_603 = tpu.vector_load %arg25[%swap3A_602] masked %and3A_599 {strides = array<i32>} : memref<112xi32, #tpu.memory_space<vmem>>, vector<16xi32>, vector<16xi1>
        tpu.vector_store %arg25[%swap3A_602], %add3A_569 masked %and3A_599 {strides = array<i32>} : memref<112xi32, #tpu.memory_space<vmem>>, vector<16xi32>, vector<16xi1>
        %all_reduce_population_count3A = tpu.all_reduce %and3A_599 {dim = 0 : i64, kind = #tpu.reduction_kind<sum>} : vector<16xi1> -> vector<16xi32>
        %slice3A_604 = vector.extract_strided_slice %all_reduce_population_count3A {offsets = [0], sizes = [1], strides = [1]} : vector<16xi32> to vector<1xi32>
        %squeeze3A_605 = vector.extract %slice3A_604[0] : i32 from vector<1xi32>
        %add3A_606 = arith.addi %while3A_564, %squeeze3A_605 : i32
        scf.yield %add3A_606 : i32
      }
      %le3A = arith.constant 64 : i32
      %le3A_211 = arith.cmpi sle, %while3A_210, %le3A : i32
      %convert_element_type3A = arith.extui %le3A_211 : i1 to i32
      %cond3A = arith.constant 0 : i32
      %cond3A_212 = arith.constant 0 : i32
      %cond3A_213 = arith.cmpi ne, %convert_element_type3A, %cond3A_212 : i32
      %cond3A_214 = scf.if %cond3A_213 -> (i32) {
        %add3A_563 = arith.constant 0 : i32
        %add3A_564 = vector.broadcast %add3A_563 : i32 to vector<16xi32>
        %add3A_565 = arith.addi %add3A_564, %iota3A : vector<16xi32>
        %get3A_566 = arith.constant 0 : index
        %get3A_567 = tpu.vector_load %arg25[%get3A_566] {strides = array<i32>} : memref<112xi32, #tpu.memory_space<vmem>>, vector<16xi32>,
        %lt3A_568 = vector.broadcast %while3A_210 : i32 to vector<16xi32>
        %lt3A_569 = arith.cmpi slt, %add3A_565, %lt3A_568 : vector<16xi32>
        %broadcast_in_dim3A = vector.broadcast %add3A_112 : i32 to vector<16xi32>
        %select_n3A_570 = arith.select %lt3A_569, %get3A_567, %broadcast_in_dim3A : vector<16xi1>, vector<16xi32>
        %swap3A_571 = arith.constant 0 : index
        %swap3A_572 = tpu.vector_load %arg26[%swap3A_571] {strides = array<i32>} : memref<64xi32, #tpu.memory_space<vmem>>, vector<16xi32>,
        tpu.vector_store %arg26[%swap3A_571], %select_n3A_570 {strides = array<i32>} : memref<64xi32, #tpu.memory_space<vmem>>, vector<16xi32>,
        %add3A_573 = arith.constant 16 : i32
        %add3A_574 = vector.broadcast %add3A_573 : i32 to vector<16xi32>
        %add3A_575 = arith.addi %add3A_574, %iota3A : vector<16xi32>
        %get3A_576 = arith.constant 16 : index
        %get3A_577 = tpu.vector_load %arg25[%get3A_576] {strides = array<i32>} : memref<112xi32, #tpu.memory_space<vmem>>, vector<16xi32>,
        %lt3A_578 = vector.broadcast %while3A_210 : i32 to vector<16xi32>
        %lt3A_579 = arith.cmpi slt, %add3A_575, %lt3A_578 : vector<16xi32>
        %broadcast_in_dim3A_580 = vector.broadcast %add3A_112 : i32 to vector<16xi32>
        %select_n3A_581 = arith.select %lt3A_579, %get3A_577, %broadcast_in_dim3A_580 : vector<16xi1>, vector<16xi32>
        %swap3A_582 = arith.constant 16 : index
        %swap3A_583 = tpu.vector_load %arg26[%swap3A_582] {strides = array<i32>} : memref<64xi32, #tpu.memory_space<vmem>>, vector<16xi32>,
        tpu.vector_store %arg26[%swap3A_582], %select_n3A_581 {strides = array<i32>} : memref<64xi32, #tpu.memory_space<vmem>>, vector<16xi32>,
        %add3A_584 = arith.constant 32 : i32
        %add3A_585 = vector.broadcast %add3A_584 : i32 to vector<16xi32>
        %add3A_586 = arith.addi %add3A_585, %iota3A : vector<16xi32>
        %get3A_587 = arith.constant 32 : index
        %get3A_588 = tpu.vector_load %arg25[%get3A_587] {strides = array<i32>} : memref<112xi32, #tpu.memory_space<vmem>>, vector<16xi32>,
        %lt3A_589 = vector.broadcast %while3A_210 : i32 to vector<16xi32>
        %lt3A_590 = arith.cmpi slt, %add3A_586, %lt3A_589 : vector<16xi32>
        %broadcast_in_dim3A_591 = vector.broadcast %add3A_112 : i32 to vector<16xi32>
        %select_n3A_592 = arith.select %lt3A_590, %get3A_588, %broadcast_in_dim3A_591 : vector<16xi1>, vector<16xi32>
        %swap3A_593 = arith.constant 32 : index
        %swap3A_594 = tpu.vector_load %arg26[%swap3A_593] {strides = array<i32>} : memref<64xi32, #tpu.memory_space<vmem>>, vector<16xi32>,
        tpu.vector_store %arg26[%swap3A_593], %select_n3A_592 {strides = array<i32>} : memref<64xi32, #tpu.memory_space<vmem>>, vector<16xi32>,
        %add3A_595 = arith.constant 48 : i32
        %add3A_596 = vector.broadcast %add3A_595 : i32 to vector<16xi32>
        %add3A_597 = arith.addi %add3A_596, %iota3A : vector<16xi32>
        %get3A_598 = arith.constant 48 : index
        %get3A_599 = tpu.vector_load %arg25[%get3A_598] {strides = array<i32>} : memref<112xi32, #tpu.memory_space<vmem>>, vector<16xi32>,
        %lt3A_600 = vector.broadcast %while3A_210 : i32 to vector<16xi32>
        %lt3A_601 = arith.cmpi slt, %add3A_597, %lt3A_600 : vector<16xi32>
        %broadcast_in_dim3A_602 = vector.broadcast %add3A_112 : i32 to vector<16xi32>
        %select_n3A_603 = arith.select %lt3A_601, %get3A_599, %broadcast_in_dim3A_602 : vector<16xi1>, vector<16xi32>
        %swap3A_604 = arith.constant 48 : index
        %swap3A_605 = tpu.vector_load %arg26[%swap3A_604] {strides = array<i32>} : memref<64xi32, #tpu.memory_space<vmem>>, vector<16xi32>,
        tpu.vector_store %arg26[%swap3A_604], %select_n3A_603 {strides = array<i32>} : memref<64xi32, #tpu.memory_space<vmem>>, vector<16xi32>,
        %cond3A_606 = arith.constant 0 : i32
        scf.yield %cond3A_606 : i32
      } else {
        %broadcast_in_dim3A = arith.constant 0x7F800000 : f32
        %broadcast_in_dim3A_563 = vector.broadcast %broadcast_in_dim3A : f32 to vector<16xf32>
        %broadcast_in_dim3A_564 = vector.broadcast %add3A_112 : i32 to vector<16xi32>
        %while3A_565 = arith.constant 0 : i32
        %while3A_566 = arith.subi %select_n3A_198, %while3A_565 : i32
        %while3A_567 = arith.addi %while3A_565, %while3A_566 : i32
        %while3A_568 = arith.constant 1 : i32
        %while3A_569 = arith.divsi %while3A_566, %while3A_568 : i32
        %while3A_570 = arith.muli %while3A_569, %while3A_568 : i32
        %while3A_571 = arith.addi %while3A_565, %while3A_570 : i32
        %while3A_572 = arith.constant 1 : i32
        %while3A_573:8 = scf.for %while3A_585 = %while3A_565 to %while3A_571 step %while3A_572 iter_args(%while3A_586 = %broadcast_in_dim3A_563, %while3A_587 = %broadcast_in_dim3A_563, %while3A_588 = %broadcast_in_dim3A_563, %while3A_589 = %broadcast_in_dim3A_563, %while3A_590 = %broadcast_in_dim3A_564, %while3A_591 = %broadcast_in_dim3A_564, %while3A_592 = %broadcast_in_dim3A_564, %while3A_593 = %broadcast_in_dim3A_564) -> (vector<16xf32>, vector<16xf32>, vector<16xf32>, vector<16xf32>, vector<16xi32>, vector<16xi32>, vector<16xi32>, vector<16xi32>)  : i32 {
          %mul3A_594 = arith.constant 16 : i32
          %mul3A_595 = arith.muli %while3A_585, %mul3A_594 : i32
          %add3A_596 = arith.addi %mul3A_171, %mul3A_595 : i32
          %add3A_597 = vector.broadcast %add3A_596 : i32 to vector<16xi32>
          %add3A_598 = arith.addi %add3A_597, %iota3A : vector<16xi32>
          %ge3A = vector.broadcast %squeeze3A : i32 to vector<16xi32>
          %ge3A_599 = arith.cmpi sge, %add3A_598, %ge3A : vector<16xi32>
          %lt3A_600 = vector.broadcast %squeeze3A_117 : i32 to vector<16xi32>
          %lt3A_601 = arith.cmpi slt, %add3A_598, %lt3A_600 : vector<16xi32>
          %and3A_602 = arith.andi %ge3A_599, %lt3A_601 : vector<16xi1>
          %get3A_603 = arith.index_cast %add3A_596 : i32 to index
          %get3A_604 = tpu.vector_load %arg19[%get3A_603] {strides = array<i32>} : memref<10240xf32, #tpu.memory_space<vmem>>, vector<16xf32>,
          %get3A_605 = arith.index_cast %add3A_596 : i32 to index
          %get3A_606 = tpu.vector_load %arg20[%get3A_605] {strides = array<i32>} : memref<10240xf32, #tpu.memory_space<vmem>>, vector<16xf32>,
          %get3A_607 = arith.index_cast %add3A_596 : i32 to index
          %get3A_608 = tpu.vector_load %arg21[%get3A_607] {strides = array<i32>} : memref<10240xf32, #tpu.memory_space<vmem>>, vector<16xf32>,
          %get3A_609 = arith.index_cast %add3A_596 : i32 to index
          %get3A_610 = tpu.vector_load %arg22[%get3A_609] {strides = array<i32>} : memref<10240xf32, #tpu.memory_space<vmem>>, vector<16xf32>,
          %mul3A_611 = vector.broadcast %squeeze3A_137 : f32 to vector<16xf32>
          %mul3A_612 = arith.mulf %mul3A_611, %get3A_604 : vector<16xf32>
          %mul3A_613 = vector.broadcast %squeeze3A_141 : f32 to vector<16xf32>
          %mul3A_614 = arith.mulf %mul3A_613, %get3A_606 : vector<16xf32>
          %add3A_615 = arith.addf %mul3A_612, %mul3A_614 : vector<16xf32>
          %mul3A_616 = vector.broadcast %squeeze3A_145 : f32 to vector<16xf32>
          %mul3A_617 = arith.mulf %mul3A_616, %get3A_608 : vector<16xf32>
          %add3A_618 = arith.addf %add3A_615, %mul3A_617 : vector<16xf32>
          %add3A_619 = vector.broadcast %squeeze3A_133 : f32 to vector<16xf32>
          %add3A_620 = arith.addf %add3A_619, %get3A_610 : vector<16xf32>
          %mul3A_621 = arith.constant 2.000000e+00 : f32
          %mul3A_622 = vector.broadcast %mul3A_621 : f32 to vector<16xf32>
          %mul3A_623 = arith.mulf %mul3A_622, %add3A_618 : vector<16xf32>
          %sub3A_624 = arith.subf %add3A_620, %mul3A_623 : vector<16xf32>
          %le3A_625 = arith.constant 4.000000e-02 : f32
          %le3A_626 = vector.broadcast %le3A_625 : f32 to vector<16xf32>
          %le3A_627 = arith.cmpf ole, %sub3A_624, %le3A_626 : vector<16xf32>
          %and3A_628 = arith.andi %le3A_627, %and3A_602 : vector<16xi1>
          %jit3A_629 = arith.constant 0x7F800000 : f32
          %broadcast_in_dim3A_630 = vector.broadcast %jit3A_629 : f32 to vector<16xf32>
          %select_n3A_631 = arith.select %and3A_628, %sub3A_624, %broadcast_in_dim3A_630 : vector<16xi1>, vector<16xf32>
          %reduce_max3A = arith.constant true
          %reduce_max3A_632 = vector.broadcast %reduce_max3A : i1 to vector<16xi1>
          %reduce_max3A_633 = tpu.scan <max>, %while3A_589 masked %reduce_max3A_632 : vector<16xf32>, vector<16xi1> -> vector<16xf32>
          %reduce_max3A_634 = vector.extract %reduce_max3A_633[15] : f32 from vector<16xf32>
          %reduce_min3A = arith.constant true
          %reduce_min3A_635 = vector.broadcast %reduce_min3A : i1 to vector<16xi1>
          %reduce_min3A_636 = tpu.scan <min>, %select_n3A_631 masked %reduce_min3A_635 : vector<16xf32>, vector<16xi1> -> vector<16xf32>
          %reduce_min3A_637 = vector.extract %reduce_min3A_636[15] : f32 from vector<16xf32>
          %lt3A_638 = arith.cmpf olt, %reduce_min3A_637, %reduce_max3A_634 : f32
          %convert_element_type3A_639 = arith.extui %lt3A_638 : i1 to i32
          %cond3A_640 = arith.constant 0 : i32
          %cond3A_641 = arith.constant 0 : i32
          %cond3A_642 = arith.cmpi ne, %convert_element_type3A_639, %cond3A_641 : i32
          %cond3A_643:8 = scf.if %cond3A_642 -> (vector<16xf32>, vector<16xf32>, vector<16xf32>, vector<16xf32>, vector<16xi32>, vector<16xi32>, vector<16xi32>, vector<16xi32>) {
            %masked_sort3A = arith.constant dense<true> : vector<16xi1>
            %masked_sort3A_644, %masked_sort3A_645, %masked_sort3A_646 = tpu.sort %select_n3A_631, %add3A_598 masked %masked_sort3A : (vector<16xf32>, vector<16xi32>, vector<16xi1>) -> (vector<16xi1>, vector<16xf32>, vector<16xi32>)
            %rev3A = arith.constant 15 : i32
            %rev3A_647 = vector.broadcast %rev3A : i32 to vector<16xi32>
            %rev3A_648 = tpu.iota {dimensions = array<i32: 0>} : vector<16xi32>
            %rev3A_649 = arith.subi %rev3A_647, %rev3A_648 : vector<16xi32>
            %rev3A_650 = tpu.dynamic_gather %masked_sort3A_645[%rev3A_649] in [0] : vector<16xf32>, vector<16xi32> -> vector<16xf32>
            %rev3A_651 = arith.constant 15 : i32
            %rev3A_652 = vector.broadcast %rev3A_651 : i32 to vector<16xi32>
            %rev3A_653 = tpu.iota {dimensions = array<i32: 0>} : vector<16xi32>
            %rev3A_654 = arith.subi %rev3A_652, %rev3A_653 : vector<16xi32>
            %rev3A_655 = tpu.dynamic_gather %masked_sort3A_646[%rev3A_654] in [0] : vector<16xi32>, vector<16xi32> -> vector<16xi32>
            %le3A_656 = arith.cmpf ole, %while3A_586, %rev3A_650 : vector<16xf32>
            %select_n3A_657 = arith.select %le3A_656, %while3A_586, %rev3A_650 : vector<16xi1>, vector<16xf32>
            %select_n3A_658 = arith.select %le3A_656, %while3A_590, %rev3A_655 : vector<16xi1>, vector<16xi32>
            %select_n3A_659 = arith.select %le3A_656, %rev3A_650, %while3A_586 : vector<16xi1>, vector<16xf32>
            %select_n3A_660 = arith.select %le3A_656, %rev3A_655, %while3A_590 : vector<16xi1>, vector<16xi32>
            %masked_sort3A_661 = arith.constant dense<true> : vector<16xi1>
            %masked_sort3A_662, %masked_sort3A_663, %masked_sort3A_664 = tpu.sort %select_n3A_657, %select_n3A_658 masked %masked_sort3A_661 : (vector<16xf32>, vector<16xi32>, vector<16xi1>) -> (vector<16xi1>, vector<16xf32>, vector<16xi32>)
            %masked_sort3A_665 = arith.constant dense<true> : vector<16xi1>
            %masked_sort3A_666, %masked_sort3A_667, %masked_sort3A_668 = tpu.sort %select_n3A_659, %select_n3A_660 masked %masked_sort3A_665 : (vector<16xf32>, vector<16xi32>, vector<16xi1>) -> (vector<16xi1>, vector<16xf32>, vector<16xi32>)
            %rev3A_669 = arith.constant 15 : i32
            %rev3A_670 = vector.broadcast %rev3A_669 : i32 to vector<16xi32>
            %rev3A_671 = tpu.iota {dimensions = array<i32: 0>} : vector<16xi32>
            %rev3A_672 = arith.subi %rev3A_670, %rev3A_671 : vector<16xi32>
            %rev3A_673 = tpu.dynamic_gather %masked_sort3A_667[%rev3A_672] in [0] : vector<16xf32>, vector<16xi32> -> vector<16xf32>
            %rev3A_674 = arith.constant 15 : i32
            %rev3A_675 = vector.broadcast %rev3A_674 : i32 to vector<16xi32>
            %rev3A_676 = tpu.iota {dimensions = array<i32: 0>} : vector<16xi32>
            %rev3A_677 = arith.subi %rev3A_675, %rev3A_676 : vector<16xi32>
            %rev3A_678 = tpu.dynamic_gather %masked_sort3A_668[%rev3A_677] in [0] : vector<16xi32>, vector<16xi32> -> vector<16xi32>
            %le3A_679 = arith.cmpf ole, %while3A_587, %rev3A_673 : vector<16xf32>
            %select_n3A_680 = arith.select %le3A_679, %while3A_587, %rev3A_673 : vector<16xi1>, vector<16xf32>
            %select_n3A_681 = arith.select %le3A_679, %while3A_591, %rev3A_678 : vector<16xi1>, vector<16xi32>
            %select_n3A_682 = arith.select %le3A_679, %rev3A_673, %while3A_587 : vector<16xi1>, vector<16xf32>
            %select_n3A_683 = arith.select %le3A_679, %rev3A_678, %while3A_591 : vector<16xi1>, vector<16xi32>
            %masked_sort3A_684 = arith.constant dense<true> : vector<16xi1>
            %masked_sort3A_685, %masked_sort3A_686, %masked_sort3A_687 = tpu.sort %select_n3A_680, %select_n3A_681 masked %masked_sort3A_684 : (vector<16xf32>, vector<16xi32>, vector<16xi1>) -> (vector<16xi1>, vector<16xf32>, vector<16xi32>)
            %masked_sort3A_688 = arith.constant dense<true> : vector<16xi1>
            %masked_sort3A_689, %masked_sort3A_690, %masked_sort3A_691 = tpu.sort %select_n3A_682, %select_n3A_683 masked %masked_sort3A_688 : (vector<16xf32>, vector<16xi32>, vector<16xi1>) -> (vector<16xi1>, vector<16xf32>, vector<16xi32>)
            %rev3A_692 = arith.constant 15 : i32
            %rev3A_693 = vector.broadcast %rev3A_692 : i32 to vector<16xi32>
            %rev3A_694 = tpu.iota {dimensions = array<i32: 0>} : vector<16xi32>
            %rev3A_695 = arith.subi %rev3A_693, %rev3A_694 : vector<16xi32>
            %rev3A_696 = tpu.dynamic_gather %masked_sort3A_690[%rev3A_695] in [0] : vector<16xf32>, vector<16xi32> -> vector<16xf32>
            %rev3A_697 = arith.constant 15 : i32
            %rev3A_698 = vector.broadcast %rev3A_697 : i32 to vector<16xi32>
            %rev3A_699 = tpu.iota {dimensions = array<i32: 0>} : vector<16xi32>
            %rev3A_700 = arith.subi %rev3A_698, %rev3A_699 : vector<16xi32>
            %rev3A_701 = tpu.dynamic_gather %masked_sort3A_691[%rev3A_700] in [0] : vector<16xi32>, vector<16xi32> -> vector<16xi32>
            %le3A_702 = arith.cmpf ole, %while3A_588, %rev3A_696 : vector<16xf32>
            %select_n3A_703 = arith.select %le3A_702, %while3A_588, %rev3A_696 : vector<16xi1>, vector<16xf32>
            %select_n3A_704 = arith.select %le3A_702, %while3A_592, %rev3A_701 : vector<16xi1>, vector<16xi32>
            %select_n3A_705 = arith.select %le3A_702, %rev3A_696, %while3A_588 : vector<16xi1>, vector<16xf32>
            %select_n3A_706 = arith.select %le3A_702, %rev3A_701, %while3A_592 : vector<16xi1>, vector<16xi32>
            %masked_sort3A_707 = arith.constant dense<true> : vector<16xi1>
            %masked_sort3A_708, %masked_sort3A_709, %masked_sort3A_710 = tpu.sort %select_n3A_703, %select_n3A_704 masked %masked_sort3A_707 : (vector<16xf32>, vector<16xi32>, vector<16xi1>) -> (vector<16xi1>, vector<16xf32>, vector<16xi32>)
            %masked_sort3A_711 = arith.constant dense<true> : vector<16xi1>
            %masked_sort3A_712, %masked_sort3A_713, %masked_sort3A_714 = tpu.sort %select_n3A_705, %select_n3A_706 masked %masked_sort3A_711 : (vector<16xf32>, vector<16xi32>, vector<16xi1>) -> (vector<16xi1>, vector<16xf32>, vector<16xi32>)
            %rev3A_715 = arith.constant 15 : i32
            %rev3A_716 = vector.broadcast %rev3A_715 : i32 to vector<16xi32>
            %rev3A_717 = tpu.iota {dimensions = array<i32: 0>} : vector<16xi32>
            %rev3A_718 = arith.subi %rev3A_716, %rev3A_717 : vector<16xi32>
            %rev3A_719 = tpu.dynamic_gather %masked_sort3A_713[%rev3A_718] in [0] : vector<16xf32>, vector<16xi32> -> vector<16xf32>
            %rev3A_720 = arith.constant 15 : i32
            %rev3A_721 = vector.broadcast %rev3A_720 : i32 to vector<16xi32>
            %rev3A_722 = tpu.iota {dimensions = array<i32: 0>} : vector<16xi32>
            %rev3A_723 = arith.subi %rev3A_721, %rev3A_722 : vector<16xi32>
            %rev3A_724 = tpu.dynamic_gather %masked_sort3A_714[%rev3A_723] in [0] : vector<16xi32>, vector<16xi32> -> vector<16xi32>
            %le3A_725 = arith.cmpf ole, %while3A_589, %rev3A_719 : vector<16xf32>
            %select_n3A_726 = arith.select %le3A_725, %while3A_589, %rev3A_719 : vector<16xi1>, vector<16xf32>
            %select_n3A_727 = arith.select %le3A_725, %while3A_593, %rev3A_724 : vector<16xi1>, vector<16xi32>
            %select_n3A_728 = arith.select %le3A_725, %rev3A_719, %while3A_589 : vector<16xi1>, vector<16xf32>
            %select_n3A_729 = arith.select %le3A_725, %rev3A_724, %while3A_593 : vector<16xi1>, vector<16xi32>
            %masked_sort3A_730 = arith.constant dense<true> : vector<16xi1>
            %masked_sort3A_731, %masked_sort3A_732, %masked_sort3A_733 = tpu.sort %select_n3A_726, %select_n3A_727 masked %masked_sort3A_730 : (vector<16xf32>, vector<16xi32>, vector<16xi1>) -> (vector<16xi1>, vector<16xf32>, vector<16xi32>)
            %masked_sort3A_734 = arith.constant dense<true> : vector<16xi1>
            %masked_sort3A_735, %masked_sort3A_736, %masked_sort3A_737 = tpu.sort %select_n3A_728, %select_n3A_729 masked %masked_sort3A_734 : (vector<16xf32>, vector<16xi32>, vector<16xi1>) -> (vector<16xi1>, vector<16xf32>, vector<16xi32>)
            scf.yield %masked_sort3A_663, %masked_sort3A_686, %masked_sort3A_709, %masked_sort3A_732, %masked_sort3A_664, %masked_sort3A_687, %masked_sort3A_710, %masked_sort3A_733 : vector<16xf32>, vector<16xf32>, vector<16xf32>, vector<16xf32>, vector<16xi32>, vector<16xi32>, vector<16xi32>, vector<16xi32>
          } else {
            scf.yield %while3A_586, %while3A_587, %while3A_588, %while3A_589, %while3A_590, %while3A_591, %while3A_592, %while3A_593 : vector<16xf32>, vector<16xf32>, vector<16xf32>, vector<16xf32>, vector<16xi32>, vector<16xi32>, vector<16xi32>, vector<16xi32>
          }
          scf.yield %cond3A_643#0, %cond3A_643#1, %cond3A_643#2, %cond3A_643#3, %cond3A_643#4, %cond3A_643#5, %cond3A_643#6, %cond3A_643#7 : vector<16xf32>, vector<16xf32>, vector<16xf32>, vector<16xf32>, vector<16xi32>, vector<16xi32>, vector<16xi32>, vector<16xi32>
        }
        %while3A_574 = arith.constant 1 : i32
        %while3A_575:8 = scf.for %while3A_585 = %while3A_571 to %while3A_567 step %while3A_574 iter_args(%while3A_586 = %while3A_573#0, %while3A_587 = %while3A_573#1, %while3A_588 = %while3A_573#2, %while3A_589 = %while3A_573#3, %while3A_590 = %while3A_573#4, %while3A_591 = %while3A_573#5, %while3A_592 = %while3A_573#6, %while3A_593 = %while3A_573#7) -> (vector<16xf32>, vector<16xf32>, vector<16xf32>, vector<16xf32>, vector<16xi32>, vector<16xi32>, vector<16xi32>, vector<16xi32>)  : i32 {
          %mul3A_594 = arith.constant 16 : i32
          %mul3A_595 = arith.muli %while3A_585, %mul3A_594 : i32
          %add3A_596 = arith.addi %mul3A_171, %mul3A_595 : i32
          %add3A_597 = vector.broadcast %add3A_596 : i32 to vector<16xi32>
          %add3A_598 = arith.addi %add3A_597, %iota3A : vector<16xi32>
          %ge3A = vector.broadcast %squeeze3A : i32 to vector<16xi32>
          %ge3A_599 = arith.cmpi sge, %add3A_598, %ge3A : vector<16xi32>
          %lt3A_600 = vector.broadcast %squeeze3A_117 : i32 to vector<16xi32>
          %lt3A_601 = arith.cmpi slt, %add3A_598, %lt3A_600 : vector<16xi32>
          %and3A_602 = arith.andi %ge3A_599, %lt3A_601 : vector<16xi1>
          %get3A_603 = arith.index_cast %add3A_596 : i32 to index
          %get3A_604 = tpu.vector_load %arg19[%get3A_603] {strides = array<i32>} : memref<10240xf32, #tpu.memory_space<vmem>>, vector<16xf32>,
          %get3A_605 = arith.index_cast %add3A_596 : i32 to index
          %get3A_606 = tpu.vector_load %arg20[%get3A_605] {strides = array<i32>} : memref<10240xf32, #tpu.memory_space<vmem>>, vector<16xf32>,
          %get3A_607 = arith.index_cast %add3A_596 : i32 to index
          %get3A_608 = tpu.vector_load %arg21[%get3A_607] {strides = array<i32>} : memref<10240xf32, #tpu.memory_space<vmem>>, vector<16xf32>,
          %get3A_609 = arith.index_cast %add3A_596 : i32 to index
          %get3A_610 = tpu.vector_load %arg22[%get3A_609] {strides = array<i32>} : memref<10240xf32, #tpu.memory_space<vmem>>, vector<16xf32>,
          %mul3A_611 = vector.broadcast %squeeze3A_137 : f32 to vector<16xf32>
          %mul3A_612 = arith.mulf %mul3A_611, %get3A_604 : vector<16xf32>
          %mul3A_613 = vector.broadcast %squeeze3A_141 : f32 to vector<16xf32>
          %mul3A_614 = arith.mulf %mul3A_613, %get3A_606 : vector<16xf32>
          %add3A_615 = arith.addf %mul3A_612, %mul3A_614 : vector<16xf32>
          %mul3A_616 = vector.broadcast %squeeze3A_145 : f32 to vector<16xf32>
          %mul3A_617 = arith.mulf %mul3A_616, %get3A_608 : vector<16xf32>
          %add3A_618 = arith.addf %add3A_615, %mul3A_617 : vector<16xf32>
          %add3A_619 = vector.broadcast %squeeze3A_133 : f32 to vector<16xf32>
          %add3A_620 = arith.addf %add3A_619, %get3A_610 : vector<16xf32>
          %mul3A_621 = arith.constant 2.000000e+00 : f32
          %mul3A_622 = vector.broadcast %mul3A_621 : f32 to vector<16xf32>
          %mul3A_623 = arith.mulf %mul3A_622, %add3A_618 : vector<16xf32>
          %sub3A_624 = arith.subf %add3A_620, %mul3A_623 : vector<16xf32>
          %le3A_625 = arith.constant 4.000000e-02 : f32
          %le3A_626 = vector.broadcast %le3A_625 : f32 to vector<16xf32>
          %le3A_627 = arith.cmpf ole, %sub3A_624, %le3A_626 : vector<16xf32>
          %and3A_628 = arith.andi %le3A_627, %and3A_602 : vector<16xi1>
          %jit3A_629 = arith.constant 0x7F800000 : f32
          %broadcast_in_dim3A_630 = vector.broadcast %jit3A_629 : f32 to vector<16xf32>
          %select_n3A_631 = arith.select %and3A_628, %sub3A_624, %broadcast_in_dim3A_630 : vector<16xi1>, vector<16xf32>
          %reduce_max3A = arith.constant true
          %reduce_max3A_632 = vector.broadcast %reduce_max3A : i1 to vector<16xi1>
          %reduce_max3A_633 = tpu.scan <max>, %while3A_589 masked %reduce_max3A_632 : vector<16xf32>, vector<16xi1> -> vector<16xf32>
          %reduce_max3A_634 = vector.extract %reduce_max3A_633[15] : f32 from vector<16xf32>
          %reduce_min3A = arith.constant true
          %reduce_min3A_635 = vector.broadcast %reduce_min3A : i1 to vector<16xi1>
          %reduce_min3A_636 = tpu.scan <min>, %select_n3A_631 masked %reduce_min3A_635 : vector<16xf32>, vector<16xi1> -> vector<16xf32>
          %reduce_min3A_637 = vector.extract %reduce_min3A_636[15] : f32 from vector<16xf32>
          %lt3A_638 = arith.cmpf olt, %reduce_min3A_637, %reduce_max3A_634 : f32
          %convert_element_type3A_639 = arith.extui %lt3A_638 : i1 to i32
          %cond3A_640 = arith.constant 0 : i32
          %cond3A_641 = arith.constant 0 : i32
          %cond3A_642 = arith.cmpi ne, %convert_element_type3A_639, %cond3A_641 : i32
          %cond3A_643:8 = scf.if %cond3A_642 -> (vector<16xf32>, vector<16xf32>, vector<16xf32>, vector<16xf32>, vector<16xi32>, vector<16xi32>, vector<16xi32>, vector<16xi32>) {
            %masked_sort3A = arith.constant dense<true> : vector<16xi1>
            %masked_sort3A_644, %masked_sort3A_645, %masked_sort3A_646 = tpu.sort %select_n3A_631, %add3A_598 masked %masked_sort3A : (vector<16xf32>, vector<16xi32>, vector<16xi1>) -> (vector<16xi1>, vector<16xf32>, vector<16xi32>)
            %rev3A = arith.constant 15 : i32
            %rev3A_647 = vector.broadcast %rev3A : i32 to vector<16xi32>
            %rev3A_648 = tpu.iota {dimensions = array<i32: 0>} : vector<16xi32>
            %rev3A_649 = arith.subi %rev3A_647, %rev3A_648 : vector<16xi32>
            %rev3A_650 = tpu.dynamic_gather %masked_sort3A_645[%rev3A_649] in [0] : vector<16xf32>, vector<16xi32> -> vector<16xf32>
            %rev3A_651 = arith.constant 15 : i32
            %rev3A_652 = vector.broadcast %rev3A_651 : i32 to vector<16xi32>
            %rev3A_653 = tpu.iota {dimensions = array<i32: 0>} : vector<16xi32>
            %rev3A_654 = arith.subi %rev3A_652, %rev3A_653 : vector<16xi32>
            %rev3A_655 = tpu.dynamic_gather %masked_sort3A_646[%rev3A_654] in [0] : vector<16xi32>, vector<16xi32> -> vector<16xi32>
            %le3A_656 = arith.cmpf ole, %while3A_586, %rev3A_650 : vector<16xf32>
            %select_n3A_657 = arith.select %le3A_656, %while3A_586, %rev3A_650 : vector<16xi1>, vector<16xf32>
            %select_n3A_658 = arith.select %le3A_656, %while3A_590, %rev3A_655 : vector<16xi1>, vector<16xi32>
            %select_n3A_659 = arith.select %le3A_656, %rev3A_650, %while3A_586 : vector<16xi1>, vector<16xf32>
            %select_n3A_660 = arith.select %le3A_656, %rev3A_655, %while3A_590 : vector<16xi1>, vector<16xi32>
            %masked_sort3A_661 = arith.constant dense<true> : vector<16xi1>
            %masked_sort3A_662, %masked_sort3A_663, %masked_sort3A_664 = tpu.sort %select_n3A_657, %select_n3A_658 masked %masked_sort3A_661 : (vector<16xf32>, vector<16xi32>, vector<16xi1>) -> (vector<16xi1>, vector<16xf32>, vector<16xi32>)
            %masked_sort3A_665 = arith.constant dense<true> : vector<16xi1>
            %masked_sort3A_666, %masked_sort3A_667, %masked_sort3A_668 = tpu.sort %select_n3A_659, %select_n3A_660 masked %masked_sort3A_665 : (vector<16xf32>, vector<16xi32>, vector<16xi1>) -> (vector<16xi1>, vector<16xf32>, vector<16xi32>)
            %rev3A_669 = arith.constant 15 : i32
            %rev3A_670 = vector.broadcast %rev3A_669 : i32 to vector<16xi32>
            %rev3A_671 = tpu.iota {dimensions = array<i32: 0>} : vector<16xi32>
            %rev3A_672 = arith.subi %rev3A_670, %rev3A_671 : vector<16xi32>
            %rev3A_673 = tpu.dynamic_gather %masked_sort3A_667[%rev3A_672] in [0] : vector<16xf32>, vector<16xi32> -> vector<16xf32>
            %rev3A_674 = arith.constant 15 : i32
            %rev3A_675 = vector.broadcast %rev3A_674 : i32 to vector<16xi32>
            %rev3A_676 = tpu.iota {dimensions = array<i32: 0>} : vector<16xi32>
            %rev3A_677 = arith.subi %rev3A_675, %rev3A_676 : vector<16xi32>
            %rev3A_678 = tpu.dynamic_gather %masked_sort3A_668[%rev3A_677] in [0] : vector<16xi32>, vector<16xi32> -> vector<16xi32>
            %le3A_679 = arith.cmpf ole, %while3A_587, %rev3A_673 : vector<16xf32>
            %select_n3A_680 = arith.select %le3A_679, %while3A_587, %rev3A_673 : vector<16xi1>, vector<16xf32>
            %select_n3A_681 = arith.select %le3A_679, %while3A_591, %rev3A_678 : vector<16xi1>, vector<16xi32>
            %select_n3A_682 = arith.select %le3A_679, %rev3A_673, %while3A_587 : vector<16xi1>, vector<16xf32>
            %select_n3A_683 = arith.select %le3A_679, %rev3A_678, %while3A_591 : vector<16xi1>, vector<16xi32>
            %masked_sort3A_684 = arith.constant dense<true> : vector<16xi1>
            %masked_sort3A_685, %masked_sort3A_686, %masked_sort3A_687 = tpu.sort %select_n3A_680, %select_n3A_681 masked %masked_sort3A_684 : (vector<16xf32>, vector<16xi32>, vector<16xi1>) -> (vector<16xi1>, vector<16xf32>, vector<16xi32>)
            %masked_sort3A_688 = arith.constant dense<true> : vector<16xi1>
            %masked_sort3A_689, %masked_sort3A_690, %masked_sort3A_691 = tpu.sort %select_n3A_682, %select_n3A_683 masked %masked_sort3A_688 : (vector<16xf32>, vector<16xi32>, vector<16xi1>) -> (vector<16xi1>, vector<16xf32>, vector<16xi32>)
            %rev3A_692 = arith.constant 15 : i32
            %rev3A_693 = vector.broadcast %rev3A_692 : i32 to vector<16xi32>
            %rev3A_694 = tpu.iota {dimensions = array<i32: 0>} : vector<16xi32>
            %rev3A_695 = arith.subi %rev3A_693, %rev3A_694 : vector<16xi32>
            %rev3A_696 = tpu.dynamic_gather %masked_sort3A_690[%rev3A_695] in [0] : vector<16xf32>, vector<16xi32> -> vector<16xf32>
            %rev3A_697 = arith.constant 15 : i32
            %rev3A_698 = vector.broadcast %rev3A_697 : i32 to vector<16xi32>
            %rev3A_699 = tpu.iota {dimensions = array<i32: 0>} : vector<16xi32>
            %rev3A_700 = arith.subi %rev3A_698, %rev3A_699 : vector<16xi32>
            %rev3A_701 = tpu.dynamic_gather %masked_sort3A_691[%rev3A_700] in [0] : vector<16xi32>, vector<16xi32> -> vector<16xi32>
            %le3A_702 = arith.cmpf ole, %while3A_588, %rev3A_696 : vector<16xf32>
            %select_n3A_703 = arith.select %le3A_702, %while3A_588, %rev3A_696 : vector<16xi1>, vector<16xf32>
            %select_n3A_704 = arith.select %le3A_702, %while3A_592, %rev3A_701 : vector<16xi1>, vector<16xi32>
            %select_n3A_705 = arith.select %le3A_702, %rev3A_696, %while3A_588 : vector<16xi1>, vector<16xf32>
            %select_n3A_706 = arith.select %le3A_702, %rev3A_701, %while3A_592 : vector<16xi1>, vector<16xi32>
            %masked_sort3A_707 = arith.constant dense<true> : vector<16xi1>
            %masked_sort3A_708, %masked_sort3A_709, %masked_sort3A_710 = tpu.sort %select_n3A_703, %select_n3A_704 masked %masked_sort3A_707 : (vector<16xf32>, vector<16xi32>, vector<16xi1>) -> (vector<16xi1>, vector<16xf32>, vector<16xi32>)
            %masked_sort3A_711 = arith.constant dense<true> : vector<16xi1>
            %masked_sort3A_712, %masked_sort3A_713, %masked_sort3A_714 = tpu.sort %select_n3A_705, %select_n3A_706 masked %masked_sort3A_711 : (vector<16xf32>, vector<16xi32>, vector<16xi1>) -> (vector<16xi1>, vector<16xf32>, vector<16xi32>)
            %rev3A_715 = arith.constant 15 : i32
            %rev3A_716 = vector.broadcast %rev3A_715 : i32 to vector<16xi32>
            %rev3A_717 = tpu.iota {dimensions = array<i32: 0>} : vector<16xi32>
            %rev3A_718 = arith.subi %rev3A_716, %rev3A_717 : vector<16xi32>
            %rev3A_719 = tpu.dynamic_gather %masked_sort3A_713[%rev3A_718] in [0] : vector<16xf32>, vector<16xi32> -> vector<16xf32>
            %rev3A_720 = arith.constant 15 : i32
            %rev3A_721 = vector.broadcast %rev3A_720 : i32 to vector<16xi32>
            %rev3A_722 = tpu.iota {dimensions = array<i32: 0>} : vector<16xi32>
            %rev3A_723 = arith.subi %rev3A_721, %rev3A_722 : vector<16xi32>
            %rev3A_724 = tpu.dynamic_gather %masked_sort3A_714[%rev3A_723] in [0] : vector<16xi32>, vector<16xi32> -> vector<16xi32>
            %le3A_725 = arith.cmpf ole, %while3A_589, %rev3A_719 : vector<16xf32>
            %select_n3A_726 = arith.select %le3A_725, %while3A_589, %rev3A_719 : vector<16xi1>, vector<16xf32>
            %select_n3A_727 = arith.select %le3A_725, %while3A_593, %rev3A_724 : vector<16xi1>, vector<16xi32>
            %select_n3A_728 = arith.select %le3A_725, %rev3A_719, %while3A_589 : vector<16xi1>, vector<16xf32>
            %select_n3A_729 = arith.select %le3A_725, %rev3A_724, %while3A_593 : vector<16xi1>, vector<16xi32>
            %masked_sort3A_730 = arith.constant dense<true> : vector<16xi1>
            %masked_sort3A_731, %masked_sort3A_732, %masked_sort3A_733 = tpu.sort %select_n3A_726, %select_n3A_727 masked %masked_sort3A_730 : (vector<16xf32>, vector<16xi32>, vector<16xi1>) -> (vector<16xi1>, vector<16xf32>, vector<16xi32>)
            %masked_sort3A_734 = arith.constant dense<true> : vector<16xi1>
            %masked_sort3A_735, %masked_sort3A_736, %masked_sort3A_737 = tpu.sort %select_n3A_728, %select_n3A_729 masked %masked_sort3A_734 : (vector<16xf32>, vector<16xi32>, vector<16xi1>) -> (vector<16xi1>, vector<16xf32>, vector<16xi32>)
            scf.yield %masked_sort3A_663, %masked_sort3A_686, %masked_sort3A_709, %masked_sort3A_732, %masked_sort3A_664, %masked_sort3A_687, %masked_sort3A_710, %masked_sort3A_733 : vector<16xf32>, vector<16xf32>, vector<16xf32>, vector<16xf32>, vector<16xi32>, vector<16xi32>, vector<16xi32>, vector<16xi32>
          } else {
            scf.yield %while3A_586, %while3A_587, %while3A_588, %while3A_589, %while3A_590, %while3A_591, %while3A_592, %while3A_593 : vector<16xf32>, vector<16xf32>, vector<16xf32>, vector<16xf32>, vector<16xi32>, vector<16xi32>, vector<16xi32>, vector<16xi32>
          }
          scf.yield %cond3A_643#0, %cond3A_643#1, %cond3A_643#2, %cond3A_643#3, %cond3A_643#4, %cond3A_643#5, %cond3A_643#6, %cond3A_643#7 : vector<16xf32>, vector<16xf32>, vector<16xf32>, vector<16xf32>, vector<16xi32>, vector<16xi32>, vector<16xi32>, vector<16xi32>
        }
        %swap3A_576 = arith.constant 0 : index
        %swap3A_577 = tpu.vector_load %arg26[%swap3A_576] {strides = array<i32>} : memref<64xi32, #tpu.memory_space<vmem>>, vector<16xi32>,
        tpu.vector_store %arg26[%swap3A_576], %while3A_575#4 {strides = array<i32>} : memref<64xi32, #tpu.memory_space<vmem>>, vector<16xi32>,
        %swap3A_578 = arith.constant 16 : index
        %swap3A_579 = tpu.vector_load %arg26[%swap3A_578] {strides = array<i32>} : memref<64xi32, #tpu.memory_space<vmem>>, vector<16xi32>,
        tpu.vector_store %arg26[%swap3A_578], %while3A_575#5 {strides = array<i32>} : memref<64xi32, #tpu.memory_space<vmem>>, vector<16xi32>,
        %swap3A_580 = arith.constant 32 : index
        %swap3A_581 = tpu.vector_load %arg26[%swap3A_580] {strides = array<i32>} : memref<64xi32, #tpu.memory_space<vmem>>, vector<16xi32>,
        tpu.vector_store %arg26[%swap3A_580], %while3A_575#6 {strides = array<i32>} : memref<64xi32, #tpu.memory_space<vmem>>, vector<16xi32>,
        %swap3A_582 = arith.constant 48 : index
        %swap3A_583 = tpu.vector_load %arg26[%swap3A_582] {strides = array<i32>} : memref<64xi32, #tpu.memory_space<vmem>>, vector<16xi32>,
        tpu.vector_store %arg26[%swap3A_582], %while3A_575#7 {strides = array<i32>} : memref<64xi32, #tpu.memory_space<vmem>>, vector<16xi32>,
        %cond3A_584 = arith.constant 0 : i32
        scf.yield %cond3A_584 : i32
      }
      %jit3A_215 = arith.constant 32 : i32
      %eq3A = arith.constant 0 : i32
      %eq3A_216 = arith.cmpi eq, %jit3A_215, %eq3A : i32
      %jit3A_217 = arith.constant 1 : i32
      %select_n3A_218 = arith.select %eq3A_216, %jit3A_217, %jit3A_215 : i32
      %rem3A_219 = arith.remsi %mul3A_109, %select_n3A_218 : i32
      %ne3A_220 = arith.constant 0 : i32
      %ne3A_221 = arith.cmpi ne, %rem3A_219, %ne3A_220 : i32
      %lt3A = arith.constant 0 : i32
      %lt3A_222 = arith.cmpi slt, %rem3A_219, %lt3A : i32
      %lt3A_223 = arith.constant 0 : i32
      %lt3A_224 = arith.cmpi slt, %select_n3A_218, %lt3A_223 : i32
      %ne3A_225 = arith.xori %lt3A_222, %lt3A_224 : i1
      %and3A_226 = arith.andi %ne3A_225, %ne3A_221 : i1
      %add3A_227 = arith.addi %rem3A_219, %select_n3A_218 : i32
      %select_n3A_228 = arith.select %and3A_226, %add3A_227, %rem3A_219 : i32
      %mul3A_229 = arith.constant 64 : i32
      %mul3A_230 = arith.muli %select_n3A_228, %mul3A_229 : i32
      %get3A_231 = arith.constant 0 : index
      %get3A_232 = tpu.vector_load %arg26[%get3A_231] {strides = array<i32>} : memref<64xi32, #tpu.memory_space<vmem>>, vector<16xi32>,
      %add3A_233 = arith.constant 0 : i32
      %add3A_234 = arith.addi %mul3A_230, %add3A_233 : i32
      %gather3A = tpu.vector_load_idx %arg16[%get3A_232] : memref<10240xf32, #tpu.memory_space<vmem>>[vector<16xi32>], vector<16xf32>,
      %sub3A_235 = vector.broadcast %squeeze3A_121 : f32 to vector<16xf32>
      %sub3A_236 = arith.subf %gather3A, %sub3A_235 : vector<16xf32>
      %swap3A = arith.index_cast %add3A_234 : i32 to index
      %swap3A_237 = tpu.vector_load %arg30[%swap3A] {strides = array<i32>} : memref<2048xf32, #tpu.memory_space<vmem>>, vector<16xf32>,
      tpu.vector_store %arg30[%swap3A], %sub3A_236 {strides = array<i32>} : memref<2048xf32, #tpu.memory_space<vmem>>, vector<16xf32>,
      %gather3A_238 = tpu.vector_load_idx %arg17[%get3A_232] : memref<10240xf32, #tpu.memory_space<vmem>>[vector<16xi32>], vector<16xf32>,
      %sub3A_239 = vector.broadcast %squeeze3A_125 : f32 to vector<16xf32>
      %sub3A_240 = arith.subf %gather3A_238, %sub3A_239 : vector<16xf32>
      %swap3A_241 = arith.index_cast %add3A_234 : i32 to index
      %swap3A_242 = tpu.vector_load %arg31[%swap3A_241] {strides = array<i32>} : memref<2048xf32, #tpu.memory_space<vmem>>, vector<16xf32>,
      tpu.vector_store %arg31[%swap3A_241], %sub3A_240 {strides = array<i32>} : memref<2048xf32, #tpu.memory_space<vmem>>, vector<16xf32>,
      %gather3A_243 = tpu.vector_load_idx %arg18[%get3A_232] : memref<10240xf32, #tpu.memory_space<vmem>>[vector<16xi32>], vector<16xf32>,
      %sub3A_244 = vector.broadcast %squeeze3A_129 : f32 to vector<16xf32>
      %sub3A_245 = arith.subf %gather3A_243, %sub3A_244 : vector<16xf32>
      %swap3A_246 = arith.index_cast %add3A_234 : i32 to index
      %swap3A_247 = tpu.vector_load %arg32[%swap3A_246] {strides = array<i32>} : memref<2048xf32, #tpu.memory_space<vmem>>, vector<16xf32>,
      tpu.vector_store %arg32[%swap3A_246], %sub3A_245 {strides = array<i32>} : memref<2048xf32, #tpu.memory_space<vmem>>, vector<16xf32>,
      %get3A_248 = arith.constant 16 : index
      %get3A_249 = tpu.vector_load %arg26[%get3A_248] {strides = array<i32>} : memref<64xi32, #tpu.memory_space<vmem>>, vector<16xi32>,
      %add3A_250 = arith.constant 16 : i32
      %add3A_251 = arith.addi %mul3A_230, %add3A_250 : i32
      %gather3A_252 = tpu.vector_load_idx %arg16[%get3A_249] : memref<10240xf32, #tpu.memory_space<vmem>>[vector<16xi32>], vector<16xf32>,
      %sub3A_253 = vector.broadcast %squeeze3A_121 : f32 to vector<16xf32>
      %sub3A_254 = arith.subf %gather3A_252, %sub3A_253 : vector<16xf32>
      %swap3A_255 = arith.index_cast %add3A_251 : i32 to index
      %swap3A_256 = tpu.vector_load %arg30[%swap3A_255] {strides = array<i32>} : memref<2048xf32, #tpu.memory_space<vmem>>, vector<16xf32>,
      tpu.vector_store %arg30[%swap3A_255], %sub3A_254 {strides = array<i32>} : memref<2048xf32, #tpu.memory_space<vmem>>, vector<16xf32>,
      %gather3A_257 = tpu.vector_load_idx %arg17[%get3A_249] : memref<10240xf32, #tpu.memory_space<vmem>>[vector<16xi32>], vector<16xf32>,
      %sub3A_258 = vector.broadcast %squeeze3A_125 : f32 to vector<16xf32>
      %sub3A_259 = arith.subf %gather3A_257, %sub3A_258 : vector<16xf32>
      %swap3A_260 = arith.index_cast %add3A_251 : i32 to index
      %swap3A_261 = tpu.vector_load %arg31[%swap3A_260] {strides = array<i32>} : memref<2048xf32, #tpu.memory_space<vmem>>, vector<16xf32>,
      tpu.vector_store %arg31[%swap3A_260], %sub3A_259 {strides = array<i32>} : memref<2048xf32, #tpu.memory_space<vmem>>, vector<16xf32>,
      %gather3A_262 = tpu.vector_load_idx %arg18[%get3A_249] : memref<10240xf32, #tpu.memory_space<vmem>>[vector<16xi32>], vector<16xf32>,
      %sub3A_263 = vector.broadcast %squeeze3A_129 : f32 to vector<16xf32>
      %sub3A_264 = arith.subf %gather3A_262, %sub3A_263 : vector<16xf32>
      %swap3A_265 = arith.index_cast %add3A_251 : i32 to index
      %swap3A_266 = tpu.vector_load %arg32[%swap3A_265] {strides = array<i32>} : memref<2048xf32, #tpu.memory_space<vmem>>, vector<16xf32>,
      tpu.vector_store %arg32[%swap3A_265], %sub3A_264 {strides = array<i32>} : memref<2048xf32, #tpu.memory_space<vmem>>, vector<16xf32>,
      %get3A_267 = arith.constant 32 : index
      %get3A_268 = tpu.vector_load %arg26[%get3A_267] {strides = array<i32>} : memref<64xi32, #tpu.memory_space<vmem>>, vector<16xi32>,
      %add3A_269 = arith.constant 32 : i32
      %add3A_270 = arith.addi %mul3A_230, %add3A_269 : i32
      %gather3A_271 = tpu.vector_load_idx %arg16[%get3A_268] : memref<10240xf32, #tpu.memory_space<vmem>>[vector<16xi32>], vector<16xf32>,
      %sub3A_272 = vector.broadcast %squeeze3A_121 : f32 to vector<16xf32>
      %sub3A_273 = arith.subf %gather3A_271, %sub3A_272 : vector<16xf32>
      %swap3A_274 = arith.index_cast %add3A_270 : i32 to index
      %swap3A_275 = tpu.vector_load %arg30[%swap3A_274] {strides = array<i32>} : memref<2048xf32, #tpu.memory_space<vmem>>, vector<16xf32>,
      tpu.vector_store %arg30[%swap3A_274], %sub3A_273 {strides = array<i32>} : memref<2048xf32, #tpu.memory_space<vmem>>, vector<16xf32>,
      %gather3A_276 = tpu.vector_load_idx %arg17[%get3A_268] : memref<10240xf32, #tpu.memory_space<vmem>>[vector<16xi32>], vector<16xf32>,
      %sub3A_277 = vector.broadcast %squeeze3A_125 : f32 to vector<16xf32>
      %sub3A_278 = arith.subf %gather3A_276, %sub3A_277 : vector<16xf32>
      %swap3A_279 = arith.index_cast %add3A_270 : i32 to index
      %swap3A_280 = tpu.vector_load %arg31[%swap3A_279] {strides = array<i32>} : memref<2048xf32, #tpu.memory_space<vmem>>, vector<16xf32>,
      tpu.vector_store %arg31[%swap3A_279], %sub3A_278 {strides = array<i32>} : memref<2048xf32, #tpu.memory_space<vmem>>, vector<16xf32>,
      %gather3A_281 = tpu.vector_load_idx %arg18[%get3A_268] : memref<10240xf32, #tpu.memory_space<vmem>>[vector<16xi32>], vector<16xf32>,
      %sub3A_282 = vector.broadcast %squeeze3A_129 : f32 to vector<16xf32>
      %sub3A_283 = arith.subf %gather3A_281, %sub3A_282 : vector<16xf32>
      %swap3A_284 = arith.index_cast %add3A_270 : i32 to index
      %swap3A_285 = tpu.vector_load %arg32[%swap3A_284] {strides = array<i32>} : memref<2048xf32, #tpu.memory_space<vmem>>, vector<16xf32>,
      tpu.vector_store %arg32[%swap3A_284], %sub3A_283 {strides = array<i32>} : memref<2048xf32, #tpu.memory_space<vmem>>, vector<16xf32>,
      %get3A_286 = arith.constant 48 : index
      %get3A_287 = tpu.vector_load %arg26[%get3A_286] {strides = array<i32>} : memref<64xi32, #tpu.memory_space<vmem>>, vector<16xi32>,
      %add3A_288 = arith.constant 48 : i32
      %add3A_289 = arith.addi %mul3A_230, %add3A_288 : i32
      %gather3A_290 = tpu.vector_load_idx %arg16[%get3A_287] : memref<10240xf32, #tpu.memory_space<vmem>>[vector<16xi32>], vector<16xf32>,
      %sub3A_291 = vector.broadcast %squeeze3A_121 : f32 to vector<16xf32>
      %sub3A_292 = arith.subf %gather3A_290, %sub3A_291 : vector<16xf32>
      %swap3A_293 = arith.index_cast %add3A_289 : i32 to index
      %swap3A_294 = tpu.vector_load %arg30[%swap3A_293] {strides = array<i32>} : memref<2048xf32, #tpu.memory_space<vmem>>, vector<16xf32>,
      tpu.vector_store %arg30[%swap3A_293], %sub3A_292 {strides = array<i32>} : memref<2048xf32, #tpu.memory_space<vmem>>, vector<16xf32>,
      %gather3A_295 = tpu.vector_load_idx %arg17[%get3A_287] : memref<10240xf32, #tpu.memory_space<vmem>>[vector<16xi32>], vector<16xf32>,
      %sub3A_296 = vector.broadcast %squeeze3A_125 : f32 to vector<16xf32>
      %sub3A_297 = arith.subf %gather3A_295, %sub3A_296 : vector<16xf32>
      %swap3A_298 = arith.index_cast %add3A_289 : i32 to index
      %swap3A_299 = tpu.vector_load %arg31[%swap3A_298] {strides = array<i32>} : memref<2048xf32, #tpu.memory_space<vmem>>, vector<16xf32>,
      tpu.vector_store %arg31[%swap3A_298], %sub3A_297 {strides = array<i32>} : memref<2048xf32, #tpu.memory_space<vmem>>, vector<16xf32>,
      %gather3A_300 = tpu.vector_load_idx %arg18[%get3A_287] : memref<10240xf32, #tpu.memory_space<vmem>>[vector<16xi32>], vector<16xf32>,
      %sub3A_301 = vector.broadcast %squeeze3A_129 : f32 to vector<16xf32>
      %sub3A_302 = arith.subf %gather3A_300, %sub3A_301 : vector<16xf32>
      %swap3A_303 = arith.index_cast %add3A_289 : i32 to index
      %swap3A_304 = tpu.vector_load %arg32[%swap3A_303] {strides = array<i32>} : memref<2048xf32, #tpu.memory_space<vmem>>, vector<16xf32>,
      tpu.vector_store %arg32[%swap3A_303], %sub3A_302 {strides = array<i32>} : memref<2048xf32, #tpu.memory_space<vmem>>, vector<16xf32>,
      %gt3A = arith.constant 0 : i32
      %gt3A_305 = arith.cmpi sgt, %while3A_106, %gt3A : i32
      %convert_element_type3A_306 = arith.extui %gt3A_305 : i1 to i32
      %cond3A_307 = arith.constant 0 : i32
      %cond3A_308 = arith.cmpi ne, %convert_element_type3A_306, %cond3A_307 : i32
      scf.if %cond3A_308 {
        %dma_wait3A_563 = arith.constant 0 : i32
        %dma_wait3A_564 = arith.constant 0 : i32
        %dma_wait3A_565 = arith.constant 0 : i32
        %dma_wait3A_566 = tpu.memref_slice %arg12[%dma_wait3A_563, %dma_wait3A_564, %dma_wait3A_565] : memref<10000x64x128xf32, #tpu.memory_space<hbm>> -> memref<1x64x128xf32, #tpu.memory_space<hbm>>
        %dma_wait3A_567 = tpu.memref_squeeze %dma_wait3A_566 : memref<1x64x128xf32, #tpu.memory_space<hbm>> -> memref<64x128xf32, #tpu.memory_space<hbm>>
        %dma_wait3A_568 = arith.constant 0 : i32
        %dma_wait3A_569 = arith.constant 0 : i32
        %dma_wait3A_570 = tpu.memref_slice %arg12[%dma_wait3A_563, %dma_wait3A_568, %dma_wait3A_569] : memref<10000x64x128xf32, #tpu.memory_space<hbm>> -> memref<1x64x128xf32, #tpu.memory_space<hbm>>
        %dma_wait3A_571 = tpu.memref_squeeze %dma_wait3A_570 : memref<1x64x128xf32, #tpu.memory_space<hbm>> -> memref<64x128xf32, #tpu.memory_space<hbm>>
        tpu.wait_dma2 semaphore(%arg35 : memref<!tpu.dma_semaphore, #tpu.memory_space<semaphore_mem>>) src(%arg28 : memref<64x128xf32, #tpu.memory_space<vmem>>) dst(%dma_wait3A_571 : memref<64x128xf32, #tpu.memory_space<hbm>>)
        %dma_wait3A_572 = arith.constant 0 : i32
        %dma_wait3A_573 = arith.constant 0 : i32
        %dma_wait3A_574 = arith.constant 0 : i32
        %dma_wait3A_575 = tpu.memref_slice %arg12[%dma_wait3A_572, %dma_wait3A_573, %dma_wait3A_574] : memref<10000x64x128xf32, #tpu.memory_space<hbm>> -> memref<1x64x128xf32, #tpu.memory_space<hbm>>
        %dma_wait3A_576 = tpu.memref_squeeze %dma_wait3A_575 : memref<1x64x128xf32, #tpu.memory_space<hbm>> -> memref<64x128xf32, #tpu.memory_space<hbm>>
        %dma_wait3A_577 = arith.constant 0 : i32
        %dma_wait3A_578 = arith.constant 0 : i32
        %dma_wait3A_579 = tpu.memref_slice %arg12[%dma_wait3A_572, %dma_wait3A_577, %dma_wait3A_578] : memref<10000x64x128xf32, #tpu.memory_space<hbm>> -> memref<1x64x128xf32, #tpu.memory_space<hbm>>
        %dma_wait3A_580 = tpu.memref_squeeze %dma_wait3A_579 : memref<1x64x128xf32, #tpu.memory_space<hbm>> -> memref<64x128xf32, #tpu.memory_space<hbm>>
        tpu.wait_dma2 semaphore(%arg35 : memref<!tpu.dma_semaphore, #tpu.memory_space<semaphore_mem>>) src(%arg29 : memref<64x128xf32, #tpu.memory_space<vmem>>) dst(%dma_wait3A_580 : memref<64x128xf32, #tpu.memory_space<hbm>>)
      } else {
      }
      %dma_start3A = arith.constant 0 : i32
      %dma_start3A_309 = arith.constant 0 : i32
      %dma_start3A_310 = tpu.memref_slice %arg11[%dma_start3A, %dma_start3A_309] : memref<10000x128xf32, #tpu.memory_space<hbm>> -> memref<10000x128xf32, #tpu.memory_space<hbm>>
      tpu.enqueue_indirect_dma source(%dma_start3A_310 : memref<10000x128xf32, #tpu.memory_space<hbm>>) target(%arg28 : memref<64x128xf32, #tpu.memory_space<vmem>>) offsets(%arg26 : memref<64xi32, #tpu.memory_space<vmem>>) semaphore(%arg33 : memref<!tpu.dma_semaphore, #tpu.memory_space<semaphore_mem>>)
      %add3A_311 = arith.addi %mul3A_2, %add3A_111 : i32
      %get3A_312 = arith.index_cast %add3A_111 : i32 to index
      %get3A_313 = tpu.vector_load %arg23[%get3A_312] {strides = array<i32>} : memref<336xi32, #tpu.memory_space<vmem>>, vector<16xi32>,
      %slice3A_314 = vector.extract_strided_slice %get3A_313 {offsets = [0], sizes = [1], strides = [1]} : vector<16xi32> to vector<1xi32>
      %squeeze3A_315 = vector.extract %slice3A_314[0] : i32 from vector<1xi32>
      %get3A_316 = arith.index_cast %add3A_111 : i32 to index
      %get3A_317 = tpu.vector_load %arg24[%get3A_316] {strides = array<i32>} : memref<336xi32, #tpu.memory_space<vmem>>, vector<16xi32>,
      %slice3A_318 = vector.extract_strided_slice %get3A_317 {offsets = [0], sizes = [1], strides = [1]} : vector<16xi32> to vector<1xi32>
      %squeeze3A_319 = vector.extract %slice3A_318[0] : i32 from vector<1xi32>
      %get3A_320 = arith.index_cast %add3A_311 : i32 to index
      %get3A_321 = tpu.vector_load %arg16[%get3A_320] {strides = array<i32>} : memref<10240xf32, #tpu.memory_space<vmem>>, vector<16xf32>,
      %slice3A_322 = vector.extract_strided_slice %get3A_321 {offsets = [0], sizes = [1], strides = [1]} : vector<16xf32> to vector<1xf32>
      %squeeze3A_323 = vector.extract %slice3A_322[0] : f32 from vector<1xf32>
      %get3A_324 = arith.index_cast %add3A_311 : i32 to index
      %get3A_325 = tpu.vector_load %arg17[%get3A_324] {strides = array<i32>} : memref<10240xf32, #tpu.memory_space<vmem>>, vector<16xf32>,
      %slice3A_326 = vector.extract_strided_slice %get3A_325 {offsets = [0], sizes = [1], strides = [1]} : vector<16xf32> to vector<1xf32>
      %squeeze3A_327 = vector.extract %slice3A_326[0] : f32 from vector<1xf32>
      %get3A_328 = arith.index_cast %add3A_311 : i32 to index
      %get3A_329 = tpu.vector_load %arg18[%get3A_328] {strides = array<i32>} : memref<10240xf32, #tpu.memory_space<vmem>>, vector<16xf32>,
      %slice3A_330 = vector.extract_strided_slice %get3A_329 {offsets = [0], sizes = [1], strides = [1]} : vector<16xf32> to vector<1xf32>
      %squeeze3A_331 = vector.extract %slice3A_330[0] : f32 from vector<1xf32>
      %get3A_332 = arith.index_cast %add3A_311 : i32 to index
      %get3A_333 = tpu.vector_load %arg22[%get3A_332] {strides = array<i32>} : memref<10240xf32, #tpu.memory_space<vmem>>, vector<16xf32>,
      %slice3A_334 = vector.extract_strided_slice %get3A_333 {offsets = [0], sizes = [1], strides = [1]} : vector<16xf32> to vector<1xf32>
      %squeeze3A_335 = vector.extract %slice3A_334[0] : f32 from vector<1xf32>
      %get3A_336 = arith.index_cast %add3A_311 : i32 to index
      %get3A_337 = tpu.vector_load %arg19[%get3A_336] {strides = array<i32>} : memref<10240xf32, #tpu.memory_space<vmem>>, vector<16xf32>,
      %slice3A_338 = vector.extract_strided_slice %get3A_337 {offsets = [0], sizes = [1], strides = [1]} : vector<16xf32> to vector<1xf32>
      %squeeze3A_339 = vector.extract %slice3A_338[0] : f32 from vector<1xf32>
      %get3A_340 = arith.index_cast %add3A_311 : i32 to index
      %get3A_341 = tpu.vector_load %arg20[%get3A_340] {strides = array<i32>} : memref<10240xf32, #tpu.memory_space<vmem>>, vector<16xf32>,
      %slice3A_342 = vector.extract_strided_slice %get3A_341 {offsets = [0], sizes = [1], strides = [1]} : vector<16xf32> to vector<1xf32>
      %squeeze3A_343 = vector.extract %slice3A_342[0] : f32 from vector<1xf32>
      %get3A_344 = arith.index_cast %add3A_311 : i32 to index
      %get3A_345 = tpu.vector_load %arg21[%get3A_344] {strides = array<i32>} : memref<10240xf32, #tpu.memory_space<vmem>>, vector<16xf32>,
      %slice3A_346 = vector.extract_strided_slice %get3A_345 {offsets = [0], sizes = [1], strides = [1]} : vector<16xf32> to vector<1xf32>
      %squeeze3A_347 = vector.extract %slice3A_346[0] : f32 from vector<1xf32>
      %jit3A_348 = arith.constant 16 : i32
      %div3A_349 = arith.divsi %squeeze3A_315, %jit3A_348 : i32
      %sign3A_350 = arith.constant 0 : i32
      %sign3A_351 = arith.cmpi sgt, %squeeze3A_315, %sign3A_350 : i32
      %sign3A_352 = arith.extui %sign3A_351 : i1 to i32
      %sign3A_353 = arith.constant 0 : i32
      %sign3A_354 = arith.cmpi slt, %squeeze3A_315, %sign3A_353 : i32
      %sign3A_355 = arith.extui %sign3A_354 : i1 to i32
      %sign3A_356 = arith.subi %sign3A_352, %sign3A_355 : i32
      %sign3A_357 = arith.constant 0 : i32
      %sign3A_358 = arith.cmpi sgt, %jit3A_348, %sign3A_357 : i32
      %sign3A_359 = arith.extui %sign3A_358 : i1 to i32
      %sign3A_360 = arith.constant 0 : i32
      %sign3A_361 = arith.cmpi slt, %jit3A_348, %sign3A_360 : i32
      %sign3A_362 = arith.extui %sign3A_361 : i1 to i32
      %sign3A_363 = arith.subi %sign3A_359, %sign3A_362 : i32
      %ne3A_364 = arith.cmpi ne, %sign3A_356, %sign3A_363 : i32
      %rem3A_365 = arith.remsi %squeeze3A_315, %jit3A_348 : i32
      %ne3A_366 = arith.constant 0 : i32
      %ne3A_367 = arith.cmpi ne, %rem3A_365, %ne3A_366 : i32
      %and3A_368 = arith.andi %ne3A_364, %ne3A_367 : i1
      %sub3A_369 = arith.constant 1 : i32
      %sub3A_370 = arith.subi %div3A_349, %sub3A_369 : i32
      %select_n3A_371 = arith.select %and3A_368, %sub3A_370, %div3A_349 : i32
      %mul3A_372 = arith.constant 16 : i32
      %mul3A_373 = arith.muli %select_n3A_371, %mul3A_372 : i32
      %sub3A_374 = arith.subi %squeeze3A_319, %mul3A_373 : i32
      %add3A_375 = arith.constant 15 : i32
      %add3A_376 = arith.addi %sub3A_374, %add3A_375 : i32
      %jit3A_377 = arith.constant 16 : i32
      %div3A_378 = arith.divsi %add3A_376, %jit3A_377 : i32
      %sign3A_379 = arith.constant 0 : i32
      %sign3A_380 = arith.cmpi sgt, %add3A_376, %sign3A_379 : i32
      %sign3A_381 = arith.extui %sign3A_380 : i1 to i32
      %sign3A_382 = arith.constant 0 : i32
      %sign3A_383 = arith.cmpi slt, %add3A_376, %sign3A_382 : i32
      %sign3A_384 = arith.extui %sign3A_383 : i1 to i32
      %sign3A_385 = arith.subi %sign3A_381, %sign3A_384 : i32
      %sign3A_386 = arith.constant 0 : i32
      %sign3A_387 = arith.cmpi sgt, %jit3A_377, %sign3A_386 : i32
      %sign3A_388 = arith.extui %sign3A_387 : i1 to i32
      %sign3A_389 = arith.constant 0 : i32
      %sign3A_390 = arith.cmpi slt, %jit3A_377, %sign3A_389 : i32
      %sign3A_391 = arith.extui %sign3A_390 : i1 to i32
      %sign3A_392 = arith.subi %sign3A_388, %sign3A_391 : i32
      %ne3A_393 = arith.cmpi ne, %sign3A_385, %sign3A_392 : i32
      %rem3A_394 = arith.remsi %add3A_376, %jit3A_377 : i32
      %ne3A_395 = arith.constant 0 : i32
      %ne3A_396 = arith.cmpi ne, %rem3A_394, %ne3A_395 : i32
      %and3A_397 = arith.andi %ne3A_393, %ne3A_396 : i1
      %sub3A_398 = arith.constant 1 : i32
      %sub3A_399 = arith.subi %div3A_378, %sub3A_398 : i32
      %select_n3A_400 = arith.select %and3A_397, %sub3A_399, %div3A_378 : i32
      %while3A_401 = arith.constant 0 : i32
      %while3A_402 = arith.constant 0 : i32
      %while3A_403 = arith.subi %select_n3A_400, %while3A_401 : i32
      %while3A_404 = arith.addi %while3A_401, %while3A_403 : i32
      %while3A_405 = arith.constant 1 : i32
      %while3A_406 = arith.divsi %while3A_403, %while3A_405 : i32
      %while3A_407 = arith.muli %while3A_406, %while3A_405 : i32
      %while3A_408 = arith.addi %while3A_401, %while3A_407 : i32
      %while3A_409 = arith.constant 1 : i32
      %while3A_410 = scf.for %while3A_563 = %while3A_401 to %while3A_408 step %while3A_409 iter_args(%while3A_564 = %while3A_402) -> (i32)  : i32 {
        %mul3A_565 = arith.constant 16 : i32
        %mul3A_566 = arith.muli %while3A_563, %mul3A_565 : i32
        %add3A_567 = arith.addi %mul3A_373, %mul3A_566 : i32
        %add3A_568 = vector.broadcast %add3A_567 : i32 to vector<16xi32>
        %add3A_569 = arith.addi %add3A_568, %iota3A : vector<16xi32>
        %ge3A = vector.broadcast %squeeze3A_315 : i32 to vector<16xi32>
        %ge3A_570 = arith.cmpi sge, %add3A_569, %ge3A : vector<16xi32>
        %lt3A_571 = vector.broadcast %squeeze3A_319 : i32 to vector<16xi32>
        %lt3A_572 = arith.cmpi slt, %add3A_569, %lt3A_571 : vector<16xi32>
        %and3A_573 = arith.andi %ge3A_570, %lt3A_572 : vector<16xi1>
        %get3A_574 = arith.index_cast %add3A_567 : i32 to index
        %get3A_575 = tpu.vector_load %arg19[%get3A_574] {strides = array<i32>} : memref<10240xf32, #tpu.memory_space<vmem>>, vector<16xf32>,
        %get3A_576 = arith.index_cast %add3A_567 : i32 to index
        %get3A_577 = tpu.vector_load %arg20[%get3A_576] {strides = array<i32>} : memref<10240xf32, #tpu.memory_space<vmem>>, vector<16xf32>,
        %get3A_578 = arith.index_cast %add3A_567 : i32 to index
        %get3A_579 = tpu.vector_load %arg21[%get3A_578] {strides = array<i32>} : memref<10240xf32, #tpu.memory_space<vmem>>, vector<16xf32>,
        %get3A_580 = arith.index_cast %add3A_567 : i32 to index
        %get3A_581 = tpu.vector_load %arg22[%get3A_580] {strides = array<i32>} : memref<10240xf32, #tpu.memory_space<vmem>>, vector<16xf32>,
        %mul3A_582 = vector.broadcast %squeeze3A_339 : f32 to vector<16xf32>
        %mul3A_583 = arith.mulf %mul3A_582, %get3A_575 : vector<16xf32>
        %mul3A_584 = vector.broadcast %squeeze3A_343 : f32 to vector<16xf32>
        %mul3A_585 = arith.mulf %mul3A_584, %get3A_577 : vector<16xf32>
        %add3A_586 = arith.addf %mul3A_583, %mul3A_585 : vector<16xf32>
        %mul3A_587 = vector.broadcast %squeeze3A_347 : f32 to vector<16xf32>
        %mul3A_588 = arith.mulf %mul3A_587, %get3A_579 : vector<16xf32>
        %add3A_589 = arith.addf %add3A_586, %mul3A_588 : vector<16xf32>
        %add3A_590 = vector.broadcast %squeeze3A_335 : f32 to vector<16xf32>
        %add3A_591 = arith.addf %add3A_590, %get3A_581 : vector<16xf32>
        %mul3A_592 = arith.constant 2.000000e+00 : f32
        %mul3A_593 = vector.broadcast %mul3A_592 : f32 to vector<16xf32>
        %mul3A_594 = arith.mulf %mul3A_593, %add3A_589 : vector<16xf32>
        %sub3A_595 = arith.subf %add3A_591, %mul3A_594 : vector<16xf32>
        %le3A_596 = arith.constant 4.000000e-02 : f32
        %le3A_597 = vector.broadcast %le3A_596 : f32 to vector<16xf32>
        %le3A_598 = arith.cmpf ole, %sub3A_595, %le3A_597 : vector<16xf32>
        %and3A_599 = arith.andi %le3A_598, %and3A_573 : vector<16xi1>
        %min3A_600 = arith.constant 80 : i32
        %min3A_601 = arith.minsi %while3A_564, %min3A_600 : i32
        %swap3A_602 = arith.index_cast %min3A_601 : i32 to index
        %swap3A_603 = tpu.vector_load %arg25[%swap3A_602] masked %and3A_599 {strides = array<i32>} : memref<112xi32, #tpu.memory_space<vmem>>, vector<16xi32>, vector<16xi1>
        tpu.vector_store %arg25[%swap3A_602], %add3A_569 masked %and3A_599 {strides = array<i32>} : memref<112xi32, #tpu.memory_space<vmem>>, vector<16xi32>, vector<16xi1>
        %all_reduce_population_count3A = tpu.all_reduce %and3A_599 {dim = 0 : i64, kind = #tpu.reduction_kind<sum>} : vector<16xi1> -> vector<16xi32>
        %slice3A_604 = vector.extract_strided_slice %all_reduce_population_count3A {offsets = [0], sizes = [1], strides = [1]} : vector<16xi32> to vector<1xi32>
        %squeeze3A_605 = vector.extract %slice3A_604[0] : i32 from vector<1xi32>
        %add3A_606 = arith.addi %while3A_564, %squeeze3A_605 : i32
        scf.yield %add3A_606 : i32
      }
      %while3A_411 = arith.constant 1 : i32
      %while3A_412 = scf.for %while3A_563 = %while3A_408 to %while3A_404 step %while3A_411 iter_args(%while3A_564 = %while3A_410) -> (i32)  : i32 {
        %mul3A_565 = arith.constant 16 : i32
        %mul3A_566 = arith.muli %while3A_563, %mul3A_565 : i32
        %add3A_567 = arith.addi %mul3A_373, %mul3A_566 : i32
        %add3A_568 = vector.broadcast %add3A_567 : i32 to vector<16xi32>
        %add3A_569 = arith.addi %add3A_568, %iota3A : vector<16xi32>
        %ge3A = vector.broadcast %squeeze3A_315 : i32 to vector<16xi32>
        %ge3A_570 = arith.cmpi sge, %add3A_569, %ge3A : vector<16xi32>
        %lt3A_571 = vector.broadcast %squeeze3A_319 : i32 to vector<16xi32>
        %lt3A_572 = arith.cmpi slt, %add3A_569, %lt3A_571 : vector<16xi32>
        %and3A_573 = arith.andi %ge3A_570, %lt3A_572 : vector<16xi1>
        %get3A_574 = arith.index_cast %add3A_567 : i32 to index
        %get3A_575 = tpu.vector_load %arg19[%get3A_574] {strides = array<i32>} : memref<10240xf32, #tpu.memory_space<vmem>>, vector<16xf32>,
        %get3A_576 = arith.index_cast %add3A_567 : i32 to index
        %get3A_577 = tpu.vector_load %arg20[%get3A_576] {strides = array<i32>} : memref<10240xf32, #tpu.memory_space<vmem>>, vector<16xf32>,
        %get3A_578 = arith.index_cast %add3A_567 : i32 to index
        %get3A_579 = tpu.vector_load %arg21[%get3A_578] {strides = array<i32>} : memref<10240xf32, #tpu.memory_space<vmem>>, vector<16xf32>,
        %get3A_580 = arith.index_cast %add3A_567 : i32 to index
        %get3A_581 = tpu.vector_load %arg22[%get3A_580] {strides = array<i32>} : memref<10240xf32, #tpu.memory_space<vmem>>, vector<16xf32>,
        %mul3A_582 = vector.broadcast %squeeze3A_339 : f32 to vector<16xf32>
        %mul3A_583 = arith.mulf %mul3A_582, %get3A_575 : vector<16xf32>
        %mul3A_584 = vector.broadcast %squeeze3A_343 : f32 to vector<16xf32>
        %mul3A_585 = arith.mulf %mul3A_584, %get3A_577 : vector<16xf32>
        %add3A_586 = arith.addf %mul3A_583, %mul3A_585 : vector<16xf32>
        %mul3A_587 = vector.broadcast %squeeze3A_347 : f32 to vector<16xf32>
        %mul3A_588 = arith.mulf %mul3A_587, %get3A_579 : vector<16xf32>
        %add3A_589 = arith.addf %add3A_586, %mul3A_588 : vector<16xf32>
        %add3A_590 = vector.broadcast %squeeze3A_335 : f32 to vector<16xf32>
        %add3A_591 = arith.addf %add3A_590, %get3A_581 : vector<16xf32>
        %mul3A_592 = arith.constant 2.000000e+00 : f32
        %mul3A_593 = vector.broadcast %mul3A_592 : f32 to vector<16xf32>
        %mul3A_594 = arith.mulf %mul3A_593, %add3A_589 : vector<16xf32>
        %sub3A_595 = arith.subf %add3A_591, %mul3A_594 : vector<16xf32>
        %le3A_596 = arith.constant 4.000000e-02 : f32
        %le3A_597 = vector.broadcast %le3A_596 : f32 to vector<16xf32>
        %le3A_598 = arith.cmpf ole, %sub3A_595, %le3A_597 : vector<16xf32>
        %and3A_599 = arith.andi %le3A_598, %and3A_573 : vector<16xi1>
        %min3A_600 = arith.constant 80 : i32
        %min3A_601 = arith.minsi %while3A_564, %min3A_600 : i32
        %swap3A_602 = arith.index_cast %min3A_601 : i32 to index
        %swap3A_603 = tpu.vector_load %arg25[%swap3A_602] masked %and3A_599 {strides = array<i32>} : memref<112xi32, #tpu.memory_space<vmem>>, vector<16xi32>, vector<16xi1>
        tpu.vector_store %arg25[%swap3A_602], %add3A_569 masked %and3A_599 {strides = array<i32>} : memref<112xi32, #tpu.memory_space<vmem>>, vector<16xi32>, vector<16xi1>
        %all_reduce_population_count3A = tpu.all_reduce %and3A_599 {dim = 0 : i64, kind = #tpu.reduction_kind<sum>} : vector<16xi1> -> vector<16xi32>
        %slice3A_604 = vector.extract_strided_slice %all_reduce_population_count3A {offsets = [0], sizes = [1], strides = [1]} : vector<16xi32> to vector<1xi32>
        %squeeze3A_605 = vector.extract %slice3A_604[0] : i32 from vector<1xi32>
        %add3A_606 = arith.addi %while3A_564, %squeeze3A_605 : i32
        scf.yield %add3A_606 : i32
      }
      %le3A_413 = arith.constant 64 : i32
      %le3A_414 = arith.cmpi sle, %while3A_412, %le3A_413 : i32
      %convert_element_type3A_415 = arith.extui %le3A_414 : i1 to i32
      %cond3A_416 = arith.constant 0 : i32
      %cond3A_417 = arith.constant 0 : i32
      %cond3A_418 = arith.cmpi ne, %convert_element_type3A_415, %cond3A_417 : i32
      %cond3A_419 = scf.if %cond3A_418 -> (i32) {
        %add3A_563 = arith.constant 0 : i32
        %add3A_564 = vector.broadcast %add3A_563 : i32 to vector<16xi32>
        %add3A_565 = arith.addi %add3A_564, %iota3A : vector<16xi32>
        %get3A_566 = arith.constant 0 : index
        %get3A_567 = tpu.vector_load %arg25[%get3A_566] {strides = array<i32>} : memref<112xi32, #tpu.memory_space<vmem>>, vector<16xi32>,
        %lt3A_568 = vector.broadcast %while3A_412 : i32 to vector<16xi32>
        %lt3A_569 = arith.cmpi slt, %add3A_565, %lt3A_568 : vector<16xi32>
        %broadcast_in_dim3A = vector.broadcast %add3A_311 : i32 to vector<16xi32>
        %select_n3A_570 = arith.select %lt3A_569, %get3A_567, %broadcast_in_dim3A : vector<16xi1>, vector<16xi32>
        %swap3A_571 = arith.constant 0 : index
        %swap3A_572 = tpu.vector_load %arg27[%swap3A_571] {strides = array<i32>} : memref<64xi32, #tpu.memory_space<vmem>>, vector<16xi32>,
        tpu.vector_store %arg27[%swap3A_571], %select_n3A_570 {strides = array<i32>} : memref<64xi32, #tpu.memory_space<vmem>>, vector<16xi32>,
        %add3A_573 = arith.constant 16 : i32
        %add3A_574 = vector.broadcast %add3A_573 : i32 to vector<16xi32>
        %add3A_575 = arith.addi %add3A_574, %iota3A : vector<16xi32>
        %get3A_576 = arith.constant 16 : index
        %get3A_577 = tpu.vector_load %arg25[%get3A_576] {strides = array<i32>} : memref<112xi32, #tpu.memory_space<vmem>>, vector<16xi32>,
        %lt3A_578 = vector.broadcast %while3A_412 : i32 to vector<16xi32>
        %lt3A_579 = arith.cmpi slt, %add3A_575, %lt3A_578 : vector<16xi32>
        %broadcast_in_dim3A_580 = vector.broadcast %add3A_311 : i32 to vector<16xi32>
        %select_n3A_581 = arith.select %lt3A_579, %get3A_577, %broadcast_in_dim3A_580 : vector<16xi1>, vector<16xi32>
        %swap3A_582 = arith.constant 16 : index
        %swap3A_583 = tpu.vector_load %arg27[%swap3A_582] {strides = array<i32>} : memref<64xi32, #tpu.memory_space<vmem>>, vector<16xi32>,
        tpu.vector_store %arg27[%swap3A_582], %select_n3A_581 {strides = array<i32>} : memref<64xi32, #tpu.memory_space<vmem>>, vector<16xi32>,
        %add3A_584 = arith.constant 32 : i32
        %add3A_585 = vector.broadcast %add3A_584 : i32 to vector<16xi32>
        %add3A_586 = arith.addi %add3A_585, %iota3A : vector<16xi32>
        %get3A_587 = arith.constant 32 : index
        %get3A_588 = tpu.vector_load %arg25[%get3A_587] {strides = array<i32>} : memref<112xi32, #tpu.memory_space<vmem>>, vector<16xi32>,
        %lt3A_589 = vector.broadcast %while3A_412 : i32 to vector<16xi32>
        %lt3A_590 = arith.cmpi slt, %add3A_586, %lt3A_589 : vector<16xi32>
        %broadcast_in_dim3A_591 = vector.broadcast %add3A_311 : i32 to vector<16xi32>
        %select_n3A_592 = arith.select %lt3A_590, %get3A_588, %broadcast_in_dim3A_591 : vector<16xi1>, vector<16xi32>
        %swap3A_593 = arith.constant 32 : index
        %swap3A_594 = tpu.vector_load %arg27[%swap3A_593] {strides = array<i32>} : memref<64xi32, #tpu.memory_space<vmem>>, vector<16xi32>,
        tpu.vector_store %arg27[%swap3A_593], %select_n3A_592 {strides = array<i32>} : memref<64xi32, #tpu.memory_space<vmem>>, vector<16xi32>,
        %add3A_595 = arith.constant 48 : i32
        %add3A_596 = vector.broadcast %add3A_595 : i32 to vector<16xi32>
        %add3A_597 = arith.addi %add3A_596, %iota3A : vector<16xi32>
        %get3A_598 = arith.constant 48 : index
        %get3A_599 = tpu.vector_load %arg25[%get3A_598] {strides = array<i32>} : memref<112xi32, #tpu.memory_space<vmem>>, vector<16xi32>,
        %lt3A_600 = vector.broadcast %while3A_412 : i32 to vector<16xi32>
        %lt3A_601 = arith.cmpi slt, %add3A_597, %lt3A_600 : vector<16xi32>
        %broadcast_in_dim3A_602 = vector.broadcast %add3A_311 : i32 to vector<16xi32>
        %select_n3A_603 = arith.select %lt3A_601, %get3A_599, %broadcast_in_dim3A_602 : vector<16xi1>, vector<16xi32>
        %swap3A_604 = arith.constant 48 : index
        %swap3A_605 = tpu.vector_load %arg27[%swap3A_604] {strides = array<i32>} : memref<64xi32, #tpu.memory_space<vmem>>, vector<16xi32>,
        tpu.vector_store %arg27[%swap3A_604], %select_n3A_603 {strides = array<i32>} : memref<64xi32, #tpu.memory_space<vmem>>, vector<16xi32>,
        %cond3A_606 = arith.constant 0 : i32
        scf.yield %cond3A_606 : i32
      } else {
        %broadcast_in_dim3A = arith.constant 0x7F800000 : f32
        %broadcast_in_dim3A_563 = vector.broadcast %broadcast_in_dim3A : f32 to vector<16xf32>
        %broadcast_in_dim3A_564 = vector.broadcast %add3A_311 : i32 to vector<16xi32>
        %while3A_565 = arith.constant 0 : i32
        %while3A_566 = arith.subi %select_n3A_400, %while3A_565 : i32
        %while3A_567 = arith.addi %while3A_565, %while3A_566 : i32
        %while3A_568 = arith.constant 1 : i32
        %while3A_569 = arith.divsi %while3A_566, %while3A_568 : i32
        %while3A_570 = arith.muli %while3A_569, %while3A_568 : i32
        %while3A_571 = arith.addi %while3A_565, %while3A_570 : i32
        %while3A_572 = arith.constant 1 : i32
        %while3A_573:8 = scf.for %while3A_585 = %while3A_565 to %while3A_571 step %while3A_572 iter_args(%while3A_586 = %broadcast_in_dim3A_563, %while3A_587 = %broadcast_in_dim3A_563, %while3A_588 = %broadcast_in_dim3A_563, %while3A_589 = %broadcast_in_dim3A_563, %while3A_590 = %broadcast_in_dim3A_564, %while3A_591 = %broadcast_in_dim3A_564, %while3A_592 = %broadcast_in_dim3A_564, %while3A_593 = %broadcast_in_dim3A_564) -> (vector<16xf32>, vector<16xf32>, vector<16xf32>, vector<16xf32>, vector<16xi32>, vector<16xi32>, vector<16xi32>, vector<16xi32>)  : i32 {
          %mul3A_594 = arith.constant 16 : i32
          %mul3A_595 = arith.muli %while3A_585, %mul3A_594 : i32
          %add3A_596 = arith.addi %mul3A_373, %mul3A_595 : i32
          %add3A_597 = vector.broadcast %add3A_596 : i32 to vector<16xi32>
          %add3A_598 = arith.addi %add3A_597, %iota3A : vector<16xi32>
          %ge3A = vector.broadcast %squeeze3A_315 : i32 to vector<16xi32>
          %ge3A_599 = arith.cmpi sge, %add3A_598, %ge3A : vector<16xi32>
          %lt3A_600 = vector.broadcast %squeeze3A_319 : i32 to vector<16xi32>
          %lt3A_601 = arith.cmpi slt, %add3A_598, %lt3A_600 : vector<16xi32>
          %and3A_602 = arith.andi %ge3A_599, %lt3A_601 : vector<16xi1>
          %get3A_603 = arith.index_cast %add3A_596 : i32 to index
          %get3A_604 = tpu.vector_load %arg19[%get3A_603] {strides = array<i32>} : memref<10240xf32, #tpu.memory_space<vmem>>, vector<16xf32>,
          %get3A_605 = arith.index_cast %add3A_596 : i32 to index
          %get3A_606 = tpu.vector_load %arg20[%get3A_605] {strides = array<i32>} : memref<10240xf32, #tpu.memory_space<vmem>>, vector<16xf32>,
          %get3A_607 = arith.index_cast %add3A_596 : i32 to index
          %get3A_608 = tpu.vector_load %arg21[%get3A_607] {strides = array<i32>} : memref<10240xf32, #tpu.memory_space<vmem>>, vector<16xf32>,
          %get3A_609 = arith.index_cast %add3A_596 : i32 to index
          %get3A_610 = tpu.vector_load %arg22[%get3A_609] {strides = array<i32>} : memref<10240xf32, #tpu.memory_space<vmem>>, vector<16xf32>,
          %mul3A_611 = vector.broadcast %squeeze3A_339 : f32 to vector<16xf32>
          %mul3A_612 = arith.mulf %mul3A_611, %get3A_604 : vector<16xf32>
          %mul3A_613 = vector.broadcast %squeeze3A_343 : f32 to vector<16xf32>
          %mul3A_614 = arith.mulf %mul3A_613, %get3A_606 : vector<16xf32>
          %add3A_615 = arith.addf %mul3A_612, %mul3A_614 : vector<16xf32>
          %mul3A_616 = vector.broadcast %squeeze3A_347 : f32 to vector<16xf32>
          %mul3A_617 = arith.mulf %mul3A_616, %get3A_608 : vector<16xf32>
          %add3A_618 = arith.addf %add3A_615, %mul3A_617 : vector<16xf32>
          %add3A_619 = vector.broadcast %squeeze3A_335 : f32 to vector<16xf32>
          %add3A_620 = arith.addf %add3A_619, %get3A_610 : vector<16xf32>
          %mul3A_621 = arith.constant 2.000000e+00 : f32
          %mul3A_622 = vector.broadcast %mul3A_621 : f32 to vector<16xf32>
          %mul3A_623 = arith.mulf %mul3A_622, %add3A_618 : vector<16xf32>
          %sub3A_624 = arith.subf %add3A_620, %mul3A_623 : vector<16xf32>
          %le3A_625 = arith.constant 4.000000e-02 : f32
          %le3A_626 = vector.broadcast %le3A_625 : f32 to vector<16xf32>
          %le3A_627 = arith.cmpf ole, %sub3A_624, %le3A_626 : vector<16xf32>
          %and3A_628 = arith.andi %le3A_627, %and3A_602 : vector<16xi1>
          %jit3A_629 = arith.constant 0x7F800000 : f32
          %broadcast_in_dim3A_630 = vector.broadcast %jit3A_629 : f32 to vector<16xf32>
          %select_n3A_631 = arith.select %and3A_628, %sub3A_624, %broadcast_in_dim3A_630 : vector<16xi1>, vector<16xf32>
          %reduce_max3A = arith.constant true
          %reduce_max3A_632 = vector.broadcast %reduce_max3A : i1 to vector<16xi1>
          %reduce_max3A_633 = tpu.scan <max>, %while3A_589 masked %reduce_max3A_632 : vector<16xf32>, vector<16xi1> -> vector<16xf32>
          %reduce_max3A_634 = vector.extract %reduce_max3A_633[15] : f32 from vector<16xf32>
          %reduce_min3A = arith.constant true
          %reduce_min3A_635 = vector.broadcast %reduce_min3A : i1 to vector<16xi1>
          %reduce_min3A_636 = tpu.scan <min>, %select_n3A_631 masked %reduce_min3A_635 : vector<16xf32>, vector<16xi1> -> vector<16xf32>
          %reduce_min3A_637 = vector.extract %reduce_min3A_636[15] : f32 from vector<16xf32>
          %lt3A_638 = arith.cmpf olt, %reduce_min3A_637, %reduce_max3A_634 : f32
          %convert_element_type3A_639 = arith.extui %lt3A_638 : i1 to i32
          %cond3A_640 = arith.constant 0 : i32
          %cond3A_641 = arith.constant 0 : i32
          %cond3A_642 = arith.cmpi ne, %convert_element_type3A_639, %cond3A_641 : i32
          %cond3A_643:8 = scf.if %cond3A_642 -> (vector<16xf32>, vector<16xf32>, vector<16xf32>, vector<16xf32>, vector<16xi32>, vector<16xi32>, vector<16xi32>, vector<16xi32>) {
            %masked_sort3A = arith.constant dense<true> : vector<16xi1>
            %masked_sort3A_644, %masked_sort3A_645, %masked_sort3A_646 = tpu.sort %select_n3A_631, %add3A_598 masked %masked_sort3A : (vector<16xf32>, vector<16xi32>, vector<16xi1>) -> (vector<16xi1>, vector<16xf32>, vector<16xi32>)
            %rev3A = arith.constant 15 : i32
            %rev3A_647 = vector.broadcast %rev3A : i32 to vector<16xi32>
            %rev3A_648 = tpu.iota {dimensions = array<i32: 0>} : vector<16xi32>
            %rev3A_649 = arith.subi %rev3A_647, %rev3A_648 : vector<16xi32>
            %rev3A_650 = tpu.dynamic_gather %masked_sort3A_645[%rev3A_649] in [0] : vector<16xf32>, vector<16xi32> -> vector<16xf32>
            %rev3A_651 = arith.constant 15 : i32
            %rev3A_652 = vector.broadcast %rev3A_651 : i32 to vector<16xi32>
            %rev3A_653 = tpu.iota {dimensions = array<i32: 0>} : vector<16xi32>
            %rev3A_654 = arith.subi %rev3A_652, %rev3A_653 : vector<16xi32>
            %rev3A_655 = tpu.dynamic_gather %masked_sort3A_646[%rev3A_654] in [0] : vector<16xi32>, vector<16xi32> -> vector<16xi32>
            %le3A_656 = arith.cmpf ole, %while3A_586, %rev3A_650 : vector<16xf32>
            %select_n3A_657 = arith.select %le3A_656, %while3A_586, %rev3A_650 : vector<16xi1>, vector<16xf32>
            %select_n3A_658 = arith.select %le3A_656, %while3A_590, %rev3A_655 : vector<16xi1>, vector<16xi32>
            %select_n3A_659 = arith.select %le3A_656, %rev3A_650, %while3A_586 : vector<16xi1>, vector<16xf32>
            %select_n3A_660 = arith.select %le3A_656, %rev3A_655, %while3A_590 : vector<16xi1>, vector<16xi32>
            %masked_sort3A_661 = arith.constant dense<true> : vector<16xi1>
            %masked_sort3A_662, %masked_sort3A_663, %masked_sort3A_664 = tpu.sort %select_n3A_657, %select_n3A_658 masked %masked_sort3A_661 : (vector<16xf32>, vector<16xi32>, vector<16xi1>) -> (vector<16xi1>, vector<16xf32>, vector<16xi32>)
            %masked_sort3A_665 = arith.constant dense<true> : vector<16xi1>
            %masked_sort3A_666, %masked_sort3A_667, %masked_sort3A_668 = tpu.sort %select_n3A_659, %select_n3A_660 masked %masked_sort3A_665 : (vector<16xf32>, vector<16xi32>, vector<16xi1>) -> (vector<16xi1>, vector<16xf32>, vector<16xi32>)
            %rev3A_669 = arith.constant 15 : i32
            %rev3A_670 = vector.broadcast %rev3A_669 : i32 to vector<16xi32>
            %rev3A_671 = tpu.iota {dimensions = array<i32: 0>} : vector<16xi32>
            %rev3A_672 = arith.subi %rev3A_670, %rev3A_671 : vector<16xi32>
            %rev3A_673 = tpu.dynamic_gather %masked_sort3A_667[%rev3A_672] in [0] : vector<16xf32>, vector<16xi32> -> vector<16xf32>
            %rev3A_674 = arith.constant 15 : i32
            %rev3A_675 = vector.broadcast %rev3A_674 : i32 to vector<16xi32>
            %rev3A_676 = tpu.iota {dimensions = array<i32: 0>} : vector<16xi32>
            %rev3A_677 = arith.subi %rev3A_675, %rev3A_676 : vector<16xi32>
            %rev3A_678 = tpu.dynamic_gather %masked_sort3A_668[%rev3A_677] in [0] : vector<16xi32>, vector<16xi32> -> vector<16xi32>
            %le3A_679 = arith.cmpf ole, %while3A_587, %rev3A_673 : vector<16xf32>
            %select_n3A_680 = arith.select %le3A_679, %while3A_587, %rev3A_673 : vector<16xi1>, vector<16xf32>
            %select_n3A_681 = arith.select %le3A_679, %while3A_591, %rev3A_678 : vector<16xi1>, vector<16xi32>
            %select_n3A_682 = arith.select %le3A_679, %rev3A_673, %while3A_587 : vector<16xi1>, vector<16xf32>
            %select_n3A_683 = arith.select %le3A_679, %rev3A_678, %while3A_591 : vector<16xi1>, vector<16xi32>
            %masked_sort3A_684 = arith.constant dense<true> : vector<16xi1>
            %masked_sort3A_685, %masked_sort3A_686, %masked_sort3A_687 = tpu.sort %select_n3A_680, %select_n3A_681 masked %masked_sort3A_684 : (vector<16xf32>, vector<16xi32>, vector<16xi1>) -> (vector<16xi1>, vector<16xf32>, vector<16xi32>)
            %masked_sort3A_688 = arith.constant dense<true> : vector<16xi1>
            %masked_sort3A_689, %masked_sort3A_690, %masked_sort3A_691 = tpu.sort %select_n3A_682, %select_n3A_683 masked %masked_sort3A_688 : (vector<16xf32>, vector<16xi32>, vector<16xi1>) -> (vector<16xi1>, vector<16xf32>, vector<16xi32>)
            %rev3A_692 = arith.constant 15 : i32
            %rev3A_693 = vector.broadcast %rev3A_692 : i32 to vector<16xi32>
            %rev3A_694 = tpu.iota {dimensions = array<i32: 0>} : vector<16xi32>
            %rev3A_695 = arith.subi %rev3A_693, %rev3A_694 : vector<16xi32>
            %rev3A_696 = tpu.dynamic_gather %masked_sort3A_690[%rev3A_695] in [0] : vector<16xf32>, vector<16xi32> -> vector<16xf32>
            %rev3A_697 = arith.constant 15 : i32
            %rev3A_698 = vector.broadcast %rev3A_697 : i32 to vector<16xi32>
            %rev3A_699 = tpu.iota {dimensions = array<i32: 0>} : vector<16xi32>
            %rev3A_700 = arith.subi %rev3A_698, %rev3A_699 : vector<16xi32>
            %rev3A_701 = tpu.dynamic_gather %masked_sort3A_691[%rev3A_700] in [0] : vector<16xi32>, vector<16xi32> -> vector<16xi32>
            %le3A_702 = arith.cmpf ole, %while3A_588, %rev3A_696 : vector<16xf32>
            %select_n3A_703 = arith.select %le3A_702, %while3A_588, %rev3A_696 : vector<16xi1>, vector<16xf32>
            %select_n3A_704 = arith.select %le3A_702, %while3A_592, %rev3A_701 : vector<16xi1>, vector<16xi32>
            %select_n3A_705 = arith.select %le3A_702, %rev3A_696, %while3A_588 : vector<16xi1>, vector<16xf32>
            %select_n3A_706 = arith.select %le3A_702, %rev3A_701, %while3A_592 : vector<16xi1>, vector<16xi32>
            %masked_sort3A_707 = arith.constant dense<true> : vector<16xi1>
            %masked_sort3A_708, %masked_sort3A_709, %masked_sort3A_710 = tpu.sort %select_n3A_703, %select_n3A_704 masked %masked_sort3A_707 : (vector<16xf32>, vector<16xi32>, vector<16xi1>) -> (vector<16xi1>, vector<16xf32>, vector<16xi32>)
            %masked_sort3A_711 = arith.constant dense<true> : vector<16xi1>
            %masked_sort3A_712, %masked_sort3A_713, %masked_sort3A_714 = tpu.sort %select_n3A_705, %select_n3A_706 masked %masked_sort3A_711 : (vector<16xf32>, vector<16xi32>, vector<16xi1>) -> (vector<16xi1>, vector<16xf32>, vector<16xi32>)
            %rev3A_715 = arith.constant 15 : i32
            %rev3A_716 = vector.broadcast %rev3A_715 : i32 to vector<16xi32>
            %rev3A_717 = tpu.iota {dimensions = array<i32: 0>} : vector<16xi32>
            %rev3A_718 = arith.subi %rev3A_716, %rev3A_717 : vector<16xi32>
            %rev3A_719 = tpu.dynamic_gather %masked_sort3A_713[%rev3A_718] in [0] : vector<16xf32>, vector<16xi32> -> vector<16xf32>
            %rev3A_720 = arith.constant 15 : i32
            %rev3A_721 = vector.broadcast %rev3A_720 : i32 to vector<16xi32>
            %rev3A_722 = tpu.iota {dimensions = array<i32: 0>} : vector<16xi32>
            %rev3A_723 = arith.subi %rev3A_721, %rev3A_722 : vector<16xi32>
            %rev3A_724 = tpu.dynamic_gather %masked_sort3A_714[%rev3A_723] in [0] : vector<16xi32>, vector<16xi32> -> vector<16xi32>
            %le3A_725 = arith.cmpf ole, %while3A_589, %rev3A_719 : vector<16xf32>
            %select_n3A_726 = arith.select %le3A_725, %while3A_589, %rev3A_719 : vector<16xi1>, vector<16xf32>
            %select_n3A_727 = arith.select %le3A_725, %while3A_593, %rev3A_724 : vector<16xi1>, vector<16xi32>
            %select_n3A_728 = arith.select %le3A_725, %rev3A_719, %while3A_589 : vector<16xi1>, vector<16xf32>
            %select_n3A_729 = arith.select %le3A_725, %rev3A_724, %while3A_593 : vector<16xi1>, vector<16xi32>
            %masked_sort3A_730 = arith.constant dense<true> : vector<16xi1>
            %masked_sort3A_731, %masked_sort3A_732, %masked_sort3A_733 = tpu.sort %select_n3A_726, %select_n3A_727 masked %masked_sort3A_730 : (vector<16xf32>, vector<16xi32>, vector<16xi1>) -> (vector<16xi1>, vector<16xf32>, vector<16xi32>)
            %masked_sort3A_734 = arith.constant dense<true> : vector<16xi1>
            %masked_sort3A_735, %masked_sort3A_736, %masked_sort3A_737 = tpu.sort %select_n3A_728, %select_n3A_729 masked %masked_sort3A_734 : (vector<16xf32>, vector<16xi32>, vector<16xi1>) -> (vector<16xi1>, vector<16xf32>, vector<16xi32>)
            scf.yield %masked_sort3A_663, %masked_sort3A_686, %masked_sort3A_709, %masked_sort3A_732, %masked_sort3A_664, %masked_sort3A_687, %masked_sort3A_710, %masked_sort3A_733 : vector<16xf32>, vector<16xf32>, vector<16xf32>, vector<16xf32>, vector<16xi32>, vector<16xi32>, vector<16xi32>, vector<16xi32>
          } else {
            scf.yield %while3A_586, %while3A_587, %while3A_588, %while3A_589, %while3A_590, %while3A_591, %while3A_592, %while3A_593 : vector<16xf32>, vector<16xf32>, vector<16xf32>, vector<16xf32>, vector<16xi32>, vector<16xi32>, vector<16xi32>, vector<16xi32>
          }
          scf.yield %cond3A_643#0, %cond3A_643#1, %cond3A_643#2, %cond3A_643#3, %cond3A_643#4, %cond3A_643#5, %cond3A_643#6, %cond3A_643#7 : vector<16xf32>, vector<16xf32>, vector<16xf32>, vector<16xf32>, vector<16xi32>, vector<16xi32>, vector<16xi32>, vector<16xi32>
        }
        %while3A_574 = arith.constant 1 : i32
        %while3A_575:8 = scf.for %while3A_585 = %while3A_571 to %while3A_567 step %while3A_574 iter_args(%while3A_586 = %while3A_573#0, %while3A_587 = %while3A_573#1, %while3A_588 = %while3A_573#2, %while3A_589 = %while3A_573#3, %while3A_590 = %while3A_573#4, %while3A_591 = %while3A_573#5, %while3A_592 = %while3A_573#6, %while3A_593 = %while3A_573#7) -> (vector<16xf32>, vector<16xf32>, vector<16xf32>, vector<16xf32>, vector<16xi32>, vector<16xi32>, vector<16xi32>, vector<16xi32>)  : i32 {
          %mul3A_594 = arith.constant 16 : i32
          %mul3A_595 = arith.muli %while3A_585, %mul3A_594 : i32
          %add3A_596 = arith.addi %mul3A_373, %mul3A_595 : i32
          %add3A_597 = vector.broadcast %add3A_596 : i32 to vector<16xi32>
          %add3A_598 = arith.addi %add3A_597, %iota3A : vector<16xi32>
          %ge3A = vector.broadcast %squeeze3A_315 : i32 to vector<16xi32>
          %ge3A_599 = arith.cmpi sge, %add3A_598, %ge3A : vector<16xi32>
          %lt3A_600 = vector.broadcast %squeeze3A_319 : i32 to vector<16xi32>
          %lt3A_601 = arith.cmpi slt, %add3A_598, %lt3A_600 : vector<16xi32>
          %and3A_602 = arith.andi %ge3A_599, %lt3A_601 : vector<16xi1>
          %get3A_603 = arith.index_cast %add3A_596 : i32 to index
          %get3A_604 = tpu.vector_load %arg19[%get3A_603] {strides = array<i32>} : memref<10240xf32, #tpu.memory_space<vmem>>, vector<16xf32>,
          %get3A_605 = arith.index_cast %add3A_596 : i32 to index
          %get3A_606 = tpu.vector_load %arg20[%get3A_605] {strides = array<i32>} : memref<10240xf32, #tpu.memory_space<vmem>>, vector<16xf32>,
          %get3A_607 = arith.index_cast %add3A_596 : i32 to index
          %get3A_608 = tpu.vector_load %arg21[%get3A_607] {strides = array<i32>} : memref<10240xf32, #tpu.memory_space<vmem>>, vector<16xf32>,
          %get3A_609 = arith.index_cast %add3A_596 : i32 to index
          %get3A_610 = tpu.vector_load %arg22[%get3A_609] {strides = array<i32>} : memref<10240xf32, #tpu.memory_space<vmem>>, vector<16xf32>,
          %mul3A_611 = vector.broadcast %squeeze3A_339 : f32 to vector<16xf32>
          %mul3A_612 = arith.mulf %mul3A_611, %get3A_604 : vector<16xf32>
          %mul3A_613 = vector.broadcast %squeeze3A_343 : f32 to vector<16xf32>
          %mul3A_614 = arith.mulf %mul3A_613, %get3A_606 : vector<16xf32>
          %add3A_615 = arith.addf %mul3A_612, %mul3A_614 : vector<16xf32>
          %mul3A_616 = vector.broadcast %squeeze3A_347 : f32 to vector<16xf32>
          %mul3A_617 = arith.mulf %mul3A_616, %get3A_608 : vector<16xf32>
          %add3A_618 = arith.addf %add3A_615, %mul3A_617 : vector<16xf32>
          %add3A_619 = vector.broadcast %squeeze3A_335 : f32 to vector<16xf32>
          %add3A_620 = arith.addf %add3A_619, %get3A_610 : vector<16xf32>
          %mul3A_621 = arith.constant 2.000000e+00 : f32
          %mul3A_622 = vector.broadcast %mul3A_621 : f32 to vector<16xf32>
          %mul3A_623 = arith.mulf %mul3A_622, %add3A_618 : vector<16xf32>
          %sub3A_624 = arith.subf %add3A_620, %mul3A_623 : vector<16xf32>
          %le3A_625 = arith.constant 4.000000e-02 : f32
          %le3A_626 = vector.broadcast %le3A_625 : f32 to vector<16xf32>
          %le3A_627 = arith.cmpf ole, %sub3A_624, %le3A_626 : vector<16xf32>
          %and3A_628 = arith.andi %le3A_627, %and3A_602 : vector<16xi1>
          %jit3A_629 = arith.constant 0x7F800000 : f32
          %broadcast_in_dim3A_630 = vector.broadcast %jit3A_629 : f32 to vector<16xf32>
          %select_n3A_631 = arith.select %and3A_628, %sub3A_624, %broadcast_in_dim3A_630 : vector<16xi1>, vector<16xf32>
          %reduce_max3A = arith.constant true
          %reduce_max3A_632 = vector.broadcast %reduce_max3A : i1 to vector<16xi1>
          %reduce_max3A_633 = tpu.scan <max>, %while3A_589 masked %reduce_max3A_632 : vector<16xf32>, vector<16xi1> -> vector<16xf32>
          %reduce_max3A_634 = vector.extract %reduce_max3A_633[15] : f32 from vector<16xf32>
          %reduce_min3A = arith.constant true
          %reduce_min3A_635 = vector.broadcast %reduce_min3A : i1 to vector<16xi1>
          %reduce_min3A_636 = tpu.scan <min>, %select_n3A_631 masked %reduce_min3A_635 : vector<16xf32>, vector<16xi1> -> vector<16xf32>
          %reduce_min3A_637 = vector.extract %reduce_min3A_636[15] : f32 from vector<16xf32>
          %lt3A_638 = arith.cmpf olt, %reduce_min3A_637, %reduce_max3A_634 : f32
          %convert_element_type3A_639 = arith.extui %lt3A_638 : i1 to i32
          %cond3A_640 = arith.constant 0 : i32
          %cond3A_641 = arith.constant 0 : i32
          %cond3A_642 = arith.cmpi ne, %convert_element_type3A_639, %cond3A_641 : i32
          %cond3A_643:8 = scf.if %cond3A_642 -> (vector<16xf32>, vector<16xf32>, vector<16xf32>, vector<16xf32>, vector<16xi32>, vector<16xi32>, vector<16xi32>, vector<16xi32>) {
            %masked_sort3A = arith.constant dense<true> : vector<16xi1>
            %masked_sort3A_644, %masked_sort3A_645, %masked_sort3A_646 = tpu.sort %select_n3A_631, %add3A_598 masked %masked_sort3A : (vector<16xf32>, vector<16xi32>, vector<16xi1>) -> (vector<16xi1>, vector<16xf32>, vector<16xi32>)
            %rev3A = arith.constant 15 : i32
            %rev3A_647 = vector.broadcast %rev3A : i32 to vector<16xi32>
            %rev3A_648 = tpu.iota {dimensions = array<i32: 0>} : vector<16xi32>
            %rev3A_649 = arith.subi %rev3A_647, %rev3A_648 : vector<16xi32>
            %rev3A_650 = tpu.dynamic_gather %masked_sort3A_645[%rev3A_649] in [0] : vector<16xf32>, vector<16xi32> -> vector<16xf32>
            %rev3A_651 = arith.constant 15 : i32
            %rev3A_652 = vector.broadcast %rev3A_651 : i32 to vector<16xi32>
            %rev3A_653 = tpu.iota {dimensions = array<i32: 0>} : vector<16xi32>
            %rev3A_654 = arith.subi %rev3A_652, %rev3A_653 : vector<16xi32>
            %rev3A_655 = tpu.dynamic_gather %masked_sort3A_646[%rev3A_654] in [0] : vector<16xi32>, vector<16xi32> -> vector<16xi32>
            %le3A_656 = arith.cmpf ole, %while3A_586, %rev3A_650 : vector<16xf32>
            %select_n3A_657 = arith.select %le3A_656, %while3A_586, %rev3A_650 : vector<16xi1>, vector<16xf32>
            %select_n3A_658 = arith.select %le3A_656, %while3A_590, %rev3A_655 : vector<16xi1>, vector<16xi32>
            %select_n3A_659 = arith.select %le3A_656, %rev3A_650, %while3A_586 : vector<16xi1>, vector<16xf32>
            %select_n3A_660 = arith.select %le3A_656, %rev3A_655, %while3A_590 : vector<16xi1>, vector<16xi32>
            %masked_sort3A_661 = arith.constant dense<true> : vector<16xi1>
            %masked_sort3A_662, %masked_sort3A_663, %masked_sort3A_664 = tpu.sort %select_n3A_657, %select_n3A_658 masked %masked_sort3A_661 : (vector<16xf32>, vector<16xi32>, vector<16xi1>) -> (vector<16xi1>, vector<16xf32>, vector<16xi32>)
            %masked_sort3A_665 = arith.constant dense<true> : vector<16xi1>
            %masked_sort3A_666, %masked_sort3A_667, %masked_sort3A_668 = tpu.sort %select_n3A_659, %select_n3A_660 masked %masked_sort3A_665 : (vector<16xf32>, vector<16xi32>, vector<16xi1>) -> (vector<16xi1>, vector<16xf32>, vector<16xi32>)
            %rev3A_669 = arith.constant 15 : i32
            %rev3A_670 = vector.broadcast %rev3A_669 : i32 to vector<16xi32>
            %rev3A_671 = tpu.iota {dimensions = array<i32: 0>} : vector<16xi32>
            %rev3A_672 = arith.subi %rev3A_670, %rev3A_671 : vector<16xi32>
            %rev3A_673 = tpu.dynamic_gather %masked_sort3A_667[%rev3A_672] in [0] : vector<16xf32>, vector<16xi32> -> vector<16xf32>
            %rev3A_674 = arith.constant 15 : i32
            %rev3A_675 = vector.broadcast %rev3A_674 : i32 to vector<16xi32>
            %rev3A_676 = tpu.iota {dimensions = array<i32: 0>} : vector<16xi32>
            %rev3A_677 = arith.subi %rev3A_675, %rev3A_676 : vector<16xi32>
            %rev3A_678 = tpu.dynamic_gather %masked_sort3A_668[%rev3A_677] in [0] : vector<16xi32>, vector<16xi32> -> vector<16xi32>
            %le3A_679 = arith.cmpf ole, %while3A_587, %rev3A_673 : vector<16xf32>
            %select_n3A_680 = arith.select %le3A_679, %while3A_587, %rev3A_673 : vector<16xi1>, vector<16xf32>
            %select_n3A_681 = arith.select %le3A_679, %while3A_591, %rev3A_678 : vector<16xi1>, vector<16xi32>
            %select_n3A_682 = arith.select %le3A_679, %rev3A_673, %while3A_587 : vector<16xi1>, vector<16xf32>
            %select_n3A_683 = arith.select %le3A_679, %rev3A_678, %while3A_591 : vector<16xi1>, vector<16xi32>
            %masked_sort3A_684 = arith.constant dense<true> : vector<16xi1>
            %masked_sort3A_685, %masked_sort3A_686, %masked_sort3A_687 = tpu.sort %select_n3A_680, %select_n3A_681 masked %masked_sort3A_684 : (vector<16xf32>, vector<16xi32>, vector<16xi1>) -> (vector<16xi1>, vector<16xf32>, vector<16xi32>)
            %masked_sort3A_688 = arith.constant dense<true> : vector<16xi1>
            %masked_sort3A_689, %masked_sort3A_690, %masked_sort3A_691 = tpu.sort %select_n3A_682, %select_n3A_683 masked %masked_sort3A_688 : (vector<16xf32>, vector<16xi32>, vector<16xi1>) -> (vector<16xi1>, vector<16xf32>, vector<16xi32>)
            %rev3A_692 = arith.constant 15 : i32
            %rev3A_693 = vector.broadcast %rev3A_692 : i32 to vector<16xi32>
            %rev3A_694 = tpu.iota {dimensions = array<i32: 0>} : vector<16xi32>
            %rev3A_695 = arith.subi %rev3A_693, %rev3A_694 : vector<16xi32>
            %rev3A_696 = tpu.dynamic_gather %masked_sort3A_690[%rev3A_695] in [0] : vector<16xf32>, vector<16xi32> -> vector<16xf32>
            %rev3A_697 = arith.constant 15 : i32
            %rev3A_698 = vector.broadcast %rev3A_697 : i32 to vector<16xi32>
            %rev3A_699 = tpu.iota {dimensions = array<i32: 0>} : vector<16xi32>
            %rev3A_700 = arith.subi %rev3A_698, %rev3A_699 : vector<16xi32>
            %rev3A_701 = tpu.dynamic_gather %masked_sort3A_691[%rev3A_700] in [0] : vector<16xi32>, vector<16xi32> -> vector<16xi32>
            %le3A_702 = arith.cmpf ole, %while3A_588, %rev3A_696 : vector<16xf32>
            %select_n3A_703 = arith.select %le3A_702, %while3A_588, %rev3A_696 : vector<16xi1>, vector<16xf32>
            %select_n3A_704 = arith.select %le3A_702, %while3A_592, %rev3A_701 : vector<16xi1>, vector<16xi32>
            %select_n3A_705 = arith.select %le3A_702, %rev3A_696, %while3A_588 : vector<16xi1>, vector<16xf32>
            %select_n3A_706 = arith.select %le3A_702, %rev3A_701, %while3A_592 : vector<16xi1>, vector<16xi32>
            %masked_sort3A_707 = arith.constant dense<true> : vector<16xi1>
            %masked_sort3A_708, %masked_sort3A_709, %masked_sort3A_710 = tpu.sort %select_n3A_703, %select_n3A_704 masked %masked_sort3A_707 : (vector<16xf32>, vector<16xi32>, vector<16xi1>) -> (vector<16xi1>, vector<16xf32>, vector<16xi32>)
            %masked_sort3A_711 = arith.constant dense<true> : vector<16xi1>
            %masked_sort3A_712, %masked_sort3A_713, %masked_sort3A_714 = tpu.sort %select_n3A_705, %select_n3A_706 masked %masked_sort3A_711 : (vector<16xf32>, vector<16xi32>, vector<16xi1>) -> (vector<16xi1>, vector<16xf32>, vector<16xi32>)
            %rev3A_715 = arith.constant 15 : i32
            %rev3A_716 = vector.broadcast %rev3A_715 : i32 to vector<16xi32>
            %rev3A_717 = tpu.iota {dimensions = array<i32: 0>} : vector<16xi32>
            %rev3A_718 = arith.subi %rev3A_716, %rev3A_717 : vector<16xi32>
            %rev3A_719 = tpu.dynamic_gather %masked_sort3A_713[%rev3A_718] in [0] : vector<16xf32>, vector<16xi32> -> vector<16xf32>
            %rev3A_720 = arith.constant 15 : i32
            %rev3A_721 = vector.broadcast %rev3A_720 : i32 to vector<16xi32>
            %rev3A_722 = tpu.iota {dimensions = array<i32: 0>} : vector<16xi32>
            %rev3A_723 = arith.subi %rev3A_721, %rev3A_722 : vector<16xi32>
            %rev3A_724 = tpu.dynamic_gather %masked_sort3A_714[%rev3A_723] in [0] : vector<16xi32>, vector<16xi32> -> vector<16xi32>
            %le3A_725 = arith.cmpf ole, %while3A_589, %rev3A_719 : vector<16xf32>
            %select_n3A_726 = arith.select %le3A_725, %while3A_589, %rev3A_719 : vector<16xi1>, vector<16xf32>
            %select_n3A_727 = arith.select %le3A_725, %while3A_593, %rev3A_724 : vector<16xi1>, vector<16xi32>
            %select_n3A_728 = arith.select %le3A_725, %rev3A_719, %while3A_589 : vector<16xi1>, vector<16xf32>
            %select_n3A_729 = arith.select %le3A_725, %rev3A_724, %while3A_593 : vector<16xi1>, vector<16xi32>
            %masked_sort3A_730 = arith.constant dense<true> : vector<16xi1>
            %masked_sort3A_731, %masked_sort3A_732, %masked_sort3A_733 = tpu.sort %select_n3A_726, %select_n3A_727 masked %masked_sort3A_730 : (vector<16xf32>, vector<16xi32>, vector<16xi1>) -> (vector<16xi1>, vector<16xf32>, vector<16xi32>)
            %masked_sort3A_734 = arith.constant dense<true> : vector<16xi1>
            %masked_sort3A_735, %masked_sort3A_736, %masked_sort3A_737 = tpu.sort %select_n3A_728, %select_n3A_729 masked %masked_sort3A_734 : (vector<16xf32>, vector<16xi32>, vector<16xi1>) -> (vector<16xi1>, vector<16xf32>, vector<16xi32>)
            scf.yield %masked_sort3A_663, %masked_sort3A_686, %masked_sort3A_709, %masked_sort3A_732, %masked_sort3A_664, %masked_sort3A_687, %masked_sort3A_710, %masked_sort3A_733 : vector<16xf32>, vector<16xf32>, vector<16xf32>, vector<16xf32>, vector<16xi32>, vector<16xi32>, vector<16xi32>, vector<16xi32>
          } else {
            scf.yield %while3A_586, %while3A_587, %while3A_588, %while3A_589, %while3A_590, %while3A_591, %while3A_592, %while3A_593 : vector<16xf32>, vector<16xf32>, vector<16xf32>, vector<16xf32>, vector<16xi32>, vector<16xi32>, vector<16xi32>, vector<16xi32>
          }
          scf.yield %cond3A_643#0, %cond3A_643#1, %cond3A_643#2, %cond3A_643#3, %cond3A_643#4, %cond3A_643#5, %cond3A_643#6, %cond3A_643#7 : vector<16xf32>, vector<16xf32>, vector<16xf32>, vector<16xf32>, vector<16xi32>, vector<16xi32>, vector<16xi32>, vector<16xi32>
        }
        %swap3A_576 = arith.constant 0 : index
        %swap3A_577 = tpu.vector_load %arg27[%swap3A_576] {strides = array<i32>} : memref<64xi32, #tpu.memory_space<vmem>>, vector<16xi32>,
        tpu.vector_store %arg27[%swap3A_576], %while3A_575#4 {strides = array<i32>} : memref<64xi32, #tpu.memory_space<vmem>>, vector<16xi32>,
        %swap3A_578 = arith.constant 16 : index
        %swap3A_579 = tpu.vector_load %arg27[%swap3A_578] {strides = array<i32>} : memref<64xi32, #tpu.memory_space<vmem>>, vector<16xi32>,
        tpu.vector_store %arg27[%swap3A_578], %while3A_575#5 {strides = array<i32>} : memref<64xi32, #tpu.memory_space<vmem>>, vector<16xi32>,
        %swap3A_580 = arith.constant 32 : index
        %swap3A_581 = tpu.vector_load %arg27[%swap3A_580] {strides = array<i32>} : memref<64xi32, #tpu.memory_space<vmem>>, vector<16xi32>,
        tpu.vector_store %arg27[%swap3A_580], %while3A_575#6 {strides = array<i32>} : memref<64xi32, #tpu.memory_space<vmem>>, vector<16xi32>,
        %swap3A_582 = arith.constant 48 : index
        %swap3A_583 = tpu.vector_load %arg27[%swap3A_582] {strides = array<i32>} : memref<64xi32, #tpu.memory_space<vmem>>, vector<16xi32>,
        tpu.vector_store %arg27[%swap3A_582], %while3A_575#7 {strides = array<i32>} : memref<64xi32, #tpu.memory_space<vmem>>, vector<16xi32>,
        %cond3A_584 = arith.constant 0 : i32
        scf.yield %cond3A_584 : i32
      }
      %jit3A_420 = arith.constant 32 : i32
      %eq3A_421 = arith.constant 0 : i32
      %eq3A_422 = arith.cmpi eq, %jit3A_420, %eq3A_421 : i32
      %jit3A_423 = arith.constant 1 : i32
      %select_n3A_424 = arith.select %eq3A_422, %jit3A_423, %jit3A_420 : i32
      %rem3A_425 = arith.remsi %add3A_111, %select_n3A_424 : i32
      %ne3A_426 = arith.constant 0 : i32
      %ne3A_427 = arith.cmpi ne, %rem3A_425, %ne3A_426 : i32
      %lt3A_428 = arith.constant 0 : i32
      %lt3A_429 = arith.cmpi slt, %rem3A_425, %lt3A_428 : i32
      %lt3A_430 = arith.constant 0 : i32
      %lt3A_431 = arith.cmpi slt, %select_n3A_424, %lt3A_430 : i32
      %ne3A_432 = arith.xori %lt3A_429, %lt3A_431 : i1
      %and3A_433 = arith.andi %ne3A_432, %ne3A_427 : i1
      %add3A_434 = arith.addi %rem3A_425, %select_n3A_424 : i32
      %select_n3A_435 = arith.select %and3A_433, %add3A_434, %rem3A_425 : i32
      %mul3A_436 = arith.constant 64 : i32
      %mul3A_437 = arith.muli %select_n3A_435, %mul3A_436 : i32
      %get3A_438 = arith.constant 0 : index
      %get3A_439 = tpu.vector_load %arg27[%get3A_438] {strides = array<i32>} : memref<64xi32, #tpu.memory_space<vmem>>, vector<16xi32>,
      %add3A_440 = arith.constant 0 : i32
      %add3A_441 = arith.addi %mul3A_437, %add3A_440 : i32
      %gather3A_442 = tpu.vector_load_idx %arg16[%get3A_439] : memref<10240xf32, #tpu.memory_space<vmem>>[vector<16xi32>], vector<16xf32>,
      %sub3A_443 = vector.broadcast %squeeze3A_323 : f32 to vector<16xf32>
      %sub3A_444 = arith.subf %gather3A_442, %sub3A_443 : vector<16xf32>
      %swap3A_445 = arith.index_cast %add3A_441 : i32 to index
      %swap3A_446 = tpu.vector_load %arg30[%swap3A_445] {strides = array<i32>} : memref<2048xf32, #tpu.memory_space<vmem>>, vector<16xf32>,
      tpu.vector_store %arg30[%swap3A_445], %sub3A_444 {strides = array<i32>} : memref<2048xf32, #tpu.memory_space<vmem>>, vector<16xf32>,
      %gather3A_447 = tpu.vector_load_idx %arg17[%get3A_439] : memref<10240xf32, #tpu.memory_space<vmem>>[vector<16xi32>], vector<16xf32>,
      %sub3A_448 = vector.broadcast %squeeze3A_327 : f32 to vector<16xf32>
      %sub3A_449 = arith.subf %gather3A_447, %sub3A_448 : vector<16xf32>
      %swap3A_450 = arith.index_cast %add3A_441 : i32 to index
      %swap3A_451 = tpu.vector_load %arg31[%swap3A_450] {strides = array<i32>} : memref<2048xf32, #tpu.memory_space<vmem>>, vector<16xf32>,
      tpu.vector_store %arg31[%swap3A_450], %sub3A_449 {strides = array<i32>} : memref<2048xf32, #tpu.memory_space<vmem>>, vector<16xf32>,
      %gather3A_452 = tpu.vector_load_idx %arg18[%get3A_439] : memref<10240xf32, #tpu.memory_space<vmem>>[vector<16xi32>], vector<16xf32>,
      %sub3A_453 = vector.broadcast %squeeze3A_331 : f32 to vector<16xf32>
      %sub3A_454 = arith.subf %gather3A_452, %sub3A_453 : vector<16xf32>
      %swap3A_455 = arith.index_cast %add3A_441 : i32 to index
      %swap3A_456 = tpu.vector_load %arg32[%swap3A_455] {strides = array<i32>} : memref<2048xf32, #tpu.memory_space<vmem>>, vector<16xf32>,
      tpu.vector_store %arg32[%swap3A_455], %sub3A_454 {strides = array<i32>} : memref<2048xf32, #tpu.memory_space<vmem>>, vector<16xf32>,
      %get3A_457 = arith.constant 16 : index
      %get3A_458 = tpu.vector_load %arg27[%get3A_457] {strides = array<i32>} : memref<64xi32, #tpu.memory_space<vmem>>, vector<16xi32>,
      %add3A_459 = arith.constant 16 : i32
      %add3A_460 = arith.addi %mul3A_437, %add3A_459 : i32
      %gather3A_461 = tpu.vector_load_idx %arg16[%get3A_458] : memref<10240xf32, #tpu.memory_space<vmem>>[vector<16xi32>], vector<16xf32>,
      %sub3A_462 = vector.broadcast %squeeze3A_323 : f32 to vector<16xf32>
      %sub3A_463 = arith.subf %gather3A_461, %sub3A_462 : vector<16xf32>
      %swap3A_464 = arith.index_cast %add3A_460 : i32 to index
      %swap3A_465 = tpu.vector_load %arg30[%swap3A_464] {strides = array<i32>} : memref<2048xf32, #tpu.memory_space<vmem>>, vector<16xf32>,
      tpu.vector_store %arg30[%swap3A_464], %sub3A_463 {strides = array<i32>} : memref<2048xf32, #tpu.memory_space<vmem>>, vector<16xf32>,
      %gather3A_466 = tpu.vector_load_idx %arg17[%get3A_458] : memref<10240xf32, #tpu.memory_space<vmem>>[vector<16xi32>], vector<16xf32>,
      %sub3A_467 = vector.broadcast %squeeze3A_327 : f32 to vector<16xf32>
      %sub3A_468 = arith.subf %gather3A_466, %sub3A_467 : vector<16xf32>
      %swap3A_469 = arith.index_cast %add3A_460 : i32 to index
      %swap3A_470 = tpu.vector_load %arg31[%swap3A_469] {strides = array<i32>} : memref<2048xf32, #tpu.memory_space<vmem>>, vector<16xf32>,
      tpu.vector_store %arg31[%swap3A_469], %sub3A_468 {strides = array<i32>} : memref<2048xf32, #tpu.memory_space<vmem>>, vector<16xf32>,
      %gather3A_471 = tpu.vector_load_idx %arg18[%get3A_458] : memref<10240xf32, #tpu.memory_space<vmem>>[vector<16xi32>], vector<16xf32>,
      %sub3A_472 = vector.broadcast %squeeze3A_331 : f32 to vector<16xf32>
      %sub3A_473 = arith.subf %gather3A_471, %sub3A_472 : vector<16xf32>
      %swap3A_474 = arith.index_cast %add3A_460 : i32 to index
      %swap3A_475 = tpu.vector_load %arg32[%swap3A_474] {strides = array<i32>} : memref<2048xf32, #tpu.memory_space<vmem>>, vector<16xf32>,
      tpu.vector_store %arg32[%swap3A_474], %sub3A_473 {strides = array<i32>} : memref<2048xf32, #tpu.memory_space<vmem>>, vector<16xf32>,
      %get3A_476 = arith.constant 32 : index
      %get3A_477 = tpu.vector_load %arg27[%get3A_476] {strides = array<i32>} : memref<64xi32, #tpu.memory_space<vmem>>, vector<16xi32>,
      %add3A_478 = arith.constant 32 : i32
      %add3A_479 = arith.addi %mul3A_437, %add3A_478 : i32
      %gather3A_480 = tpu.vector_load_idx %arg16[%get3A_477] : memref<10240xf32, #tpu.memory_space<vmem>>[vector<16xi32>], vector<16xf32>,
      %sub3A_481 = vector.broadcast %squeeze3A_323 : f32 to vector<16xf32>
      %sub3A_482 = arith.subf %gather3A_480, %sub3A_481 : vector<16xf32>
      %swap3A_483 = arith.index_cast %add3A_479 : i32 to index
      %swap3A_484 = tpu.vector_load %arg30[%swap3A_483] {strides = array<i32>} : memref<2048xf32, #tpu.memory_space<vmem>>, vector<16xf32>,
      tpu.vector_store %arg30[%swap3A_483], %sub3A_482 {strides = array<i32>} : memref<2048xf32, #tpu.memory_space<vmem>>, vector<16xf32>,
      %gather3A_485 = tpu.vector_load_idx %arg17[%get3A_477] : memref<10240xf32, #tpu.memory_space<vmem>>[vector<16xi32>], vector<16xf32>,
      %sub3A_486 = vector.broadcast %squeeze3A_327 : f32 to vector<16xf32>
      %sub3A_487 = arith.subf %gather3A_485, %sub3A_486 : vector<16xf32>
      %swap3A_488 = arith.index_cast %add3A_479 : i32 to index
      %swap3A_489 = tpu.vector_load %arg31[%swap3A_488] {strides = array<i32>} : memref<2048xf32, #tpu.memory_space<vmem>>, vector<16xf32>,
      tpu.vector_store %arg31[%swap3A_488], %sub3A_487 {strides = array<i32>} : memref<2048xf32, #tpu.memory_space<vmem>>, vector<16xf32>,
      %gather3A_490 = tpu.vector_load_idx %arg18[%get3A_477] : memref<10240xf32, #tpu.memory_space<vmem>>[vector<16xi32>], vector<16xf32>,
      %sub3A_491 = vector.broadcast %squeeze3A_331 : f32 to vector<16xf32>
      %sub3A_492 = arith.subf %gather3A_490, %sub3A_491 : vector<16xf32>
      %swap3A_493 = arith.index_cast %add3A_479 : i32 to index
      %swap3A_494 = tpu.vector_load %arg32[%swap3A_493] {strides = array<i32>} : memref<2048xf32, #tpu.memory_space<vmem>>, vector<16xf32>,
      tpu.vector_store %arg32[%swap3A_493], %sub3A_492 {strides = array<i32>} : memref<2048xf32, #tpu.memory_space<vmem>>, vector<16xf32>,
      %get3A_495 = arith.constant 48 : index
      %get3A_496 = tpu.vector_load %arg27[%get3A_495] {strides = array<i32>} : memref<64xi32, #tpu.memory_space<vmem>>, vector<16xi32>,
      %add3A_497 = arith.constant 48 : i32
      %add3A_498 = arith.addi %mul3A_437, %add3A_497 : i32
      %gather3A_499 = tpu.vector_load_idx %arg16[%get3A_496] : memref<10240xf32, #tpu.memory_space<vmem>>[vector<16xi32>], vector<16xf32>,
      %sub3A_500 = vector.broadcast %squeeze3A_323 : f32 to vector<16xf32>
      %sub3A_501 = arith.subf %gather3A_499, %sub3A_500 : vector<16xf32>
      %swap3A_502 = arith.index_cast %add3A_498 : i32 to index
      %swap3A_503 = tpu.vector_load %arg30[%swap3A_502] {strides = array<i32>} : memref<2048xf32, #tpu.memory_space<vmem>>, vector<16xf32>,
      tpu.vector_store %arg30[%swap3A_502], %sub3A_501 {strides = array<i32>} : memref<2048xf32, #tpu.memory_space<vmem>>, vector<16xf32>,
      %gather3A_504 = tpu.vector_load_idx %arg17[%get3A_496] : memref<10240xf32, #tpu.memory_space<vmem>>[vector<16xi32>], vector<16xf32>,
      %sub3A_505 = vector.broadcast %squeeze3A_327 : f32 to vector<16xf32>
      %sub3A_506 = arith.subf %gather3A_504, %sub3A_505 : vector<16xf32>
      %swap3A_507 = arith.index_cast %add3A_498 : i32 to index
      %swap3A_508 = tpu.vector_load %arg31[%swap3A_507] {strides = array<i32>} : memref<2048xf32, #tpu.memory_space<vmem>>, vector<16xf32>,
      tpu.vector_store %arg31[%swap3A_507], %sub3A_506 {strides = array<i32>} : memref<2048xf32, #tpu.memory_space<vmem>>, vector<16xf32>,
      %gather3A_509 = tpu.vector_load_idx %arg18[%get3A_496] : memref<10240xf32, #tpu.memory_space<vmem>>[vector<16xi32>], vector<16xf32>,
      %sub3A_510 = vector.broadcast %squeeze3A_331 : f32 to vector<16xf32>
      %sub3A_511 = arith.subf %gather3A_509, %sub3A_510 : vector<16xf32>
      %swap3A_512 = arith.index_cast %add3A_498 : i32 to index
      %swap3A_513 = tpu.vector_load %arg32[%swap3A_512] {strides = array<i32>} : memref<2048xf32, #tpu.memory_space<vmem>>, vector<16xf32>,
      tpu.vector_store %arg32[%swap3A_512], %sub3A_511 {strides = array<i32>} : memref<2048xf32, #tpu.memory_space<vmem>>, vector<16xf32>,
      %dma_start3A_514 = arith.constant 0 : i32
      %dma_start3A_515 = arith.constant 0 : i32
      %dma_start3A_516 = tpu.memref_slice %arg11[%dma_start3A_514, %dma_start3A_515] : memref<10000x128xf32, #tpu.memory_space<hbm>> -> memref<10000x128xf32, #tpu.memory_space<hbm>>
      tpu.enqueue_indirect_dma source(%dma_start3A_516 : memref<10000x128xf32, #tpu.memory_space<hbm>>) target(%arg29 : memref<64x128xf32, #tpu.memory_space<vmem>>) offsets(%arg27 : memref<64xi32, #tpu.memory_space<vmem>>) semaphore(%arg34 : memref<!tpu.dma_semaphore, #tpu.memory_space<semaphore_mem>>)
      %dma_wait3A_517 = arith.constant 0 : i32
      %dma_wait3A_518 = arith.constant 0 : i32
      %dma_wait3A_519 = tpu.memref_slice %arg11[%dma_wait3A_517, %dma_wait3A_518] : memref<10000x128xf32, #tpu.memory_space<hbm>> -> memref<10000x128xf32, #tpu.memory_space<hbm>>
      tpu.wait_indirect_dma semaphore(%arg33 : memref<!tpu.dma_semaphore, #tpu.memory_space<semaphore_mem>>) src(%dma_wait3A_519 : memref<10000x128xf32, #tpu.memory_space<hbm>>) dst(%arg28 : memref<64x128xf32, #tpu.memory_space<vmem>>)
      %add3A_520 = arith.addi %mul3A_2, %mul3A_109 : i32
      %dma_start3A_521 = arith.constant 0 : i32
      %dma_start3A_522 = arith.constant 0 : i32
      %dma_start3A_523 = tpu.memref_slice %arg12[%add3A_520, %dma_start3A_521, %dma_start3A_522] : memref<10000x64x128xf32, #tpu.memory_space<hbm>> -> memref<1x64x128xf32, #tpu.memory_space<hbm>>
      %dma_start3A_524 = tpu.memref_squeeze %dma_start3A_523 : memref<1x64x128xf32, #tpu.memory_space<hbm>> -> memref<64x128xf32, #tpu.memory_space<hbm>>
      %dma_start3A_525 = arith.constant 0 : i32
      %dma_start3A_526 = arith.constant 0 : i32
      %dma_start3A_527 = tpu.memref_slice %arg12[%add3A_520, %dma_start3A_525, %dma_start3A_526] : memref<10000x64x128xf32, #tpu.memory_space<hbm>> -> memref<1x64x128xf32, #tpu.memory_space<hbm>>
      %dma_start3A_528 = tpu.memref_squeeze %dma_start3A_527 : memref<1x64x128xf32, #tpu.memory_space<hbm>> -> memref<64x128xf32, #tpu.memory_space<hbm>>
      tpu.enqueue_dma source(%arg28 : memref<64x128xf32, #tpu.memory_space<vmem>>) target(%dma_start3A_528 : memref<64x128xf32, #tpu.memory_space<hbm>>) target_semaphore(%arg35 : memref<!tpu.dma_semaphore, #tpu.memory_space<semaphore_mem>>)
      %dma_wait3A_529 = arith.constant 0 : i32
      %dma_wait3A_530 = arith.constant 0 : i32
      %dma_wait3A_531 = tpu.memref_slice %arg11[%dma_wait3A_529, %dma_wait3A_530] : memref<10000x128xf32, #tpu.memory_space<hbm>> -> memref<10000x128xf32, #tpu.memory_space<hbm>>
      tpu.wait_indirect_dma semaphore(%arg34 : memref<!tpu.dma_semaphore, #tpu.memory_space<semaphore_mem>>) src(%dma_wait3A_531 : memref<10000x128xf32, #tpu.memory_space<hbm>>) dst(%arg29 : memref<64x128xf32, #tpu.memory_space<vmem>>)
      %add3A_532 = arith.addi %mul3A_2, %add3A_111 : i32
      %dma_start3A_533 = arith.constant 0 : i32
      %dma_start3A_534 = arith.constant 0 : i32
      %dma_start3A_535 = tpu.memref_slice %arg12[%add3A_532, %dma_start3A_533, %dma_start3A_534] : memref<10000x64x128xf32, #tpu.memory_space<hbm>> -> memref<1x64x128xf32, #tpu.memory_space<hbm>>
      %dma_start3A_536 = tpu.memref_squeeze %dma_start3A_535 : memref<1x64x128xf32, #tpu.memory_space<hbm>> -> memref<64x128xf32, #tpu.memory_space<hbm>>
      %dma_start3A_537 = arith.constant 0 : i32
      %dma_start3A_538 = arith.constant 0 : i32
      %dma_start3A_539 = tpu.memref_slice %arg12[%add3A_532, %dma_start3A_537, %dma_start3A_538] : memref<10000x64x128xf32, #tpu.memory_space<hbm>> -> memref<1x64x128xf32, #tpu.memory_space<hbm>>
      %dma_start3A_540 = tpu.memref_squeeze %dma_start3A_539 : memref<1x64x128xf32, #tpu.memory_space<hbm>> -> memref<64x128xf32, #tpu.memory_space<hbm>>
      tpu.enqueue_dma source(%arg29 : memref<64x128xf32, #tpu.memory_space<vmem>>) target(%dma_start3A_540 : memref<64x128xf32, #tpu.memory_space<hbm>>) target_semaphore(%arg35 : memref<!tpu.dma_semaphore, #tpu.memory_space<semaphore_mem>>)
      %jit3A_541 = arith.constant 16 : i32
      %eq3A_542 = arith.constant 0 : i32
      %eq3A_543 = arith.cmpi eq, %jit3A_541, %eq3A_542 : i32
      %jit3A_544 = arith.constant 1 : i32
      %select_n3A_545 = arith.select %eq3A_543, %jit3A_544, %jit3A_541 : i32
      %rem3A_546 = arith.remsi %while3A_106, %select_n3A_545 : i32
      %ne3A_547 = arith.constant 0 : i32
      %ne3A_548 = arith.cmpi ne, %rem3A_546, %ne3A_547 : i32
      %lt3A_549 = arith.constant 0 : i32
      %lt3A_550 = arith.cmpi slt, %rem3A_546, %lt3A_549 : i32
      %lt3A_551 = arith.constant 0 : i32
      %lt3A_552 = arith.cmpi slt, %select_n3A_545, %lt3A_551 : i32
      %ne3A_553 = arith.xori %lt3A_550, %lt3A_552 : i1
      %and3A_554 = arith.andi %ne3A_553, %ne3A_548 : i1
      %add3A_555 = arith.addi %rem3A_546, %select_n3A_545 : i32
      %select_n3A_556 = arith.select %and3A_554, %add3A_555, %rem3A_546 : i32
      %eq3A_557 = arith.constant 15 : i32
      %eq3A_558 = arith.cmpi eq, %select_n3A_556, %eq3A_557 : i32
      %convert_element_type3A_559 = arith.extui %eq3A_558 : i1 to i32
      %cond3A_560 = arith.constant 0 : i32
      %cond3A_561 = arith.cmpi ne, %convert_element_type3A_559, %cond3A_560 : i32
      scf.if %cond3A_561 {
        %jit3A_563 = arith.constant 16 : i32
        %div3A_564 = arith.divsi %while3A_106, %jit3A_563 : i32
        %sign3A_565 = arith.constant 0 : i32
        %sign3A_566 = arith.cmpi sgt, %while3A_106, %sign3A_565 : i32
        %sign3A_567 = arith.extui %sign3A_566 : i1 to i32
        %sign3A_568 = arith.constant 0 : i32
        %sign3A_569 = arith.cmpi slt, %while3A_106, %sign3A_568 : i32
        %sign3A_570 = arith.extui %sign3A_569 : i1 to i32
        %sign3A_571 = arith.subi %sign3A_567, %sign3A_570 : i32
        %sign3A_572 = arith.constant 0 : i32
        %sign3A_573 = arith.cmpi sgt, %jit3A_563, %sign3A_572 : i32
        %sign3A_574 = arith.extui %sign3A_573 : i1 to i32
        %sign3A_575 = arith.constant 0 : i32
        %sign3A_576 = arith.cmpi slt, %jit3A_563, %sign3A_575 : i32
        %sign3A_577 = arith.extui %sign3A_576 : i1 to i32
        %sign3A_578 = arith.subi %sign3A_574, %sign3A_577 : i32
        %ne3A_579 = arith.cmpi ne, %sign3A_571, %sign3A_578 : i32
        %rem3A_580 = arith.remsi %while3A_106, %jit3A_563 : i32
        %ne3A_581 = arith.constant 0 : i32
        %ne3A_582 = arith.cmpi ne, %rem3A_580, %ne3A_581 : i32
        %and3A_583 = arith.andi %ne3A_579, %ne3A_582 : i1
        %sub3A_584 = arith.constant 1 : i32
        %sub3A_585 = arith.subi %div3A_564, %sub3A_584 : i32
        %select_n3A_586 = arith.select %and3A_583, %sub3A_585, %div3A_564 : i32
        %mul3A_587 = arith.constant 32 : i32
        %mul3A_588 = arith.muli %select_n3A_586, %mul3A_587 : i32
        %add3A_589 = arith.addi %mul3A_2, %mul3A_588 : i32
        %mul3A_590 = arith.constant 64 : i32
        %mul3A_591 = arith.muli %add3A_589, %mul3A_590 : i32
        "tpu.region"() ({
          %run_scoped3A = tpu.sem_alloc : memref<!tpu.dma_semaphore, #tpu.memory_space<semaphore_mem>>
          %dma_start3A_592 = tpu.memref_slice %arg13[%mul3A_591] : memref<655360xf32, #tpu.memory_space<hbm>> -> memref<2048xf32, #tpu.memory_space<hbm>>
          %dma_start3A_593 = tpu.memref_slice %arg13[%mul3A_591] : memref<655360xf32, #tpu.memory_space<hbm>> -> memref<2048xf32, #tpu.memory_space<hbm>>
          tpu.enqueue_dma source(%arg30 : memref<2048xf32, #tpu.memory_space<vmem>>) target(%dma_start3A_593 : memref<2048xf32, #tpu.memory_space<hbm>>) target_semaphore(%run_scoped3A : memref<!tpu.dma_semaphore, #tpu.memory_space<semaphore_mem>>)
          %dma_wait3A_594 = tpu.memref_slice %arg13[%mul3A_591] : memref<655360xf32, #tpu.memory_space<hbm>> -> memref<2048xf32, #tpu.memory_space<hbm>>
          %dma_wait3A_595 = tpu.memref_slice %arg13[%mul3A_591] : memref<655360xf32, #tpu.memory_space<hbm>> -> memref<2048xf32, #tpu.memory_space<hbm>>
          tpu.wait_dma2 semaphore(%run_scoped3A : memref<!tpu.dma_semaphore, #tpu.memory_space<semaphore_mem>>) src(%arg30 : memref<2048xf32, #tpu.memory_space<vmem>>) dst(%dma_wait3A_595 : memref<2048xf32, #tpu.memory_space<hbm>>)
          tpu.yield
        }) : () -> ()
        "tpu.region"() ({
          %run_scoped3A = tpu.sem_alloc : memref<!tpu.dma_semaphore, #tpu.memory_space<semaphore_mem>>
          %dma_start3A_592 = tpu.memref_slice %arg14[%mul3A_591] : memref<655360xf32, #tpu.memory_space<hbm>> -> memref<2048xf32, #tpu.memory_space<hbm>>
          %dma_start3A_593 = tpu.memref_slice %arg14[%mul3A_591] : memref<655360xf32, #tpu.memory_space<hbm>> -> memref<2048xf32, #tpu.memory_space<hbm>>
          tpu.enqueue_dma source(%arg31 : memref<2048xf32, #tpu.memory_space<vmem>>) target(%dma_start3A_593 : memref<2048xf32, #tpu.memory_space<hbm>>) target_semaphore(%run_scoped3A : memref<!tpu.dma_semaphore, #tpu.memory_space<semaphore_mem>>)
          %dma_wait3A_594 = tpu.memref_slice %arg14[%mul3A_591] : memref<655360xf32, #tpu.memory_space<hbm>> -> memref<2048xf32, #tpu.memory_space<hbm>>
          %dma_wait3A_595 = tpu.memref_slice %arg14[%mul3A_591] : memref<655360xf32, #tpu.memory_space<hbm>> -> memref<2048xf32, #tpu.memory_space<hbm>>
          tpu.wait_dma2 semaphore(%run_scoped3A : memref<!tpu.dma_semaphore, #tpu.memory_space<semaphore_mem>>) src(%arg31 : memref<2048xf32, #tpu.memory_space<vmem>>) dst(%dma_wait3A_595 : memref<2048xf32, #tpu.memory_space<hbm>>)
          tpu.yield
        }) : () -> ()
        "tpu.region"() ({
          %run_scoped3A = tpu.sem_alloc : memref<!tpu.dma_semaphore, #tpu.memory_space<semaphore_mem>>
          %dma_start3A_592 = tpu.memref_slice %arg15[%mul3A_591] : memref<655360xf32, #tpu.memory_space<hbm>> -> memref<2048xf32, #tpu.memory_space<hbm>>
          %dma_start3A_593 = tpu.memref_slice %arg15[%mul3A_591] : memref<655360xf32, #tpu.memory_space<hbm>> -> memref<2048xf32, #tpu.memory_space<hbm>>
          tpu.enqueue_dma source(%arg32 : memref<2048xf32, #tpu.memory_space<vmem>>) target(%dma_start3A_593 : memref<2048xf32, #tpu.memory_space<hbm>>) target_semaphore(%run_scoped3A : memref<!tpu.dma_semaphore, #tpu.memory_space<semaphore_mem>>)
          %dma_wait3A_594 = tpu.memref_slice %arg15[%mul3A_591] : memref<655360xf32, #tpu.memory_space<hbm>> -> memref<2048xf32, #tpu.memory_space<hbm>>
          %dma_wait3A_595 = tpu.memref_slice %arg15[%mul3A_591] : memref<655360xf32, #tpu.memory_space<hbm>> -> memref<2048xf32, #tpu.memory_space<hbm>>
          tpu.wait_dma2 semaphore(%run_scoped3A : memref<!tpu.dma_semaphore, #tpu.memory_space<semaphore_mem>>) src(%arg32 : memref<2048xf32, #tpu.memory_space<vmem>>) dst(%dma_wait3A_595 : memref<2048xf32, #tpu.memory_space<hbm>>)
          tpu.yield
        }) : () -> ()
      } else {
      }
      %while3A_562 = arith.constant 0 : i32
      scf.yield %while3A_562 : i32
    }
    %dma_wait3A = arith.constant 0 : i32
    %dma_wait3A_34 = arith.constant 0 : i32
    %dma_wait3A_35 = arith.constant 0 : i32
    %dma_wait3A_36 = tpu.memref_slice %arg12[%dma_wait3A, %dma_wait3A_34, %dma_wait3A_35] : memref<10000x64x128xf32, #tpu.memory_space<hbm>> -> memref<1x64x128xf32, #tpu.memory_space<hbm>>
    %dma_wait3A_37 = tpu.memref_squeeze %dma_wait3A_36 : memref<1x64x128xf32, #tpu.memory_space<hbm>> -> memref<64x128xf32, #tpu.memory_space<hbm>>
    %dma_wait3A_38 = arith.constant 0 : i32
    %dma_wait3A_39 = arith.constant 0 : i32
    %dma_wait3A_40 = tpu.memref_slice %arg12[%dma_wait3A, %dma_wait3A_38, %dma_wait3A_39] : memref<10000x64x128xf32, #tpu.memory_space<hbm>> -> memref<1x64x128xf32, #tpu.memory_space<hbm>>
    %dma_wait3A_41 = tpu.memref_squeeze %dma_wait3A_40 : memref<1x64x128xf32, #tpu.memory_space<hbm>> -> memref<64x128xf32, #tpu.memory_space<hbm>>
    tpu.wait_dma2 semaphore(%arg35 : memref<!tpu.dma_semaphore, #tpu.memory_space<semaphore_mem>>) src(%arg28 : memref<64x128xf32, #tpu.memory_space<vmem>>) dst(%dma_wait3A_41 : memref<64x128xf32, #tpu.memory_space<hbm>>)
    %dma_wait3A_42 = arith.constant 0 : i32
    %dma_wait3A_43 = arith.constant 0 : i32
    %dma_wait3A_44 = arith.constant 0 : i32
    %dma_wait3A_45 = tpu.memref_slice %arg12[%dma_wait3A_42, %dma_wait3A_43, %dma_wait3A_44] : memref<10000x64x128xf32, #tpu.memory_space<hbm>> -> memref<1x64x128xf32, #tpu.memory_space<hbm>>
    %dma_wait3A_46 = tpu.memref_squeeze %dma_wait3A_45 : memref<1x64x128xf32, #tpu.memory_space<hbm>> -> memref<64x128xf32, #tpu.memory_space<hbm>>
    %dma_wait3A_47 = arith.constant 0 : i32
    %dma_wait3A_48 = arith.constant 0 : i32
    %dma_wait3A_49 = tpu.memref_slice %arg12[%dma_wait3A_42, %dma_wait3A_47, %dma_wait3A_48] : memref<10000x64x128xf32, #tpu.memory_space<hbm>> -> memref<1x64x128xf32, #tpu.memory_space<hbm>>
    %dma_wait3A_50 = tpu.memref_squeeze %dma_wait3A_49 : memref<1x64x128xf32, #tpu.memory_space<hbm>> -> memref<64x128xf32, #tpu.memory_space<hbm>>
    tpu.wait_dma2 semaphore(%arg35 : memref<!tpu.dma_semaphore, #tpu.memory_space<semaphore_mem>>) src(%arg29 : memref<64x128xf32, #tpu.memory_space<vmem>>) dst(%dma_wait3A_50 : memref<64x128xf32, #tpu.memory_space<hbm>>)
    %jit3A_51 = arith.constant 2 : i32
    %div3A_52 = arith.divsi %min3A_5, %jit3A_51 : i32
    %sign3A_53 = arith.constant 0 : i32
    %sign3A_54 = arith.cmpi sgt, %min3A_5, %sign3A_53 : i32
    %sign3A_55 = arith.extui %sign3A_54 : i1 to i32
    %sign3A_56 = arith.constant 0 : i32
    %sign3A_57 = arith.cmpi slt, %min3A_5, %sign3A_56 : i32
    %sign3A_58 = arith.extui %sign3A_57 : i1 to i32
    %sign3A_59 = arith.subi %sign3A_55, %sign3A_58 : i32
    %sign3A_60 = arith.constant 0 : i32
    %sign3A_61 = arith.cmpi sgt, %jit3A_51, %sign3A_60 : i32
    %sign3A_62 = arith.extui %sign3A_61 : i1 to i32
    %sign3A_63 = arith.constant 0 : i32
    %sign3A_64 = arith.cmpi slt, %jit3A_51, %sign3A_63 : i32
    %sign3A_65 = arith.extui %sign3A_64 : i1 to i32
    %sign3A_66 = arith.subi %sign3A_62, %sign3A_65 : i32
    %ne3A_67 = arith.cmpi ne, %sign3A_59, %sign3A_66 : i32
    %rem3A_68 = arith.remsi %min3A_5, %jit3A_51 : i32
    %ne3A_69 = arith.constant 0 : i32
    %ne3A_70 = arith.cmpi ne, %rem3A_68, %ne3A_69 : i32
    %and3A_71 = arith.andi %ne3A_67, %ne3A_70 : i1
    %sub3A_72 = arith.constant 1 : i32
    %sub3A_73 = arith.subi %div3A_52, %sub3A_72 : i32
    %select_n3A_74 = arith.select %and3A_71, %sub3A_73, %div3A_52 : i32
    %sub3A_75 = arith.constant 1 : i32
    %sub3A_76 = arith.subi %select_n3A_74, %sub3A_75 : i32
    %jit3A_77 = arith.constant 16 : i32
    %div3A_78 = arith.divsi %sub3A_76, %jit3A_77 : i32
    %sign3A_79 = arith.constant 0 : i32
    %sign3A_80 = arith.cmpi sgt, %sub3A_76, %sign3A_79 : i32
    %sign3A_81 = arith.extui %sign3A_80 : i1 to i32
    %sign3A_82 = arith.constant 0 : i32
    %sign3A_83 = arith.cmpi slt, %sub3A_76, %sign3A_82 : i32
    %sign3A_84 = arith.extui %sign3A_83 : i1 to i32
    %sign3A_85 = arith.subi %sign3A_81, %sign3A_84 : i32
    %sign3A_86 = arith.constant 0 : i32
    %sign3A_87 = arith.cmpi sgt, %jit3A_77, %sign3A_86 : i32
    %sign3A_88 = arith.extui %sign3A_87 : i1 to i32
    %sign3A_89 = arith.constant 0 : i32
    %sign3A_90 = arith.cmpi slt, %jit3A_77, %sign3A_89 : i32
    %sign3A_91 = arith.extui %sign3A_90 : i1 to i32
    %sign3A_92 = arith.subi %sign3A_88, %sign3A_91 : i32
    %ne3A_93 = arith.cmpi ne, %sign3A_85, %sign3A_92 : i32
    %rem3A_94 = arith.remsi %sub3A_76, %jit3A_77 : i32
    %ne3A_95 = arith.constant 0 : i32
    %ne3A_96 = arith.cmpi ne, %rem3A_94, %ne3A_95 : i32
    %and3A_97 = arith.andi %ne3A_93, %ne3A_96 : i1
    %sub3A_98 = arith.constant 1 : i32
    %sub3A_99 = arith.subi %div3A_78, %sub3A_98 : i32
    %select_n3A_100 = arith.select %and3A_97, %sub3A_99, %div3A_78 : i32
    %mul3A_101 = arith.constant 32 : i32
    %mul3A_102 = arith.muli %select_n3A_100, %mul3A_101 : i32
    %add3A_103 = arith.addi %mul3A_2, %mul3A_102 : i32
    %mul3A_104 = arith.constant 64 : i32
    %mul3A_105 = arith.muli %add3A_103, %mul3A_104 : i32
    "tpu.region"() ({
      %run_scoped3A = tpu.sem_alloc : memref<!tpu.dma_semaphore, #tpu.memory_space<semaphore_mem>>
      %dma_start3A = tpu.memref_slice %arg13[%mul3A_105] : memref<655360xf32, #tpu.memory_space<hbm>> -> memref<2048xf32, #tpu.memory_space<hbm>>
      %dma_start3A_106 = tpu.memref_slice %arg13[%mul3A_105] : memref<655360xf32, #tpu.memory_space<hbm>> -> memref<2048xf32, #tpu.memory_space<hbm>>
      tpu.enqueue_dma source(%arg30 : memref<2048xf32, #tpu.memory_space<vmem>>) target(%dma_start3A_106 : memref<2048xf32, #tpu.memory_space<hbm>>) target_semaphore(%run_scoped3A : memref<!tpu.dma_semaphore, #tpu.memory_space<semaphore_mem>>)
      %dma_wait3A_107 = tpu.memref_slice %arg13[%mul3A_105] : memref<655360xf32, #tpu.memory_space<hbm>> -> memref<2048xf32, #tpu.memory_space<hbm>>
      %dma_wait3A_108 = tpu.memref_slice %arg13[%mul3A_105] : memref<655360xf32, #tpu.memory_space<hbm>> -> memref<2048xf32, #tpu.memory_space<hbm>>
      tpu.wait_dma2 semaphore(%run_scoped3A : memref<!tpu.dma_semaphore, #tpu.memory_space<semaphore_mem>>) src(%arg30 : memref<2048xf32, #tpu.memory_space<vmem>>) dst(%dma_wait3A_108 : memref<2048xf32, #tpu.memory_space<hbm>>)
      tpu.yield
    }) : () -> ()
    "tpu.region"() ({
      %run_scoped3A = tpu.sem_alloc : memref<!tpu.dma_semaphore, #tpu.memory_space<semaphore_mem>>
      %dma_start3A = tpu.memref_slice %arg14[%mul3A_105] : memref<655360xf32, #tpu.memory_space<hbm>> -> memref<2048xf32, #tpu.memory_space<hbm>>
      %dma_start3A_106 = tpu.memref_slice %arg14[%mul3A_105] : memref<655360xf32, #tpu.memory_space<hbm>> -> memref<2048xf32, #tpu.memory_space<hbm>>
      tpu.enqueue_dma source(%arg31 : memref<2048xf32, #tpu.memory_space<vmem>>) target(%dma_start3A_106 : memref<2048xf32, #tpu.memory_space<hbm>>) target_semaphore(%run_scoped3A : memref<!tpu.dma_semaphore, #tpu.memory_space<semaphore_mem>>)
      %dma_wait3A_107 = tpu.memref_slice %arg14[%mul3A_105] : memref<655360xf32, #tpu.memory_space<hbm>> -> memref<2048xf32, #tpu.memory_space<hbm>>
      %dma_wait3A_108 = tpu.memref_slice %arg14[%mul3A_105] : memref<655360xf32, #tpu.memory_space<hbm>> -> memref<2048xf32, #tpu.memory_space<hbm>>
      tpu.wait_dma2 semaphore(%run_scoped3A : memref<!tpu.dma_semaphore, #tpu.memory_space<semaphore_mem>>) src(%arg31 : memref<2048xf32, #tpu.memory_space<vmem>>) dst(%dma_wait3A_108 : memref<2048xf32, #tpu.memory_space<hbm>>)
      tpu.yield
    }) : () -> ()
    "tpu.region"() ({
      %run_scoped3A = tpu.sem_alloc : memref<!tpu.dma_semaphore, #tpu.memory_space<semaphore_mem>>
      %dma_start3A = tpu.memref_slice %arg15[%mul3A_105] : memref<655360xf32, #tpu.memory_space<hbm>> -> memref<2048xf32, #tpu.memory_space<hbm>>
      %dma_start3A_106 = tpu.memref_slice %arg15[%mul3A_105] : memref<655360xf32, #tpu.memory_space<hbm>> -> memref<2048xf32, #tpu.memory_space<hbm>>
      tpu.enqueue_dma source(%arg32 : memref<2048xf32, #tpu.memory_space<vmem>>) target(%dma_start3A_106 : memref<2048xf32, #tpu.memory_space<hbm>>) target_semaphore(%run_scoped3A : memref<!tpu.dma_semaphore, #tpu.memory_space<semaphore_mem>>)
      %dma_wait3A_107 = tpu.memref_slice %arg15[%mul3A_105] : memref<655360xf32, #tpu.memory_space<hbm>> -> memref<2048xf32, #tpu.memory_space<hbm>>
      %dma_wait3A_108 = tpu.memref_slice %arg15[%mul3A_105] : memref<655360xf32, #tpu.memory_space<hbm>> -> memref<2048xf32, #tpu.memory_space<hbm>>
      tpu.wait_dma2 semaphore(%run_scoped3A : memref<!tpu.dma_semaphore, #tpu.memory_space<semaphore_mem>>) src(%arg32 : memref<2048xf32, #tpu.memory_space<vmem>>) dst(%dma_wait3A_108 : memref<2048xf32, #tpu.memory_space<hbm>>)
      tpu.yield
    }) : () -> ()
    return
  }
}

module attributes {stable_mosaic.version = 14 : i64} {
  func.func @_linear_kern(%arg0: i32, %arg1: memref<1000x128xf32, #tpu.memory_space<vmem>>, %arg2: memref<128x128xf32, #tpu.memory_space<vmem>>, %arg3: memref<1x128xf32, #tpu.memory_space<vmem>>, %arg4: memref<1000x128xf32, #tpu.memory_space<vmem>>) attributes {dimension_semantics = [#tpu.dimension_semantics<arbitrary>], iteration_bounds = array<i64: 10>, scalar_prefetch = 0 : i64, scratch_operands = 0 : i64, tpu.core_type = #tpu.core_type<tc>, window_params = [{transform_indices = @transform_0, window_bounds = array<i64: 1000, 128>}, {pipeline_mode = #tpu.pipeline_mode<synchronous>, transform_indices = @transform_1, window_bounds = array<i64: 128, 128>}, {pipeline_mode = #tpu.pipeline_mode<synchronous>, transform_indices = @transform_2, window_bounds = array<i64: 1, 128>}, {transform_indices = @transform_3, window_bounds = array<i64: 1000, 128>}]} {
    %get3A = arith.constant 0 : index
    %get3A_0 = arith.constant 0 : index
    %get3A_1 = vector.load %arg1[%get3A, %get3A_0] : memref<1000x128xf32, #tpu.memory_space<vmem>>, vector<1000x128xf32>
    %get3A_2 = arith.constant 0 : index
    %get3A_3 = arith.constant 0 : index
    %get3A_4 = vector.load %arg2[%get3A_2, %get3A_3] : memref<128x128xf32, #tpu.memory_space<vmem>>, vector<128x128xf32>
    %dot_general3A = arith.constant dense<0.000000e+00> : vector<1000x128xf32>
    %dot_general3A_5 = tpu.matmul %get3A_1, %get3A_4, %dot_general3A {dimension_numbers = #tpu.dot_dimension_numbers<[1], [0], [0], [1], [0, 0, 1, 1], [], []>, transpose_lhs_hint = false} : vector<1000x128xf32>, vector<128x128xf32>, vector<1000x128xf32> -> vector<1000x128xf32>
    %get3A_6 = arith.constant 0 : index
    %get3A_7 = arith.constant 0 : index
    %get3A_8 = vector.load %arg3[%get3A_6, %get3A_7] : memref<1x128xf32, #tpu.memory_space<vmem>>, vector<1x128xf32>
    %add3A = vector.broadcast %get3A_8 : vector<1x128xf32> to vector<1000x128xf32>
    %add3A_9 = arith.addf %dot_general3A_5, %add3A : vector<1000x128xf32>
    %swap3A = arith.constant 0 : index
    %swap3A_10 = arith.constant 0 : index
    %swap3A_11 = vector.load %arg4[%swap3A, %swap3A_10] : memref<1000x128xf32, #tpu.memory_space<vmem>>, vector<1000x128xf32>
    tpu.vector_store %arg4[%swap3A, %swap3A_10], %add3A_9 {strides = array<i32>} : memref<1000x128xf32, #tpu.memory_space<vmem>>, vector<1000x128xf32>,
    return
  }
  func.func @transform_0(%arg0: i32) -> (i32, i32) {
    %c0_i32 = arith.constant 0 : i32
    %c0_i32_0 = arith.constant 0 : i32
    return %arg0, %c0_i32 : i32, i32
  }
  func.func @transform_1(%arg0: i32) -> (i32, i32) {
    %c0_i32 = arith.constant 0 : i32
    %c0_i32_0 = arith.constant 0 : i32
    %c0_i32_1 = arith.constant 0 : i32
    return %c0_i32, %c0_i32_0 : i32, i32
  }
  func.func @transform_2(%arg0: i32) -> (i32, i32) {
    %c0_i32 = arith.constant 0 : i32
    %c0_i32_0 = arith.constant 0 : i32
    %c0_i32_1 = arith.constant 0 : i32
    return %c0_i32, %c0_i32_0 : i32, i32
  }
  func.func @transform_3(%arg0: i32) -> (i32, i32) {
    %c0_i32 = arith.constant 0 : i32
    %c0_i32_0 = arith.constant 0 : i32
    return %arg0, %c0_i32 : i32, i32
  }
}

module attributes {stable_mosaic.version = 14 : i64} {
  func.func @_msg_kern(%arg0: i32, %arg1: memref<80x64x128xf32, #tpu.memory_space<vmem>>, %arg2: memref<80x64xf32, #tpu.memory_space<vmem>>, %arg3: memref<80x64xf32, #tpu.memory_space<vmem>>, %arg4: memref<80x64xf32, #tpu.memory_space<vmem>>, %arg5: memref<3x128xf32, #tpu.memory_space<vmem>>, %arg6: memref<1x128xf32, #tpu.memory_space<vmem>>, %arg7: memref<128x128xf32, #tpu.memory_space<vmem>>, %arg8: memref<128x128xf32, #tpu.memory_space<vmem>>, %arg9: memref<1x128xf32, #tpu.memory_space<vmem>>, %arg10: memref<128x128xf32, #tpu.memory_space<vmem>>, %arg11: memref<1x128xf32, #tpu.memory_space<vmem>>, %arg12: memref<80x128xf32, #tpu.memory_space<vmem>>) attributes {dimension_semantics = [#tpu.dimension_semantics<arbitrary>], iteration_bounds = array<i64: 125>, scalar_prefetch = 0 : i64, scratch_operands = 0 : i64, tpu.core_type = #tpu.core_type<tc>, window_params = [{transform_indices = @transform_0, window_bounds = array<i64: 80, 64, 128>}, {transform_indices = @transform_1, window_bounds = array<i64: 80, 64>}, {transform_indices = @transform_2, window_bounds = array<i64: 80, 64>}, {transform_indices = @transform_3, window_bounds = array<i64: 80, 64>}, {pipeline_mode = #tpu.pipeline_mode<synchronous>, transform_indices = @transform_4, window_bounds = array<i64: 3, 128>}, {pipeline_mode = #tpu.pipeline_mode<synchronous>, transform_indices = @transform_5, window_bounds = array<i64: 1, 128>}, {pipeline_mode = #tpu.pipeline_mode<synchronous>, transform_indices = @transform_6, window_bounds = array<i64: 128, 128>}, {pipeline_mode = #tpu.pipeline_mode<synchronous>, transform_indices = @transform_7, window_bounds = array<i64: 128, 128>}, {pipeline_mode = #tpu.pipeline_mode<synchronous>, transform_indices = @transform_8, window_bounds = array<i64: 1, 128>}, {pipeline_mode = #tpu.pipeline_mode<synchronous>, transform_indices = @transform_9, window_bounds = array<i64: 128, 128>}, {pipeline_mode = #tpu.pipeline_mode<synchronous>, transform_indices = @transform_10, window_bounds = array<i64: 1, 128>}, {transform_indices = @transform_11, window_bounds = array<i64: 80, 128>}]} {
    %get3A = arith.constant 0 : index
    %get3A_0 = arith.constant 0 : index
    %get3A_1 = vector.load %arg2[%get3A, %get3A_0] : memref<80x64xf32, #tpu.memory_space<vmem>>, vector<80x64xf32>
    %broadcast_in_dim3A = vector.shape_cast %get3A_1 : vector<80x64xf32> to vector<80x64x1xf32>
    %get3A_2 = arith.constant 0 : index
    %get3A_3 = arith.constant 0 : index
    %get3A_4 = vector.load %arg3[%get3A_2, %get3A_3] : memref<80x64xf32, #tpu.memory_space<vmem>>, vector<80x64xf32>
    %broadcast_in_dim3A_5 = vector.shape_cast %get3A_4 : vector<80x64xf32> to vector<80x64x1xf32>
    %get3A_6 = arith.constant 0 : index
    %get3A_7 = arith.constant 0 : index
    %get3A_8 = vector.load %arg4[%get3A_6, %get3A_7] : memref<80x64xf32, #tpu.memory_space<vmem>>, vector<80x64xf32>
    %broadcast_in_dim3A_9 = vector.shape_cast %get3A_8 : vector<80x64xf32> to vector<80x64x1xf32>
    %concatenate3A = tpu.concatenate %broadcast_in_dim3A, %broadcast_in_dim3A_5, %broadcast_in_dim3A_9 in 2 : vector<80x64x1xf32>, vector<80x64x1xf32>, vector<80x64x1xf32> -> vector<80x64x3xf32>
    %reshape3A = vector.shape_cast %concatenate3A : vector<80x64x3xf32> to vector<5120x3xf32>
    %get3A_10 = arith.constant 0 : index
    %get3A_11 = arith.constant 0 : index
    %get3A_12 = vector.load %arg5[%get3A_10, %get3A_11] : memref<3x128xf32, #tpu.memory_space<vmem>>, vector<3x128xf32>
    %dot_general3A = arith.constant dense<0.000000e+00> : vector<5120x128xf32>
    %dot_general3A_13 = tpu.matmul %reshape3A, %get3A_12, %dot_general3A {dimension_numbers = #tpu.dot_dimension_numbers<[1], [0], [0], [1], [0, 0, 1, 1], [], []>, transpose_lhs_hint = false} : vector<5120x3xf32>, vector<3x128xf32>, vector<5120x128xf32> -> vector<5120x128xf32>
    %get3A_14 = arith.constant 0 : index
    %get3A_15 = arith.constant 0 : index
    %get3A_16 = arith.constant 0 : index
    %get3A_17 = vector.load %arg1[%get3A_14, %get3A_15, %get3A_16] : memref<80x64x128xf32, #tpu.memory_space<vmem>>, vector<80x64x128xf32>
    %reshape3A_18 = vector.shape_cast %get3A_17 : vector<80x64x128xf32> to vector<5120x128xf32>
    %add3A = arith.addf %reshape3A_18, %dot_general3A_13 : vector<5120x128xf32>
    %max3A = arith.constant 0.000000e+00 : f32
    %max3A_19 = vector.broadcast %max3A : f32 to vector<5120x128xf32>
    %max3A_20 = arith.maximumf %add3A, %max3A_19 : vector<5120x128xf32>
    %get3A_21 = arith.constant 0 : index
    %get3A_22 = arith.constant 0 : index
    %get3A_23 = vector.load %arg7[%get3A_21, %get3A_22] : memref<128x128xf32, #tpu.memory_space<vmem>>, vector<128x128xf32>
    %dot_general3A_24 = arith.constant dense<0.000000e+00> : vector<5120x128xf32>
    %dot_general3A_25 = tpu.matmul %max3A_20, %get3A_23, %dot_general3A_24 {dimension_numbers = #tpu.dot_dimension_numbers<[1], [0], [0], [1], [0, 0, 1, 1], [], []>, transpose_lhs_hint = false} : vector<5120x128xf32>, vector<128x128xf32>, vector<5120x128xf32> -> vector<5120x128xf32>
    %reshape3A_26 = vector.shape_cast %dot_general3A_25 : vector<5120x128xf32> to vector<80x64x128xf32>
    %reduce_max3A = arith.constant dense<0xFF800000> : vector<80x128xf32>
    %reduce_max3A_27 = vector.multi_reduction <maximumf>, %reshape3A_26, %reduce_max3A [1] : vector<80x64x128xf32> to vector<80x128xf32>
    %get3A_28 = arith.constant 0 : index
    %get3A_29 = arith.constant 0 : index
    %get3A_30 = vector.load %arg6[%get3A_28, %get3A_29] : memref<1x128xf32, #tpu.memory_space<vmem>>, vector<1x128xf32>
    %add3A_31 = vector.broadcast %get3A_30 : vector<1x128xf32> to vector<80x128xf32>
    %add3A_32 = arith.addf %reduce_max3A_27, %add3A_31 : vector<80x128xf32>
    %get3A_33 = arith.constant 0 : index
    %get3A_34 = arith.constant 0 : index
    %get3A_35 = vector.load %arg8[%get3A_33, %get3A_34] : memref<128x128xf32, #tpu.memory_space<vmem>>, vector<128x128xf32>
    %dot_general3A_36 = arith.constant dense<0.000000e+00> : vector<80x128xf32>
    %dot_general3A_37 = tpu.matmul %add3A_32, %get3A_35, %dot_general3A_36 {dimension_numbers = #tpu.dot_dimension_numbers<[1], [0], [0], [1], [0, 0, 1, 1], [], []>, transpose_lhs_hint = false} : vector<80x128xf32>, vector<128x128xf32>, vector<80x128xf32> -> vector<80x128xf32>
    %get3A_38 = arith.constant 0 : index
    %get3A_39 = arith.constant 0 : index
    %get3A_40 = vector.load %arg9[%get3A_38, %get3A_39] : memref<1x128xf32, #tpu.memory_space<vmem>>, vector<1x128xf32>
    %add3A_41 = vector.broadcast %get3A_40 : vector<1x128xf32> to vector<80x128xf32>
    %add3A_42 = arith.addf %dot_general3A_37, %add3A_41 : vector<80x128xf32>
    %max3A_43 = arith.constant 0.000000e+00 : f32
    %max3A_44 = vector.broadcast %max3A_43 : f32 to vector<80x128xf32>
    %max3A_45 = arith.maximumf %add3A_42, %max3A_44 : vector<80x128xf32>
    %get3A_46 = arith.constant 0 : index
    %get3A_47 = arith.constant 0 : index
    %get3A_48 = vector.load %arg10[%get3A_46, %get3A_47] : memref<128x128xf32, #tpu.memory_space<vmem>>, vector<128x128xf32>
    %dot_general3A_49 = arith.constant dense<0.000000e+00> : vector<80x128xf32>
    %dot_general3A_50 = tpu.matmul %max3A_45, %get3A_48, %dot_general3A_49 {dimension_numbers = #tpu.dot_dimension_numbers<[1], [0], [0], [1], [0, 0, 1, 1], [], []>, transpose_lhs_hint = false} : vector<80x128xf32>, vector<128x128xf32>, vector<80x128xf32> -> vector<80x128xf32>
    %get3A_51 = arith.constant 0 : index
    %get3A_52 = arith.constant 0 : index
    %get3A_53 = vector.load %arg11[%get3A_51, %get3A_52] : memref<1x128xf32, #tpu.memory_space<vmem>>, vector<1x128xf32>
    %add3A_54 = vector.broadcast %get3A_53 : vector<1x128xf32> to vector<80x128xf32>
    %add3A_55 = arith.addf %dot_general3A_50, %add3A_54 : vector<80x128xf32>
    %swap3A = arith.constant 0 : index
    %swap3A_56 = arith.constant 0 : index
    %swap3A_57 = vector.load %arg12[%swap3A, %swap3A_56] : memref<80x128xf32, #tpu.memory_space<vmem>>, vector<80x128xf32>
    tpu.vector_store %arg12[%swap3A, %swap3A_56], %add3A_55 {strides = array<i32>} : memref<80x128xf32, #tpu.memory_space<vmem>>, vector<80x128xf32>,
    return
  }
  func.func @transform_0(%arg0: i32) -> (i32, i32, i32) {
    %c0_i32 = arith.constant 0 : i32
    %c0_i32_0 = arith.constant 0 : i32
    %c0_i32_1 = arith.constant 0 : i32
    return %arg0, %c0_i32, %c0_i32_0 : i32, i32, i32
  }
  func.func @transform_1(%arg0: i32) -> (i32, i32) {
    %c0_i32 = arith.constant 0 : i32
    %c0_i32_0 = arith.constant 0 : i32
    return %arg0, %c0_i32 : i32, i32
  }
  func.func @transform_2(%arg0: i32) -> (i32, i32) {
    %c0_i32 = arith.constant 0 : i32
    %c0_i32_0 = arith.constant 0 : i32
    return %arg0, %c0_i32 : i32, i32
  }
  func.func @transform_3(%arg0: i32) -> (i32, i32) {
    %c0_i32 = arith.constant 0 : i32
    %c0_i32_0 = arith.constant 0 : i32
    return %arg0, %c0_i32 : i32, i32
  }
  func.func @transform_4(%arg0: i32) -> (i32, i32) {
    %c0_i32 = arith.constant 0 : i32
    %c0_i32_0 = arith.constant 0 : i32
    %c0_i32_1 = arith.constant 0 : i32
    return %c0_i32, %c0_i32_0 : i32, i32
  }
  func.func @transform_5(%arg0: i32) -> (i32, i32) {
    %c0_i32 = arith.constant 0 : i32
    %c0_i32_0 = arith.constant 0 : i32
    %c0_i32_1 = arith.constant 0 : i32
    return %c0_i32, %c0_i32_0 : i32, i32
  }
  func.func @transform_6(%arg0: i32) -> (i32, i32) {
    %c0_i32 = arith.constant 0 : i32
    %c0_i32_0 = arith.constant 0 : i32
    %c0_i32_1 = arith.constant 0 : i32
    return %c0_i32, %c0_i32_0 : i32, i32
  }
  func.func @transform_7(%arg0: i32) -> (i32, i32) {
    %c0_i32 = arith.constant 0 : i32
    %c0_i32_0 = arith.constant 0 : i32
    %c0_i32_1 = arith.constant 0 : i32
    return %c0_i32, %c0_i32_0 : i32, i32
  }
  func.func @transform_8(%arg0: i32) -> (i32, i32) {
    %c0_i32 = arith.constant 0 : i32
    %c0_i32_0 = arith.constant 0 : i32
    %c0_i32_1 = arith.constant 0 : i32
    return %c0_i32, %c0_i32_0 : i32, i32
  }
  func.func @transform_9(%arg0: i32) -> (i32, i32) {
    %c0_i32 = arith.constant 0 : i32
    %c0_i32_0 = arith.constant 0 : i32
    %c0_i32_1 = arith.constant 0 : i32
    return %c0_i32, %c0_i32_0 : i32, i32
  }
  func.func @transform_10(%arg0: i32) -> (i32, i32) {
    %c0_i32 = arith.constant 0 : i32
    %c0_i32_0 = arith.constant 0 : i32
    %c0_i32_1 = arith.constant 0 : i32
    return %c0_i32, %c0_i32_0 : i32, i32
  }
  func.func @transform_11(%arg0: i32) -> (i32, i32) {
    %c0_i32 = arith.constant 0 : i32
    %c0_i32_0 = arith.constant 0 : i32
    return %arg0, %c0_i32 : i32, i32
  }
}

</mosaic_0001>

<sc_bundles>
// kernel: kernel.5.cloned.1.call-start
scs
__scs_entry_jumppad:
0x0: {  	(pc) =	sbr.rel $0x88, $3  }
0x1: {  	(tag) =	ssettag $0x0;
	lr =	simm.s32 $0x1  }
0x2: {  	[smem:$0x3F96] =	sst lr;
	_ =	strace $0xD0000000  }
0x3: {  	_ = 	snop  }
0x4: {  	_ = 	snop  }
0x5: {  	_ = 	snop  }
0x6: {  	_ = 	snop  }
0x7: {  	_ = 	snop  }
__scs_overlays_trampoline_lowered:
0x8: {  	[smem:$0x3FA5] =	sst s0  }
0x9: {  	[smem:$0x3FA6] =	sst s1  }
0xa: {  	[smem:$0x3FA7] =	sst s2  }
0xb: {  	[smem:$0x3FA8] =	sst s3  }
0xc: {  	[smem:$0x3FA9] =	sst s4  }
0xd: {  	[smem:$0x3FAA] =	sst s5  }
0xe: {  	[smem:$0x3FAB] =	sst s6  }
0xf: {  	[smem:$0x3FAC] =	sst s7  }
0x10: {  	[smem:$0x3FAD] =	sst s8  }
0x11: {  	[smem:$0x3FAE] =	sst s9;
	s0 =	simm.s32 @!p0 $0x0  }
0x12: {  	s1 =	sld [smem:$0x3F94];
	s0 =	simm.s32 @p0 $0x1  }
0x13: {  	[smem:$0x3FAF] =	sst s0;
	s0 =	simm.s32 @!p1 $0x0  }
0x14: {  	s2 =	sld [smem:$0x3F93];
	s0 =	simm.s32 @p1 $0x1  }
0x15: {  	[smem:$0x3FB0] =	sst s0;
	s0 =	simm.s32 @!p2 $0x0  }
0x16: {  	s3 =	sld [smem:$0x3FDB];
	s0 =	simm.s32 @p2 $0x1  }
0x17: {  	s4 =	simm.s32 $0x1BF5;
	[smem:$0x3FB2] =	sst s0  }
0x18: {  	s0 =	sld [smem:$0x3F95];
	_ =	swait.ge [sflag:s4], $0x0  }
0x19: {  	s7 =	sld [smem:$0x3F96]  }
0x1a: {  	s8 =	sadd.s32 $0xFFFFE003, lr  }
0x1b: {  	s9 =	sadd.s32 $0xFFFFFEF7, lr;
	s5 =	simm.s32 $0xFFFFFFFF;
	p2 =	slt.u32 s8, $0xFFFFF086  }
0x1c: {  	p1 =	slt.u32 s9, $0xF7A;
	s5 =	simm.s32 @!p2 $0x0  }
0x1d: {  	s5 =	simm.s32 @p1 $0x1;
	p0 =	seq.s32 s7, s2  }
0x1e: {  	s7 =	smul.u32 @!p0 $0xF7A, s2;
	p2 =	seq.s32 @!p0 s5, $0x0  }
0x1f: {  	s9 =	smul.u32 $0xF7A, s1;
	s8 =	simm.s32 @!p0 $0x1BF5;
	p2 =	por !p2, p0  }
0x20: {  	[sflag:s8] =	ssyncset.s32 @!p0 $0xFFFFF086;
	s6 =	sadd.s32 @!p0 s3, s7;
	s7 =	simm.s32 @!p0 $0x108  }
0x21: {  	s3 =	sadd.s32 s3, s9;
	s6 =	sadd.s32 @!p0 $0x88, s6;
	s7 =	simm.s32 @p2 $0x1082  }
0x22: {  	[simem:s7], [sflag:s8] =	dma.local @!p0 [hbm:s6], $0xF7A  }
0x23: {  	s9 =	sor.u32 $0xD0000000, s2;
	s6 =	simm.s32 $0x108;
	_ =	swait.ge @!p0 [sflag:s8], $0x0  }
0x24: {  	s3 =	sadd.s32 $0x88, s3;
	s6 =	simm.s32 @!p1 $0x1082;
	[sflag:s4] =	ssyncset.s32 $0xFFFFF086  }
0x25: {  	[simem:s6], [sflag:s4] =	dma.local [hbm:s3], $0xF7A  }
0x26: {  	[smem:$0x3F96] =	sst s1;
	(tag) =	ssettag s2;
	_ =	strace s9  }
0x27: {  	s1 =	sld [smem:$0x3FA6]  }
0x28: {  	s2 =	sld [smem:$0x3FA7]  }
0x29: {  	s4 =	sld [smem:$0x3FA9]  }
0x2a: {  	p0 =	seq.s32 s5, $0x0;
	s5 =	sld [smem:$0x3FAA]  }
0x2b: {  	s6 =	sld [smem:$0x3FAB]  }
0x2c: {  	s7 =	sld [smem:$0x3FAC]  }
0x2d: {  	s3 =	simm.s32 $0x108;
	s8 =	sld [smem:$0x3FAD]  }
0x2e: {  	s3 =	simm.s32 @!p0 $0x1082;
	s9 =	sld [smem:$0x3FAE]  }
0x2f: {  	lr =	sadd.s32 s0, s3;
	s0 =	sld [smem:$0x3FA5]  }
0x30: {  	s3 =	sld [smem:$0x3FA8]  }
0x31: {  	[smem:$0x3FB1] =	sst s10  }
0x32: {  	s10 =	sld [smem:$0x3FAF];
	_ =	sdelay $0x3  }
0x33: {  	p0 =	seq.s32 s10, $0x1;
	s10 =	sld [smem:$0x3FB1];
	_ =	sdelay $0x3  }
0x34: {  	[smem:$0x3FB1] =	sst s10  }
0x35: {  	s10 =	sld [smem:$0x3FB0];
	_ =	sdelay $0x3  }
0x36: {  	p1 =	seq.s32 s10, $0x1;
	s10 =	sld [smem:$0x3FB1];
	_ =	sdelay $0x3  }
0x37: {  	[smem:$0x3FB1] =	sst s10  }
0x38: {  	s10 =	sld [smem:$0x3FB2]  }
0x39: {  	_ = 	snop;
	(pc) =	sbr.ind lr, $3  }
0x3a: {  	_ = 	snop  }
0x3b: {  	_ = 	snop  }
0x3c: {  	p2 =	seq.s32 s10, $0x1;
	s10 =	sld [smem:$0x3FB1]  }
0x3d: {  	_ =	shalt  }
0x3e: {  	_ =	shalt  }
0x3f: {  	_ =	shalt  }
0x40: {  	_ =	shalt  }
0x41: {  	_ =	shalt  }
0x42: {  	_ =	shalt  }
0x43: {  	_ =	shalt  }
0x44: {  	_ =	shalt  }
0x45: {  	_ =	shalt  }
0x46: {  	_ =	shalt  }
0x47: {  	_ =	shalt  }
0x48: {  	_ =	shalt  }
0x49: {  	_ =	shalt  }
0x4a: {  	_ =	shalt  }
0x4b: {  	_ =	shalt  }
0x4c: {  	_ =	shalt  }
0x4d: {  	_ =	shalt  }
0x4e: {  	_ =	shalt  }
0x4f: {  	_ =	shalt  }
0x50: {  	_ =	shalt  }
0x51: {  	_ =	shalt  }
0x52: {  	_ =	shalt  }
0x53: {  	_ =	shalt  }
0x54: {  	_ =	shalt  }
0x55: {  	_ =	shalt  }
0x56: {  	_ =	shalt  }
0x57: {  	_ =	shalt  }
0x58: {  	_ =	shalt  }
0x59: {  	_ =	shalt  }
0x5a: {  	_ =	shalt  }
0x5b: {  	_ =	shalt  }
0x5c: {  	_ =	shalt  }
0x5d: {  	_ =	shalt  }
0x5e: {  	_ =	shalt  }
0x5f: {  	_ =	shalt  }
0x60: {  	_ =	shalt  }
0x61: {  	_ =	shalt  }
0x62: {  	_ =	shalt  }
0x63: {  	_ =	shalt  }
0x64: {  	_ =	shalt  }
0x65: {  	_ =	shalt  }
0x66: {  	_ =	shalt  }
0x67: {  	_ =	shalt  }
0x68: {  	_ =	shalt  }
0x69: {  	_ =	shalt  }
0x6a: {  	_ =	shalt  }
0x6b: {  	_ =	shalt  }
0x6c: {  	_ =	shalt  }
0x6d: {  	_ =	shalt  }
0x6e: {  	_ =	shalt  }
0x6f: {  	_ =	shalt  }
0x70: {  	_ =	shalt  }
0x71: {  	_ =	shalt  }
0x72: {  	_ =	shalt  }
0x73: {  	_ =	shalt  }
0x74: {  	_ =	shalt  }
0x75: {  	_ =	shalt  }
0x76: {  	_ =	shalt  }
0x77: {  	_ =	shalt  }
0x78: {  	_ =	shalt  }
0x79: {  	_ =	shalt  }
0x7a: {  	_ =	shalt  }
0x7b: {  	_ =	shalt  }
0x7c: {  	_ =	shalt  }
0x7d: {  	_ =	shalt  }
0x7e: {  	_ =	shalt  }
0x7f: {  	_ =	shalt  }
0x80: {  	_ =	shalt  }
0x81: {  	_ =	shalt  }
0x82: {  	_ =	shalt  }
0x83: {  	_ =	shalt  }
0x84: {  	_ =	shalt  }
0x85: {  	_ =	shalt  }
0x86: {  	_ =	shalt  }
0x87: {  	_ =	shalt  }
.Lfunc_end0:
.L_simem_size_0:
called_computation_lowered:
.L_overlay_start_0:
0x88: {  	s2 =	sld [smem:$0x3FD9]  }
0x89: {  	s3 =	sld [smem:$0x3FFE];
	_ =	sdelay $0x1  }
0x8a: {  	s1 =	srdreg.scid  }
0x8b: {  	s0 =	sand.u32 $0x1, s1  }
0x8c: {  	s14 =	sshll.u32 s0, $0xA;
	s2 =	sadd.s32 s3, s2  }
0x8d: {  	s2 =	sadd.s32 s2, s14  }
0x8e: {  	[smem:$0x3FBD] =	sst s2  }
0x8f: {  	_ = 	snop  }
0x90: {  	s2 =	sld [smem:$0x3FD0];
	_ =	sdelay $0x2  }
0x91: {  	s15 =	simm.s32 $0xA;
	s4 =	simm.s32 $0x10  }
0x92: {  	[smem:s4], [sflag:s15] =	dma.local [hbm:s2], $0x1  }
0x93: {  	_ =	swait.eq [sflag:s15], $0x1  }
0x94: {  	s16 =	sld [smem:$0x10];
	[sflag:s15] =	ssyncset.done $0x0  }
0x95: {  	s17 =	sld [smem:$0x11];
	[sflag:s15] =	ssyncadd.s32 $0xFFFFFFFF  }
0x96: {  	s18 =	sld [smem:$0x12];
	(tm) =	ssettm $0x1  }
0x97: {  	s5 =	sld [smem:$0x3FFB];
	_ =	sdelay $0x3  }
0x98: {  	_ =	strace s5  }
0x99: {  	s5 =	sld [smem:$0x3FFC];
	_ =	sdelay $0x3  }
0x9a: {  	_ =	strace s5  }
0x9b: {  	s5 =	sld [smem:$0x3FFD];
	_ =	sdelay $0x3  }
0x9c: {  	_ =	strace s5  }
0x9d: {  	_ =	strace $0x8FFFFFFF  }
0x9e: {  	s19 =	sld [smem:$0x3FDB];
	_ =	sdelay $0x1  }
0x9f: {  	s6 =	simm.s32 $_scs_section_size  }
0xa0: {  	s7 =	simm.s32 $_size__tile_overlayer_lowered;
	s8 =	simm.s32 $_tile_overlayer_lowered  }
0xa1: {  	s22 =	simm.s32 $0x1BFF;
	s21 =	sshll.u32 s8, $0x1;
	s5 =	sadd.s32 s6, s19  }
0xa2: {  	s9 =	simm.s32 $0x0;
	s20 =	sshll.u32 s7, $0x1;
	s7 =	sadd.s32 s21, s5  }
0xa3: {  	[timem:s9], [sflag:s22] =	dma.local [hbm:s7], s20  }
0xa4: {  	_ =	swait.ge [sflag:s22], s20  }
0xa5: {  	s6 =	ssub.s32 $0x0, s20;
	[sflag:s22] =	ssyncset.done $0x0  }
0xa6: {  	[sflag:s22] =	ssyncadd.s32 s6;
	_ =	sdelay $0x1  }
0xa7: {  	s23 =	simm.s32 $0x1B8B  }
0xa8: {  	_ =	swait.ge [sflag:s23], $0x1  }
0xa9: {  	[sflag:s23] =	ssyncset.done $0x0  }
0xaa: {  	s25 =	simm.s32 $0x1B8E;
	s24 =	sld [smem:$0x3FFE];
	[sflag:s23] =	ssyncadd.s32 $0xFFFFFFFF  }
0xab: {  	s26 =	simm.s32 $execute0_lowered;
	[smem:$0x3FD2] =	sst s25  }
0xac: {  	s7 =	sshll.u32 s26, $0x1;
	_ =	strace $0x80000046;
	[dreg:$0x1] =	wrdreg $0xFFFFFFFF  }
0xad: {  	s28 =	simm.s32 $_size_execute0_lowered;
	s5 =	sadd.s32 s5, s7;
	[dreg:$0x0] =	wrdreg $0x0  }
0xae: {  	s7 =	sshll.u32 s28, $0x1;
	[dreg:$0x2] =	wrdreg s5  }
0xaf: {  	[dreg:$0x3] =	wrdreg s7  }
0xb0: {  	[dreg:$0x4] =	wrdreg $0xC0  }
0xb1: {  	_ =	task [dreg:s9], $0x5FFFF  }
0xb2: {  	[dreg:$0x1] =	wrdreg $0xFFFFFFFF  }
0xb3: {  	[dreg:$0x0] =	wrdreg $0x60  }
0xb4: {  	[dreg:$0x2] =	wrdreg s17  }
0xb5: {  	[dreg:$0x3] =	wrdreg s24  }
0xb6: {  	[dreg:$0x4] =	wrdreg s18  }
0xb7: {  	[dreg:$0x5] =	wrdreg s16  }
0xb8: {  	[dreg:$0x6] =	wrdreg $0x9  }
0xb9: {  	_ =	task.clear_ibuf [dreg:s9], $0x7FFFF;
	_ =	strace $0x90000046  }
0xba: {  	s29 =	simm.s32 $0x9;
	_ =	strace $0x80000048  }
0xbb: {  	_ =	swait.ge [sflag:s29], $0x1  }
0xbc: {  	[sflag:s29] =	ssyncadd.s32 $0xFFFFFFFF  }
0xbd: {  	_ =	strace $0x90000048  }
0xbe: {  	_ =	sfence  }
0xbf: {  	s30 =	sld [smem:$0x0];
	_ =	sdelay $0x2  }
0xc0: {  	s31 =	sshll.u32 s1, $0xD;
	s1 =	sshrl.u32 s1, $0x2  }
0xc1: {  	s3 =	sand.u32 $0x4000, s31;
	s1 =	sadd.s32 s1, s30  }
0xc2: {  	s0 =	sor.u32 s3, s0;
	s1 =	sshll.u32 s1, $0x11  }
0xc3: {  	s0 =	sor.u32 s1, s0  }
0xc4: {  	s0 =	sadd.s32 $0x8F2B, s0  }
0xc5: {  	[sflag:s0] =	ssyncadd.remote.s32 $0x1  }
0xc6: {  	_ =	sfence.sel $0xFFFF  }
0xc7: {  	[dreg:$0x0] =	wrdreg $0xFFFFFFFF;
	(pc) =	sbr.abs _section_cstart, $3  }
0xc8: {  	[dreg:$0x1] =	wrdreg $0xFFFFFFFF  }
0xc9: {  	_ =	task.clear_ibuf [dreg:s9], $0x2FFFF;
	_ =	strace $0x9FFFFFFF  }
0xca: {  	(tm) =	ssettm $0x7FFFFFFF  }
0xcb: {  	_ =	shalt  }
tec
execute0_lowered:
.L_overlay_start_1:
0x0: {  	(tag) =	ssettag $0x1  }
0x1: {  	s0 =	rddreg [dreg:$0x1];
	s1 =	srdreg.scid  }
0x2: {  	s8 =	stileid.u32;
	s15 =	rddreg [dreg:$0x3];
	s5 =	simm.s32 $0x0  }
0x3: {  	s16 =	simm.s32 $0x40;
	s29 =	simm.s32 $0x11C80;
	s31 =	simm.s32 $0x13C80  }
0x4: {  	s1 =	sand.u32 $0x1, s1;
	s2 =	sshll.u32 s8, $0x1;
	[smem:$0x7FF] =	sst s5  }
0x5: {  	s3 =	sadd.s32 $0x3200, s0;
	s18 =	sadd.s32 $0x2C00, s0;
	s19 =	sadd.s32 $0x3800, s0  }
0x6: {  	s4 =	sadd.s32 $0x2600, s0;
	s21 =	sadd.s32 $0x3E00, s0;
	s12 =	sadd.s32 $0x40400, s0  }
0x7: {  	s9 =	sadd.s32 $0x18400, s0;
	_ =	strace $0x80000047;
	[dreg:$0x5] =	wrdreg s3  }
0x8: {  	s10 =	sadd.s32 $0x2C400, s0;
	s8 =	smul.u32 $0xFFFFFD80, s8;
	[dreg:$0x6] =	wrdreg s18  }
0x9: {  	s13 =	sadd.s32 $0x4400, s0;
	s2 =	sor.u32 s1, s2;
	[dreg:$0x7] =	wrdreg s19  }
0xa: {  	[dreg:$0x8] =	wrdreg s4;
	s23 =	ssub.s32 $0x2, s1;
	s1 =	smul.u32 $0xFFFFFEC0, s1  }
0xb: {  	[dreg:$0x9] =	wrdreg s21;
	s6 =	smul.u32 $0x140, s2;
	s7 =	sshrl.u32 s23, $0x1  }
0xc: {  	[dreg:$0xa] =	wrdreg s9;
	s11 =	smul.u32 $0x5000, s2;
	s24 =	ssub.s32 s23, s7  }
0xd: {  	s1 =	sadd.s32 s8, s1;
	s7 =	simm.s32 $0x0;
	s20 =	sshrl.u32 s6, $0x3  }
0xe: {  	s22 =	ssub.s32 $0x2710, s6;
	[dreg:$0xb] =	wrdreg s11;
	s1 =	sadd.s32 $0x2710, s1  }
0xf: {  	s3 =	sadd.s32 s20, s0;
	s4 =	smin.u32 s22, $0x140;
	s22 =	smov.u32 s10  }
0x10: {  	s1 =	smin.u32 s1, $0x140;
	s0 =	smax.u32 s24, $0x1;
	s4 =	sshll.u32 s4, $0x6  }
0x11: {  	s26 =	sadd.s32 $0x1A00, s3;
	[dreg:$0x12] =	wrdreg s0;
	s4 =	sadd.s32 $0xFFFFFC00, s4  }
0x12: {  	s3 =	sadd.s32 $0x2000, s3;
	[dreg:$0xc] =	wrdreg s26;
	s25 =	sand.u32 $0xFFFFF800, s4  }
0x13: {  	s1 =	sshrl.u32 s1, $0x1;
	[dreg:$0xd] =	wrdreg s3;
	s2 =	sadd.s32 s11, s25  }
.Ltmp0:
0x14: {  	s3 =	smov.u32 s13;
	s2 =	sshrl.u32 s2, $0x3;
	(pc) =	sbr.rel .LBB2_1-.Ltmp0, $4  }
0x15: {  	[dreg:$0x11] =	wrdreg s1;
	s26 =	simm.s32 $0x5000;
	s28 =	sadd.s32 s9, s2  }
0x16: {  	v0 =	vlaneseq.u32;
	s1 =	simm.s32 $0x1;
	s30 =	sadd.s32 s10, s2;
	[dreg:$0xe] =	wrdreg s28  }
0x17: {  	v1 =	vor.u32 $0x10, v0;
	s4 =	simm.s32 $0x4;
	s2 =	sadd.s32 s13, s2;
	[dreg:$0xf] =	wrdreg s30  }
0x18: {  	v2 =	vor.u32 $0x20, v0;
	v3 =	vor.u32 $0x30, v0;
	v4 =	vmov s6;
	s25 =	simm.s32 $0x2800;
	[dreg:$0x10] =	wrdreg s2;
	s2 =	simm.s32 $0x2  }
.LBB2_34:
0x19: {  	s0 =	simm.s32 $0x3  }
0x1a: {  	_ =	swait.ge [sflag:s0], $0x2000  }
0x1b: {  	[sflag:s0] =	ssyncset.done $0x0  }
0x1c: {  	[sflag:s0] =	ssyncadd.s32 $0xFFFFE000  }
0x1d: {  	_ =	swait.ge [sflag:s0], $0x2000  }
0x1e: {  	[sflag:s0] =	ssyncset.done $0x0  }
0x1f: {  	s4 =	simm.s32 $0x15C80;
	s20 =	rddreg [dreg:$0xe];
	[sflag:s0] =	ssyncadd.s32 $0xFFFFE000  }
0x20: {  	[hbm4b:s20+s5] =	stream.linear.scatter [tilespmem:s4], [sflag:$0x4], $0x800, $0x38;
	[tilespmem:$0x17480] =	vst v63  }
0x21: {  	s4 =	simm.s32 $0x4  }
0x22: {  	_ =	swait.ge [sflag:s4], $0x800  }
0x23: {  	[sflag:s4] =	ssyncset.done $0x0  }
0x24: {  	s7 =	simm.s32 $0x16480;
	s21 =	rddreg [dreg:$0xf];
	[sflag:s4] =	ssyncadd.s32 $0xFFFFF800  }
0x25: {  	[hbm4b:s21+s5] =	stream.linear.scatter [tilespmem:s7], [sflag:$0x4], $0x800, $0x38;
	[tilespmem:$0x17480] =	vst v63  }
0x26: {  	_ =	swait.ge [sflag:s4], $0x800  }
0x27: {  	[sflag:s4] =	ssyncset.done $0x0  }
0x28: {  	s24 =	simm.s32 $0x16C80;
	s23 =	rddreg [dreg:$0x10];
	[sflag:s4] =	ssyncadd.s32 $0xFFFFF800  }
0x29: {  	[hbm4b:s23+s5] =	stream.linear.scatter [tilespmem:s24], [sflag:$0x4], $0x800, $0x38;
	[tilespmem:$0x17480] =	vst v63  }
0x2a: {  	_ =	swait.ge [sflag:s4], $0x800  }
0x2b: {  	s28 =	rddreg [dreg:$0x13]  }
0x2c: {  	s30 =	rddreg [dreg:$0x12];
	s7 =	sadd.s32 $0x1, s28  }
0x2d: {  	p0 =	sne.s32 s7, s30  }
.Ltmp1:
0x2e: {  	_ = 	snop;
	(pc) =	sbr.rel @!p0 .LBB2_35-.Ltmp1, $3  }
0x2f: {  	_ =	sdelay $0x1  }
0x30: {  	[sflag:s4] =	ssyncset.done $0x0  }
0x31: {  	[sflag:s4] =	ssyncadd.s32 $0xFFFFF800  }
.LBB2_1:
0x32: {  	[dreg:$0x13] =	wrdreg s7  }
0x33: {  	s0 =	rddreg [dreg:$0x0]  }
0x34: {  	[tilespmem:s5], [sflag:$0x4] =	stream.linear.gather [hbm4b:s0+s5], $0x2800, $0x38;
	[tilespmem:$0x17480] =	vst v63  }
0x35: {  	_ =	swait.ge [sflag:s4], $0x2800  }
0x36: {  	[sflag:s4] =	ssyncset.done $0x0  }
0x37: {  	s9 =	rddreg [dreg:$0x5];
	[sflag:s4] =	ssyncadd.s32 $0xFFFFD800  }
0x38: {  	[tilespmem:s25], [sflag:$0x4] =	stream.linear.gather [hbm4b:s9+s5], $0x2800, $0x38;
	[tilespmem:$0x17480] =	vst v63  }
0x39: {  	_ =	swait.ge [sflag:s4], $0x2800  }
0x3a: {  	[sflag:s4] =	ssyncset.done $0x0  }
0x3b: {  	s10 =	rddreg [dreg:$0x6];
	[sflag:s4] =	ssyncadd.s32 $0xFFFFD800  }
0x3c: {  	[tilespmem:s26], [sflag:$0x4] =	stream.linear.gather [hbm4b:s10+s5], $0x2800, $0x38;
	[tilespmem:$0x17480] =	vst v63  }
0x3d: {  	_ =	swait.ge [sflag:s4], $0x2800  }
0x3e: {  	[sflag:s4] =	ssyncset.done $0x0  }
0x3f: {  	[sflag:s4] =	ssyncadd.s32 $0xFFFFD800  }
0x40: {  	s13 =	simm.s32 $0x7800;
	s11 =	rddreg [dreg:$0x2]  }
0x41: {  	[tilespmem:s13], [sflag:$0x4] =	stream.linear.gather [hbm4b:s11+s5], $0x2800, $0x38;
	[tilespmem:$0x17480] =	vst v63  }
0x42: {  	_ =	swait.ge [sflag:s4], $0x2800  }
0x43: {  	[sflag:s4] =	ssyncset.done $0x0  }
0x44: {  	s17 =	simm.s32 $0xA000;
	s14 =	rddreg [dreg:$0x7];
	[sflag:s4] =	ssyncadd.s32 $0xFFFFD800  }
0x45: {  	[tilespmem:s17], [sflag:$0x4] =	stream.linear.gather [hbm4b:s14+s5], $0x2800, $0x38;
	[tilespmem:$0x17480] =	vst v63  }
0x46: {  	_ =	swait.ge [sflag:s4], $0x2800  }
0x47: {  	[sflag:s4] =	ssyncset.done $0x0  }
0x48: {  	s19 =	simm.s32 $0xC800;
	s18 =	rddreg [dreg:$0x8];
	[sflag:s4] =	ssyncadd.s32 $0xFFFFD800  }
0x49: {  	[tilespmem:s19], [sflag:$0x4] =	stream.linear.gather [hbm4b:s18+s5], $0x2800, $0x38;
	[tilespmem:$0x17480] =	vst v63  }
0x4a: {  	_ =	swait.ge [sflag:s4], $0x2800  }
0x4b: {  	[sflag:s4] =	ssyncset.done $0x0  }
0x4c: {  	s21 =	simm.s32 $0xF000;
	s20 =	rddreg [dreg:$0x9];
	[sflag:s4] =	ssyncadd.s32 $0xFFFFD800  }
0x4d: {  	[tilespmem:s21], [sflag:$0x4] =	stream.linear.gather [hbm4b:s20+s5], $0x2800, $0x38;
	[tilespmem:$0x17480] =	vst v63  }
0x4e: {  	_ =	swait.ge [sflag:s4], $0x2800  }
0x4f: {  	[sflag:s4] =	ssyncset.done $0x0  }
0x50: {  	s24 =	simm.s32 $0x11800;
	s23 =	rddreg [dreg:$0xc];
	[sflag:s4] =	ssyncadd.s32 $0xFFFFD800  }
0x51: {  	[tilespmem:s24], [sflag:$0x4] =	stream.linear.gather [hbm4b:s23+s5], $0x140, $0x38;
	[tilespmem:$0x17480] =	vst v63  }
0x52: {  	_ =	swait.ge [sflag:s4], $0x140  }
0x53: {  	s30 =	simm.s32 $0x11980;
	[sflag:s4] =	ssyncset.done $0x0  }
.Ltmp2:
0x54: {  	s28 =	rddreg [dreg:$0xd];
	[sflag:s4] =	ssyncadd.s32 $0xFFFFFEC0;
	(pc) =	sbr.rel .LBB2_2-.Ltmp2, $4  }
0x55: {  	[tilespmem:s30], [sflag:$0x4] =	stream.linear.gather [hbm4b:s28+s5], $0x140, $0x38;
	[tilespmem:$0x17480] =	vst v63  }
0x56: {  	_ =	swait.ge [sflag:s4], $0x140  }
0x57: {  	[sflag:s4] =	ssyncset.done $0x0  }
0x58: {  	s8 =	simm.s32 $0x0;
	[sflag:s4] =	ssyncadd.s32 $0xFFFFFEC0  }
.LBB2_18:
0x59: {  	s0 =	simm.s32 $0x0  }
.LBB2_26:
0x5a: {  	v8 =	vld [tilespmem:$0x11B10]  }
0x5b: {  	v9 =	vld [tilespmem:$0x11B00]  }
0x5c: {  	v10 =	vld [tilespmem:$0x11B20]  }
0x5d: {  	v11 =	vmov s0;
	v12 =	vld [tilespmem:$0x11B30]  }
0x5e: {  	vm0 =	vgt.s32 v11, v1  }
0x5f: {  	vm13 =	vgt.s32 v11, v0;
	v8 =	vnsel vm0, s10, v8  }
0x60: {  	vm14 =	vgt.s32 v11, v2;
	[tilespmem:$0x11C10] =	vst v8;
	v8 =	vnsel vm13, s10, v9  }
0x61: {  	vm15 =	vgt.s32 v11, v3;
	v9 =	vnsel vm14, s10, v10;
	[tilespmem:$0x11C00] =	vst v8  }
0x62: {  	[tilespmem:$0x11C20] =	vst v9;
	v9 =	vnsel vm15, s10, v12  }
.LBB2_33:
0x63: {  	_ =	sdelay $0x2  }
0x64: {  	[tilespmem:$0x11C30] =	vst v9  }
0x65: {  	v9 =	vld.idx.msk [tilespmem:v8+s5+$0x0], $0xffff;
	_ =	sdelay $0x2  }
0x66: {  	v7 =	vbroadcast v7, $0x0;
	_ =	sdelay $0x1  }
0x67: {  	s0 =	sshll.u32 s11, $0x6;
	v9 =	vsub.f32 v9, v7  }
0x68: {  	s4 =	sand.u32 $0x7C0, s0  }
0x69: {  	[tilespmem:s4+$0x15C80] =	vst v9  }
0x6a: {  	v9 =	vld.idx.msk [tilespmem:v8+s25+$0x0], $0xffff;
	_ =	sdelay $0x2  }
0x6b: {  	v6 =	vbroadcast v6, $0x0;
	_ =	sdelay $0x1  }
0x6c: {  	v9 =	vsub.f32 v9, v6;
	_ =	sdelay $0x1  }
0x6d: {  	[tilespmem:s4+$0x16480] =	vst v9  }
0x6e: {  	v63 =	vld.idx.msk [tilespmem:v8+s26+$0x0], $0xffff;
	_ =	sdelay $0x2  }
0x6f: {  	v5 =	vbroadcast v5, $0x0;
	_ =	sdelay $0x1  }
0x70: {  	v8 =	vsub.f32 v63, v5;
	_ =	sdelay $0x1  }
0x71: {  	[tilespmem:s4+$0x16C80] =	vst v8  }
0x72: {  	v8 =	vld [tilespmem:$0x11C10];
	_ =	sdelay $0x7  }
0x73: {  	v9 =	vld.idx.msk [tilespmem:v8+s5+$0x0], $0xffff;
	_ =	sdelay $0x4  }
0x74: {  	v9 =	vsub.f32 v9, v7  }
0x75: {  	s0 =	sand.u32 $0x780, s0  }
0x76: {  	[tilespmem:s0+$0x15CD0] =	vst v9  }
0x77: {  	v9 =	vld.idx.msk [tilespmem:v8+s25+$0x0], $0xffff;
	_ =	sdelay $0x4  }
0x78: {  	v9 =	vsub.f32 v9, v6;
	_ =	sdelay $0x1  }
0x79: {  	[tilespmem:s0+$0x164D0] =	vst v9  }
0x7a: {  	v8 =	vld.idx.msk [tilespmem:v8+s26+$0x0], $0xffff;
	_ =	sdelay $0x4  }
0x7b: {  	v8 =	vsub.f32 v8, v5;
	_ =	sdelay $0x1  }
0x7c: {  	[tilespmem:s0+$0x16CD0] =	vst v8  }
0x7d: {  	v8 =	vld [tilespmem:$0x11C20];
	_ =	sdelay $0x7  }
0x7e: {  	v9 =	vld.idx.msk [tilespmem:v8+s5+$0x0], $0xffff;
	_ =	sdelay $0x4  }
0x7f: {  	v9 =	vsub.f32 v9, v7;
	_ =	sdelay $0x1  }
0x80: {  	[tilespmem:s0+$0x15CE0] =	vst v9  }
0x81: {  	v9 =	vld.idx.msk [tilespmem:v8+s25+$0x0], $0xffff;
	_ =	sdelay $0x4  }
0x82: {  	v9 =	vsub.f32 v9, v6;
	_ =	sdelay $0x1  }
0x83: {  	[tilespmem:s0+$0x164E0] =	vst v9  }
0x84: {  	v8 =	vld.idx.msk [tilespmem:v8+s26+$0x0], $0xffff;
	_ =	sdelay $0x4  }
0x85: {  	v8 =	vsub.f32 v8, v5;
	_ =	sdelay $0x1  }
0x86: {  	[tilespmem:s0+$0x16CE0] =	vst v8  }
0x87: {  	v8 =	vld [tilespmem:$0x11C30];
	_ =	sdelay $0x7  }
0x88: {  	v9 =	vld.idx.msk [tilespmem:v8+s5+$0x0], $0xffff;
	_ =	sdelay $0x4  }
0x89: {  	v7 =	vsub.f32 v9, v7;
	_ =	sdelay $0x1  }
0x8a: {  	[tilespmem:s0+$0x15CF0] =	vst v7  }
0x8b: {  	v7 =	vld.idx.msk [tilespmem:v8+s25+$0x0], $0xffff;
	_ =	sdelay $0x4  }
0x8c: {  	v6 =	vsub.f32 v7, v6;
	_ =	sdelay $0x1  }
0x8d: {  	[tilespmem:s0+$0x164F0] =	vst v6  }
0x8e: {  	v6 =	vld.idx.msk [tilespmem:v8+s26+$0x0], $0xffff;
	_ =	sdelay $0x4  }
0x8f: {  	v5 =	vsub.f32 v6, v5;
	_ =	sdelay $0x1  }
0x90: {  	s21 =	simm.s32 $0x11C00;
	[tilespmem:s0+$0x16CF0] =	vst v5  }
0x91: {  	[tilespmem:s31], [sflag:$0x2] =	stream.indirect.gather [hbm4b:s15+s16], $0x80, s21, s16, $0xb8;
	[tilespmem:$0x17480] =	vst v63  }
0x92: {  	_ =	swait.ge [sflag:s1], $0x2000  }
0x93: {  	s23 =	sshll.u32 s9, $0xA;
	[sflag:s1] =	ssyncset.done $0x0  }
0x94: {  	s0 =	sadd.s32 s12, s23;
	[sflag:s1] =	ssyncadd.s32 $0xFFFFE000  }
0x95: {  	[hbm4b:s0+s5] =	stream.linear.scatter [tilespmem:s29], [sflag:$0x3], $0x2000, $0x38;
	[tilespmem:$0x17480] =	vst v63  }
0x96: {  	s24 =	sshll.u32 s10, $0xA;
	s28 =	sand.u32 $0xF, s8;
	_ =	swait.ge [sflag:s2], $0x2000  }
0x97: {  	p0 =	sne.s32 s28, $0xF;
	s0 =	sand.u32 $0x1FFFFC00, s24;
	[sflag:s2] =	ssyncset.done $0x0  }
0x98: {  	p1 =	seq.s32 @!p0 s8, $0x0;
	s0 =	sadd.s32 s12, s0;
	[sflag:s2] =	ssyncadd.s32 $0xFFFFE000  }
0x99: {  	[hbm4b:s0+s5] =	stream.linear.scatter [tilespmem:s31], [sflag:$0x3], $0x2000, $0x38;
	[tilespmem:$0x17480] =	vst v63  }
0x9a: {  	p1 =	por !p1, p0;
	s0 =	simm.s32 @!p0 $0x1  }
0x9b: {  	s4 =	sshrl.u32 @!p0 s8, $0x4;
	s0 =	simm.s32 @p1 $0x0  }
0x9c: {  	s0 =	ssub.s32 @!p0 s4, s0  }
0x9d: {  	s4 =	rddreg [dreg:$0xb];
	s0 =	sshll.u32 @!p0 s0, $0xB  }
0x9e: {  	s0 =	sadd.s32 @!p0 s4, s0  }
0x9f: {  	s4 =	rddreg [dreg:$0xa];
	s0 =	sshrl.u32 @!p0 s0, $0x3  }
0xa0: {  	s7 =	simm.s32 @!p0 $0x0;
	s9 =	simm.s32 @!p0 $0x15C80;
	s4 =	sadd.s32 @!p0 s4, s0  }
0xa1: {  	[hbm4b:s4+s7] =	stream.linear.scatter @!p0 [tilespmem:s9], [sflag:$0x5], $0x800, $0x38;
	[tilespmem:$0x17480] =	vst v63  }
0xa2: {  	s4 =	simm.s32 @!p0 $0x5  }
0xa3: {  	_ =	swait.ge @!p0 [sflag:s4], $0x800  }
0xa4: {  	[sflag:s4] =	ssyncset.done @!p0 $0x0  }
0xa5: {  	s10 =	simm.s32 @!p0 $0x16480;
	s9 =	sadd.s32 @!p0 s22, s0;
	[sflag:s4] =	ssyncadd.s32 @!p0 $0xFFFFF800  }
0xa6: {  	[hbm4b:s9+s7] =	stream.linear.scatter @!p0 [tilespmem:s10], [sflag:$0x5], $0x800, $0x38;
	[tilespmem:$0x17480] =	vst v63  }
0xa7: {  	_ =	swait.ge @!p0 [sflag:s4], $0x800  }
0xa8: {  	[sflag:s4] =	ssyncset.done @!p0 $0x0  }
0xa9: {  	s0 =	sadd.s32 @!p0 s3, s0;
	[sflag:s4] =	ssyncadd.s32 @!p0 $0xFFFFF800;
	s4 =	simm.s32 @!p0 $0x16C80  }
0xaa: {  	[hbm4b:s0+s7] =	stream.linear.scatter @!p0 [tilespmem:s4], [sflag:$0x4], $0x800, $0x38;
	[tilespmem:$0x17480] =	vst v63  }
0xab: {  	s0 =	simm.s32 @!p0 $0x4  }
0xac: {  	_ =	swait.ge @!p0 [sflag:s0], $0x800  }
0xad: {  	s8 =	sadd.s32 $0x1, s8;
	s30 =	rddreg [dreg:$0x11]  }
0xae: {  	p1 =	sne.s32 s8, s30  }
.Ltmp3:
0xaf: {  	_ = 	snop;
	(pc) =	sbr.rel @!p1 .LBB2_34-.Ltmp3, $3  }
0xb0: {  	_ =	sdelay $0x1  }
0xb1: {  	[sflag:s0] =	ssyncset.done @!p0 $0x0  }
0xb2: {  	[sflag:s0] =	ssyncadd.s32 @!p0 $0xFFFFF800  }
.LBB2_2:
0xb3: {  	s7 =	sshll.u32 s8, $0x1  }
0xb4: {  	v12 =	vld [tilespmem:s7+$0x11800];
	_ =	sdelay $0x4  }
0xb5: {  	(v2sf) =	vpush v12, $0x0;
	_ =	sdelay $0x1  }
0xb6: {  	v13 =	vld [tilespmem:s7+$0x11980];
	_ =	sdelay $0x4  }
0xb7: {  	(v2sf) =	vpush v13, $0x0;
	_ =	sdelay $0x7  }
0xb8: {  	s0 =	spop (v2sf)  }
0xb9: {  	s4 =	sand.u32 $0xF, s0  }
0xba: {  	s9 =	sshra.s32 s0, $0x1F;
	p0 =	slt.s32 s0, $0x1;
	p1 =	sne.s32 s4, $0x0  }
0xbb: {  	s23 =	sshrl.u32 s9, $0x1C;
	p0 =	por !p0, !p1  }
0xbc: {  	s4 =	simm.s32 $0x1;
	s0 =	sadd.s32 s23, s0;
	p0 =	por !p0, !p0  }
0xbd: {  	s0 =	sshra.s32 s0, $0x4;
	s4 =	simm.s32 @!p0 $0x0  }
0xbe: {  	s0 =	ssub.s32 s0, s4  }
0xbf: {  	s24 =	spop (v2sf);
	s10 =	sshll.u32 s0, $0x4  }
0xc0: {  	s4 =	ssub.s32 s24, s10  }
0xc1: {  	s4 =	sadd.s32 $0xF, s4  }
0xc2: {  	s28 =	sand.u32 $0xF, s4  }
0xc3: {  	s30 =	sshra.s32 s4, $0x1F;
	p6 =	slt.s32 s4, $0x1;
	p5 =	sne.s32 s28, $0x0  }
0xc4: {  	s9 =	sshrl.u32 s30, $0x1C;
	p0 =	por !p6, !p5  }
0xc5: {  	s4 =	sadd.s32 s9, s4;
	s9 =	simm.s32 $0x1;
	p0 =	por !p0, !p0  }
0xc6: {  	s4 =	sshra.s32 s4, $0x4;
	s9 =	simm.s32 @!p0 $0x0  }
0xc7: {  	s4 =	ssub.s32 s4, s9  }
0xc8: {  	p0 =	slt.s32 s4, $0x1  }
.Ltmp4:
0xc9: {  	_ = 	snop;
	(pc) =	sbr.rel @p0 .LBB2_3-.Ltmp4, $4  }
0xca: {  	_ = 	snop  }
0xcb: {  	v7 =	vld.idx.msk [tilespmem:v4+s7+$0x0 ss:$0x1], $0xffff  }
0xcc: {  	v6 =	vld.idx.msk [tilespmem:v4+s7+$0x2800 ss:$0x1], $0xffff  }
0xcd: {  	v5 =	vld.idx.msk [tilespmem:v4+s7+$0x5000 ss:$0x1], $0xffff;
	s9 =	sadd.s32 s6, s7  }
0xce: {  	v8 =	vld.msk [tilespmem:s9+$0x7800 ss:$0x0], $0xffff;
	p1 =	sne.s32 s4, $0x1  }
.Ltmp5:
0xcf: {  	v9 =	vld.msk [tilespmem:s9+$0xA000 ss:$0x0], $0xffff;
	s0 =	sshll.u32 s0, $0x6;
	(pc) =	sbr.rel @!p1 .LBB2_5-.Ltmp5, $4  }
0xd0: {  	v10 =	vld.msk [tilespmem:s9+$0xC800 ss:$0x0], $0xffff;
	s0 =	sshra.s32 s0, $0x2  }
0xd1: {  	v11 =	vld.msk [tilespmem:s9+$0xF000 ss:$0x0], $0xffff;
	s17 =	sadd.s32 $0x7800, s0  }
0xd2: {  	s21 =	simm.s32 $0x0;
	s19 =	sadd.s32 $0xFFFFFFFF, s4;
	s11 =	sadd.s32 $0xA000, s0;
	v14 =	vld [tilespmem:s17+$0x0]  }
0xd3: {  	v12 =	vbroadcast v12, $0x0;
	v13 =	vbroadcast v13, $0x0;
	p0 =	por $0x0, $0x0;
	s18 =	sadd.s32 $0xC800, s0;
	s20 =	sadd.s32 $0xF000, s0;
	v15 =	vld [tilespmem:s11+$0x0]  }
0xd4: {  	_ = 	snop  }
0xd5: {  	v16 =	vld [tilespmem:s18+$0x0];
	_ =	sdelay $0x2  }
0xd6: {  	v14 =	vmul.f32 v14, v8;
	v15 =	vmul.f32 v15, v9  }
0xd7: {  	v17 =	vld [tilespmem:s20+$0x0]  }
0xd8: {  	v14 =	vadd.f32 v15, v14;
	v15 =	vmul.f32 v16, v10;
	_ =	sdelay $0x1  }
0xd9: {  	v14 =	vadd.f32 v15, v14;
	_ =	sdelay $0x1  }
0xda: {  	v15 =	vadd.f32 v17, v11;
	v14 =	vadd.f32 v14, v14;
	_ =	sdelay $0x1  }
0xdb: {  	v16 =	vor.u32 s10, v0;
	v14 =	vsub.f32 v15, v14  }
0xdc: {  	vm0 =	vge.s32 v16, v12;
	vm1 =	vlt.s32 v16, v13  }
0xdd: {  	p1 =	sne.s32 s19, $0x1;
	vm0 =	vmand vm0, vm1;
	vm15 =	vle.f32 v14, $3.999999910e-02  }
.Ltmp6:
0xde: {  	p0 =	por $0x1, $0x1;
	s0 =	simm.s32 $0x0;
	vm0 =	vmand vm0, vm15;
	(pc) =	sbr.rel @!p1 .LBB2_7-.Ltmp6, $4  }
0xdf: {  	s0 =	simm.s32 @!p0 $0x50;
	v15 =	vmpcnt.ones.xlane vm0  }
0xe0: {  	s24 =	sadd.s32 $0x10, s17;
	s4 =	sadd.s32 $0x10, s11;
	[tilespmem:s0+$0x11B00] =	vst.msk vm0, v16  }
0xe1: {  	s13 =	sadd.s32 $0xFFFFFFFF, s19;
	s28 =	smov.u32 s18;
	s23 =	smov.u32 s20;
	v14 =	vld [tilespmem:s24+$0x0];
	(v2sf) =	vpush v15, $0x0  }
0xe2: {  	s7 =	smov.u32 s10;
	p0 =	por $0x1, $0x1;
	s0 =	simm.s32 $0x0;
	v15 =	vld [tilespmem:s4+$0x0]  }
.LBB2_8:
0xe3: {  	p1 =	sne.s32 s13, $0x1;
	s28 =	sadd.s32 $0x10, s28  }
0xe4: {  	v16 =	vld [tilespmem:s28+$0x0];
	_ =	sdelay $0x2  }
0xe5: {  	s23 =	sadd.s32 $0x10, s23;
	v14 =	vmul.f32 v14, v8;
	v15 =	vmul.f32 v15, v9  }
0xe6: {  	v17 =	vld [tilespmem:s23+$0x0]  }
0xe7: {  	v14 =	vadd.f32 v15, v14;
	v15 =	vmul.f32 v16, v10;
	_ =	sdelay $0x1  }
0xe8: {  	v14 =	vadd.f32 v15, v14;
	_ =	sdelay $0x1  }
0xe9: {  	v15 =	vadd.f32 v17, v11;
	v14 =	vadd.f32 v14, v14  }
0xea: {  	s7 =	sadd.s32 $0x10, s7  }
0xeb: {  	v16 =	vor.u32 s7, v0;
	v14 =	vsub.f32 v15, v14  }
0xec: {  	vm0 =	vge.s32 v16, v12;
	vm1 =	vlt.s32 v16, v13;
	s14 =	spop (v2sf)  }
0xed: {  	vm0 =	vmand vm0, vm1;
	vm1 =	vle.f32 v14, $3.999999910e-02;
	s0 =	sadd.s32 s0, s14  }
.Ltmp7:
0xee: {  	vm0 =	vmand vm0, vm1;
	p2 =	slt.s32 s0, $0x50;
	s14 =	smov.u32 s0;
	(pc) =	sbr.rel @p1 .LBB2_8-.Ltmp7, $4  }
0xef: {  	s14 =	simm.s32 @!p2 $0x50;
	v15 =	vmpcnt.ones.xlane vm0  }
0xf0: {  	s24 =	sadd.s32 $0x10, s24;
	[tilespmem:s14+$0x11B00] =	vst.msk vm0, v16  }
0xf1: {  	s4 =	sadd.s32 $0x10, s4;
	v14 =	vld [tilespmem:s24+$0x0];
	(v2sf) =	vpush v15, $0x0  }
0xf2: {  	s13 =	sadd.s32 $0xFFFFFFFF, s13;
	v15 =	vld [tilespmem:s4+$0x0]  }
.LBB2_9:
0xf3: {  	s4 =	sadd.s32 @p0 $0x10, s28;
	s13 =	smov.u32 s18  }
0xf4: {  	s13 =	smov.u32 @p0 s4  }
0xf5: {  	v16 =	vld [tilespmem:s13+$0x0];
	_ =	sdelay $0x1  }
0xf6: {  	s4 =	sadd.s32 @p0 $0x10, s23;
	s13 =	smov.u32 s20  }
0xf7: {  	v14 =	vmul.f32 v14, v8;
	s13 =	smov.u32 @p0 s4;
	v15 =	vmul.f32 v15, v9  }
0xf8: {  	v17 =	vld [tilespmem:s13+$0x0]  }
0xf9: {  	v14 =	vadd.f32 v15, v14;
	v15 =	vmul.f32 v16, v10;
	_ =	sdelay $0x1  }
0xfa: {  	v14 =	vadd.f32 v15, v14;
	_ =	sdelay $0x1  }
0xfb: {  	s4 =	sadd.s32 @p0 $0x10, s7;
	s7 =	smov.u32 s10;
	v15 =	vadd.f32 v17, v11;
	v14 =	vadd.f32 v14, v14  }
0xfc: {  	s7 =	smov.u32 @p0 s4  }
0xfd: {  	v63 =	vor.u32 s7, v0;
	v14 =	vsub.f32 v15, v14  }
0xfe: {  	vm0 =	vge.s32 v63, v12;
	vm1 =	vlt.s32 v63, v13  }
0xff: {  	vm0 =	vmand vm0, vm1;
	vm15 =	vle.f32 v14, $3.999999910e-02  }
0x100: {  	vm0 =	vmand vm0, vm15  }
0x101: {  	v14 =	vmpcnt.ones.xlane vm0;
	_ =	sdelay $0x1  }
0x102: {  	(v2sf) =	vpush v14, $0x0;
	_ =	sdelay $0xc  }
0x103: {  	s4 =	spop @p0 (v2sf)  }
0x104: {  	s0 =	sadd.s32 @p0 s0, s4  }
0x105: {  	s21 =	smov.u32 @p0 s0;
	s30 =	spop (v2sf)  }
0x106: {  	p0 =	slt.s32 s21, $0x50;
	s4 =	smov.u32 s21;
	s0 =	sadd.s32 s21, s30  }
0x107: {  	s4 =	simm.s32 @!p0 $0x50;
	p0 =	sgt.s32 s0, $0x40  }
.Ltmp8:
0x108: {  	_ = 	snop;
	(pc) =	sbr.rel @!p0 .LBB2_10-.Ltmp8, $2  }
0x109: {  	_ =	sdelay $0x2  }
0x10a: {  	[tilespmem:s4+$0x11B00] =	vst.msk vm0, v63  }
0x10b: {  	v14 =	vld [tilespmem:s11+$0x0]  }
0x10c: {  	v15 =	vld [tilespmem:s17+$0x0];
	_ =	sdelay $0x1  }
0x10d: {  	v16 =	vld [tilespmem:s18+$0x0];
	_ =	sdelay $0x2  }
0x10e: {  	v15 =	vmul.f32 v15, v8;
	v14 =	vmul.f32 v14, v9  }
0x10f: {  	v17 =	vld [tilespmem:s20+$0x0]  }
0x110: {  	v14 =	vadd.f32 v14, v15;
	v15 =	vmul.f32 v16, v10;
	_ =	sdelay $0x1  }
0x111: {  	v14 =	vadd.f32 v15, v14;
	_ =	sdelay $0x1  }
0x112: {  	p1 =	sne.s32 s19, $0x0;
	v15 =	vadd.f32 v17, v11;
	v14 =	vadd.f32 v14, v14  }
.Ltmp9:
0x113: {  	_ = 	snop;
	(pc) =	sbr.rel @!p1 .LBB2_12-.Ltmp9, $4  }
0x114: {  	v24 =	vor.u32 s10, v0;
	v25 =	vsub.f32 v15, v14  }
0x115: {  	vm0 =	vge.s32 v24, v12;
	vm1 =	vlt.s32 v24, v13  }
0x116: {  	vm0 =	vmand vm0, vm1;
	vm1 =	vle.f32 v25, $3.999999910e-02  }
0x117: {  	p0 =	por $0x0, $0x0;
	v14 =	vmov s9;
	v15 =	vimm.f32 $+Inf;
	vm0 =	vmand vm0, vm1  }
0x118: {  	v16 =	vnsel vm0, $0x7F800000, v25  }
0x119: {  	(xrf0) =	vmin.scan.msk.f32 $0xffff, v16  }
0x11a: {  	(xrf0) =	vmax.scan.msk.f32 $0xffff, v15;
	_ =	sdelay $0x4  }
0x11b: {  	v17, _, _ =	vpop (xrf0)  }
0x11c: {  	v18, _, _ =	vpop (xrf0);
	(v2sf) =	vpush v17, $0xF  }
0x11d: {  	(v2sf) =	vpush v18, $0xF;
	_ =	sdelay $0xd  }
0x11e: {  	s0 =	spop (v2sf)  }
0x11f: {  	s4 =	spop (v2sf)  }
0x120: {  	p1 =	slt.f32 s0, s4;
	_ =	sdelay $0x1  }
0x121: {  	(xrf1) =	vsort.ascd.msk.f32 @p1 $0xffff, v16, v24;
	_ =	sdelay $0x8  }
0x122: {  	v16 =	vlaneseq.u32 @p1  }
0x123: {  	v16 =	vmul.u32 @p1 $0xFFFFFFFF, v16;
	_ =	sdelay $0x3  }
0x124: {  	v18 =	vadd.s32 @p1 $0xF, v16;
	v16, v17, _ =	vpop @p1 (xrf1)  }
0x125: {  	v16 =	vperm.xlane @p1 v16, v18  }
0x126: {  	v17 =	vperm.xlane @p1 v17, v18  }
0x127: {  	vm0 =	vle.f32 @p1 v15, v16  }
0x128: {  	v19 =	vsel @p1 vm0, v16, v15;
	v20 =	vsel @p1 vm0, v17, v14  }
0x129: {  	(xrf1) =	vsort.ascd.msk.f32 @p1 $0xffff, v19, v20;
	_ =	sdelay $0xd  }
0x12a: {  	v19, v20, _ =	vpop @p1 (xrf1)  }
0x12b: {  	v19 =	vperm.xlane @p1 v19, v18  }
0x12c: {  	v20 =	vperm.xlane @p1 v20, v18  }
0x12d: {  	v16 =	vsel @p1 vm0, v15, v16;
	v17 =	vsel @p1 vm0, v14, v17;
	vm0 =	vle.f32 @p1 v15, v19  }
0x12e: {  	(xrf1) =	vsort.ascd.msk.f32 @p1 $0xffff, v16, v17;
	v16 =	vsel @p1 vm0, v19, v15;
	v17 =	vsel @p1 vm0, v20, v14  }
0x12f: {  	(xrf1) =	vsort.ascd.msk.f32 @p1 $0xffff, v16, v17;
	_ =	sdelay $0xc  }
0x130: {  	v16, v17, _ =	vpop @p1 (xrf1)  }
0x131: {  	v21, v22, _ =	vpop @p1 (xrf1)  }
0x132: {  	v21 =	vperm.xlane @p1 v21, v18  }
0x133: {  	v22 =	vperm.xlane @p1 v22, v18  }
0x134: {  	v19 =	vsel @p1 vm0, v15, v19;
	v20 =	vsel @p1 vm0, v14, v20;
	vm0 =	vle.f32 @p1 v15, v21  }
0x135: {  	(xrf1) =	vsort.ascd.msk.f32 @p1 $0xffff, v19, v20;
	v19 =	vsel @p1 vm0, v21, v15;
	v20 =	vsel @p1 vm0, v22, v14  }
0x136: {  	(xrf1) =	vsort.ascd.msk.f32 @p1 $0xffff, v19, v20;
	_ =	sdelay $0x2  }
0x137: {  	s11 =	sadd.s32 $0x10, s11  }
0x138: {  	v19 =	vsel @p1 vm0, v15, v21;
	v21 =	vld [tilespmem:s11+$0x0]  }
0x139: {  	s17 =	sadd.s32 $0x10, s17;
	v20 =	vsel @p1 vm0, v14, v22  }
0x13a: {  	(xrf1) =	vsort.ascd.msk.f32 @p1 $0xffff, v19, v20;
	v19 =	vld [tilespmem:s17+$0x0]  }
0x13b: {  	s18 =	sadd.s32 $0x10, s18  }
0x13c: {  	v20 =	vld [tilespmem:s18+$0x0]  }
0x13d: {  	v21 =	vmul.f32 v21, v9;
	_ =	sdelay $0x1  }
0x13e: {  	s20 =	sadd.s32 $0x10, s20;
	v19 =	vmul.f32 v19, v8  }
0x13f: {  	v22 =	vld [tilespmem:s20+$0x0]  }
0x140: {  	v20 =	vmul.f32 v20, v10;
	v19 =	vadd.f32 v21, v19;
	v21, v23, _ =	vpop @p1 (xrf1)  }
0x141: {  	v24, v25, _ =	vpop @p1 (xrf1)  }
0x142: {  	v26 =	vadd.f32 v20, v19;
	v20 =	vpsel p1, v16, v15;
	v24 =	vperm.xlane @p1 v24, v18  }
0x143: {  	v16 =	vpsel p1, v17, v14;
	v19 =	vpsel p1, v21, v15;
	v18 =	vperm.xlane @p1 v25, v18  }
0x144: {  	v21 =	vadd.f32 v22, v11;
	v17 =	vpsel p1, v23, v14;
	vm0 =	vle.f32 @p1 v15, v24  }
0x145: {  	v22 =	vadd.f32 v26, v26;
	v23 =	vsel @p1 vm0, v15, v24;
	v26 =	vsel @p1 vm0, v14, v18  }
0x146: {  	(xrf1) =	vsort.ascd.msk.f32 @p1 $0xffff, v23, v26;
	_ =	sdelay $0x6  }
0x147: {  	s19 =	sadd.s32 $0xFFFFFFFF, s19  }
0x148: {  	p2 =	sne.s32 s19, $0x0  }
.Ltmp10:
0x149: {  	s10 =	sadd.s32 $0x10, s10;
	(pc) =	sbr.rel @!p2 .LBB2_14-.Ltmp10, $4  }
0x14a: {  	v25 =	vsub.f32 v21, v22;
	v24 =	vor.u32 s10, v0  }
0x14b: {  	v21, v22, _ =	vpop @p1 (xrf1);
	vm0 =	vge.s32 v24, v12;
	vm1 =	vlt.s32 v24, v13  }
0x14c: {  	v21 =	vpsel p1, v21, v15;
	vm0 =	vmand vm0, vm1;
	vm1 =	vle.f32 v25, $3.999999910e-02  }
0x14d: {  	p0 =	por $0x1, $0x1;
	v18 =	vpsel p1, v22, v14;
	v22 =	vmovc v14;
	v23 =	vimm.f32 $+Inf;
	vm0 =	vmand vm0, vm1  }
.LBB2_15:
0x14e: {  	s19 =	sadd.s32 $0xFFFFFFFF, s19;
	v25 =	vnsel vm0, $0x7F800000, v25;
	v26, v27, _ =	vpop @p1 (xrf1)  }
0x14f: {  	p2 =	sne.s32 s19, $0x0;
	(xrf0) =	vmin.scan.msk.f32 $0xffff, v25;
	v23 =	vpsel p1, v26, v23;
	v22 =	vpsel p1, v27, v22  }
0x150: {  	(xrf0) =	vmax.scan.msk.f32 $0xffff, v23;
	_ =	sdelay $0x4  }
0x151: {  	v26, _, _ =	vpop (xrf0)  }
0x152: {  	v27, _, _ =	vpop (xrf0);
	(v2sf) =	vpush v26, $0xF  }
0x153: {  	(v2sf) =	vpush v27, $0xF;
	_ =	sdelay $0xd  }
0x154: {  	s0 =	spop (v2sf)  }
0x155: {  	s4 =	spop (v2sf)  }
0x156: {  	p1 =	slt.f32 s0, s4;
	_ =	sdelay $0x1  }
0x157: {  	v26 =	vlaneseq.u32 @p1;
	(xrf1) =	vsort.ascd.msk.f32 @p1 $0xffff, v25, v24  }
0x158: {  	v24 =	vmul.u32 @p1 $0xFFFFFFFF, v26;
	_ =	sdelay $0xb  }
0x159: {  	v24 =	vadd.s32 @p1 $0xF, v24  }
0x15a: {  	v25, v26, _ =	vpop @p1 (xrf1)  }
0x15b: {  	v25 =	vperm.xlane @p1 v25, v24;
	v26 =	vperm.xlane @p1 v26, v24;
	_ =	sdelay $0x1  }
0x15c: {  	vm0 =	vle.f32 @p1 v20, v25  }
0x15d: {  	v27 =	vsel @p1 vm0, v20, v25;
	v25 =	vsel @p1 vm0, v25, v20;
	v28 =	vsel @p1 vm0, v26, v16  }
0x15e: {  	v26 =	vsel @p1 vm0, v16, v26;
	(xrf1) =	vsort.ascd.msk.f32 @p1 $0xffff, v25, v28  }
0x15f: {  	(xrf1) =	vsort.ascd.msk.f32 @p1 $0xffff, v27, v26;
	_ =	sdelay $0xc  }
0x160: {  	v25, v26, _ =	vpop @p1 (xrf1)  }
0x161: {  	v25 =	vperm.xlane @p1 v25, v24;
	v26 =	vperm.xlane @p1 v26, v24;
	v27, v28, _ =	vpop @p1 (xrf1)  }
0x162: {  	v20 =	vpsel p1, v27, v20;
	v16 =	vpsel p1, v28, v16  }
0x163: {  	vm0 =	vle.f32 @p1 v19, v25  }
0x164: {  	v27 =	vsel @p1 vm0, v19, v25;
	v25 =	vsel @p1 vm0, v25, v19;
	v28 =	vsel @p1 vm0, v26, v17  }
0x165: {  	v26 =	vsel @p1 vm0, v17, v26;
	(xrf1) =	vsort.ascd.msk.f32 @p1 $0xffff, v25, v28  }
0x166: {  	(xrf1) =	vsort.ascd.msk.f32 @p1 $0xffff, v27, v26;
	_ =	sdelay $0xc  }
0x167: {  	v25, v26, _ =	vpop @p1 (xrf1)  }
0x168: {  	v25 =	vperm.xlane @p1 v25, v24;
	v26 =	vperm.xlane @p1 v26, v24;
	v27, v28, _ =	vpop @p1 (xrf1)  }
0x169: {  	v19 =	vpsel p1, v27, v19;
	v17 =	vpsel p1, v28, v17  }
0x16a: {  	vm0 =	vle.f32 @p1 v21, v25  }
0x16b: {  	v27 =	vsel @p1 vm0, v21, v25;
	v25 =	vsel @p1 vm0, v25, v21;
	v28 =	vsel @p1 vm0, v26, v18  }
0x16c: {  	v26 =	vsel @p1 vm0, v18, v26;
	(xrf1) =	vsort.ascd.msk.f32 @p1 $0xffff, v25, v28  }
0x16d: {  	(xrf1) =	vsort.ascd.msk.f32 @p1 $0xffff, v27, v26;
	_ =	sdelay $0xc  }
0x16e: {  	s11 =	sadd.s32 $0x10, s11;
	v25, v26, _ =	vpop @p1 (xrf1)  }
0x16f: {  	s17 =	sadd.s32 $0x10, s17;
	v27 =	vld [tilespmem:s11+$0x0];
	v25 =	vperm.xlane @p1 v25, v24;
	v24 =	vperm.xlane @p1 v26, v24;
	v26, v28, _ =	vpop @p1 (xrf1)  }
0x170: {  	v29 =	vld [tilespmem:s17+$0x0];
	v21 =	vpsel p1, v26, v21;
	v18 =	vpsel p1, v28, v18  }
0x171: {  	s18 =	sadd.s32 $0x10, s18;
	vm0 =	vle.f32 @p1 v23, v25  }
0x172: {  	v26 =	vld [tilespmem:s18+$0x0];
	v25 =	vsel @p1 vm0, v23, v25;
	v24 =	vsel @p1 vm0, v22, v24  }
0x173: {  	(xrf1) =	vsort.ascd.msk.f32 @p1 $0xffff, v25, v24;
	_ =	sdelay $0x1  }
0x174: {  	s20 =	sadd.s32 $0x10, s20;
	v25 =	vmul.f32 v27, v9;
	v24 =	vmul.f32 v29, v8  }
0x175: {  	v27 =	vld [tilespmem:s20+$0x0]  }
0x176: {  	v24 =	vadd.f32 v25, v24;
	v25 =	vmul.f32 v26, v10;
	_ =	sdelay $0x1  }
0x177: {  	v24 =	vadd.f32 v25, v24;
	_ =	sdelay $0x1  }
0x178: {  	v25 =	vadd.f32 v27, v11;
	v26 =	vadd.f32 v24, v24  }
.Ltmp11:
0x179: {  	s10 =	sadd.s32 $0x10, s10;
	(pc) =	sbr.rel @p2 .LBB2_15-.Ltmp11, $4  }
0x17a: {  	v24 =	vor.u32 s10, v0;
	v25 =	vsub.f32 v25, v26  }
0x17b: {  	vm0 =	vge.s32 v24, v12;
	vm1 =	vlt.s32 v24, v13  }
0x17c: {  	vm0 =	vmand vm0, vm1;
	vm1 =	vle.f32 v25, $3.999999910e-02  }
0x17d: {  	vm0 =	vmand vm0, vm1  }
.LBB2_16:
0x17e: {  	p2 =	por !p1, !p0  }
0x17f: {  	v8, v9, _ =	vpop @!p2 (xrf1)  }
0x180: {  	v10 =	vnsel vm0, $0x7F800000, v25;
	v8 =	vpsel p2, v23, v8  }
0x181: {  	(xrf0) =	vmin.scan.msk.f32 $0xffff, v10;
	v8 =	vpsel p0, v8, v15  }
0x182: {  	(xrf0) =	vmax.scan.msk.f32 $0xffff, v8;
	_ =	sdelay $0x4  }
0x183: {  	v11, _, _ =	vpop (xrf0)  }
0x184: {  	(v2sf) =	vpush v11, $0xF;
	v12, _, _ =	vpop (xrf0)  }
0x185: {  	(v2sf) =	vpush v12, $0xF;
	_ =	sdelay $0xd  }
0x186: {  	s0 =	spop (v2sf)  }
0x187: {  	s4 =	spop (v2sf)  }
0x188: {  	p1 =	slt.f32 s0, s4;
	_ =	sdelay $0x1  }
0x189: {  	(xrf1) =	vsort.ascd.msk.f32 @p1 $0xffff, v10, v24;
	_ =	sdelay $0xa  }
0x18a: {  	v10 =	vlaneseq.u32 @p1  }
0x18b: {  	v10 =	vmul.u32 @p1 $0xFFFFFFFF, v10;
	_ =	sdelay $0x1  }
0x18c: {  	v10 =	vadd.s32 @p1 $0xF, v10;
	v11, v12, _ =	vpop @p1 (xrf1)  }
0x18d: {  	v11 =	vperm.xlane @p1 v11, v10  }
0x18e: {  	v12 =	vperm.xlane @p1 v12, v10  }
0x18f: {  	vm0 =	vle.f32 @p1 v20, v11  }
0x190: {  	v13 =	vsel @p1 vm0, v11, v20;
	v15 =	vsel @p1 vm0, v12, v16  }
0x191: {  	(xrf1) =	vsort.ascd.msk.f32 @p1 $0xffff, v13, v15;
	_ =	sdelay $0xd  }
0x192: {  	v13, v15, _ =	vpop @p1 (xrf1)  }
0x193: {  	v13 =	vperm.xlane @p1 v13, v10  }
0x194: {  	v15 =	vperm.xlane @p1 v15, v10  }
0x195: {  	v11 =	vsel @p1 vm0, v20, v11;
	v12 =	vsel @p1 vm0, v16, v12;
	vm0 =	vle.f32 @p1 v19, v13  }
0x196: {  	(xrf1) =	vsort.ascd.msk.f32 @p1 $0xffff, v11, v12;
	v11 =	vsel @p1 vm0, v13, v19;
	v12 =	vsel @p1 vm0, v15, v17  }
0x197: {  	(xrf1) =	vsort.ascd.msk.f32 @p1 $0xffff, v11, v12;
	_ =	sdelay $0xc  }
0x198: {  	v11, v12, _ =	vpop @p1 (xrf1)  }
0x199: {  	v11, v20, _ =	vpop @p1 (xrf1)  }
0x19a: {  	v11 =	vperm.xlane @p1 v11, v10  }
0x19b: {  	v20 =	vperm.xlane @p1 v20, v10  }
0x19c: {  	v13 =	vsel @p1 vm0, v19, v13;
	v15 =	vsel @p1 vm0, v17, v15;
	vm0 =	vle.f32 @p1 v21, v11  }
0x19d: {  	(xrf1) =	vsort.ascd.msk.f32 @p1 $0xffff, v13, v15;
	v13 =	vsel @p1 vm0, v11, v21;
	v15 =	vsel @p1 vm0, v20, v18  }
0x19e: {  	(xrf1) =	vsort.ascd.msk.f32 @p1 $0xffff, v13, v15;
	_ =	sdelay $0xc  }
0x19f: {  	v13, v15, _ =	vpop @p1 (xrf1)  }
0x1a0: {  	v13, v19, _ =	vpop @p1 (xrf1)  }
0x1a1: {  	v9 =	vpsel p2, v22, v9;
	v13 =	vperm.xlane @p1 v13, v10  }
0x1a2: {  	v9 =	vpsel p0, v9, v14;
	v10 =	vperm.xlane @p1 v19, v10  }
0x1a3: {  	v11 =	vsel @p1 vm0, v21, v11;
	v19 =	vsel @p1 vm0, v18, v20;
	vm0 =	vle.f32 @p1 v8, v13  }
0x1a4: {  	(xrf1) =	vsort.ascd.msk.f32 @p1 $0xffff, v11, v19;
	v8 =	vsel @p1 vm0, v8, v13;
	v10 =	vsel @p1 vm0, v9, v10  }
0x1a5: {  	(xrf1) =	vsort.ascd.msk.f32 @p1 $0xffff, v8, v10;
	_ =	sdelay $0xa  }
.Ltmp12:
0x1a6: {  	_ = 	snop;
	(pc) =	sbr.rel .LBB2_17-.Ltmp12, $4  }
0x1a7: {  	v8 =	vpsel p1, v12, v16  }
0x1a8: {  	v10 =	vpsel p1, v15, v17;
	[tilespmem:$0x11B80] =	vst v8;
	v11, v12, _ =	vpop @p1 (xrf1)  }
0x1a9: {  	[tilespmem:$0x11B90] =	vst v10;
	v11 =	vpsel p1, v12, v18;
	v12, v13, _ =	vpop @p1 (xrf1)  }
0x1aa: {  	[tilespmem:$0x11BA0] =	vst v11;
	v9 =	vpsel p1, v13, v9  }
.LBB2_3:
0x1ab: {  	s0 =	simm.s32 $0x0  }
.LBB2_10:
0x1ac: {  	v8 =	vld [tilespmem:$0x11B10]  }
0x1ad: {  	v9 =	vld [tilespmem:$0x11B00]  }
0x1ae: {  	v10 =	vld [tilespmem:$0x11B20]  }
0x1af: {  	v11 =	vmov s0;
	v12 =	vld [tilespmem:$0x11B30]  }
0x1b0: {  	vm0 =	vgt.s32 v11, v1  }
0x1b1: {  	vm13 =	vgt.s32 v11, v0;
	v8 =	vnsel vm0, s9, v8  }
0x1b2: {  	vm14 =	vgt.s32 v11, v2;
	[tilespmem:$0x11B90] =	vst v8;
	v8 =	vnsel vm13, s9, v9  }
0x1b3: {  	vm15 =	vgt.s32 v11, v3;
	v9 =	vnsel vm14, s9, v10;
	[tilespmem:$0x11B80] =	vst v8  }
0x1b4: {  	[tilespmem:$0x11BA0] =	vst v9;
	v9 =	vnsel vm15, s9, v12  }
.LBB2_17:
0x1b5: {  	_ =	sdelay $0x2  }
0x1b6: {  	[tilespmem:$0x11BB0] =	vst v9  }
0x1b7: {  	v9 =	vld.idx.msk [tilespmem:v8+s5+$0x0], $0xffff;
	_ =	sdelay $0x2  }
0x1b8: {  	v7 =	vbroadcast v7, $0x0;
	_ =	sdelay $0x1  }
0x1b9: {  	s0 =	sshll.u32 s8, $0x7;
	v9 =	vsub.f32 v9, v7  }
0x1ba: {  	s0 =	sand.u32 $0x780, s0  }
0x1bb: {  	[tilespmem:s0+$0x15C80] =	vst v9  }
0x1bc: {  	v9 =	vld.idx.msk [tilespmem:v8+s25+$0x0], $0xffff;
	_ =	sdelay $0x2  }
0x1bd: {  	v6 =	vbroadcast v6, $0x0;
	_ =	sdelay $0x1  }
0x1be: {  	v9 =	vsub.f32 v9, v6;
	_ =	sdelay $0x1  }
0x1bf: {  	[tilespmem:s0+$0x16480] =	vst v9  }
0x1c0: {  	v8 =	vld.idx.msk [tilespmem:v8+s26+$0x0], $0xffff;
	_ =	sdelay $0x2  }
0x1c1: {  	v5 =	vbroadcast v5, $0x0;
	_ =	sdelay $0x1  }
0x1c2: {  	v8 =	vsub.f32 v8, v5;
	_ =	sdelay $0x1  }
0x1c3: {  	[tilespmem:s0+$0x16C80] =	vst v8  }
0x1c4: {  	v8 =	vld [tilespmem:$0x11B90];
	_ =	sdelay $0x7  }
0x1c5: {  	v9 =	vld.idx.msk [tilespmem:v8+s5+$0x0], $0xffff;
	_ =	sdelay $0x4  }
0x1c6: {  	v9 =	vsub.f32 v9, v7;
	_ =	sdelay $0x1  }
0x1c7: {  	[tilespmem:s0+$0x15C90] =	vst v9  }
0x1c8: {  	v9 =	vld.idx.msk [tilespmem:v8+s25+$0x0], $0xffff;
	_ =	sdelay $0x4  }
0x1c9: {  	v9 =	vsub.f32 v9, v6;
	_ =	sdelay $0x1  }
0x1ca: {  	[tilespmem:s0+$0x16490] =	vst v9  }
0x1cb: {  	v8 =	vld.idx.msk [tilespmem:v8+s26+$0x0], $0xffff;
	_ =	sdelay $0x4  }
0x1cc: {  	v8 =	vsub.f32 v8, v5;
	_ =	sdelay $0x1  }
0x1cd: {  	[tilespmem:s0+$0x16C90] =	vst v8  }
0x1ce: {  	v8 =	vld [tilespmem:$0x11BA0];
	_ =	sdelay $0x7  }
0x1cf: {  	v9 =	vld.idx.msk [tilespmem:v8+s5+$0x0], $0xffff;
	_ =	sdelay $0x4  }
0x1d0: {  	v9 =	vsub.f32 v9, v7;
	_ =	sdelay $0x1  }
0x1d1: {  	[tilespmem:s0+$0x15CA0] =	vst v9  }
0x1d2: {  	v9 =	vld.idx.msk [tilespmem:v8+s25+$0x0], $0xffff;
	_ =	sdelay $0x4  }
0x1d3: {  	v9 =	vsub.f32 v9, v6;
	_ =	sdelay $0x1  }
0x1d4: {  	[tilespmem:s0+$0x164A0] =	vst v9  }
0x1d5: {  	v8 =	vld.idx.msk [tilespmem:v8+s26+$0x0], $0xffff;
	_ =	sdelay $0x4  }
0x1d6: {  	v8 =	vsub.f32 v8, v5;
	_ =	sdelay $0x1  }
0x1d7: {  	[tilespmem:s0+$0x16CA0] =	vst v8  }
0x1d8: {  	v8 =	vld [tilespmem:$0x11BB0];
	_ =	sdelay $0x7  }
0x1d9: {  	v9 =	vld.idx.msk [tilespmem:v8+s5+$0x0], $0xffff;
	_ =	sdelay $0x4  }
0x1da: {  	v7 =	vsub.f32 v9, v7;
	_ =	sdelay $0x1  }
0x1db: {  	[tilespmem:s0+$0x15CB0] =	vst v7  }
0x1dc: {  	v7 =	vld.idx.msk [tilespmem:v8+s25+$0x0], $0xffff;
	_ =	sdelay $0x4  }
0x1dd: {  	v6 =	vsub.f32 v7, v6;
	_ =	sdelay $0x1  }
0x1de: {  	[tilespmem:s0+$0x164B0] =	vst v6  }
0x1df: {  	v6 =	vld.idx.msk [tilespmem:v8+s26+$0x0], $0xffff;
	_ =	sdelay $0x4  }
0x1e0: {  	v5 =	vsub.f32 v6, v5  }
0x1e1: {  	p0 =	seq.s32 s8, $0x0  }
0x1e2: {  	[tilespmem:s0+$0x16CB0] =	vst v5;
	s0 =	simm.s32 @!p0 $0x3  }
0x1e3: {  	_ =	swait.ge @!p0 [sflag:s0], $0x2000  }
0x1e4: {  	[sflag:s0] =	ssyncset.done @!p0 $0x0  }
0x1e5: {  	[sflag:s0] =	ssyncadd.s32 @!p0 $0xFFFFE000  }
0x1e6: {  	_ =	swait.ge @!p0 [sflag:s0], $0x2000  }
0x1e7: {  	[sflag:s0] =	ssyncset.done @!p0 $0x0  }
0x1e8: {  	s11 =	sshllo.u32 s8, $0x1;
	s19 =	simm.s32 $0x11B80;
	[sflag:s0] =	ssyncadd.s32 @!p0 $0xFFFFE000  }
0x1e9: {  	[tilespmem:s29], [sflag:$0x1] =	stream.indirect.gather [hbm4b:s15+s16], $0x80, s19, s16, $0xb8;
	[tilespmem:$0x17480] =	vst v63  }
0x1ea: {  	v12 =	vld [tilespmem:s11+$0x11800];
	_ =	sdelay $0x4  }
0x1eb: {  	(v2sf) =	vpush v12, $0x0;
	_ =	sdelay $0x1  }
0x1ec: {  	v13 =	vld [tilespmem:s11+$0x11980];
	_ =	sdelay $0x4  }
0x1ed: {  	(v2sf) =	vpush v13, $0x0;
	_ =	sdelay $0x7  }
0x1ee: {  	s20 =	spop (v2sf)  }
0x1ef: {  	s4 =	sand.u32 $0xF, s20  }
0x1f0: {  	s7 =	sshra.s32 s20, $0x1F;
	p4 =	slt.s32 s20, $0x1;
	p1 =	sne.s32 s4, $0x0  }
0x1f1: {  	s21 =	sshrl.u32 s7, $0x1C;
	p0 =	por !p4, !p1  }
0x1f2: {  	s4 =	simm.s32 $0x1;
	s0 =	sadd.s32 s21, s20;
	p0 =	por !p0, !p0  }
0x1f3: {  	s0 =	sshra.s32 s0, $0x4;
	s4 =	simm.s32 @!p0 $0x0  }
0x1f4: {  	s0 =	ssub.s32 s0, s4  }
0x1f5: {  	s23 =	spop (v2sf);
	s28 =	sshll.u32 s0, $0x4  }
0x1f6: {  	s4 =	ssub.s32 s23, s28  }
0x1f7: {  	s4 =	sadd.s32 $0xF, s4  }
0x1f8: {  	s24 =	sand.u32 $0xF, s4  }
0x1f9: {  	s10 =	sshra.s32 s4, $0x1F;
	p5 =	slt.s32 s4, $0x1;
	p6 =	sne.s32 s24, $0x0  }
0x1fa: {  	s30 =	sshrl.u32 s10, $0x1C;
	p0 =	por !p5, !p6  }
0x1fb: {  	s7 =	simm.s32 $0x1;
	s4 =	sadd.s32 s30, s4;
	p0 =	por !p0, !p0  }
0x1fc: {  	s4 =	sshra.s32 s4, $0x4;
	s7 =	simm.s32 @!p0 $0x0  }
0x1fd: {  	s4 =	ssub.s32 s4, s7  }
0x1fe: {  	p0 =	slt.s32 s4, $0x1  }
.Ltmp13:
0x1ff: {  	_ = 	snop;
	(pc) =	sbr.rel @p0 .LBB2_18-.Ltmp13, $4  }
0x200: {  	_ = 	snop  }
0x201: {  	v7 =	vld.idx.msk [tilespmem:v4+s11+$0x0 ss:$0x1], $0xffff  }
0x202: {  	v6 =	vld.idx.msk [tilespmem:v4+s11+$0x2800 ss:$0x1], $0xffff  }
0x203: {  	v5 =	vld.idx.msk [tilespmem:v4+s11+$0x5000 ss:$0x1], $0xffff;
	s10 =	sadd.s32 s6, s11  }
0x204: {  	v8 =	vld.msk [tilespmem:s10+$0x7800 ss:$0x0], $0xffff;
	p1 =	sne.s32 s4, $0x1  }
.Ltmp14:
0x205: {  	v9 =	vld.msk [tilespmem:s10+$0xA000 ss:$0x0], $0xffff;
	s0 =	sshll.u32 s0, $0x6;
	(pc) =	sbr.rel @!p1 .LBB2_20-.Ltmp14, $4  }
0x206: {  	v10 =	vld.msk [tilespmem:s10+$0xC800 ss:$0x0], $0xffff;
	s0 =	sshra.s32 s0, $0x2  }
0x207: {  	v11 =	vld.msk [tilespmem:s10+$0xF000 ss:$0x0], $0xffff;
	s19 =	sadd.s32 $0x7800, s0  }
0x208: {  	s21 =	sadd.s32 $0xFFFFFFFF, s4;
	p0 =	por $0x0, $0x0;
	s18 =	sadd.s32 $0xA000, s0;
	v14 =	vld [tilespmem:s19+$0x0]  }
0x209: {  	v12 =	vbroadcast v12, $0x0;
	v13 =	vbroadcast v13, $0x0;
	s24 =	sadd.s32 $0xC800, s0;
	s30 =	sadd.s32 $0xF000, s0;
	s0 =	simm.s32 $0x0;
	v15 =	vld [tilespmem:s18+$0x0]  }
0x20a: {  	_ = 	snop  }
0x20b: {  	v16 =	vld [tilespmem:s24+$0x0];
	_ =	sdelay $0x2  }
0x20c: {  	v14 =	vmul.f32 v14, v8;
	v15 =	vmul.f32 v15, v9  }
0x20d: {  	v17 =	vld [tilespmem:s30+$0x0]  }
0x20e: {  	v14 =	vadd.f32 v15, v14;
	v15 =	vmul.f32 v16, v10;
	_ =	sdelay $0x1  }
0x20f: {  	v14 =	vadd.f32 v15, v14;
	_ =	sdelay $0x1  }
0x210: {  	v15 =	vadd.f32 v17, v11;
	v14 =	vadd.f32 v14, v14;
	_ =	sdelay $0x1  }
0x211: {  	v16 =	vor.u32 s28, v0;
	v14 =	vsub.f32 v15, v14  }
0x212: {  	vm0 =	vge.s32 v16, v12;
	vm1 =	vlt.s32 v16, v13  }
0x213: {  	p1 =	sne.s32 s21, $0x1;
	vm0 =	vmand vm0, vm1;
	vm15 =	vle.f32 v14, $3.999999910e-02  }
.Ltmp15:
0x214: {  	p0 =	por $0x1, $0x1;
	s4 =	simm.s32 $0x0;
	vm0 =	vmand vm0, vm15;
	(pc) =	sbr.rel @!p1 .LBB2_22-.Ltmp15, $4  }
0x215: {  	s4 =	simm.s32 @!p0 $0x50;
	v15 =	vmpcnt.ones.xlane vm0  }
0x216: {  	s16 =	smov.u32 s15;
	s13 =	sadd.s32 $0x10, s18;
	[tilespmem:s4+$0x11B00] =	vst.msk vm0, v16;
	s4 =	sadd.s32 $0x10, s19  }
0x217: {  	s14 =	sadd.s32 $0xFFFFFFFF, s21;
	s20 =	smov.u32 s24;
	s23 =	smov.u32 s30;
	v14 =	vld [tilespmem:s4+$0x0];
	(v2sf) =	vpush v15, $0x0  }
0x218: {  	s17 =	smov.u32 s28;
	s7 =	simm.s32 $0x0;
	p0 =	por $0x1, $0x1;
	v15 =	vld [tilespmem:s13+$0x0]  }
.LBB2_23:
0x219: {  	p1 =	sne.s32 s14, $0x1;
	s20 =	sadd.s32 $0x10, s20  }
0x21a: {  	v16 =	vld [tilespmem:s20+$0x0];
	_ =	sdelay $0x2  }
0x21b: {  	s23 =	sadd.s32 $0x10, s23;
	v14 =	vmul.f32 v14, v8;
	v15 =	vmul.f32 v15, v9  }
0x21c: {  	v17 =	vld [tilespmem:s23+$0x0]  }
0x21d: {  	v14 =	vadd.f32 v15, v14;
	v15 =	vmul.f32 v16, v10;
	_ =	sdelay $0x1  }
0x21e: {  	v14 =	vadd.f32 v15, v14;
	_ =	sdelay $0x1  }
0x21f: {  	v15 =	vadd.f32 v17, v11;
	v14 =	vadd.f32 v14, v14  }
0x220: {  	s17 =	sadd.s32 $0x10, s17  }
0x221: {  	v16 =	vor.u32 s17, v0;
	v14 =	vsub.f32 v15, v14  }
0x222: {  	vm0 =	vge.s32 v16, v12;
	vm1 =	vlt.s32 v16, v13;
	s15 =	spop (v2sf)  }
0x223: {  	vm0 =	vmand vm0, vm1;
	vm1 =	vle.f32 v14, $3.999999910e-02;
	s7 =	sadd.s32 s7, s15  }
.Ltmp16:
0x224: {  	vm0 =	vmand vm0, vm1;
	p2 =	slt.s32 s7, $0x50;
	s15 =	smov.u32 s7;
	(pc) =	sbr.rel @p1 .LBB2_23-.Ltmp16, $4  }
0x225: {  	s15 =	simm.s32 @!p2 $0x50;
	v15 =	vmpcnt.ones.xlane vm0  }
0x226: {  	s4 =	sadd.s32 $0x10, s4;
	[tilespmem:s15+$0x11B00] =	vst.msk vm0, v16  }
0x227: {  	s13 =	sadd.s32 $0x10, s13;
	v14 =	vld [tilespmem:s4+$0x0];
	(v2sf) =	vpush v15, $0x0  }
0x228: {  	s14 =	sadd.s32 $0xFFFFFFFF, s14;
	v15 =	vld [tilespmem:s13+$0x0]  }
0x229: {  	s15 =	smov.u32 s16;
	s16 =	simm.s32 $0x40  }
.LBB2_25:
0x22a: {  	s4 =	sadd.s32 @p0 $0x10, s20;
	s13 =	smov.u32 s24  }
0x22b: {  	s13 =	smov.u32 @p0 s4  }
0x22c: {  	v16 =	vld [tilespmem:s13+$0x0];
	_ =	sdelay $0x1  }
0x22d: {  	s4 =	sadd.s32 @p0 $0x10, s23;
	s13 =	smov.u32 s30  }
0x22e: {  	v14 =	vmul.f32 v14, v8;
	v15 =	vmul.f32 v15, v9;
	s13 =	smov.u32 @p0 s4  }
0x22f: {  	v17 =	vld [tilespmem:s13+$0x0]  }
0x230: {  	v14 =	vadd.f32 v15, v14;
	v15 =	vmul.f32 v16, v10;
	_ =	sdelay $0x1  }
0x231: {  	v14 =	vadd.f32 v15, v14;
	_ =	sdelay $0x1  }
0x232: {  	s4 =	sadd.s32 @p0 $0x10, s17;
	s13 =	smov.u32 s28;
	v15 =	vadd.f32 v17, v11;
	v14 =	vadd.f32 v14, v14  }
0x233: {  	s13 =	smov.u32 @p0 s4  }
0x234: {  	v63 =	vor.u32 s13, v0;
	v14 =	vsub.f32 v15, v14  }
0x235: {  	vm0 =	vge.s32 v63, v12;
	vm1 =	vlt.s32 v63, v13  }
0x236: {  	vm0 =	vmand vm0, vm1;
	vm15 =	vle.f32 v14, $3.999999910e-02  }
0x237: {  	vm0 =	vmand vm0, vm15  }
0x238: {  	v14 =	vmpcnt.ones.xlane vm0;
	_ =	sdelay $0x1  }
0x239: {  	(v2sf) =	vpush v14, $0x0;
	_ =	sdelay $0xc  }
0x23a: {  	s4 =	spop @p0 (v2sf)  }
0x23b: {  	s4 =	sadd.s32 @p0 s7, s4  }
0x23c: {  	s0 =	smov.u32 @p0 s4;
	s23 =	spop (v2sf)  }
0x23d: {  	p0 =	slt.s32 s0, $0x50;
	s7 =	smov.u32 s0;
	s0 =	sadd.s32 s0, s23  }
0x23e: {  	s7 =	simm.s32 @!p0 $0x50;
	p0 =	sgt.s32 s0, $0x40  }
.Ltmp17:
0x23f: {  	_ = 	snop;
	(pc) =	sbr.rel @!p0 .LBB2_26-.Ltmp17, $2  }
0x240: {  	_ =	sdelay $0x2  }
0x241: {  	[tilespmem:s7+$0x11B00] =	vst.msk vm0, v63  }
0x242: {  	v14 =	vld [tilespmem:s18+$0x0]  }
0x243: {  	v15 =	vld [tilespmem:s19+$0x0];
	_ =	sdelay $0x1  }
0x244: {  	v16 =	vld [tilespmem:s24+$0x0];
	_ =	sdelay $0x2  }
0x245: {  	v15 =	vmul.f32 v15, v8;
	v14 =	vmul.f32 v14, v9  }
0x246: {  	v17 =	vld [tilespmem:s30+$0x0]  }
0x247: {  	v14 =	vadd.f32 v14, v15;
	v15 =	vmul.f32 v16, v10;
	_ =	sdelay $0x1  }
0x248: {  	v14 =	vadd.f32 v15, v14;
	_ =	sdelay $0x1  }
0x249: {  	p1 =	sne.s32 s21, $0x0;
	v15 =	vadd.f32 v17, v11;
	v14 =	vadd.f32 v14, v14  }
.Ltmp18:
0x24a: {  	_ = 	snop;
	(pc) =	sbr.rel @!p1 .LBB2_28-.Ltmp18, $4  }
0x24b: {  	v24 =	vor.u32 s28, v0;
	v25 =	vsub.f32 v15, v14  }
0x24c: {  	vm0 =	vge.s32 v24, v12;
	vm1 =	vlt.s32 v24, v13  }
0x24d: {  	vm0 =	vmand vm0, vm1;
	vm1 =	vle.f32 v25, $3.999999910e-02  }
0x24e: {  	p0 =	por $0x0, $0x0;
	v14 =	vmov s10;
	v15 =	vimm.f32 $+Inf;
	vm0 =	vmand vm0, vm1  }
0x24f: {  	v16 =	vnsel vm0, $0x7F800000, v25  }
0x250: {  	(xrf0) =	vmin.scan.msk.f32 $0xffff, v16  }
0x251: {  	(xrf0) =	vmax.scan.msk.f32 $0xffff, v15;
	_ =	sdelay $0x4  }
0x252: {  	v17, _, _ =	vpop (xrf0)  }
0x253: {  	v18, _, _ =	vpop (xrf0);
	(v2sf) =	vpush v17, $0xF  }
0x254: {  	(v2sf) =	vpush v18, $0xF;
	_ =	sdelay $0xd  }
0x255: {  	s0 =	spop (v2sf)  }
0x256: {  	s4 =	spop (v2sf)  }
0x257: {  	p1 =	slt.f32 s0, s4;
	_ =	sdelay $0x1  }
0x258: {  	(xrf1) =	vsort.ascd.msk.f32 @p1 $0xffff, v16, v24;
	_ =	sdelay $0x8  }
0x259: {  	v16 =	vlaneseq.u32 @p1  }
0x25a: {  	v16 =	vmul.u32 @p1 $0xFFFFFFFF, v16;
	_ =	sdelay $0x3  }
0x25b: {  	v18 =	vadd.s32 @p1 $0xF, v16;
	v16, v17, _ =	vpop @p1 (xrf1)  }
0x25c: {  	v16 =	vperm.xlane @p1 v16, v18  }
0x25d: {  	v17 =	vperm.xlane @p1 v17, v18  }
0x25e: {  	vm0 =	vle.f32 @p1 v15, v16  }
0x25f: {  	v19 =	vsel @p1 vm0, v16, v15;
	v20 =	vsel @p1 vm0, v17, v14  }
0x260: {  	(xrf1) =	vsort.ascd.msk.f32 @p1 $0xffff, v19, v20;
	_ =	sdelay $0xd  }
0x261: {  	v19, v20, _ =	vpop @p1 (xrf1)  }
0x262: {  	v19 =	vperm.xlane @p1 v19, v18  }
0x263: {  	v20 =	vperm.xlane @p1 v20, v18  }
0x264: {  	v16 =	vsel @p1 vm0, v15, v16;
	v17 =	vsel @p1 vm0, v14, v17;
	vm0 =	vle.f32 @p1 v15, v19  }
0x265: {  	(xrf1) =	vsort.ascd.msk.f32 @p1 $0xffff, v16, v17;
	v16 =	vsel @p1 vm0, v19, v15;
	v17 =	vsel @p1 vm0, v20, v14  }
0x266: {  	(xrf1) =	vsort.ascd.msk.f32 @p1 $0xffff, v16, v17;
	_ =	sdelay $0xc  }
0x267: {  	v16, v17, _ =	vpop @p1 (xrf1)  }
0x268: {  	v21, v22, _ =	vpop @p1 (xrf1)  }
0x269: {  	v21 =	vperm.xlane @p1 v21, v18  }
0x26a: {  	v22 =	vperm.xlane @p1 v22, v18  }
0x26b: {  	v19 =	vsel @p1 vm0, v15, v19;
	v20 =	vsel @p1 vm0, v14, v20;
	vm0 =	vle.f32 @p1 v15, v21  }
0x26c: {  	(xrf1) =	vsort.ascd.msk.f32 @p1 $0xffff, v19, v20;
	v19 =	vsel @p1 vm0, v21, v15;
	v20 =	vsel @p1 vm0, v22, v14  }
0x26d: {  	(xrf1) =	vsort.ascd.msk.f32 @p1 $0xffff, v19, v20;
	_ =	sdelay $0x2  }
0x26e: {  	s18 =	sadd.s32 $0x10, s18  }
0x26f: {  	v19 =	vsel @p1 vm0, v15, v21;
	v21 =	vld [tilespmem:s18+$0x0]  }
0x270: {  	s19 =	sadd.s32 $0x10, s19;
	v20 =	vsel @p1 vm0, v14, v22  }
0x271: {  	(xrf1) =	vsort.ascd.msk.f32 @p1 $0xffff, v19, v20;
	v19 =	vld [tilespmem:s19+$0x0]  }
0x272: {  	s20 =	sadd.s32 $0x10, s24  }
0x273: {  	v20 =	vld [tilespmem:s20+$0x0]  }
0x274: {  	v21 =	vmul.f32 v21, v9;
	_ =	sdelay $0x1  }
0x275: {  	s23 =	sadd.s32 $0x10, s30;
	v19 =	vmul.f32 v19, v8  }
0x276: {  	v22 =	vld [tilespmem:s23+$0x0]  }
0x277: {  	v20 =	vmul.f32 v20, v10;
	v19 =	vadd.f32 v21, v19;
	v21, v23, _ =	vpop @p1 (xrf1)  }
0x278: {  	v24, v25, _ =	vpop @p1 (xrf1)  }
0x279: {  	v26 =	vadd.f32 v20, v19;
	v20 =	vpsel p1, v16, v15;
	v24 =	vperm.xlane @p1 v24, v18  }
0x27a: {  	v16 =	vpsel p1, v17, v14;
	v19 =	vpsel p1, v21, v15;
	v18 =	vperm.xlane @p1 v25, v18  }
0x27b: {  	v21 =	vadd.f32 v22, v11;
	v17 =	vpsel p1, v23, v14;
	vm0 =	vle.f32 @p1 v15, v24  }
0x27c: {  	v22 =	vadd.f32 v26, v26;
	v23 =	vsel @p1 vm0, v15, v24;
	v26 =	vsel @p1 vm0, v14, v18  }
0x27d: {  	(xrf1) =	vsort.ascd.msk.f32 @p1 $0xffff, v23, v26;
	_ =	sdelay $0x6  }
0x27e: {  	s21 =	sadd.s32 $0xFFFFFFFF, s21  }
0x27f: {  	p2 =	sne.s32 s21, $0x0  }
.Ltmp19:
0x280: {  	s17 =	sadd.s32 $0x10, s28;
	(pc) =	sbr.rel @!p2 .LBB2_30-.Ltmp19, $4  }
0x281: {  	v25 =	vsub.f32 v21, v22;
	v24 =	vor.u32 s17, v0  }
0x282: {  	v21, v22, _ =	vpop @p1 (xrf1);
	vm0 =	vge.s32 v24, v12;
	vm1 =	vlt.s32 v24, v13  }
0x283: {  	v21 =	vpsel p1, v21, v15;
	vm0 =	vmand vm0, vm1;
	vm1 =	vle.f32 v25, $3.999999910e-02  }
0x284: {  	p0 =	por $0x1, $0x1;
	v18 =	vpsel p1, v22, v14;
	v22 =	vmovc v14;
	v23 =	vimm.f32 $+Inf;
	vm0 =	vmand vm0, vm1  }
.LBB2_31:
0x285: {  	s21 =	sadd.s32 $0xFFFFFFFF, s21;
	v25 =	vnsel vm0, $0x7F800000, v25;
	v26, v27, _ =	vpop @p1 (xrf1)  }
0x286: {  	p2 =	sne.s32 s21, $0x0;
	(xrf0) =	vmin.scan.msk.f32 $0xffff, v25;
	v23 =	vpsel p1, v26, v23;
	v22 =	vpsel p1, v27, v22  }
0x287: {  	(xrf0) =	vmax.scan.msk.f32 $0xffff, v23;
	_ =	sdelay $0x4  }
0x288: {  	v26, _, _ =	vpop (xrf0)  }
0x289: {  	v27, _, _ =	vpop (xrf0);
	(v2sf) =	vpush v26, $0xF  }
0x28a: {  	(v2sf) =	vpush v27, $0xF;
	_ =	sdelay $0xd  }
0x28b: {  	s0 =	spop (v2sf)  }
0x28c: {  	s4 =	spop (v2sf)  }
0x28d: {  	p1 =	slt.f32 s0, s4;
	_ =	sdelay $0x1  }
0x28e: {  	v26 =	vlaneseq.u32 @p1;
	(xrf1) =	vsort.ascd.msk.f32 @p1 $0xffff, v25, v24  }
0x28f: {  	v24 =	vmul.u32 @p1 $0xFFFFFFFF, v26;
	_ =	sdelay $0xb  }
0x290: {  	v24 =	vadd.s32 @p1 $0xF, v24  }
0x291: {  	v25, v26, _ =	vpop @p1 (xrf1)  }
0x292: {  	v25 =	vperm.xlane @p1 v25, v24;
	v26 =	vperm.xlane @p1 v26, v24;
	_ =	sdelay $0x1  }
0x293: {  	vm0 =	vle.f32 @p1 v20, v25  }
0x294: {  	v27 =	vsel @p1 vm0, v20, v25;
	v25 =	vsel @p1 vm0, v25, v20;
	v28 =	vsel @p1 vm0, v26, v16  }
0x295: {  	v26 =	vsel @p1 vm0, v16, v26;
	(xrf1) =	vsort.ascd.msk.f32 @p1 $0xffff, v25, v28  }
0x296: {  	(xrf1) =	vsort.ascd.msk.f32 @p1 $0xffff, v27, v26;
	_ =	sdelay $0xc  }
0x297: {  	v25, v26, _ =	vpop @p1 (xrf1)  }
0x298: {  	v25 =	vperm.xlane @p1 v25, v24;
	v26 =	vperm.xlane @p1 v26, v24;
	v27, v28, _ =	vpop @p1 (xrf1)  }
0x299: {  	v20 =	vpsel p1, v27, v20;
	v16 =	vpsel p1, v28, v16  }
0x29a: {  	vm0 =	vle.f32 @p1 v19, v25  }
0x29b: {  	v27 =	vsel @p1 vm0, v19, v25;
	v25 =	vsel @p1 vm0, v25, v19;
	v28 =	vsel @p1 vm0, v26, v17  }
0x29c: {  	v26 =	vsel @p1 vm0, v17, v26;
	(xrf1) =	vsort.ascd.msk.f32 @p1 $0xffff, v25, v28  }
0x29d: {  	(xrf1) =	vsort.ascd.msk.f32 @p1 $0xffff, v27, v26;
	_ =	sdelay $0xc  }
0x29e: {  	v25, v26, _ =	vpop @p1 (xrf1)  }
0x29f: {  	v25 =	vperm.xlane @p1 v25, v24;
	v26 =	vperm.xlane @p1 v26, v24;
	v27, v28, _ =	vpop @p1 (xrf1)  }
0x2a0: {  	v19 =	vpsel p1, v27, v19;
	v17 =	vpsel p1, v28, v17  }
0x2a1: {  	vm0 =	vle.f32 @p1 v21, v25  }
0x2a2: {  	v27 =	vsel @p1 vm0, v21, v25;
	v25 =	vsel @p1 vm0, v25, v21;
	v28 =	vsel @p1 vm0, v26, v18  }
0x2a3: {  	v26 =	vsel @p1 vm0, v18, v26;
	(xrf1) =	vsort.ascd.msk.f32 @p1 $0xffff, v25, v28  }
0x2a4: {  	(xrf1) =	vsort.ascd.msk.f32 @p1 $0xffff, v27, v26;
	_ =	sdelay $0xc  }
0x2a5: {  	s18 =	sadd.s32 $0x10, s18;
	v25, v26, _ =	vpop @p1 (xrf1)  }
0x2a6: {  	s19 =	sadd.s32 $0x10, s19;
	v27 =	vld [tilespmem:s18+$0x0];
	v25 =	vperm.xlane @p1 v25, v24;
	v24 =	vperm.xlane @p1 v26, v24;
	v26, v28, _ =	vpop @p1 (xrf1)  }
0x2a7: {  	v29 =	vld [tilespmem:s19+$0x0];
	v21 =	vpsel p1, v26, v21;
	v18 =	vpsel p1, v28, v18  }
0x2a8: {  	s20 =	sadd.s32 $0x10, s20;
	vm0 =	vle.f32 @p1 v23, v25  }
0x2a9: {  	v26 =	vld [tilespmem:s20+$0x0];
	v25 =	vsel @p1 vm0, v23, v25;
	v24 =	vsel @p1 vm0, v22, v24  }
0x2aa: {  	(xrf1) =	vsort.ascd.msk.f32 @p1 $0xffff, v25, v24;
	_ =	sdelay $0x1  }
0x2ab: {  	s23 =	sadd.s32 $0x10, s23;
	v25 =	vmul.f32 v27, v9;
	v24 =	vmul.f32 v29, v8  }
0x2ac: {  	v27 =	vld [tilespmem:s23+$0x0]  }
0x2ad: {  	v24 =	vadd.f32 v25, v24;
	v25 =	vmul.f32 v26, v10;
	_ =	sdelay $0x1  }
0x2ae: {  	v24 =	vadd.f32 v25, v24;
	_ =	sdelay $0x1  }
0x2af: {  	v25 =	vadd.f32 v27, v11;
	v26 =	vadd.f32 v24, v24  }
.Ltmp20:
0x2b0: {  	s17 =	sadd.s32 $0x10, s17;
	(pc) =	sbr.rel @p2 .LBB2_31-.Ltmp20, $4  }
0x2b1: {  	v24 =	vor.u32 s17, v0;
	v25 =	vsub.f32 v25, v26  }
0x2b2: {  	vm0 =	vge.s32 v24, v12;
	vm1 =	vlt.s32 v24, v13  }
0x2b3: {  	vm0 =	vmand vm0, vm1;
	vm1 =	vle.f32 v25, $3.999999910e-02  }
0x2b4: {  	vm0 =	vmand vm0, vm1  }
.LBB2_32:
0x2b5: {  	p2 =	por !p1, !p0  }
0x2b6: {  	v8, v9, _ =	vpop @!p2 (xrf1)  }
0x2b7: {  	v10 =	vnsel vm0, $0x7F800000, v25;
	v8 =	vpsel p2, v23, v8  }
0x2b8: {  	(xrf0) =	vmin.scan.msk.f32 $0xffff, v10;
	v8 =	vpsel p0, v8, v15  }
0x2b9: {  	(xrf0) =	vmax.scan.msk.f32 $0xffff, v8;
	_ =	sdelay $0x4  }
0x2ba: {  	v11, _, _ =	vpop (xrf0)  }
0x2bb: {  	(v2sf) =	vpush v11, $0xF;
	v12, _, _ =	vpop (xrf0)  }
0x2bc: {  	(v2sf) =	vpush v12, $0xF;
	_ =	sdelay $0xd  }
0x2bd: {  	s0 =	spop (v2sf)  }
0x2be: {  	s4 =	spop (v2sf)  }
0x2bf: {  	p1 =	slt.f32 s0, s4;
	_ =	sdelay $0x1  }
0x2c0: {  	(xrf1) =	vsort.ascd.msk.f32 @p1 $0xffff, v10, v24;
	_ =	sdelay $0xa  }
0x2c1: {  	v10 =	vlaneseq.u32 @p1  }
0x2c2: {  	v10 =	vmul.u32 @p1 $0xFFFFFFFF, v10;
	_ =	sdelay $0x1  }
0x2c3: {  	v10 =	vadd.s32 @p1 $0xF, v10;
	v11, v12, _ =	vpop @p1 (xrf1)  }
0x2c4: {  	v11 =	vperm.xlane @p1 v11, v10  }
0x2c5: {  	v12 =	vperm.xlane @p1 v12, v10  }
0x2c6: {  	vm0 =	vle.f32 @p1 v20, v11  }
0x2c7: {  	v13 =	vsel @p1 vm0, v11, v20;
	v15 =	vsel @p1 vm0, v12, v16  }
0x2c8: {  	(xrf1) =	vsort.ascd.msk.f32 @p1 $0xffff, v13, v15;
	_ =	sdelay $0xd  }
0x2c9: {  	v13, v15, _ =	vpop @p1 (xrf1)  }
0x2ca: {  	v13 =	vperm.xlane @p1 v13, v10  }
0x2cb: {  	v15 =	vperm.xlane @p1 v15, v10  }
0x2cc: {  	v11 =	vsel @p1 vm0, v20, v11;
	v12 =	vsel @p1 vm0, v16, v12;
	vm0 =	vle.f32 @p1 v19, v13  }
0x2cd: {  	(xrf1) =	vsort.ascd.msk.f32 @p1 $0xffff, v11, v12;
	v11 =	vsel @p1 vm0, v13, v19;
	v12 =	vsel @p1 vm0, v15, v17  }
0x2ce: {  	(xrf1) =	vsort.ascd.msk.f32 @p1 $0xffff, v11, v12;
	_ =	sdelay $0xc  }
0x2cf: {  	v11, v12, _ =	vpop @p1 (xrf1)  }
0x2d0: {  	v11, v20, _ =	vpop @p1 (xrf1)  }
0x2d1: {  	v11 =	vperm.xlane @p1 v11, v10  }
0x2d2: {  	v20 =	vperm.xlane @p1 v20, v10  }
0x2d3: {  	v13 =	vsel @p1 vm0, v19, v13;
	v15 =	vsel @p1 vm0, v17, v15;
	vm0 =	vle.f32 @p1 v21, v11  }
0x2d4: {  	(xrf1) =	vsort.ascd.msk.f32 @p1 $0xffff, v13, v15;
	v13 =	vsel @p1 vm0, v11, v21;
	v15 =	vsel @p1 vm0, v20, v18  }
0x2d5: {  	(xrf1) =	vsort.ascd.msk.f32 @p1 $0xffff, v13, v15;
	_ =	sdelay $0xc  }
0x2d6: {  	v13, v15, _ =	vpop @p1 (xrf1)  }
0x2d7: {  	v13, v19, _ =	vpop @p1 (xrf1)  }
0x2d8: {  	v9 =	vpsel p2, v22, v9;
	v13 =	vperm.xlane @p1 v13, v10  }
0x2d9: {  	v9 =	vpsel p0, v9, v14;
	v10 =	vperm.xlane @p1 v19, v10  }
0x2da: {  	v11 =	vsel @p1 vm0, v21, v11;
	v19 =	vsel @p1 vm0, v18, v20;
	vm0 =	vle.f32 @p1 v8, v13  }
0x2db: {  	(xrf1) =	vsort.ascd.msk.f32 @p1 $0xffff, v11, v19;
	v8 =	vsel @p1 vm0, v8, v13;
	v10 =	vsel @p1 vm0, v9, v10  }
0x2dc: {  	(xrf1) =	vsort.ascd.msk.f32 @p1 $0xffff, v8, v10;
	_ =	sdelay $0xa  }
.Ltmp21:
0x2dd: {  	_ = 	snop;
	(pc) =	sbr.rel .LBB2_33-.Ltmp21, $4  }
0x2de: {  	v8 =	vpsel p1, v12, v16  }
0x2df: {  	v10 =	vpsel p1, v15, v17;
	[tilespmem:$0x11C00] =	vst v8;
	v11, v12, _ =	vpop @p1 (xrf1)  }
0x2e0: {  	[tilespmem:$0x11C10] =	vst v10;
	v11 =	vpsel p1, v12, v18;
	v12, v13, _ =	vpop @p1 (xrf1)  }
0x2e1: {  	[tilespmem:$0x11C20] =	vst v11;
	v9 =	vpsel p1, v13, v9  }
.LBB2_5:
.Ltmp22:
0x2e2: {  	(pc) =	sbr.rel .LBB2_9-.Ltmp22, $3  }
0x2e3: {  	_ =	sdelay $0x1  }
0x2e4: {  	s28 =	smov.u32 s18  }
0x2e5: {  	s23 =	smov.u32 s20;
	s7 =	smov.u32 s10;
	s0 =	simm.s32 $0x0  }
.LBB2_20:
.Ltmp23:
0x2e6: {  	(pc) =	sbr.rel .LBB2_25-.Ltmp23, $3  }
0x2e7: {  	_ =	sdelay $0x1  }
0x2e8: {  	s20 =	smov.u32 s24  }
0x2e9: {  	s23 =	smov.u32 s30;
	s17 =	smov.u32 s28;
	s7 =	simm.s32 $0x0  }
.LBB2_7:
.Ltmp24:
0x2ea: {  	(pc) =	sbr.rel .LBB2_9-.Ltmp24, $3  }
0x2eb: {  	_ =	sdelay $0x1  }
0x2ec: {  	s28 =	smov.u32 s18  }
0x2ed: {  	s23 =	smov.u32 s20;
	s7 =	smov.u32 s10;
	s0 =	simm.s32 $0x0  }
.LBB2_22:
.Ltmp25:
0x2ee: {  	(pc) =	sbr.rel .LBB2_25-.Ltmp25, $3  }
0x2ef: {  	_ =	sdelay $0x1  }
0x2f0: {  	s20 =	smov.u32 s24;
	s23 =	smov.u32 s30;
	s17 =	smov.u32 s28  }
0x2f1: {  	s7 =	simm.s32 $0x0;
	s15 =	smov.u32 s16;
	s16 =	simm.s32 $0x40  }
.LBB2_12:
.Ltmp26:
0x2f2: {  	(pc) =	sbr.rel .LBB2_16-.Ltmp26, $3  }
0x2f3: {  	_ =	sdelay $0x1  }
0x2f4: {  	v23 =	vimm.f32 $+Inf;
	v22 =	vmov v14;
	v20 =	vimm.f32 $+Inf  }
0x2f5: {  	v16 =	vmovc v14;
	v19 =	vimm.f32 $+Inf;
	v17 =	vmovc v14;
	v21 =	vimm.f32 $+Inf;
	v18 =	vmov v14  }
.LBB2_28:
.Ltmp27:
0x2f6: {  	(pc) =	sbr.rel .LBB2_32-.Ltmp27, $3  }
0x2f7: {  	_ =	sdelay $0x1  }
0x2f8: {  	v23 =	vimm.f32 $+Inf;
	v22 =	vmov v14;
	v20 =	vimm.f32 $+Inf  }
0x2f9: {  	v16 =	vmovc v14;
	v19 =	vimm.f32 $+Inf;
	v17 =	vmovc v14;
	v21 =	vimm.f32 $+Inf;
	v18 =	vmov v14  }
.LBB2_14:
.Ltmp28:
0x2fa: {  	(pc) =	sbr.rel .LBB2_16-.Ltmp28, $2  }
0x2fb: {  	_ =	sdelay $0x2  }
0x2fc: {  	v23 =	vimm.f32 $+Inf;
	v22 =	vmov v14  }
.LBB2_30:
.Ltmp29:
0x2fd: {  	(pc) =	sbr.rel .LBB2_32-.Ltmp29, $2  }
0x2fe: {  	_ =	sdelay $0x2  }
0x2ff: {  	v23 =	vimm.f32 $+Inf;
	v22 =	vmov v14  }
.LBB2_35:
0x300: {  	_ =	sfence.sel $0x180000  }
0x301: {  	[bflag:$0x0] =	sbarrier.arrive $0xFFFF  }
0x302: {  	_ =	strace $0x90000047  }
0x303: {  	s0 =	stileid.u32;
	[bflag:$0x2] =	sbarrier.arrive $0xFFFF  }
0x304: {  	p0 =	sne.s32 s0, $0x0;
	s0 =	rddreg [dreg:$0x4]  }
0x305: {  	s0 =	sadd.s32 @!p0 $0x100000, s0  }
0x306: {  	[sflag:s0] =	ssyncadd.tile.s32 @!p0 $0x1;
	_ =	shalt  }
.Lfunc_end2:
_tile_overlayer_lowered:
.L_overlay_start_2:
0x307: {  	(tag) =	ssettag $0x2  }
0x308: {  	s0 =	rddreg [dreg:$0x0];
	s2 =	stileid.u32  }
0x309: {  	s1 =	rddreg [dreg:$0x1];
	p0 =	sne.s32 s2, $0x0  }
0x30a: {  	s3 =	rddreg [dreg:$0x2];
	[bflag:$0x3] =	sbarrier.arrive $0xFFFF;
	s2 =	simm.s32 @!p0 $0x1C04  }
0x30b: {  	[timem:s3], [sflag:s2] =	dma.local @!p0 [hbm:s0], s1  }
0x30c: {  	s0 =	simm.s32 @!p0 $0x4  }
0x30d: {  	_ =	swait.ge @!p0 [sflag:s0], s1  }
0x30e: {  	s1 =	ssub.s32 @!p0 $0x0, s1;
	[sflag:s0] =	ssyncset.done @!p0 $0x0  }
0x30f: {  	[sflag:s0] =	ssyncadd.s32 @!p0 s1  }
0x310: {  	[bflag:$0x3] =	sbarrier.arrive $0xFFFF  }
0x311: {  	_ =	shalt  }

</sc_bundles>
